<compile_context>
chip_gen: v7x
topology: tpu7x:2x2x1
jax: 0.10.2.dev20260603
libtpu: 0.0.44.dev20260713+nightly
codegen_flags: <defaults>
</compile_context>

<pallas_src>
import jax
import jax.numpy as jnp
from jax import lax
from jax.experimental import pallas as pl
from jax.experimental.pallas import tpu as pltpu
from jax.experimental.pallas import tpu_sc as plsc

N_USERS = 5000
N_NODES = 10000
EMB_DIM = 128
N_EDGES = 320000
CHUNK = 128

DEG_E_TILE = (N_EDGES // 2) // 16
DEG_FULL = DEG_E_TILE // CHUNK
DEG_BATCH = 6
DEG_REM = DEG_E_TILE - DEG_FULL * CHUNK
DEG_ROWS = N_USERS // 16
DEG_TAIL = N_USERS - 16 * DEG_ROWS

SP_CH = 64
SP_BATCH = 12
SP_E_TILE = (N_EDGES // 2) // 16
SP_FULL = SP_E_TILE // SP_CH
SP_REM = SP_E_TILE - SP_FULL * SP_CH
SP_ROWS = N_USERS // 16
SP_TAIL = N_USERS - 16 * SP_ROWS

_MESH = plsc.VectorSubcoreMesh(
    core_axis_name="c", subcore_axis_name="s", num_cores=2, num_subcores=16
)


def _deg_body(h_hbm, deg_hbm, hbat, idx_v, idx16_v, buf, ones16, acc):
    cid = lax.axis_index("c")
    sid = lax.axis_index("s")
    noff = cid * N_USERS

    @pl.loop(0, CHUNK)
    def _(i):
        for j in range(8):
            buf[i, pl.ds(16 * j, 16)] = jnp.zeros((16,), jnp.float32)

    zbase = sid * DEG_ROWS
    nlast = DEG_ROWS - 2 * CHUNK
    for r in range(2):
        pltpu.sync_copy(buf, acc.at[pl.ds(zbase + r * CHUNK, CHUNK)])
    pltpu.sync_copy(buf.at[pl.ds(0, nlast)],
                    acc.at[pl.ds(zbase + 2 * CHUNK, nlast)])

    @pl.when(sid == 0)
    def _():
        pltpu.sync_copy(buf.at[pl.ds(0, DEG_TAIL)],
                        acc.at[pl.ds(16 * DEG_ROWS, DEG_TAIL)])

    @pl.loop(0, CHUNK)
    def _(i):
        for j in range(8):
            buf[i, pl.ds(16 * j, 16)] = jnp.ones((16,), jnp.float32)

    @pl.loop(0, DEG_REM)
    def _(i):
        for j in range(8):
            ones16[i, pl.ds(16 * j, 16)] = jnp.ones((16,), jnp.float32)

    plsc.subcore_barrier()

    ebase = cid * (N_EDGES // 2) + sid * DEG_E_TILE

    @pl.loop(0, DEG_FULL // DEG_BATCH)
    def _(bb):
        bbase = ebase + bb * DEG_BATCH * CHUNK
        pltpu.sync_copy(h_hbm.at[pl.ds(bbase, DEG_BATCH * CHUNK)], hbat)

        @pl.loop(0, DEG_BATCH)
        def _(k):
            for j in range(8):
                idx_v[pl.ds(16 * j, 16)] = (
                    hbat[pl.ds(k * CHUNK + 16 * j, 16)] - noff)
            pltpu.sync_copy(buf, acc.at[idx_v], add=True)

    pltpu.sync_copy(h_hbm.at[pl.ds(ebase + DEG_FULL * CHUNK, DEG_REM)],
                    idx16_v)
    idx16_v[pl.ds(0, 16)] = idx16_v[pl.ds(0, 16)] - noff
    pltpu.sync_copy(ones16, acc.at[idx16_v], add=True)

    plsc.subcore_barrier()

    for r in range(2):
        pltpu.sync_copy(acc.at[pl.ds(zbase + r * CHUNK, CHUNK)], buf)
        pltpu.sync_copy(buf, deg_hbm.at[pl.ds(noff + zbase + r * CHUNK, CHUNK)])
    pltpu.sync_copy(acc.at[pl.ds(zbase + 2 * CHUNK, nlast)],
                    buf.at[pl.ds(0, nlast)])
    pltpu.sync_copy(buf.at[pl.ds(0, nlast)],
                    deg_hbm.at[pl.ds(noff + zbase + 2 * CHUNK, nlast)])

    @pl.when(sid == 0)
    def _():
        b = 16 * DEG_ROWS
        pltpu.sync_copy(acc.at[pl.ds(b, DEG_TAIL)], buf.at[pl.ds(0, DEG_TAIL)])
        pltpu.sync_copy(buf.at[pl.ds(0, DEG_TAIL)],
                        deg_hbm.at[pl.ds(noff + b, DEG_TAIL)])


def _sc_degree(h):
    return pl.kernel(
        _deg_body,
        out_type=jax.ShapeDtypeStruct((N_NODES, EMB_DIM), jnp.float32),
        mesh=_MESH,
        scratch_types=[
            pltpu.VMEM((DEG_BATCH * CHUNK,), jnp.int32),
            pltpu.VMEM((CHUNK,), jnp.int32),
            pltpu.VMEM((DEG_REM,), jnp.int32),
            pltpu.VMEM((CHUNK, EMB_DIM), jnp.float32),
            pltpu.VMEM((DEG_REM, EMB_DIM), jnp.float32),
            pltpu.VMEM_SHARED((N_USERS, EMB_DIM), jnp.float32),
        ],
    )(h)


def _spmm_body(z_hbm, t_hbm, h_hbm, y_hbm,
               tbatch, hbatch, ha, hb, t16, h16, rows_a, rows_b, rows16,
               acc, sem_a, sem_b):
    cid = lax.axis_index("c")
    sid = lax.axis_index("s")
    noff = cid * N_USERS

    @pl.loop(0, SP_CH)
    def _(i):
        for j in range(8):
            rows_a[i, pl.ds(16 * j, 16)] = jnp.zeros((16,), jnp.float32)

    zbase = sid * SP_ROWS
    nlast = SP_ROWS - 4 * SP_CH
    for r in range(4):
        pltpu.sync_copy(rows_a, acc.at[pl.ds(zbase + r * SP_CH, SP_CH)])
    pltpu.sync_copy(rows_a.at[pl.ds(0, nlast)],
                    acc.at[pl.ds(zbase + 4 * SP_CH, nlast)])

    @pl.when(sid == 0)
    def _():
        pltpu.sync_copy(rows_a.at[pl.ds(0, SP_TAIL)],
                        acc.at[pl.ds(16 * SP_ROWS, SP_TAIL)])

    plsc.subcore_barrier()

    ebase = cid * (N_EDGES // 2) + sid * SP_E_TILE

    def build_h(h_ref, j):
        for i in range(SP_CH // 16):
            h_ref[pl.ds(16 * i, 16)] = (
                hbatch[pl.ds(j * SP_CH + 16 * i, 16)] - noff)

    def gather(j, rows_ref, sem):
        idx = tbatch.at[pl.ds(j * SP_CH, SP_CH)]
        return pltpu.make_async_copy(z_hbm.at[idx], rows_ref, sem)

    @pl.loop(0, SP_FULL // SP_BATCH)
    def _(bb):
        bbase = ebase + bb * SP_BATCH * SP_CH
        pltpu.sync_copy(t_hbm.at[pl.ds(bbase, SP_BATCH * SP_CH)], tbatch)
        pltpu.sync_copy(h_hbm.at[pl.ds(bbase, SP_BATCH * SP_CH)], hbatch)
        gather(0, rows_a, sem_a).start()

        @pl.loop(0, SP_BATCH, step=2)
        def _(j):
            gather(j + 1, rows_b, sem_b).start()
            gather(j, rows_a, sem_a).wait()
            build_h(ha, j)
            pltpu.sync_copy(rows_a, acc.at[ha], add=True)

            @pl.when(j + 2 < SP_BATCH)
            def _():
                gather(j + 2, rows_a, sem_a).start()

            gather(j + 1, rows_b, sem_b).wait()
            build_h(hb, j + 1)
            pltpu.sync_copy(rows_b, acc.at[hb], add=True)

    b = ebase + SP_FULL * SP_CH
    pltpu.sync_copy(t_hbm.at[pl.ds(b, SP_REM)], t16)
    pltpu.sync_copy(h_hbm.at[pl.ds(b, SP_REM)], h16)
    h16[pl.ds(0, 16)] = h16[pl.ds(0, 16)] - noff
    pltpu.async_copy(z_hbm.at[t16], rows16, sem_a).wait()
    pltpu.sync_copy(rows16, acc.at[h16], add=True)

    plsc.subcore_barrier()

    for r in range(4):
        pltpu.sync_copy(acc.at[pl.ds(zbase + r * SP_CH, SP_CH)], rows_a)
        pltpu.sync_copy(rows_a, y_hbm.at[pl.ds(noff + zbase + r * SP_CH, SP_CH)])
    pltpu.sync_copy(acc.at[pl.ds(zbase + 4 * SP_CH, nlast)],
                    rows_a.at[pl.ds(0, nlast)])
    pltpu.sync_copy(rows_a.at[pl.ds(0, nlast)],
                    y_hbm.at[pl.ds(noff + zbase + 4 * SP_CH, nlast)])

    @pl.when(sid == 0)
    def _():
        b2 = 16 * SP_ROWS
        pltpu.sync_copy(acc.at[pl.ds(b2, SP_TAIL)], rows_a.at[pl.ds(0, SP_TAIL)])
        pltpu.sync_copy(rows_a.at[pl.ds(0, SP_TAIL)],
                        y_hbm.at[pl.ds(noff + b2, SP_TAIL)])


def _sc_spmm(z, t, h):
    return pl.kernel(
        _spmm_body,
        out_type=jax.ShapeDtypeStruct((N_NODES, EMB_DIM), jnp.float32),
        mesh=_MESH,
        scratch_types=[
            pltpu.VMEM((SP_BATCH * SP_CH,), jnp.int32),
            pltpu.VMEM((SP_BATCH * SP_CH,), jnp.int32),
            pltpu.VMEM((SP_CH,), jnp.int32),
            pltpu.VMEM((SP_CH,), jnp.int32),
            pltpu.VMEM((SP_REM,), jnp.int32),
            pltpu.VMEM((SP_REM,), jnp.int32),
            pltpu.VMEM((SP_CH, EMB_DIM), jnp.float32),
            pltpu.VMEM((SP_CH, EMB_DIM), jnp.float32),
            pltpu.VMEM((SP_REM, EMB_DIM), jnp.float32),
            pltpu.VMEM_SHARED((N_USERS, EMB_DIM), jnp.float32),
            pltpu.SemaphoreType.DMA,
            pltpu.SemaphoreType.DMA,
        ],
    )(z, t, h)



_BLK = 1000


def _dinv_of(deg_ref):
    d = deg_ref[:, 0:1]
    return jnp.where(d > 0, lax.rsqrt(d), 0.0)


def _intent_kernel(x_ref, w_ref, wt_ref, o_ref):
    p = jnp.dot(x_ref[...], w_ref[0], preferred_element_type=jnp.float32)
    p = p - jnp.max(p, axis=1, keepdims=True)
    e = jnp.exp(p)
    s = e / jnp.sum(e, axis=1, keepdims=True)
    o_ref[...] = jnp.dot(s, wt_ref[0], preferred_element_type=jnp.float32)


def _scale_kernel(deg_ref, x_ref, z_ref):
    z_ref[...] = x_ref[...] * _dinv_of(deg_ref)


def _combine1_kernel(deg_ref, y_ref, int_ref, x0_ref, gnn_ref, x1_ref, z1_ref):
    dinv = _dinv_of(deg_ref)
    g = dinv * y_ref[...]
    x1 = g + int_ref[...] + x0_ref[...]
    gnn_ref[...] = g
    x1_ref[...] = x1
    z1_ref[...] = dinv * x1


def _combine2_kernel(deg_ref, y_ref, int_ref, x0_ref, x1_ref,
                     gnn_ref, sum_ref):
    dinv = _dinv_of(deg_ref)
    g = dinv * y_ref[...]
    gnn_ref[...] = g
    sum_ref[...] = x0_ref[...] + 2.0 * x1_ref[...] + g + int_ref[...]


_ROW_SPEC = pl.BlockSpec((_BLK, EMB_DIM), lambda i: (i, 0))
_DEG_SPEC = pl.BlockSpec((_BLK, EMB_DIM), lambda i: (i, 0))
_W_SPEC = pl.BlockSpec((1, EMB_DIM, EMB_DIM), lambda i: (i // 5, 0, 0))
_EMB = jax.ShapeDtypeStruct((N_NODES, EMB_DIM), jnp.float32)


def _tc_intent(x, wb, wtb):
    return pl.pallas_call(
        _intent_kernel,
        grid=(N_NODES // _BLK,),
        in_specs=[_ROW_SPEC, _W_SPEC, _W_SPEC],
        out_specs=_ROW_SPEC,
        out_shape=_EMB,
    )(x, wb, wtb)


def _tc_scale(deg, x):
    return pl.pallas_call(
        _scale_kernel,
        grid=(N_NODES // _BLK,),
        in_specs=[_DEG_SPEC, _ROW_SPEC],
        out_specs=_ROW_SPEC,
        out_shape=_EMB,
    )(deg, x)


def _tc_combine1(deg, y, intv, x0):
    return pl.pallas_call(
        _combine1_kernel,
        grid=(N_NODES // _BLK,),
        in_specs=[_DEG_SPEC, _ROW_SPEC, _ROW_SPEC, _ROW_SPEC],
        out_specs=[_ROW_SPEC, _ROW_SPEC, _ROW_SPEC],
        out_shape=[_EMB, _EMB, _EMB],
    )(deg, y, intv, x0)


def _tc_combine2(deg, y, intv, x0, x1):
    return pl.pallas_call(
        _combine2_kernel,
        grid=(N_NODES // _BLK,),
        in_specs=[_DEG_SPEC, _ROW_SPEC, _ROW_SPEC, _ROW_SPEC, _ROW_SPEC],
        out_specs=[_ROW_SPEC, _ROW_SPEC],
        out_shape=[_EMB, _EMB],
    )(deg, y, intv, x0, x1)


def kernel(user_feat, item_feat, user_intent, item_intent, edge_index):
    h = edge_index[0].astype(jnp.int32)
    t = edge_index[1].astype(jnp.int32)
    x0 = jnp.concatenate([user_feat, item_feat], axis=0)
    wb = jnp.stack([user_intent, item_intent], axis=0)
    wtb = jnp.stack([user_intent.T, item_intent.T], axis=0)

    deg = _sc_degree(h)
    int1 = _tc_intent(x0, wb, wtb)
    z0 = _tc_scale(deg, x0)
    y0 = _sc_spmm(z0, t, h)
    gnn1, x1, z1 = _tc_combine1(deg, y0, int1, x0)
    int2 = _tc_intent(x1, wb, wtb)
    y1 = _sc_spmm(z1, t, h)
    gnn2, summ = _tc_combine2(deg, y1, int2, x0, x1)

    return (summ[:N_USERS], summ[N_USERS:], gnn1, gnn2, int1, int2)

# --- scband reference (transcript-rebuilt; emitter-appended) ---
"""Pipeline reference for scband-dccf-52458730553629 (READ-ONLY COPY).

The authoritative reference and input builder live on the scoring server;
editing this copy changes nothing except your own understanding.
"""

import jax, jax.numpy as jnp
import numpy as np

N_USERS = 5000
N_ITEMS = 5000
N_NODES = N_USERS + N_ITEMS
EMB_DIM = 128
N_INTENTS = 128
N_LAYERS = 2
N_INTER = 160000  # directed user->item interactions; symmetrized to 320000 edges


def setup_inputs(seed: int = 0) -> dict:
    key = jax.random.key(seed)
    k1, k2, k3, k4, k5, k6 = jax.random.split(key, 6)
    rows = jax.random.randint(k1, (N_INTER,), 0, N_USERS)
    cols = jax.random.randint(k2, (N_INTER,), 0, N_ITEMS) + N_USERS
    # symmetric adjacency: A = tmp_adj + tmp_adj.T
    h = jnp.concatenate([rows, cols]).astype(jnp.int64)
    t = jnp.concatenate([cols, rows]).astype(jnp.int64)
    edge_index = jnp.stack([h, t], axis=0)
    user_feat = jax.random.normal(k3, (N_USERS, EMB_DIM), dtype=jnp.float32) * 0.1
    item_feat = jax.random.normal(k4, (N_ITEMS, EMB_DIM), dtype=jnp.float32) * 0.1
    std = float(np.sqrt(2.0 / (EMB_DIM + N_INTENTS)))  # xavier_normal_
    user_intent = jax.random.normal(k5, (EMB_DIM, N_INTENTS), dtype=jnp.float32) * std
    item_intent = jax.random.normal(k6, (EMB_DIM, N_INTENTS), dtype=jnp.float32) * std
    return {
        'user_feat': user_feat,
        'item_feat': item_feat,
        'user_intent': user_intent,
        'item_intent': item_intent,
        'edge_index': edge_index,
    }


def reference(user_feat, item_feat, user_intent, item_intent, edge_index):
    h = edge_index[0]
    t = edge_index[1]
    # G = D^-1/2 A D^-1/2 (values per edge), as in _cal_sparse_adj
    ones = jnp.ones(h.shape[0], dtype=jnp.float32)
    deg = jax.ops.segment_sum(ones, h, num_segments=N_NODES)
    d_inv_sqrt = jnp.where(deg > 0, deg ** -0.5, 0.0)
    g_values = d_inv_sqrt[h] * d_inv_sqrt[t]

    all_embeddings = [jnp.concatenate([user_feat, item_feat], axis=0)]
    gnn_embeddings = []
    int_embeddings = []
    for i in range(N_LAYERS):
        # spmm(G, all_embeddings[i])
        msg = all_embeddings[i][t] * g_values[:, None]
        gnn_layer = jax.ops.segment_sum(msg, h, num_segments=N_NODES)
        u_emb = all_embeddings[i][:N_USERS]
        i_emb = all_embeddings[i][N_USERS:]
        u_int = jax.nn.softmax(u_emb @ user_intent, axis=1) @ user_intent.T
        i_int = jax.nn.softmax(i_emb @ item_intent, axis=1) @ item_intent.T
        int_layer = jnp.concatenate([u_int, i_int], axis=0)
        gnn_embeddings.append(gnn_layer)
        int_embeddings.append(int_layer)
        all_embeddings.append(gnn_layer + int_layer + all_embeddings[i])

    stacked = jnp.stack(all_embeddings, axis=1)
    summed = jnp.sum(stacked, axis=1)
    ua_embedding = summed[:N_USERS]
    ia_embedding = summed[N_USERS:]
    return (ua_embedding, ia_embedding, *gnn_embeddings, *int_embeddings)

if __name__ == "__main__":
    import jax
    _d = setup_inputs()
    print(jax.jit(kernel)(*tuple(_d.values())))

</pallas_src>

<mosaic_0001>
#map = affine_map<(d0, d1) -> (0)>
#map1 = affine_map<(d0, d1) -> (0, 0)>
module attributes {stable_mosaic.version = 14 : i64} {
  func.func @_deg_body(%arg0: i32, %arg1: i32, %arg2: memref<320000xi32, #tpu.memory_space<hbm>>, %arg3: memref<10000x128xf32, #tpu.memory_space<hbm>>, %arg4: memref<768xi32, #tpu.memory_space<vmem>>, %arg5: memref<128xi32, #tpu.memory_space<vmem>>, %arg6: memref<16xi32, #tpu.memory_space<vmem>>, %arg7: memref<128x128xf32, #tpu.memory_space<vmem>>, %arg8: memref<16x128xf32, #tpu.memory_space<vmem>>, %arg9: memref<5000x128xf32, #tpu.memory_space<vmem_shared>>) attributes {dimension_semantics = [#tpu.dimension_semantics<core_parallel>, #tpu.dimension_semantics<subcore_parallel>], iteration_bounds = array<i64: 2, 16>, scalar_prefetch = 0 : i64, scratch_operands = 6 : i64, tpu.core_type = #tpu.core_type<sc_vector_subcore>, window_params = [{transform_indices = #map}, {transform_indices = #map1}]} {
    %mul3A = arith.constant 5000 : i32
    %mul3A_0 = arith.muli %arg0, %mul3A : i32
    %scan3A = arith.constant 0 : i32
    %scan3A_1 = arith.constant 128 : i32
    %scan3A_2 = arith.addi %scan3A, %scan3A_1 : i32
    %scan3A_3 = arith.constant 1 : i32
    scf.for %scan3A_63 = %scan3A to %scan3A_2 step %scan3A_3  : i32 {
      %mul3A_64 = arith.constant 1 : i32
      %mul3A_65 = arith.muli %scan3A_63, %mul3A_64 : i32
      %add3A_66 = arith.constant 0 : i32
      %add3A_67 = arith.addi %add3A_66, %mul3A_65 : i32
      %broadcast_in_dim3A = arith.constant 0.000000e+00 : f32
      %broadcast_in_dim3A_68 = vector.broadcast %broadcast_in_dim3A : f32 to vector<16xf32>
      %swap3A_69 = arith.index_cast %add3A_67 : i32 to index
      %swap3A_70 = arith.constant 0 : index
      %swap3A_71 = tpu.vector_load %arg7[%swap3A_69, %swap3A_70] {strides = array<i32>} : memref<128x128xf32, #tpu.memory_space<vmem>>, vector<1x16xf32>,
      %swap3A_72 = vector.shape_cast %swap3A_71 : vector<1x16xf32> to vector<16xf32>
      %swap3A_73 = vector.shape_cast %broadcast_in_dim3A_68 : vector<16xf32> to vector<1x16xf32>
      tpu.vector_store %arg7[%swap3A_69, %swap3A_70], %swap3A_73 {strides = array<i32>} : memref<128x128xf32, #tpu.memory_space<vmem>>, vector<1x16xf32>,
      %broadcast_in_dim3A_74 = arith.constant 0.000000e+00 : f32
      %broadcast_in_dim3A_75 = vector.broadcast %broadcast_in_dim3A_74 : f32 to vector<16xf32>
      %swap3A_76 = arith.index_cast %add3A_67 : i32 to index
      %swap3A_77 = arith.constant 16 : index
      %swap3A_78 = tpu.vector_load %arg7[%swap3A_76, %swap3A_77] {strides = array<i32>} : memref<128x128xf32, #tpu.memory_space<vmem>>, vector<1x16xf32>,
      %swap3A_79 = vector.shape_cast %swap3A_78 : vector<1x16xf32> to vector<16xf32>
      %swap3A_80 = vector.shape_cast %broadcast_in_dim3A_75 : vector<16xf32> to vector<1x16xf32>
      tpu.vector_store %arg7[%swap3A_76, %swap3A_77], %swap3A_80 {strides = array<i32>} : memref<128x128xf32, #tpu.memory_space<vmem>>, vector<1x16xf32>,
      %broadcast_in_dim3A_81 = arith.constant 0.000000e+00 : f32
      %broadcast_in_dim3A_82 = vector.broadcast %broadcast_in_dim3A_81 : f32 to vector<16xf32>
      %swap3A_83 = arith.index_cast %add3A_67 : i32 to index
      %swap3A_84 = arith.constant 32 : index
      %swap3A_85 = tpu.vector_load %arg7[%swap3A_83, %swap3A_84] {strides = array<i32>} : memref<128x128xf32, #tpu.memory_space<vmem>>, vector<1x16xf32>,
      %swap3A_86 = vector.shape_cast %swap3A_85 : vector<1x16xf32> to vector<16xf32>
      %swap3A_87 = vector.shape_cast %broadcast_in_dim3A_82 : vector<16xf32> to vector<1x16xf32>
      tpu.vector_store %arg7[%swap3A_83, %swap3A_84], %swap3A_87 {strides = array<i32>} : memref<128x128xf32, #tpu.memory_space<vmem>>, vector<1x16xf32>,
      %broadcast_in_dim3A_88 = arith.constant 0.000000e+00 : f32
      %broadcast_in_dim3A_89 = vector.broadcast %broadcast_in_dim3A_88 : f32 to vector<16xf32>
      %swap3A_90 = arith.index_cast %add3A_67 : i32 to index
      %swap3A_91 = arith.constant 48 : index
      %swap3A_92 = tpu.vector_load %arg7[%swap3A_90, %swap3A_91] {strides = array<i32>} : memref<128x128xf32, #tpu.memory_space<vmem>>, vector<1x16xf32>,
      %swap3A_93 = vector.shape_cast %swap3A_92 : vector<1x16xf32> to vector<16xf32>
      %swap3A_94 = vector.shape_cast %broadcast_in_dim3A_89 : vector<16xf32> to vector<1x16xf32>
      tpu.vector_store %arg7[%swap3A_90, %swap3A_91], %swap3A_94 {strides = array<i32>} : memref<128x128xf32, #tpu.memory_space<vmem>>, vector<1x16xf32>,
      %broadcast_in_dim3A_95 = arith.constant 0.000000e+00 : f32
      %broadcast_in_dim3A_96 = vector.broadcast %broadcast_in_dim3A_95 : f32 to vector<16xf32>
      %swap3A_97 = arith.index_cast %add3A_67 : i32 to index
      %swap3A_98 = arith.constant 64 : index
      %swap3A_99 = tpu.vector_load %arg7[%swap3A_97, %swap3A_98] {strides = array<i32>} : memref<128x128xf32, #tpu.memory_space<vmem>>, vector<1x16xf32>,
      %swap3A_100 = vector.shape_cast %swap3A_99 : vector<1x16xf32> to vector<16xf32>
      %swap3A_101 = vector.shape_cast %broadcast_in_dim3A_96 : vector<16xf32> to vector<1x16xf32>
      tpu.vector_store %arg7[%swap3A_97, %swap3A_98], %swap3A_101 {strides = array<i32>} : memref<128x128xf32, #tpu.memory_space<vmem>>, vector<1x16xf32>,
      %broadcast_in_dim3A_102 = arith.constant 0.000000e+00 : f32
      %broadcast_in_dim3A_103 = vector.broadcast %broadcast_in_dim3A_102 : f32 to vector<16xf32>
      %swap3A_104 = arith.index_cast %add3A_67 : i32 to index
      %swap3A_105 = arith.constant 80 : index
      %swap3A_106 = tpu.vector_load %arg7[%swap3A_104, %swap3A_105] {strides = array<i32>} : memref<128x128xf32, #tpu.memory_space<vmem>>, vector<1x16xf32>,
      %swap3A_107 = vector.shape_cast %swap3A_106 : vector<1x16xf32> to vector<16xf32>
      %swap3A_108 = vector.shape_cast %broadcast_in_dim3A_103 : vector<16xf32> to vector<1x16xf32>
      tpu.vector_store %arg7[%swap3A_104, %swap3A_105], %swap3A_108 {strides = array<i32>} : memref<128x128xf32, #tpu.memory_space<vmem>>, vector<1x16xf32>,
      %broadcast_in_dim3A_109 = arith.constant 0.000000e+00 : f32
      %broadcast_in_dim3A_110 = vector.broadcast %broadcast_in_dim3A_109 : f32 to vector<16xf32>
      %swap3A_111 = arith.index_cast %add3A_67 : i32 to index
      %swap3A_112 = arith.constant 96 : index
      %swap3A_113 = tpu.vector_load %arg7[%swap3A_111, %swap3A_112] {strides = array<i32>} : memref<128x128xf32, #tpu.memory_space<vmem>>, vector<1x16xf32>,
      %swap3A_114 = vector.shape_cast %swap3A_113 : vector<1x16xf32> to vector<16xf32>
      %swap3A_115 = vector.shape_cast %broadcast_in_dim3A_110 : vector<16xf32> to vector<1x16xf32>
      tpu.vector_store %arg7[%swap3A_111, %swap3A_112], %swap3A_115 {strides = array<i32>} : memref<128x128xf32, #tpu.memory_space<vmem>>, vector<1x16xf32>,
      %broadcast_in_dim3A_116 = arith.constant 0.000000e+00 : f32
      %broadcast_in_dim3A_117 = vector.broadcast %broadcast_in_dim3A_116 : f32 to vector<16xf32>
      %swap3A_118 = arith.index_cast %add3A_67 : i32 to index
      %swap3A_119 = arith.constant 112 : index
      %swap3A_120 = tpu.vector_load %arg7[%swap3A_118, %swap3A_119] {strides = array<i32>} : memref<128x128xf32, #tpu.memory_space<vmem>>, vector<1x16xf32>,
      %swap3A_121 = vector.shape_cast %swap3A_120 : vector<1x16xf32> to vector<16xf32>
      %swap3A_122 = vector.shape_cast %broadcast_in_dim3A_117 : vector<16xf32> to vector<1x16xf32>
      tpu.vector_store %arg7[%swap3A_118, %swap3A_119], %swap3A_122 {strides = array<i32>} : memref<128x128xf32, #tpu.memory_space<vmem>>, vector<1x16xf32>,
    }
    %scan3A_4 = arith.constant 128 : i32
    %mul3A_5 = arith.constant 312 : i32
    %mul3A_6 = arith.muli %arg1, %mul3A_5 : i32
    %add3A = arith.constant 0 : i32
    %add3A_7 = arith.addi %mul3A_6, %add3A : i32
    "tpu.region"() ({
      %run_scoped3A = tpu.sem_alloc : memref<!tpu.dma_semaphore, #tpu.memory_space<semaphore_mem>>
      %dma_start3A = arith.constant 0 : i32
      %dma_start3A_63 = tpu.memref_slice %arg9[%add3A_7, %dma_start3A] : memref<5000x128xf32, #tpu.memory_space<vmem_shared>> -> memref<128x128xf32, #tpu.memory_space<vmem_shared>>
      %dma_start3A_64 = arith.constant 0 : i32
      %dma_start3A_65 = tpu.memref_slice %arg9[%add3A_7, %dma_start3A_64] : memref<5000x128xf32, #tpu.memory_space<vmem_shared>> -> memref<128x128xf32, #tpu.memory_space<vmem_shared>>
      tpu.enqueue_dma source(%arg7 : memref<128x128xf32, #tpu.memory_space<vmem>>) target(%dma_start3A_65 : memref<128x128xf32, #tpu.memory_space<vmem_shared>>) target_semaphore(%run_scoped3A : memref<!tpu.dma_semaphore, #tpu.memory_space<semaphore_mem>>)
      %dma_wait3A = arith.constant 0 : i32
      %dma_wait3A_66 = tpu.memref_slice %arg9[%add3A_7, %dma_wait3A] : memref<5000x128xf32, #tpu.memory_space<vmem_shared>> -> memref<128x128xf32, #tpu.memory_space<vmem_shared>>
      %dma_wait3A_67 = arith.constant 0 : i32
      %dma_wait3A_68 = tpu.memref_slice %arg9[%add3A_7, %dma_wait3A_67] : memref<5000x128xf32, #tpu.memory_space<vmem_shared>> -> memref<128x128xf32, #tpu.memory_space<vmem_shared>>
      tpu.wait_dma2 semaphore(%run_scoped3A : memref<!tpu.dma_semaphore, #tpu.memory_space<semaphore_mem>>) src(%arg7 : memref<128x128xf32, #tpu.memory_space<vmem>>) dst(%dma_wait3A_68 : memref<128x128xf32, #tpu.memory_space<vmem_shared>>)
      tpu.yield
    }) : () -> ()
    %add3A_8 = arith.constant 128 : i32
    %add3A_9 = arith.addi %mul3A_6, %add3A_8 : i32
    "tpu.region"() ({
      %run_scoped3A = tpu.sem_alloc : memref<!tpu.dma_semaphore, #tpu.memory_space<semaphore_mem>>
      %dma_start3A = arith.constant 0 : i32
      %dma_start3A_63 = tpu.memref_slice %arg9[%add3A_9, %dma_start3A] : memref<5000x128xf32, #tpu.memory_space<vmem_shared>> -> memref<128x128xf32, #tpu.memory_space<vmem_shared>>
      %dma_start3A_64 = arith.constant 0 : i32
      %dma_start3A_65 = tpu.memref_slice %arg9[%add3A_9, %dma_start3A_64] : memref<5000x128xf32, #tpu.memory_space<vmem_shared>> -> memref<128x128xf32, #tpu.memory_space<vmem_shared>>
      tpu.enqueue_dma source(%arg7 : memref<128x128xf32, #tpu.memory_space<vmem>>) target(%dma_start3A_65 : memref<128x128xf32, #tpu.memory_space<vmem_shared>>) target_semaphore(%run_scoped3A : memref<!tpu.dma_semaphore, #tpu.memory_space<semaphore_mem>>)
      %dma_wait3A = arith.constant 0 : i32
      %dma_wait3A_66 = tpu.memref_slice %arg9[%add3A_9, %dma_wait3A] : memref<5000x128xf32, #tpu.memory_space<vmem_shared>> -> memref<128x128xf32, #tpu.memory_space<vmem_shared>>
      %dma_wait3A_67 = arith.constant 0 : i32
      %dma_wait3A_68 = tpu.memref_slice %arg9[%add3A_9, %dma_wait3A_67] : memref<5000x128xf32, #tpu.memory_space<vmem_shared>> -> memref<128x128xf32, #tpu.memory_space<vmem_shared>>
      tpu.wait_dma2 semaphore(%run_scoped3A : memref<!tpu.dma_semaphore, #tpu.memory_space<semaphore_mem>>) src(%arg7 : memref<128x128xf32, #tpu.memory_space<vmem>>) dst(%dma_wait3A_68 : memref<128x128xf32, #tpu.memory_space<vmem_shared>>)
      tpu.yield
    }) : () -> ()
    %add3A_10 = arith.constant 256 : i32
    %add3A_11 = arith.addi %mul3A_6, %add3A_10 : i32
    "tpu.region"() ({
      %run_scoped3A = tpu.sem_alloc : memref<!tpu.dma_semaphore, #tpu.memory_space<semaphore_mem>>
      %dma_start3A = arith.constant 0 : i32
      %dma_start3A_63 = arith.constant 0 : i32
      %dma_start3A_64 = tpu.memref_slice %arg7[%dma_start3A, %dma_start3A_63] : memref<128x128xf32, #tpu.memory_space<vmem>> -> memref<56x128xf32, #tpu.memory_space<vmem>>
      %dma_start3A_65 = arith.constant 0 : i32
      %dma_start3A_66 = tpu.memref_slice %arg9[%add3A_11, %dma_start3A_65] : memref<5000x128xf32, #tpu.memory_space<vmem_shared>> -> memref<56x128xf32, #tpu.memory_space<vmem_shared>>
      %dma_start3A_67 = arith.constant 0 : i32
      %dma_start3A_68 = tpu.memref_slice %arg9[%add3A_11, %dma_start3A_67] : memref<5000x128xf32, #tpu.memory_space<vmem_shared>> -> memref<56x128xf32, #tpu.memory_space<vmem_shared>>
      %dma_start3A_69 = arith.constant 0 : i32
      %dma_start3A_70 = arith.constant 0 : i32
      %dma_start3A_71 = tpu.memref_slice %arg7[%dma_start3A_69, %dma_start3A_70] : memref<128x128xf32, #tpu.memory_space<vmem>> -> memref<56x128xf32, #tpu.memory_space<vmem>>
      tpu.enqueue_dma source(%dma_start3A_71 : memref<56x128xf32, #tpu.memory_space<vmem>>) target(%dma_start3A_68 : memref<56x128xf32, #tpu.memory_space<vmem_shared>>) target_semaphore(%run_scoped3A : memref<!tpu.dma_semaphore, #tpu.memory_space<semaphore_mem>>)
      %dma_wait3A = arith.constant 0 : i32
      %dma_wait3A_72 = arith.constant 0 : i32
      %dma_wait3A_73 = tpu.memref_slice %arg7[%dma_wait3A, %dma_wait3A_72] : memref<128x128xf32, #tpu.memory_space<vmem>> -> memref<56x128xf32, #tpu.memory_space<vmem>>
      %dma_wait3A_74 = arith.constant 0 : i32
      %dma_wait3A_75 = tpu.memref_slice %arg9[%add3A_11, %dma_wait3A_74] : memref<5000x128xf32, #tpu.memory_space<vmem_shared>> -> memref<56x128xf32, #tpu.memory_space<vmem_shared>>
      %dma_wait3A_76 = arith.constant 0 : i32
      %dma_wait3A_77 = tpu.memref_slice %arg9[%add3A_11, %dma_wait3A_76] : memref<5000x128xf32, #tpu.memory_space<vmem_shared>> -> memref<56x128xf32, #tpu.memory_space<vmem_shared>>
      %dma_wait3A_78 = arith.constant 0 : i32
      %dma_wait3A_79 = arith.constant 0 : i32
      %dma_wait3A_80 = tpu.memref_slice %arg7[%dma_wait3A_78, %dma_wait3A_79] : memref<128x128xf32, #tpu.memory_space<vmem>> -> memref<56x128xf32, #tpu.memory_space<vmem>>
      tpu.wait_dma2 semaphore(%run_scoped3A : memref<!tpu.dma_semaphore, #tpu.memory_space<semaphore_mem>>) src(%dma_wait3A_80 : memref<56x128xf32, #tpu.memory_space<vmem>>) dst(%dma_wait3A_77 : memref<56x128xf32, #tpu.memory_space<vmem_shared>>)
      tpu.yield
    }) : () -> ()
    %eq3A = arith.constant 0 : i32
    %eq3A_12 = arith.cmpi eq, %arg1, %eq3A : i32
    %convert_element_type3A = arith.extui %eq3A_12 : i1 to i32
    %cond3A = arith.constant 0 : i32
    %cond3A_13 = arith.cmpi ne, %convert_element_type3A, %cond3A : i32
    scf.if %cond3A_13 {
      "tpu.region"() ({
        %run_scoped3A = tpu.sem_alloc : memref<!tpu.dma_semaphore, #tpu.memory_space<semaphore_mem>>
        %dma_start3A = arith.constant 0 : i32
        %dma_start3A_63 = arith.constant 0 : i32
        %dma_start3A_64 = tpu.memref_slice %arg7[%dma_start3A, %dma_start3A_63] : memref<128x128xf32, #tpu.memory_space<vmem>> -> memref<8x128xf32, #tpu.memory_space<vmem>>
        %dma_start3A_65 = arith.constant 4992 : i32
        %dma_start3A_66 = arith.constant 0 : i32
        %dma_start3A_67 = tpu.memref_slice %arg9[%dma_start3A_65, %dma_start3A_66] : memref<5000x128xf32, #tpu.memory_space<vmem_shared>> -> memref<8x128xf32, #tpu.memory_space<vmem_shared>>
        %dma_start3A_68 = arith.constant 4992 : i32
        %dma_start3A_69 = arith.constant 0 : i32
        %dma_start3A_70 = tpu.memref_slice %arg9[%dma_start3A_68, %dma_start3A_69] : memref<5000x128xf32, #tpu.memory_space<vmem_shared>> -> memref<8x128xf32, #tpu.memory_space<vmem_shared>>
        %dma_start3A_71 = arith.constant 0 : i32
        %dma_start3A_72 = arith.constant 0 : i32
        %dma_start3A_73 = tpu.memref_slice %arg7[%dma_start3A_71, %dma_start3A_72] : memref<128x128xf32, #tpu.memory_space<vmem>> -> memref<8x128xf32, #tpu.memory_space<vmem>>
        tpu.enqueue_dma source(%dma_start3A_73 : memref<8x128xf32, #tpu.memory_space<vmem>>) target(%dma_start3A_70 : memref<8x128xf32, #tpu.memory_space<vmem_shared>>) target_semaphore(%run_scoped3A : memref<!tpu.dma_semaphore, #tpu.memory_space<semaphore_mem>>)
        %dma_wait3A = arith.constant 0 : i32
        %dma_wait3A_74 = arith.constant 0 : i32
        %dma_wait3A_75 = tpu.memref_slice %arg7[%dma_wait3A, %dma_wait3A_74] : memref<128x128xf32, #tpu.memory_space<vmem>> -> memref<8x128xf32, #tpu.memory_space<vmem>>
        %dma_wait3A_76 = arith.constant 4992 : i32
        %dma_wait3A_77 = arith.constant 0 : i32
        %dma_wait3A_78 = tpu.memref_slice %arg9[%dma_wait3A_76, %dma_wait3A_77] : memref<5000x128xf32, #tpu.memory_space<vmem_shared>> -> memref<8x128xf32, #tpu.memory_space<vmem_shared>>
        %dma_wait3A_79 = arith.constant 4992 : i32
        %dma_wait3A_80 = arith.constant 0 : i32
        %dma_wait3A_81 = tpu.memref_slice %arg9[%dma_wait3A_79, %dma_wait3A_80] : memref<5000x128xf32, #tpu.memory_space<vmem_shared>> -> memref<8x128xf32, #tpu.memory_space<vmem_shared>>
        %dma_wait3A_82 = arith.constant 0 : i32
        %dma_wait3A_83 = arith.constant 0 : i32
        %dma_wait3A_84 = tpu.memref_slice %arg7[%dma_wait3A_82, %dma_wait3A_83] : memref<128x128xf32, #tpu.memory_space<vmem>> -> memref<8x128xf32, #tpu.memory_space<vmem>>
        tpu.wait_dma2 semaphore(%run_scoped3A : memref<!tpu.dma_semaphore, #tpu.memory_space<semaphore_mem>>) src(%dma_wait3A_84 : memref<8x128xf32, #tpu.memory_space<vmem>>) dst(%dma_wait3A_81 : memref<8x128xf32, #tpu.memory_space<vmem_shared>>)
        tpu.yield
      }) : () -> ()
    } else {
    }
    %scan3A_14 = arith.constant 0 : i32
    %scan3A_15 = arith.constant 128 : i32
    %scan3A_16 = arith.addi %scan3A_14, %scan3A_15 : i32
    %scan3A_17 = arith.constant 1 : i32
    scf.for %scan3A_63 = %scan3A_14 to %scan3A_16 step %scan3A_17  : i32 {
      %mul3A_64 = arith.constant 1 : i32
      %mul3A_65 = arith.muli %scan3A_63, %mul3A_64 : i32
      %add3A_66 = arith.constant 0 : i32
      %add3A_67 = arith.addi %add3A_66, %mul3A_65 : i32
      %broadcast_in_dim3A = arith.constant 1.000000e+00 : f32
      %broadcast_in_dim3A_68 = vector.broadcast %broadcast_in_dim3A : f32 to vector<16xf32>
      %swap3A_69 = arith.index_cast %add3A_67 : i32 to index
      %swap3A_70 = arith.constant 0 : index
      %swap3A_71 = tpu.vector_load %arg7[%swap3A_69, %swap3A_70] {strides = array<i32>} : memref<128x128xf32, #tpu.memory_space<vmem>>, vector<1x16xf32>,
      %swap3A_72 = vector.shape_cast %swap3A_71 : vector<1x16xf32> to vector<16xf32>
      %swap3A_73 = vector.shape_cast %broadcast_in_dim3A_68 : vector<16xf32> to vector<1x16xf32>
      tpu.vector_store %arg7[%swap3A_69, %swap3A_70], %swap3A_73 {strides = array<i32>} : memref<128x128xf32, #tpu.memory_space<vmem>>, vector<1x16xf32>,
      %broadcast_in_dim3A_74 = arith.constant 1.000000e+00 : f32
      %broadcast_in_dim3A_75 = vector.broadcast %broadcast_in_dim3A_74 : f32 to vector<16xf32>
      %swap3A_76 = arith.index_cast %add3A_67 : i32 to index
      %swap3A_77 = arith.constant 16 : index
      %swap3A_78 = tpu.vector_load %arg7[%swap3A_76, %swap3A_77] {strides = array<i32>} : memref<128x128xf32, #tpu.memory_space<vmem>>, vector<1x16xf32>,
      %swap3A_79 = vector.shape_cast %swap3A_78 : vector<1x16xf32> to vector<16xf32>
      %swap3A_80 = vector.shape_cast %broadcast_in_dim3A_75 : vector<16xf32> to vector<1x16xf32>
      tpu.vector_store %arg7[%swap3A_76, %swap3A_77], %swap3A_80 {strides = array<i32>} : memref<128x128xf32, #tpu.memory_space<vmem>>, vector<1x16xf32>,
      %broadcast_in_dim3A_81 = arith.constant 1.000000e+00 : f32
      %broadcast_in_dim3A_82 = vector.broadcast %broadcast_in_dim3A_81 : f32 to vector<16xf32>
      %swap3A_83 = arith.index_cast %add3A_67 : i32 to index
      %swap3A_84 = arith.constant 32 : index
      %swap3A_85 = tpu.vector_load %arg7[%swap3A_83, %swap3A_84] {strides = array<i32>} : memref<128x128xf32, #tpu.memory_space<vmem>>, vector<1x16xf32>,
      %swap3A_86 = vector.shape_cast %swap3A_85 : vector<1x16xf32> to vector<16xf32>
      %swap3A_87 = vector.shape_cast %broadcast_in_dim3A_82 : vector<16xf32> to vector<1x16xf32>
      tpu.vector_store %arg7[%swap3A_83, %swap3A_84], %swap3A_87 {strides = array<i32>} : memref<128x128xf32, #tpu.memory_space<vmem>>, vector<1x16xf32>,
      %broadcast_in_dim3A_88 = arith.constant 1.000000e+00 : f32
      %broadcast_in_dim3A_89 = vector.broadcast %broadcast_in_dim3A_88 : f32 to vector<16xf32>
      %swap3A_90 = arith.index_cast %add3A_67 : i32 to index
      %swap3A_91 = arith.constant 48 : index
      %swap3A_92 = tpu.vector_load %arg7[%swap3A_90, %swap3A_91] {strides = array<i32>} : memref<128x128xf32, #tpu.memory_space<vmem>>, vector<1x16xf32>,
      %swap3A_93 = vector.shape_cast %swap3A_92 : vector<1x16xf32> to vector<16xf32>
      %swap3A_94 = vector.shape_cast %broadcast_in_dim3A_89 : vector<16xf32> to vector<1x16xf32>
      tpu.vector_store %arg7[%swap3A_90, %swap3A_91], %swap3A_94 {strides = array<i32>} : memref<128x128xf32, #tpu.memory_space<vmem>>, vector<1x16xf32>,
      %broadcast_in_dim3A_95 = arith.constant 1.000000e+00 : f32
      %broadcast_in_dim3A_96 = vector.broadcast %broadcast_in_dim3A_95 : f32 to vector<16xf32>
      %swap3A_97 = arith.index_cast %add3A_67 : i32 to index
      %swap3A_98 = arith.constant 64 : index
      %swap3A_99 = tpu.vector_load %arg7[%swap3A_97, %swap3A_98] {strides = array<i32>} : memref<128x128xf32, #tpu.memory_space<vmem>>, vector<1x16xf32>,
      %swap3A_100 = vector.shape_cast %swap3A_99 : vector<1x16xf32> to vector<16xf32>
      %swap3A_101 = vector.shape_cast %broadcast_in_dim3A_96 : vector<16xf32> to vector<1x16xf32>
      tpu.vector_store %arg7[%swap3A_97, %swap3A_98], %swap3A_101 {strides = array<i32>} : memref<128x128xf32, #tpu.memory_space<vmem>>, vector<1x16xf32>,
      %broadcast_in_dim3A_102 = arith.constant 1.000000e+00 : f32
      %broadcast_in_dim3A_103 = vector.broadcast %broadcast_in_dim3A_102 : f32 to vector<16xf32>
      %swap3A_104 = arith.index_cast %add3A_67 : i32 to index
      %swap3A_105 = arith.constant 80 : index
      %swap3A_106 = tpu.vector_load %arg7[%swap3A_104, %swap3A_105] {strides = array<i32>} : memref<128x128xf32, #tpu.memory_space<vmem>>, vector<1x16xf32>,
      %swap3A_107 = vector.shape_cast %swap3A_106 : vector<1x16xf32> to vector<16xf32>
      %swap3A_108 = vector.shape_cast %broadcast_in_dim3A_103 : vector<16xf32> to vector<1x16xf32>
      tpu.vector_store %arg7[%swap3A_104, %swap3A_105], %swap3A_108 {strides = array<i32>} : memref<128x128xf32, #tpu.memory_space<vmem>>, vector<1x16xf32>,
      %broadcast_in_dim3A_109 = arith.constant 1.000000e+00 : f32
      %broadcast_in_dim3A_110 = vector.broadcast %broadcast_in_dim3A_109 : f32 to vector<16xf32>
      %swap3A_111 = arith.index_cast %add3A_67 : i32 to index
      %swap3A_112 = arith.constant 96 : index
      %swap3A_113 = tpu.vector_load %arg7[%swap3A_111, %swap3A_112] {strides = array<i32>} : memref<128x128xf32, #tpu.memory_space<vmem>>, vector<1x16xf32>,
      %swap3A_114 = vector.shape_cast %swap3A_113 : vector<1x16xf32> to vector<16xf32>
      %swap3A_115 = vector.shape_cast %broadcast_in_dim3A_110 : vector<16xf32> to vector<1x16xf32>
      tpu.vector_store %arg7[%swap3A_111, %swap3A_112], %swap3A_115 {strides = array<i32>} : memref<128x128xf32, #tpu.memory_space<vmem>>, vector<1x16xf32>,
      %broadcast_in_dim3A_116 = arith.constant 1.000000e+00 : f32
      %broadcast_in_dim3A_117 = vector.broadcast %broadcast_in_dim3A_116 : f32 to vector<16xf32>
      %swap3A_118 = arith.index_cast %add3A_67 : i32 to index
      %swap3A_119 = arith.constant 112 : index
      %swap3A_120 = tpu.vector_load %arg7[%swap3A_118, %swap3A_119] {strides = array<i32>} : memref<128x128xf32, #tpu.memory_space<vmem>>, vector<1x16xf32>,
      %swap3A_121 = vector.shape_cast %swap3A_120 : vector<1x16xf32> to vector<16xf32>
      %swap3A_122 = vector.shape_cast %broadcast_in_dim3A_117 : vector<16xf32> to vector<1x16xf32>
      tpu.vector_store %arg7[%swap3A_118, %swap3A_119], %swap3A_122 {strides = array<i32>} : memref<128x128xf32, #tpu.memory_space<vmem>>, vector<1x16xf32>,
    }
    %scan3A_18 = arith.constant 128 : i32
    %scan3A_19 = arith.constant 0 : i32
    %scan3A_20 = arith.constant 16 : i32
    %scan3A_21 = arith.addi %scan3A_19, %scan3A_20 : i32
    %scan3A_22 = arith.constant 1 : i32
    scf.for %scan3A_63 = %scan3A_19 to %scan3A_21 step %scan3A_22  : i32 {
      %mul3A_64 = arith.constant 1 : i32
      %mul3A_65 = arith.muli %scan3A_63, %mul3A_64 : i32
      %add3A_66 = arith.constant 0 : i32
      %add3A_67 = arith.addi %add3A_66, %mul3A_65 : i32
      %broadcast_in_dim3A = arith.constant 1.000000e+00 : f32
      %broadcast_in_dim3A_68 = vector.broadcast %broadcast_in_dim3A : f32 to vector<16xf32>
      %swap3A_69 = arith.index_cast %add3A_67 : i32 to index
      %swap3A_70 = arith.constant 0 : index
      %swap3A_71 = tpu.vector_load %arg8[%swap3A_69, %swap3A_70] {strides = array<i32>} : memref<16x128xf32, #tpu.memory_space<vmem>>, vector<1x16xf32>,
      %swap3A_72 = vector.shape_cast %swap3A_71 : vector<1x16xf32> to vector<16xf32>
      %swap3A_73 = vector.shape_cast %broadcast_in_dim3A_68 : vector<16xf32> to vector<1x16xf32>
      tpu.vector_store %arg8[%swap3A_69, %swap3A_70], %swap3A_73 {strides = array<i32>} : memref<16x128xf32, #tpu.memory_space<vmem>>, vector<1x16xf32>,
      %broadcast_in_dim3A_74 = arith.constant 1.000000e+00 : f32
      %broadcast_in_dim3A_75 = vector.broadcast %broadcast_in_dim3A_74 : f32 to vector<16xf32>
      %swap3A_76 = arith.index_cast %add3A_67 : i32 to index
      %swap3A_77 = arith.constant 16 : index
      %swap3A_78 = tpu.vector_load %arg8[%swap3A_76, %swap3A_77] {strides = array<i32>} : memref<16x128xf32, #tpu.memory_space<vmem>>, vector<1x16xf32>,
      %swap3A_79 = vector.shape_cast %swap3A_78 : vector<1x16xf32> to vector<16xf32>
      %swap3A_80 = vector.shape_cast %broadcast_in_dim3A_75 : vector<16xf32> to vector<1x16xf32>
      tpu.vector_store %arg8[%swap3A_76, %swap3A_77], %swap3A_80 {strides = array<i32>} : memref<16x128xf32, #tpu.memory_space<vmem>>, vector<1x16xf32>,
      %broadcast_in_dim3A_81 = arith.constant 1.000000e+00 : f32
      %broadcast_in_dim3A_82 = vector.broadcast %broadcast_in_dim3A_81 : f32 to vector<16xf32>
      %swap3A_83 = arith.index_cast %add3A_67 : i32 to index
      %swap3A_84 = arith.constant 32 : index
      %swap3A_85 = tpu.vector_load %arg8[%swap3A_83, %swap3A_84] {strides = array<i32>} : memref<16x128xf32, #tpu.memory_space<vmem>>, vector<1x16xf32>,
      %swap3A_86 = vector.shape_cast %swap3A_85 : vector<1x16xf32> to vector<16xf32>
      %swap3A_87 = vector.shape_cast %broadcast_in_dim3A_82 : vector<16xf32> to vector<1x16xf32>
      tpu.vector_store %arg8[%swap3A_83, %swap3A_84], %swap3A_87 {strides = array<i32>} : memref<16x128xf32, #tpu.memory_space<vmem>>, vector<1x16xf32>,
      %broadcast_in_dim3A_88 = arith.constant 1.000000e+00 : f32
      %broadcast_in_dim3A_89 = vector.broadcast %broadcast_in_dim3A_88 : f32 to vector<16xf32>
      %swap3A_90 = arith.index_cast %add3A_67 : i32 to index
      %swap3A_91 = arith.constant 48 : index
      %swap3A_92 = tpu.vector_load %arg8[%swap3A_90, %swap3A_91] {strides = array<i32>} : memref<16x128xf32, #tpu.memory_space<vmem>>, vector<1x16xf32>,
      %swap3A_93 = vector.shape_cast %swap3A_92 : vector<1x16xf32> to vector<16xf32>
      %swap3A_94 = vector.shape_cast %broadcast_in_dim3A_89 : vector<16xf32> to vector<1x16xf32>
      tpu.vector_store %arg8[%swap3A_90, %swap3A_91], %swap3A_94 {strides = array<i32>} : memref<16x128xf32, #tpu.memory_space<vmem>>, vector<1x16xf32>,
      %broadcast_in_dim3A_95 = arith.constant 1.000000e+00 : f32
      %broadcast_in_dim3A_96 = vector.broadcast %broadcast_in_dim3A_95 : f32 to vector<16xf32>
      %swap3A_97 = arith.index_cast %add3A_67 : i32 to index
      %swap3A_98 = arith.constant 64 : index
      %swap3A_99 = tpu.vector_load %arg8[%swap3A_97, %swap3A_98] {strides = array<i32>} : memref<16x128xf32, #tpu.memory_space<vmem>>, vector<1x16xf32>,
      %swap3A_100 = vector.shape_cast %swap3A_99 : vector<1x16xf32> to vector<16xf32>
      %swap3A_101 = vector.shape_cast %broadcast_in_dim3A_96 : vector<16xf32> to vector<1x16xf32>
      tpu.vector_store %arg8[%swap3A_97, %swap3A_98], %swap3A_101 {strides = array<i32>} : memref<16x128xf32, #tpu.memory_space<vmem>>, vector<1x16xf32>,
      %broadcast_in_dim3A_102 = arith.constant 1.000000e+00 : f32
      %broadcast_in_dim3A_103 = vector.broadcast %broadcast_in_dim3A_102 : f32 to vector<16xf32>
      %swap3A_104 = arith.index_cast %add3A_67 : i32 to index
      %swap3A_105 = arith.constant 80 : index
      %swap3A_106 = tpu.vector_load %arg8[%swap3A_104, %swap3A_105] {strides = array<i32>} : memref<16x128xf32, #tpu.memory_space<vmem>>, vector<1x16xf32>,
      %swap3A_107 = vector.shape_cast %swap3A_106 : vector<1x16xf32> to vector<16xf32>
      %swap3A_108 = vector.shape_cast %broadcast_in_dim3A_103 : vector<16xf32> to vector<1x16xf32>
      tpu.vector_store %arg8[%swap3A_104, %swap3A_105], %swap3A_108 {strides = array<i32>} : memref<16x128xf32, #tpu.memory_space<vmem>>, vector<1x16xf32>,
      %broadcast_in_dim3A_109 = arith.constant 1.000000e+00 : f32
      %broadcast_in_dim3A_110 = vector.broadcast %broadcast_in_dim3A_109 : f32 to vector<16xf32>
      %swap3A_111 = arith.index_cast %add3A_67 : i32 to index
      %swap3A_112 = arith.constant 96 : index
      %swap3A_113 = tpu.vector_load %arg8[%swap3A_111, %swap3A_112] {strides = array<i32>} : memref<16x128xf32, #tpu.memory_space<vmem>>, vector<1x16xf32>,
      %swap3A_114 = vector.shape_cast %swap3A_113 : vector<1x16xf32> to vector<16xf32>
      %swap3A_115 = vector.shape_cast %broadcast_in_dim3A_110 : vector<16xf32> to vector<1x16xf32>
      tpu.vector_store %arg8[%swap3A_111, %swap3A_112], %swap3A_115 {strides = array<i32>} : memref<16x128xf32, #tpu.memory_space<vmem>>, vector<1x16xf32>,
      %broadcast_in_dim3A_116 = arith.constant 1.000000e+00 : f32
      %broadcast_in_dim3A_117 = vector.broadcast %broadcast_in_dim3A_116 : f32 to vector<16xf32>
      %swap3A_118 = arith.index_cast %add3A_67 : i32 to index
      %swap3A_119 = arith.constant 112 : index
      %swap3A_120 = tpu.vector_load %arg8[%swap3A_118, %swap3A_119] {strides = array<i32>} : memref<16x128xf32, #tpu.memory_space<vmem>>, vector<1x16xf32>,
      %swap3A_121 = vector.shape_cast %swap3A_120 : vector<1x16xf32> to vector<16xf32>
      %swap3A_122 = vector.shape_cast %broadcast_in_dim3A_117 : vector<16xf32> to vector<1x16xf32>
      tpu.vector_store %arg8[%swap3A_118, %swap3A_119], %swap3A_122 {strides = array<i32>} : memref<16x128xf32, #tpu.memory_space<vmem>>, vector<1x16xf32>,
    }
    %scan3A_23 = arith.constant 16 : i32
    %barrier3A = arith.constant 0 : index
    tpu.barrier barrier_id(%barrier3A)
    %mul3A_24 = arith.constant 160000 : i32
    %mul3A_25 = arith.muli %arg0, %mul3A_24 : i32
    %mul3A_26 = arith.constant 10000 : i32
    %mul3A_27 = arith.muli %arg1, %mul3A_26 : i32
    %add3A_28 = arith.addi %mul3A_25, %mul3A_27 : i32
    %scan3A_29 = arith.constant 0 : i32
    %scan3A_30 = arith.constant 13 : i32
    %scan3A_31 = arith.addi %scan3A_29, %scan3A_30 : i32
    %scan3A_32 = arith.constant 1 : i32
    scf.for %scan3A_63 = %scan3A_29 to %scan3A_31 step %scan3A_32  : i32 {
      %mul3A_64 = arith.constant 1 : i32
      %mul3A_65 = arith.muli %scan3A_63, %mul3A_64 : i32
      %add3A_66 = arith.constant 0 : i32
      %add3A_67 = arith.addi %add3A_66, %mul3A_65 : i32
      %mul3A_68 = arith.constant 6 : i32
      %mul3A_69 = arith.muli %add3A_67, %mul3A_68 : i32
      %mul3A_70 = arith.constant 128 : i32
      %mul3A_71 = arith.muli %mul3A_69, %mul3A_70 : i32
      %add3A_72 = arith.addi %add3A_28, %mul3A_71 : i32
      "tpu.region"() ({
        %run_scoped3A = tpu.sem_alloc : memref<!tpu.dma_semaphore, #tpu.memory_space<semaphore_mem>>
        %dma_start3A = tpu.memref_slice %arg2[%add3A_72] : memref<320000xi32, #tpu.memory_space<hbm>> -> memref<768xi32, #tpu.memory_space<hbm>>
        %dma_start3A_78 = tpu.memref_slice %arg2[%add3A_72] : memref<320000xi32, #tpu.memory_space<hbm>> -> memref<768xi32, #tpu.memory_space<hbm>>
        tpu.enqueue_dma source(%dma_start3A_78 : memref<768xi32, #tpu.memory_space<hbm>>) target(%arg4 : memref<768xi32, #tpu.memory_space<vmem>>) target_semaphore(%run_scoped3A : memref<!tpu.dma_semaphore, #tpu.memory_space<semaphore_mem>>)
        %dma_wait3A = tpu.memref_slice %arg2[%add3A_72] : memref<320000xi32, #tpu.memory_space<hbm>> -> memref<768xi32, #tpu.memory_space<hbm>>
        %dma_wait3A_79 = tpu.memref_slice %arg2[%add3A_72] : memref<320000xi32, #tpu.memory_space<hbm>> -> memref<768xi32, #tpu.memory_space<hbm>>
        tpu.wait_dma2 semaphore(%run_scoped3A : memref<!tpu.dma_semaphore, #tpu.memory_space<semaphore_mem>>) src(%dma_wait3A_79 : memref<768xi32, #tpu.memory_space<hbm>>) dst(%arg4 : memref<768xi32, #tpu.memory_space<vmem>>)
        tpu.yield
      }) : () -> ()
      %scan3A_73 = arith.constant 0 : i32
      %scan3A_74 = arith.constant 6 : i32
      %scan3A_75 = arith.addi %scan3A_73, %scan3A_74 : i32
      %scan3A_76 = arith.constant 1 : i32
      scf.for %scan3A_78 = %scan3A_73 to %scan3A_75 step %scan3A_76  : i32 {
        %mul3A_79 = arith.constant 1 : i32
        %mul3A_80 = arith.muli %scan3A_78, %mul3A_79 : i32
        %add3A_81 = arith.constant 0 : i32
        %add3A_82 = arith.addi %add3A_81, %mul3A_80 : i32
        %mul3A_83 = arith.constant 128 : i32
        %mul3A_84 = arith.muli %add3A_82, %mul3A_83 : i32
        %add3A_85 = arith.constant 0 : i32
        %add3A_86 = arith.addi %mul3A_84, %add3A_85 : i32
        %get3A_87 = arith.index_cast %add3A_86 : i32 to index
        %get3A_88 = tpu.vector_load %arg4[%get3A_87] {strides = array<i32>} : memref<768xi32, #tpu.memory_space<vmem>>, vector<16xi32>,
        %get3A_89 = vector.shape_cast %get3A_88 : vector<16xi32> to vector<16xi32>
        %sub3A_90 = vector.broadcast %mul3A_0 : i32 to vector<16xi32>
        %sub3A_91 = arith.subi %get3A_89, %sub3A_90 : vector<16xi32>
        %swap3A_92 = arith.constant 0 : index
        %swap3A_93 = tpu.vector_load %arg5[%swap3A_92] {strides = array<i32>} : memref<128xi32, #tpu.memory_space<vmem>>, vector<16xi32>,
        %swap3A_94 = vector.shape_cast %swap3A_93 : vector<16xi32> to vector<16xi32>
        %swap3A_95 = vector.shape_cast %sub3A_91 : vector<16xi32> to vector<16xi32>
        tpu.vector_store %arg5[%swap3A_92], %swap3A_95 {strides = array<i32>} : memref<128xi32, #tpu.memory_space<vmem>>, vector<16xi32>,
        %mul3A_96 = arith.constant 128 : i32
        %mul3A_97 = arith.muli %add3A_82, %mul3A_96 : i32
        %add3A_98 = arith.constant 16 : i32
        %add3A_99 = arith.addi %mul3A_97, %add3A_98 : i32
        %get3A_100 = arith.index_cast %add3A_99 : i32 to index
        %get3A_101 = tpu.vector_load %arg4[%get3A_100] {strides = array<i32>} : memref<768xi32, #tpu.memory_space<vmem>>, vector<16xi32>,
        %get3A_102 = vector.shape_cast %get3A_101 : vector<16xi32> to vector<16xi32>
        %sub3A_103 = vector.broadcast %mul3A_0 : i32 to vector<16xi32>
        %sub3A_104 = arith.subi %get3A_102, %sub3A_103 : vector<16xi32>
        %swap3A_105 = arith.constant 16 : index
        %swap3A_106 = tpu.vector_load %arg5[%swap3A_105] {strides = array<i32>} : memref<128xi32, #tpu.memory_space<vmem>>, vector<16xi32>,
        %swap3A_107 = vector.shape_cast %swap3A_106 : vector<16xi32> to vector<16xi32>
        %swap3A_108 = vector.shape_cast %sub3A_104 : vector<16xi32> to vector<16xi32>
        tpu.vector_store %arg5[%swap3A_105], %swap3A_108 {strides = array<i32>} : memref<128xi32, #tpu.memory_space<vmem>>, vector<16xi32>,
        %mul3A_109 = arith.constant 128 : i32
        %mul3A_110 = arith.muli %add3A_82, %mul3A_109 : i32
        %add3A_111 = arith.constant 32 : i32
        %add3A_112 = arith.addi %mul3A_110, %add3A_111 : i32
        %get3A_113 = arith.index_cast %add3A_112 : i32 to index
        %get3A_114 = tpu.vector_load %arg4[%get3A_113] {strides = array<i32>} : memref<768xi32, #tpu.memory_space<vmem>>, vector<16xi32>,
        %get3A_115 = vector.shape_cast %get3A_114 : vector<16xi32> to vector<16xi32>
        %sub3A_116 = vector.broadcast %mul3A_0 : i32 to vector<16xi32>
        %sub3A_117 = arith.subi %get3A_115, %sub3A_116 : vector<16xi32>
        %swap3A_118 = arith.constant 32 : index
        %swap3A_119 = tpu.vector_load %arg5[%swap3A_118] {strides = array<i32>} : memref<128xi32, #tpu.memory_space<vmem>>, vector<16xi32>,
        %swap3A_120 = vector.shape_cast %swap3A_119 : vector<16xi32> to vector<16xi32>
        %swap3A_121 = vector.shape_cast %sub3A_117 : vector<16xi32> to vector<16xi32>
        tpu.vector_store %arg5[%swap3A_118], %swap3A_121 {strides = array<i32>} : memref<128xi32, #tpu.memory_space<vmem>>, vector<16xi32>,
        %mul3A_122 = arith.constant 128 : i32
        %mul3A_123 = arith.muli %add3A_82, %mul3A_122 : i32
        %add3A_124 = arith.constant 48 : i32
        %add3A_125 = arith.addi %mul3A_123, %add3A_124 : i32
        %get3A_126 = arith.index_cast %add3A_125 : i32 to index
        %get3A_127 = tpu.vector_load %arg4[%get3A_126] {strides = array<i32>} : memref<768xi32, #tpu.memory_space<vmem>>, vector<16xi32>,
        %get3A_128 = vector.shape_cast %get3A_127 : vector<16xi32> to vector<16xi32>
        %sub3A_129 = vector.broadcast %mul3A_0 : i32 to vector<16xi32>
        %sub3A_130 = arith.subi %get3A_128, %sub3A_129 : vector<16xi32>
        %swap3A_131 = arith.constant 48 : index
        %swap3A_132 = tpu.vector_load %arg5[%swap3A_131] {strides = array<i32>} : memref<128xi32, #tpu.memory_space<vmem>>, vector<16xi32>,
        %swap3A_133 = vector.shape_cast %swap3A_132 : vector<16xi32> to vector<16xi32>
        %swap3A_134 = vector.shape_cast %sub3A_130 : vector<16xi32> to vector<16xi32>
        tpu.vector_store %arg5[%swap3A_131], %swap3A_134 {strides = array<i32>} : memref<128xi32, #tpu.memory_space<vmem>>, vector<16xi32>,
        %mul3A_135 = arith.constant 128 : i32
        %mul3A_136 = arith.muli %add3A_82, %mul3A_135 : i32
        %add3A_137 = arith.constant 64 : i32
        %add3A_138 = arith.addi %mul3A_136, %add3A_137 : i32
        %get3A_139 = arith.index_cast %add3A_138 : i32 to index
        %get3A_140 = tpu.vector_load %arg4[%get3A_139] {strides = array<i32>} : memref<768xi32, #tpu.memory_space<vmem>>, vector<16xi32>,
        %get3A_141 = vector.shape_cast %get3A_140 : vector<16xi32> to vector<16xi32>
        %sub3A_142 = vector.broadcast %mul3A_0 : i32 to vector<16xi32>
        %sub3A_143 = arith.subi %get3A_141, %sub3A_142 : vector<16xi32>
        %swap3A_144 = arith.constant 64 : index
        %swap3A_145 = tpu.vector_load %arg5[%swap3A_144] {strides = array<i32>} : memref<128xi32, #tpu.memory_space<vmem>>, vector<16xi32>,
        %swap3A_146 = vector.shape_cast %swap3A_145 : vector<16xi32> to vector<16xi32>
        %swap3A_147 = vector.shape_cast %sub3A_143 : vector<16xi32> to vector<16xi32>
        tpu.vector_store %arg5[%swap3A_144], %swap3A_147 {strides = array<i32>} : memref<128xi32, #tpu.memory_space<vmem>>, vector<16xi32>,
        %mul3A_148 = arith.constant 128 : i32
        %mul3A_149 = arith.muli %add3A_82, %mul3A_148 : i32
        %add3A_150 = arith.constant 80 : i32
        %add3A_151 = arith.addi %mul3A_149, %add3A_150 : i32
        %get3A_152 = arith.index_cast %add3A_151 : i32 to index
        %get3A_153 = tpu.vector_load %arg4[%get3A_152] {strides = array<i32>} : memref<768xi32, #tpu.memory_space<vmem>>, vector<16xi32>,
        %get3A_154 = vector.shape_cast %get3A_153 : vector<16xi32> to vector<16xi32>
        %sub3A_155 = vector.broadcast %mul3A_0 : i32 to vector<16xi32>
        %sub3A_156 = arith.subi %get3A_154, %sub3A_155 : vector<16xi32>
        %swap3A_157 = arith.constant 80 : index
        %swap3A_158 = tpu.vector_load %arg5[%swap3A_157] {strides = array<i32>} : memref<128xi32, #tpu.memory_space<vmem>>, vector<16xi32>,
        %swap3A_159 = vector.shape_cast %swap3A_158 : vector<16xi32> to vector<16xi32>
        %swap3A_160 = vector.shape_cast %sub3A_156 : vector<16xi32> to vector<16xi32>
        tpu.vector_store %arg5[%swap3A_157], %swap3A_160 {strides = array<i32>} : memref<128xi32, #tpu.memory_space<vmem>>, vector<16xi32>,
        %mul3A_161 = arith.constant 128 : i32
        %mul3A_162 = arith.muli %add3A_82, %mul3A_161 : i32
        %add3A_163 = arith.constant 96 : i32
        %add3A_164 = arith.addi %mul3A_162, %add3A_163 : i32
        %get3A_165 = arith.index_cast %add3A_164 : i32 to index
        %get3A_166 = tpu.vector_load %arg4[%get3A_165] {strides = array<i32>} : memref<768xi32, #tpu.memory_space<vmem>>, vector<16xi32>,
        %get3A_167 = vector.shape_cast %get3A_166 : vector<16xi32> to vector<16xi32>
        %sub3A_168 = vector.broadcast %mul3A_0 : i32 to vector<16xi32>
        %sub3A_169 = arith.subi %get3A_167, %sub3A_168 : vector<16xi32>
        %swap3A_170 = arith.constant 96 : index
        %swap3A_171 = tpu.vector_load %arg5[%swap3A_170] {strides = array<i32>} : memref<128xi32, #tpu.memory_space<vmem>>, vector<16xi32>,
        %swap3A_172 = vector.shape_cast %swap3A_171 : vector<16xi32> to vector<16xi32>
        %swap3A_173 = vector.shape_cast %sub3A_169 : vector<16xi32> to vector<16xi32>
        tpu.vector_store %arg5[%swap3A_170], %swap3A_173 {strides = array<i32>} : memref<128xi32, #tpu.memory_space<vmem>>, vector<16xi32>,
        %mul3A_174 = arith.constant 128 : i32
        %mul3A_175 = arith.muli %add3A_82, %mul3A_174 : i32
        %add3A_176 = arith.constant 112 : i32
        %add3A_177 = arith.addi %mul3A_175, %add3A_176 : i32
        %get3A_178 = arith.index_cast %add3A_177 : i32 to index
        %get3A_179 = tpu.vector_load %arg4[%get3A_178] {strides = array<i32>} : memref<768xi32, #tpu.memory_space<vmem>>, vector<16xi32>,
        %get3A_180 = vector.shape_cast %get3A_179 : vector<16xi32> to vector<16xi32>
        %sub3A_181 = vector.broadcast %mul3A_0 : i32 to vector<16xi32>
        %sub3A_182 = arith.subi %get3A_180, %sub3A_181 : vector<16xi32>
        %swap3A_183 = arith.constant 112 : index
        %swap3A_184 = tpu.vector_load %arg5[%swap3A_183] {strides = array<i32>} : memref<128xi32, #tpu.memory_space<vmem>>, vector<16xi32>,
        %swap3A_185 = vector.shape_cast %swap3A_184 : vector<16xi32> to vector<16xi32>
        %swap3A_186 = vector.shape_cast %sub3A_182 : vector<16xi32> to vector<16xi32>
        tpu.vector_store %arg5[%swap3A_183], %swap3A_186 {strides = array<i32>} : memref<128xi32, #tpu.memory_space<vmem>>, vector<16xi32>,
        "tpu.region"() ({
          %run_scoped3A = tpu.sem_alloc : memref<!tpu.dma_semaphore, #tpu.memory_space<semaphore_mem>>
          %dma_start3A = arith.constant 0 : i32
          %dma_start3A_187 = arith.constant 0 : i32
          %dma_start3A_188 = tpu.memref_slice %arg9[%dma_start3A, %dma_start3A_187] : memref<5000x128xf32, #tpu.memory_space<vmem_shared>> -> memref<5000x128xf32, #tpu.memory_space<vmem_shared>>
          tpu.enqueue_indirect_dma source(%arg7 : memref<128x128xf32, #tpu.memory_space<vmem>>) target(%dma_start3A_188 : memref<5000x128xf32, #tpu.memory_space<vmem_shared>>) offsets(%arg5 : memref<128xi32, #tpu.memory_space<vmem>>) semaphore(%run_scoped3A : memref<!tpu.dma_semaphore, #tpu.memory_space<semaphore_mem>>) {add = true}
          %dma_wait3A = arith.constant 0 : i32
          %dma_wait3A_189 = arith.constant 0 : i32
          %dma_wait3A_190 = tpu.memref_slice %arg9[%dma_wait3A, %dma_wait3A_189] : memref<5000x128xf32, #tpu.memory_space<vmem_shared>> -> memref<5000x128xf32, #tpu.memory_space<vmem_shared>>
          tpu.wait_indirect_dma semaphore(%run_scoped3A : memref<!tpu.dma_semaphore, #tpu.memory_space<semaphore_mem>>) src(%arg7 : memref<128x128xf32, #tpu.memory_space<vmem>>) dst(%dma_wait3A_190 : memref<5000x128xf32, #tpu.memory_space<vmem_shared>>)
          tpu.yield
        }) : () -> ()
      }
      %scan3A_77 = arith.constant 6 : i32
    }
    %scan3A_33 = arith.constant 13 : i32
    %add3A_34 = arith.constant 9984 : i32
    %add3A_35 = arith.addi %add3A_28, %add3A_34 : i32
    "tpu.region"() ({
      %run_scoped3A = tpu.sem_alloc : memref<!tpu.dma_semaphore, #tpu.memory_space<semaphore_mem>>
      %dma_start3A = tpu.memref_slice %arg2[%add3A_35] : memref<320000xi32, #tpu.memory_space<hbm>> -> memref<16xi32, #tpu.memory_space<hbm>>
      %dma_start3A_63 = tpu.memref_slice %arg2[%add3A_35] : memref<320000xi32, #tpu.memory_space<hbm>> -> memref<16xi32, #tpu.memory_space<hbm>>
      tpu.enqueue_dma source(%dma_start3A_63 : memref<16xi32, #tpu.memory_space<hbm>>) target(%arg6 : memref<16xi32, #tpu.memory_space<vmem>>) target_semaphore(%run_scoped3A : memref<!tpu.dma_semaphore, #tpu.memory_space<semaphore_mem>>)
      %dma_wait3A = tpu.memref_slice %arg2[%add3A_35] : memref<320000xi32, #tpu.memory_space<hbm>> -> memref<16xi32, #tpu.memory_space<hbm>>
      %dma_wait3A_64 = tpu.memref_slice %arg2[%add3A_35] : memref<320000xi32, #tpu.memory_space<hbm>> -> memref<16xi32, #tpu.memory_space<hbm>>
      tpu.wait_dma2 semaphore(%run_scoped3A : memref<!tpu.dma_semaphore, #tpu.memory_space<semaphore_mem>>) src(%dma_wait3A_64 : memref<16xi32, #tpu.memory_space<hbm>>) dst(%arg6 : memref<16xi32, #tpu.memory_space<vmem>>)
      tpu.yield
    }) : () -> ()
    %get3A = arith.constant 0 : index
    %get3A_36 = tpu.vector_load %arg6[%get3A] {strides = array<i32>} : memref<16xi32, #tpu.memory_space<vmem>>, vector<16xi32>,
    %get3A_37 = vector.shape_cast %get3A_36 : vector<16xi32> to vector<16xi32>
    %sub3A = vector.broadcast %mul3A_0 : i32 to vector<16xi32>
    %sub3A_38 = arith.subi %get3A_37, %sub3A : vector<16xi32>
    %swap3A = arith.constant 0 : index
    %swap3A_39 = tpu.vector_load %arg6[%swap3A] {strides = array<i32>} : memref<16xi32, #tpu.memory_space<vmem>>, vector<16xi32>,
    %swap3A_40 = vector.shape_cast %swap3A_39 : vector<16xi32> to vector<16xi32>
    %swap3A_41 = vector.shape_cast %sub3A_38 : vector<16xi32> to vector<16xi32>
    tpu.vector_store %arg6[%swap3A], %swap3A_41 {strides = array<i32>} : memref<16xi32, #tpu.memory_space<vmem>>, vector<16xi32>,
    "tpu.region"() ({
      %run_scoped3A = tpu.sem_alloc : memref<!tpu.dma_semaphore, #tpu.memory_space<semaphore_mem>>
      %dma_start3A = arith.constant 0 : i32
      %dma_start3A_63 = arith.constant 0 : i32
      %dma_start3A_64 = tpu.memref_slice %arg9[%dma_start3A, %dma_start3A_63] : memref<5000x128xf32, #tpu.memory_space<vmem_shared>> -> memref<5000x128xf32, #tpu.memory_space<vmem_shared>>
      tpu.enqueue_indirect_dma source(%arg8 : memref<16x128xf32, #tpu.memory_space<vmem>>) target(%dma_start3A_64 : memref<5000x128xf32, #tpu.memory_space<vmem_shared>>) offsets(%arg6 : memref<16xi32, #tpu.memory_space<vmem>>) semaphore(%run_scoped3A : memref<!tpu.dma_semaphore, #tpu.memory_space<semaphore_mem>>) {add = true}
      %dma_wait3A = arith.constant 0 : i32
      %dma_wait3A_65 = arith.constant 0 : i32
      %dma_wait3A_66 = tpu.memref_slice %arg9[%dma_wait3A, %dma_wait3A_65] : memref<5000x128xf32, #tpu.memory_space<vmem_shared>> -> memref<5000x128xf32, #tpu.memory_space<vmem_shared>>
      tpu.wait_indirect_dma semaphore(%run_scoped3A : memref<!tpu.dma_semaphore, #tpu.memory_space<semaphore_mem>>) src(%arg8 : memref<16x128xf32, #tpu.memory_space<vmem>>) dst(%dma_wait3A_66 : memref<5000x128xf32, #tpu.memory_space<vmem_shared>>)
      tpu.yield
    }) : () -> ()
    %barrier3A_42 = arith.constant 0 : index
    tpu.barrier barrier_id(%barrier3A_42)
    %add3A_43 = arith.constant 0 : i32
    %add3A_44 = arith.addi %mul3A_6, %add3A_43 : i32
    "tpu.region"() ({
      %run_scoped3A = tpu.sem_alloc : memref<!tpu.dma_semaphore, #tpu.memory_space<semaphore_mem>>
      %dma_start3A = arith.constant 0 : i32
      %dma_start3A_63 = tpu.memref_slice %arg9[%add3A_44, %dma_start3A] : memref<5000x128xf32, #tpu.memory_space<vmem_shared>> -> memref<128x128xf32, #tpu.memory_space<vmem_shared>>
      %dma_start3A_64 = arith.constant 0 : i32
      %dma_start3A_65 = tpu.memref_slice %arg9[%add3A_44, %dma_start3A_64] : memref<5000x128xf32, #tpu.memory_space<vmem_shared>> -> memref<128x128xf32, #tpu.memory_space<vmem_shared>>
      tpu.enqueue_dma source(%dma_start3A_65 : memref<128x128xf32, #tpu.memory_space<vmem_shared>>) target(%arg7 : memref<128x128xf32, #tpu.memory_space<vmem>>) target_semaphore(%run_scoped3A : memref<!tpu.dma_semaphore, #tpu.memory_space<semaphore_mem>>)
      %dma_wait3A = arith.constant 0 : i32
      %dma_wait3A_66 = tpu.memref_slice %arg9[%add3A_44, %dma_wait3A] : memref<5000x128xf32, #tpu.memory_space<vmem_shared>> -> memref<128x128xf32, #tpu.memory_space<vmem_shared>>
      %dma_wait3A_67 = arith.constant 0 : i32
      %dma_wait3A_68 = tpu.memref_slice %arg9[%add3A_44, %dma_wait3A_67] : memref<5000x128xf32, #tpu.memory_space<vmem_shared>> -> memref<128x128xf32, #tpu.memory_space<vmem_shared>>
      tpu.wait_dma2 semaphore(%run_scoped3A : memref<!tpu.dma_semaphore, #tpu.memory_space<semaphore_mem>>) src(%dma_wait3A_68 : memref<128x128xf32, #tpu.memory_space<vmem_shared>>) dst(%arg7 : memref<128x128xf32, #tpu.memory_space<vmem>>)
      tpu.yield
    }) : () -> ()
    %add3A_45 = arith.addi %mul3A_0, %mul3A_6 : i32
    %add3A_46 = arith.constant 0 : i32
    %add3A_47 = arith.addi %add3A_45, %add3A_46 : i32
    "tpu.region"() ({
      %run_scoped3A = tpu.sem_alloc : memref<!tpu.dma_semaphore, #tpu.memory_space<semaphore_mem>>
      %dma_start3A = arith.constant 0 : i32
      %dma_start3A_63 = tpu.memref_slice %arg3[%add3A_47, %dma_start3A] : memref<10000x128xf32, #tpu.memory_space<hbm>> -> memref<128x128xf32, #tpu.memory_space<hbm>>
      %dma_start3A_64 = arith.constant 0 : i32
      %dma_start3A_65 = tpu.memref_slice %arg3[%add3A_47, %dma_start3A_64] : memref<10000x128xf32, #tpu.memory_space<hbm>> -> memref<128x128xf32, #tpu.memory_space<hbm>>
      tpu.enqueue_dma source(%arg7 : memref<128x128xf32, #tpu.memory_space<vmem>>) target(%dma_start3A_65 : memref<128x128xf32, #tpu.memory_space<hbm>>) target_semaphore(%run_scoped3A : memref<!tpu.dma_semaphore, #tpu.memory_space<semaphore_mem>>)
      %dma_wait3A = arith.constant 0 : i32
      %dma_wait3A_66 = tpu.memref_slice %arg3[%add3A_47, %dma_wait3A] : memref<10000x128xf32, #tpu.memory_space<hbm>> -> memref<128x128xf32, #tpu.memory_space<hbm>>
      %dma_wait3A_67 = arith.constant 0 : i32
      %dma_wait3A_68 = tpu.memref_slice %arg3[%add3A_47, %dma_wait3A_67] : memref<10000x128xf32, #tpu.memory_space<hbm>> -> memref<128x128xf32, #tpu.memory_space<hbm>>
      tpu.wait_dma2 semaphore(%run_scoped3A : memref<!tpu.dma_semaphore, #tpu.memory_space<semaphore_mem>>) src(%arg7 : memref<128x128xf32, #tpu.memory_space<vmem>>) dst(%dma_wait3A_68 : memref<128x128xf32, #tpu.memory_space<hbm>>)
      tpu.yield
    }) : () -> ()
    %add3A_48 = arith.constant 128 : i32
    %add3A_49 = arith.addi %mul3A_6, %add3A_48 : i32
    "tpu.region"() ({
      %run_scoped3A = tpu.sem_alloc : memref<!tpu.dma_semaphore, #tpu.memory_space<semaphore_mem>>
      %dma_start3A = arith.constant 0 : i32
      %dma_start3A_63 = tpu.memref_slice %arg9[%add3A_49, %dma_start3A] : memref<5000x128xf32, #tpu.memory_space<vmem_shared>> -> memref<128x128xf32, #tpu.memory_space<vmem_shared>>
      %dma_start3A_64 = arith.constant 0 : i32
      %dma_start3A_65 = tpu.memref_slice %arg9[%add3A_49, %dma_start3A_64] : memref<5000x128xf32, #tpu.memory_space<vmem_shared>> -> memref<128x128xf32, #tpu.memory_space<vmem_shared>>
      tpu.enqueue_dma source(%dma_start3A_65 : memref<128x128xf32, #tpu.memory_space<vmem_shared>>) target(%arg7 : memref<128x128xf32, #tpu.memory_space<vmem>>) target_semaphore(%run_scoped3A : memref<!tpu.dma_semaphore, #tpu.memory_space<semaphore_mem>>)
      %dma_wait3A = arith.constant 0 : i32
      %dma_wait3A_66 = tpu.memref_slice %arg9[%add3A_49, %dma_wait3A] : memref<5000x128xf32, #tpu.memory_space<vmem_shared>> -> memref<128x128xf32, #tpu.memory_space<vmem_shared>>
      %dma_wait3A_67 = arith.constant 0 : i32
      %dma_wait3A_68 = tpu.memref_slice %arg9[%add3A_49, %dma_wait3A_67] : memref<5000x128xf32, #tpu.memory_space<vmem_shared>> -> memref<128x128xf32, #tpu.memory_space<vmem_shared>>
      tpu.wait_dma2 semaphore(%run_scoped3A : memref<!tpu.dma_semaphore, #tpu.memory_space<semaphore_mem>>) src(%dma_wait3A_68 : memref<128x128xf32, #tpu.memory_space<vmem_shared>>) dst(%arg7 : memref<128x128xf32, #tpu.memory_space<vmem>>)
      tpu.yield
    }) : () -> ()
    %add3A_50 = arith.addi %mul3A_0, %mul3A_6 : i32
    %add3A_51 = arith.constant 128 : i32
    %add3A_52 = arith.addi %add3A_50, %add3A_51 : i32
    "tpu.region"() ({
      %run_scoped3A = tpu.sem_alloc : memref<!tpu.dma_semaphore, #tpu.memory_space<semaphore_mem>>
      %dma_start3A = arith.constant 0 : i32
      %dma_start3A_63 = tpu.memref_slice %arg3[%add3A_52, %dma_start3A] : memref<10000x128xf32, #tpu.memory_space<hbm>> -> memref<128x128xf32, #tpu.memory_space<hbm>>
      %dma_start3A_64 = arith.constant 0 : i32
      %dma_start3A_65 = tpu.memref_slice %arg3[%add3A_52, %dma_start3A_64] : memref<10000x128xf32, #tpu.memory_space<hbm>> -> memref<128x128xf32, #tpu.memory_space<hbm>>
      tpu.enqueue_dma source(%arg7 : memref<128x128xf32, #tpu.memory_space<vmem>>) target(%dma_start3A_65 : memref<128x128xf32, #tpu.memory_space<hbm>>) target_semaphore(%run_scoped3A : memref<!tpu.dma_semaphore, #tpu.memory_space<semaphore_mem>>)
      %dma_wait3A = arith.constant 0 : i32
      %dma_wait3A_66 = tpu.memref_slice %arg3[%add3A_52, %dma_wait3A] : memref<10000x128xf32, #tpu.memory_space<hbm>> -> memref<128x128xf32, #tpu.memory_space<hbm>>
      %dma_wait3A_67 = arith.constant 0 : i32
      %dma_wait3A_68 = tpu.memref_slice %arg3[%add3A_52, %dma_wait3A_67] : memref<10000x128xf32, #tpu.memory_space<hbm>> -> memref<128x128xf32, #tpu.memory_space<hbm>>
      tpu.wait_dma2 semaphore(%run_scoped3A : memref<!tpu.dma_semaphore, #tpu.memory_space<semaphore_mem>>) src(%arg7 : memref<128x128xf32, #tpu.memory_space<vmem>>) dst(%dma_wait3A_68 : memref<128x128xf32, #tpu.memory_space<hbm>>)
      tpu.yield
    }) : () -> ()
    %add3A_53 = arith.constant 256 : i32
    %add3A_54 = arith.addi %mul3A_6, %add3A_53 : i32
    "tpu.region"() ({
      %run_scoped3A = tpu.sem_alloc : memref<!tpu.dma_semaphore, #tpu.memory_space<semaphore_mem>>
      %dma_start3A = arith.constant 0 : i32
      %dma_start3A_63 = arith.constant 0 : i32
      %dma_start3A_64 = tpu.memref_slice %arg7[%dma_start3A, %dma_start3A_63] : memref<128x128xf32, #tpu.memory_space<vmem>> -> memref<56x128xf32, #tpu.memory_space<vmem>>
      %dma_start3A_65 = arith.constant 0 : i32
      %dma_start3A_66 = tpu.memref_slice %arg9[%add3A_54, %dma_start3A_65] : memref<5000x128xf32, #tpu.memory_space<vmem_shared>> -> memref<56x128xf32, #tpu.memory_space<vmem_shared>>
      %dma_start3A_67 = arith.constant 0 : i32
      %dma_start3A_68 = arith.constant 0 : i32
      %dma_start3A_69 = tpu.memref_slice %arg7[%dma_start3A_67, %dma_start3A_68] : memref<128x128xf32, #tpu.memory_space<vmem>> -> memref<56x128xf32, #tpu.memory_space<vmem>>
      %dma_start3A_70 = arith.constant 0 : i32
      %dma_start3A_71 = tpu.memref_slice %arg9[%add3A_54, %dma_start3A_70] : memref<5000x128xf32, #tpu.memory_space<vmem_shared>> -> memref<56x128xf32, #tpu.memory_space<vmem_shared>>
      tpu.enqueue_dma source(%dma_start3A_71 : memref<56x128xf32, #tpu.memory_space<vmem_shared>>) target(%dma_start3A_69 : memref<56x128xf32, #tpu.memory_space<vmem>>) target_semaphore(%run_scoped3A : memref<!tpu.dma_semaphore, #tpu.memory_space<semaphore_mem>>)
      %dma_wait3A = arith.constant 0 : i32
      %dma_wait3A_72 = arith.constant 0 : i32
      %dma_wait3A_73 = tpu.memref_slice %arg7[%dma_wait3A, %dma_wait3A_72] : memref<128x128xf32, #tpu.memory_space<vmem>> -> memref<56x128xf32, #tpu.memory_space<vmem>>
      %dma_wait3A_74 = arith.constant 0 : i32
      %dma_wait3A_75 = tpu.memref_slice %arg9[%add3A_54, %dma_wait3A_74] : memref<5000x128xf32, #tpu.memory_space<vmem_shared>> -> memref<56x128xf32, #tpu.memory_space<vmem_shared>>
      %dma_wait3A_76 = arith.constant 0 : i32
      %dma_wait3A_77 = arith.constant 0 : i32
      %dma_wait3A_78 = tpu.memref_slice %arg7[%dma_wait3A_76, %dma_wait3A_77] : memref<128x128xf32, #tpu.memory_space<vmem>> -> memref<56x128xf32, #tpu.memory_space<vmem>>
      %dma_wait3A_79 = arith.constant 0 : i32
      %dma_wait3A_80 = tpu.memref_slice %arg9[%add3A_54, %dma_wait3A_79] : memref<5000x128xf32, #tpu.memory_space<vmem_shared>> -> memref<56x128xf32, #tpu.memory_space<vmem_shared>>
      tpu.wait_dma2 semaphore(%run_scoped3A : memref<!tpu.dma_semaphore, #tpu.memory_space<semaphore_mem>>) src(%dma_wait3A_80 : memref<56x128xf32, #tpu.memory_space<vmem_shared>>) dst(%dma_wait3A_78 : memref<56x128xf32, #tpu.memory_space<vmem>>)
      tpu.yield
    }) : () -> ()
    %add3A_55 = arith.addi %mul3A_0, %mul3A_6 : i32
    %add3A_56 = arith.constant 256 : i32
    %add3A_57 = arith.addi %add3A_55, %add3A_56 : i32
    "tpu.region"() ({
      %run_scoped3A = tpu.sem_alloc : memref<!tpu.dma_semaphore, #tpu.memory_space<semaphore_mem>>
      %dma_start3A = arith.constant 0 : i32
      %dma_start3A_63 = arith.constant 0 : i32
      %dma_start3A_64 = tpu.memref_slice %arg7[%dma_start3A, %dma_start3A_63] : memref<128x128xf32, #tpu.memory_space<vmem>> -> memref<56x128xf32, #tpu.memory_space<vmem>>
      %dma_start3A_65 = arith.constant 0 : i32
      %dma_start3A_66 = tpu.memref_slice %arg3[%add3A_57, %dma_start3A_65] : memref<10000x128xf32, #tpu.memory_space<hbm>> -> memref<56x128xf32, #tpu.memory_space<hbm>>
      %dma_start3A_67 = arith.constant 0 : i32
      %dma_start3A_68 = tpu.memref_slice %arg3[%add3A_57, %dma_start3A_67] : memref<10000x128xf32, #tpu.memory_space<hbm>> -> memref<56x128xf32, #tpu.memory_space<hbm>>
      %dma_start3A_69 = arith.constant 0 : i32
      %dma_start3A_70 = arith.constant 0 : i32
      %dma_start3A_71 = tpu.memref_slice %arg7[%dma_start3A_69, %dma_start3A_70] : memref<128x128xf32, #tpu.memory_space<vmem>> -> memref<56x128xf32, #tpu.memory_space<vmem>>
      tpu.enqueue_dma source(%dma_start3A_71 : memref<56x128xf32, #tpu.memory_space<vmem>>) target(%dma_start3A_68 : memref<56x128xf32, #tpu.memory_space<hbm>>) target_semaphore(%run_scoped3A : memref<!tpu.dma_semaphore, #tpu.memory_space<semaphore_mem>>)
      %dma_wait3A = arith.constant 0 : i32
      %dma_wait3A_72 = arith.constant 0 : i32
      %dma_wait3A_73 = tpu.memref_slice %arg7[%dma_wait3A, %dma_wait3A_72] : memref<128x128xf32, #tpu.memory_space<vmem>> -> memref<56x128xf32, #tpu.memory_space<vmem>>
      %dma_wait3A_74 = arith.constant 0 : i32
      %dma_wait3A_75 = tpu.memref_slice %arg3[%add3A_57, %dma_wait3A_74] : memref<10000x128xf32, #tpu.memory_space<hbm>> -> memref<56x128xf32, #tpu.memory_space<hbm>>
      %dma_wait3A_76 = arith.constant 0 : i32
      %dma_wait3A_77 = tpu.memref_slice %arg3[%add3A_57, %dma_wait3A_76] : memref<10000x128xf32, #tpu.memory_space<hbm>> -> memref<56x128xf32, #tpu.memory_space<hbm>>
      %dma_wait3A_78 = arith.constant 0 : i32
      %dma_wait3A_79 = arith.constant 0 : i32
      %dma_wait3A_80 = tpu.memref_slice %arg7[%dma_wait3A_78, %dma_wait3A_79] : memref<128x128xf32, #tpu.memory_space<vmem>> -> memref<56x128xf32, #tpu.memory_space<vmem>>
      tpu.wait_dma2 semaphore(%run_scoped3A : memref<!tpu.dma_semaphore, #tpu.memory_space<semaphore_mem>>) src(%dma_wait3A_80 : memref<56x128xf32, #tpu.memory_space<vmem>>) dst(%dma_wait3A_77 : memref<56x128xf32, #tpu.memory_space<hbm>>)
      tpu.yield
    }) : () -> ()
    %eq3A_58 = arith.constant 0 : i32
    %eq3A_59 = arith.cmpi eq, %arg1, %eq3A_58 : i32
    %convert_element_type3A_60 = arith.extui %eq3A_59 : i1 to i32
    %cond3A_61 = arith.constant 0 : i32
    %cond3A_62 = arith.cmpi ne, %convert_element_type3A_60, %cond3A_61 : i32
    scf.if %cond3A_62 {
      "tpu.region"() ({
        %run_scoped3A = tpu.sem_alloc : memref<!tpu.dma_semaphore, #tpu.memory_space<semaphore_mem>>
        %dma_start3A = arith.constant 0 : i32
        %dma_start3A_65 = arith.constant 0 : i32
        %dma_start3A_66 = tpu.memref_slice %arg7[%dma_start3A, %dma_start3A_65] : memref<128x128xf32, #tpu.memory_space<vmem>> -> memref<8x128xf32, #tpu.memory_space<vmem>>
        %dma_start3A_67 = arith.constant 4992 : i32
        %dma_start3A_68 = arith.constant 0 : i32
        %dma_start3A_69 = tpu.memref_slice %arg9[%dma_start3A_67, %dma_start3A_68] : memref<5000x128xf32, #tpu.memory_space<vmem_shared>> -> memref<8x128xf32, #tpu.memory_space<vmem_shared>>
        %dma_start3A_70 = arith.constant 0 : i32
        %dma_start3A_71 = arith.constant 0 : i32
        %dma_start3A_72 = tpu.memref_slice %arg7[%dma_start3A_70, %dma_start3A_71] : memref<128x128xf32, #tpu.memory_space<vmem>> -> memref<8x128xf32, #tpu.memory_space<vmem>>
        %dma_start3A_73 = arith.constant 4992 : i32
        %dma_start3A_74 = arith.constant 0 : i32
        %dma_start3A_75 = tpu.memref_slice %arg9[%dma_start3A_73, %dma_start3A_74] : memref<5000x128xf32, #tpu.memory_space<vmem_shared>> -> memref<8x128xf32, #tpu.memory_space<vmem_shared>>
        tpu.enqueue_dma source(%dma_start3A_75 : memref<8x128xf32, #tpu.memory_space<vmem_shared>>) target(%dma_start3A_72 : memref<8x128xf32, #tpu.memory_space<vmem>>) target_semaphore(%run_scoped3A : memref<!tpu.dma_semaphore, #tpu.memory_space<semaphore_mem>>)
        %dma_wait3A = arith.constant 0 : i32
        %dma_wait3A_76 = arith.constant 0 : i32
        %dma_wait3A_77 = tpu.memref_slice %arg7[%dma_wait3A, %dma_wait3A_76] : memref<128x128xf32, #tpu.memory_space<vmem>> -> memref<8x128xf32, #tpu.memory_space<vmem>>
        %dma_wait3A_78 = arith.constant 4992 : i32
        %dma_wait3A_79 = arith.constant 0 : i32
        %dma_wait3A_80 = tpu.memref_slice %arg9[%dma_wait3A_78, %dma_wait3A_79] : memref<5000x128xf32, #tpu.memory_space<vmem_shared>> -> memref<8x128xf32, #tpu.memory_space<vmem_shared>>
        %dma_wait3A_81 = arith.constant 0 : i32
        %dma_wait3A_82 = arith.constant 0 : i32
        %dma_wait3A_83 = tpu.memref_slice %arg7[%dma_wait3A_81, %dma_wait3A_82] : memref<128x128xf32, #tpu.memory_space<vmem>> -> memref<8x128xf32, #tpu.memory_space<vmem>>
        %dma_wait3A_84 = arith.constant 4992 : i32
        %dma_wait3A_85 = arith.constant 0 : i32
        %dma_wait3A_86 = tpu.memref_slice %arg9[%dma_wait3A_84, %dma_wait3A_85] : memref<5000x128xf32, #tpu.memory_space<vmem_shared>> -> memref<8x128xf32, #tpu.memory_space<vmem_shared>>
        tpu.wait_dma2 semaphore(%run_scoped3A : memref<!tpu.dma_semaphore, #tpu.memory_space<semaphore_mem>>) src(%dma_wait3A_86 : memref<8x128xf32, #tpu.memory_space<vmem_shared>>) dst(%dma_wait3A_83 : memref<8x128xf32, #tpu.memory_space<vmem>>)
        tpu.yield
      }) : () -> ()
      %add3A_63 = arith.constant 4992 : i32
      %add3A_64 = arith.addi %mul3A_0, %add3A_63 : i32
      "tpu.region"() ({
        %run_scoped3A = tpu.sem_alloc : memref<!tpu.dma_semaphore, #tpu.memory_space<semaphore_mem>>
        %dma_start3A = arith.constant 0 : i32
        %dma_start3A_65 = arith.constant 0 : i32
        %dma_start3A_66 = tpu.memref_slice %arg7[%dma_start3A, %dma_start3A_65] : memref<128x128xf32, #tpu.memory_space<vmem>> -> memref<8x128xf32, #tpu.memory_space<vmem>>
        %dma_start3A_67 = arith.constant 0 : i32
        %dma_start3A_68 = tpu.memref_slice %arg3[%add3A_64, %dma_start3A_67] : memref<10000x128xf32, #tpu.memory_space<hbm>> -> memref<8x128xf32, #tpu.memory_space<hbm>>
        %dma_start3A_69 = arith.constant 0 : i32
        %dma_start3A_70 = tpu.memref_slice %arg3[%add3A_64, %dma_start3A_69] : memref<10000x128xf32, #tpu.memory_space<hbm>> -> memref<8x128xf32, #tpu.memory_space<hbm>>
        %dma_start3A_71 = arith.constant 0 : i32
        %dma_start3A_72 = arith.constant 0 : i32
        %dma_start3A_73 = tpu.memref_slice %arg7[%dma_start3A_71, %dma_start3A_72] : memref<128x128xf32, #tpu.memory_space<vmem>> -> memref<8x128xf32, #tpu.memory_space<vmem>>
        tpu.enqueue_dma source(%dma_start3A_73 : memref<8x128xf32, #tpu.memory_space<vmem>>) target(%dma_start3A_70 : memref<8x128xf32, #tpu.memory_space<hbm>>) target_semaphore(%run_scoped3A : memref<!tpu.dma_semaphore, #tpu.memory_space<semaphore_mem>>)
        %dma_wait3A = arith.constant 0 : i32
        %dma_wait3A_74 = arith.constant 0 : i32
        %dma_wait3A_75 = tpu.memref_slice %arg7[%dma_wait3A, %dma_wait3A_74] : memref<128x128xf32, #tpu.memory_space<vmem>> -> memref<8x128xf32, #tpu.memory_space<vmem>>
        %dma_wait3A_76 = arith.constant 0 : i32
        %dma_wait3A_77 = tpu.memref_slice %arg3[%add3A_64, %dma_wait3A_76] : memref<10000x128xf32, #tpu.memory_space<hbm>> -> memref<8x128xf32, #tpu.memory_space<hbm>>
        %dma_wait3A_78 = arith.constant 0 : i32
        %dma_wait3A_79 = tpu.memref_slice %arg3[%add3A_64, %dma_wait3A_78] : memref<10000x128xf32, #tpu.memory_space<hbm>> -> memref<8x128xf32, #tpu.memory_space<hbm>>
        %dma_wait3A_80 = arith.constant 0 : i32
        %dma_wait3A_81 = arith.constant 0 : i32
        %dma_wait3A_82 = tpu.memref_slice %arg7[%dma_wait3A_80, %dma_wait3A_81] : memref<128x128xf32, #tpu.memory_space<vmem>> -> memref<8x128xf32, #tpu.memory_space<vmem>>
        tpu.wait_dma2 semaphore(%run_scoped3A : memref<!tpu.dma_semaphore, #tpu.memory_space<semaphore_mem>>) src(%dma_wait3A_82 : memref<8x128xf32, #tpu.memory_space<vmem>>) dst(%dma_wait3A_79 : memref<8x128xf32, #tpu.memory_space<hbm>>)
        tpu.yield
      }) : () -> ()
    } else {
    }
    return
  }
}

#map = affine_map<(d0, d1) -> (0, 0)>
#map1 = affine_map<(d0, d1) -> (0)>
module attributes {stable_mosaic.version = 14 : i64} {
  func.func @_spmm_body(%arg0: i32, %arg1: i32, %arg2: memref<10000x128xf32, #tpu.memory_space<hbm>>, %arg3: memref<320000xi32, #tpu.memory_space<hbm>>, %arg4: memref<320000xi32, #tpu.memory_space<hbm>>, %arg5: memref<10000x128xf32, #tpu.memory_space<hbm>>, %arg6: memref<768xi32, #tpu.memory_space<vmem>>, %arg7: memref<768xi32, #tpu.memory_space<vmem>>, %arg8: memref<64xi32, #tpu.memory_space<vmem>>, %arg9: memref<64xi32, #tpu.memory_space<vmem>>, %arg10: memref<16xi32, #tpu.memory_space<vmem>>, %arg11: memref<16xi32, #tpu.memory_space<vmem>>, %arg12: memref<64x128xf32, #tpu.memory_space<vmem>>, %arg13: memref<64x128xf32, #tpu.memory_space<vmem>>, %arg14: memref<16x128xf32, #tpu.memory_space<vmem>>, %arg15: memref<5000x128xf32, #tpu.memory_space<vmem_shared>>, %arg16: memref<!tpu.dma_semaphore, #tpu.memory_space<semaphore_mem>>, %arg17: memref<!tpu.dma_semaphore, #tpu.memory_space<semaphore_mem>>) attributes {dimension_semantics = [#tpu.dimension_semantics<core_parallel>, #tpu.dimension_semantics<subcore_parallel>], iteration_bounds = array<i64: 2, 16>, scalar_prefetch = 0 : i64, scratch_operands = 12 : i64, tpu.core_type = #tpu.core_type<sc_vector_subcore>, window_params = [{transform_indices = #map}, {transform_indices = #map1}, {transform_indices = #map1}, {transform_indices = #map}]} {
    %mul3A = arith.constant 5000 : i32
    %mul3A_0 = arith.muli %arg0, %mul3A : i32
    %scan3A = arith.constant 0 : i32
    %scan3A_1 = arith.constant 64 : i32
    %scan3A_2 = arith.addi %scan3A, %scan3A_1 : i32
    %scan3A_3 = arith.constant 1 : i32
    scf.for %scan3A_71 = %scan3A to %scan3A_2 step %scan3A_3  : i32 {
      %mul3A_72 = arith.constant 1 : i32
      %mul3A_73 = arith.muli %scan3A_71, %mul3A_72 : i32
      %add3A_74 = arith.constant 0 : i32
      %add3A_75 = arith.addi %add3A_74, %mul3A_73 : i32
      %broadcast_in_dim3A = arith.constant 0.000000e+00 : f32
      %broadcast_in_dim3A_76 = vector.broadcast %broadcast_in_dim3A : f32 to vector<16xf32>
      %swap3A_77 = arith.index_cast %add3A_75 : i32 to index
      %swap3A_78 = arith.constant 0 : index
      %swap3A_79 = tpu.vector_load %arg12[%swap3A_77, %swap3A_78] {strides = array<i32>} : memref<64x128xf32, #tpu.memory_space<vmem>>, vector<1x16xf32>,
      %swap3A_80 = vector.shape_cast %swap3A_79 : vector<1x16xf32> to vector<16xf32>
      %swap3A_81 = vector.shape_cast %broadcast_in_dim3A_76 : vector<16xf32> to vector<1x16xf32>
      tpu.vector_store %arg12[%swap3A_77, %swap3A_78], %swap3A_81 {strides = array<i32>} : memref<64x128xf32, #tpu.memory_space<vmem>>, vector<1x16xf32>,
      %broadcast_in_dim3A_82 = arith.constant 0.000000e+00 : f32
      %broadcast_in_dim3A_83 = vector.broadcast %broadcast_in_dim3A_82 : f32 to vector<16xf32>
      %swap3A_84 = arith.index_cast %add3A_75 : i32 to index
      %swap3A_85 = arith.constant 16 : index
      %swap3A_86 = tpu.vector_load %arg12[%swap3A_84, %swap3A_85] {strides = array<i32>} : memref<64x128xf32, #tpu.memory_space<vmem>>, vector<1x16xf32>,
      %swap3A_87 = vector.shape_cast %swap3A_86 : vector<1x16xf32> to vector<16xf32>
      %swap3A_88 = vector.shape_cast %broadcast_in_dim3A_83 : vector<16xf32> to vector<1x16xf32>
      tpu.vector_store %arg12[%swap3A_84, %swap3A_85], %swap3A_88 {strides = array<i32>} : memref<64x128xf32, #tpu.memory_space<vmem>>, vector<1x16xf32>,
      %broadcast_in_dim3A_89 = arith.constant 0.000000e+00 : f32
      %broadcast_in_dim3A_90 = vector.broadcast %broadcast_in_dim3A_89 : f32 to vector<16xf32>
      %swap3A_91 = arith.index_cast %add3A_75 : i32 to index
      %swap3A_92 = arith.constant 32 : index
      %swap3A_93 = tpu.vector_load %arg12[%swap3A_91, %swap3A_92] {strides = array<i32>} : memref<64x128xf32, #tpu.memory_space<vmem>>, vector<1x16xf32>,
      %swap3A_94 = vector.shape_cast %swap3A_93 : vector<1x16xf32> to vector<16xf32>
      %swap3A_95 = vector.shape_cast %broadcast_in_dim3A_90 : vector<16xf32> to vector<1x16xf32>
      tpu.vector_store %arg12[%swap3A_91, %swap3A_92], %swap3A_95 {strides = array<i32>} : memref<64x128xf32, #tpu.memory_space<vmem>>, vector<1x16xf32>,
      %broadcast_in_dim3A_96 = arith.constant 0.000000e+00 : f32
      %broadcast_in_dim3A_97 = vector.broadcast %broadcast_in_dim3A_96 : f32 to vector<16xf32>
      %swap3A_98 = arith.index_cast %add3A_75 : i32 to index
      %swap3A_99 = arith.constant 48 : index
      %swap3A_100 = tpu.vector_load %arg12[%swap3A_98, %swap3A_99] {strides = array<i32>} : memref<64x128xf32, #tpu.memory_space<vmem>>, vector<1x16xf32>,
      %swap3A_101 = vector.shape_cast %swap3A_100 : vector<1x16xf32> to vector<16xf32>
      %swap3A_102 = vector.shape_cast %broadcast_in_dim3A_97 : vector<16xf32> to vector<1x16xf32>
      tpu.vector_store %arg12[%swap3A_98, %swap3A_99], %swap3A_102 {strides = array<i32>} : memref<64x128xf32, #tpu.memory_space<vmem>>, vector<1x16xf32>,
      %broadcast_in_dim3A_103 = arith.constant 0.000000e+00 : f32
      %broadcast_in_dim3A_104 = vector.broadcast %broadcast_in_dim3A_103 : f32 to vector<16xf32>
      %swap3A_105 = arith.index_cast %add3A_75 : i32 to index
      %swap3A_106 = arith.constant 64 : index
      %swap3A_107 = tpu.vector_load %arg12[%swap3A_105, %swap3A_106] {strides = array<i32>} : memref<64x128xf32, #tpu.memory_space<vmem>>, vector<1x16xf32>,
      %swap3A_108 = vector.shape_cast %swap3A_107 : vector<1x16xf32> to vector<16xf32>
      %swap3A_109 = vector.shape_cast %broadcast_in_dim3A_104 : vector<16xf32> to vector<1x16xf32>
      tpu.vector_store %arg12[%swap3A_105, %swap3A_106], %swap3A_109 {strides = array<i32>} : memref<64x128xf32, #tpu.memory_space<vmem>>, vector<1x16xf32>,
      %broadcast_in_dim3A_110 = arith.constant 0.000000e+00 : f32
      %broadcast_in_dim3A_111 = vector.broadcast %broadcast_in_dim3A_110 : f32 to vector<16xf32>
      %swap3A_112 = arith.index_cast %add3A_75 : i32 to index
      %swap3A_113 = arith.constant 80 : index
      %swap3A_114 = tpu.vector_load %arg12[%swap3A_112, %swap3A_113] {strides = array<i32>} : memref<64x128xf32, #tpu.memory_space<vmem>>, vector<1x16xf32>,
      %swap3A_115 = vector.shape_cast %swap3A_114 : vector<1x16xf32> to vector<16xf32>
      %swap3A_116 = vector.shape_cast %broadcast_in_dim3A_111 : vector<16xf32> to vector<1x16xf32>
      tpu.vector_store %arg12[%swap3A_112, %swap3A_113], %swap3A_116 {strides = array<i32>} : memref<64x128xf32, #tpu.memory_space<vmem>>, vector<1x16xf32>,
      %broadcast_in_dim3A_117 = arith.constant 0.000000e+00 : f32
      %broadcast_in_dim3A_118 = vector.broadcast %broadcast_in_dim3A_117 : f32 to vector<16xf32>
      %swap3A_119 = arith.index_cast %add3A_75 : i32 to index
      %swap3A_120 = arith.constant 96 : index
      %swap3A_121 = tpu.vector_load %arg12[%swap3A_119, %swap3A_120] {strides = array<i32>} : memref<64x128xf32, #tpu.memory_space<vmem>>, vector<1x16xf32>,
      %swap3A_122 = vector.shape_cast %swap3A_121 : vector<1x16xf32> to vector<16xf32>
      %swap3A_123 = vector.shape_cast %broadcast_in_dim3A_118 : vector<16xf32> to vector<1x16xf32>
      tpu.vector_store %arg12[%swap3A_119, %swap3A_120], %swap3A_123 {strides = array<i32>} : memref<64x128xf32, #tpu.memory_space<vmem>>, vector<1x16xf32>,
      %broadcast_in_dim3A_124 = arith.constant 0.000000e+00 : f32
      %broadcast_in_dim3A_125 = vector.broadcast %broadcast_in_dim3A_124 : f32 to vector<16xf32>
      %swap3A_126 = arith.index_cast %add3A_75 : i32 to index
      %swap3A_127 = arith.constant 112 : index
      %swap3A_128 = tpu.vector_load %arg12[%swap3A_126, %swap3A_127] {strides = array<i32>} : memref<64x128xf32, #tpu.memory_space<vmem>>, vector<1x16xf32>,
      %swap3A_129 = vector.shape_cast %swap3A_128 : vector<1x16xf32> to vector<16xf32>
      %swap3A_130 = vector.shape_cast %broadcast_in_dim3A_125 : vector<16xf32> to vector<1x16xf32>
      tpu.vector_store %arg12[%swap3A_126, %swap3A_127], %swap3A_130 {strides = array<i32>} : memref<64x128xf32, #tpu.memory_space<vmem>>, vector<1x16xf32>,
    }
    %scan3A_4 = arith.constant 64 : i32
    %mul3A_5 = arith.constant 312 : i32
    %mul3A_6 = arith.muli %arg1, %mul3A_5 : i32
    %add3A = arith.constant 0 : i32
    %add3A_7 = arith.addi %mul3A_6, %add3A : i32
    "tpu.region"() ({
      %run_scoped3A = tpu.sem_alloc : memref<!tpu.dma_semaphore, #tpu.memory_space<semaphore_mem>>
      %dma_start3A_71 = arith.constant 0 : i32
      %dma_start3A_72 = tpu.memref_slice %arg15[%add3A_7, %dma_start3A_71] : memref<5000x128xf32, #tpu.memory_space<vmem_shared>> -> memref<64x128xf32, #tpu.memory_space<vmem_shared>>
      %dma_start3A_73 = arith.constant 0 : i32
      %dma_start3A_74 = tpu.memref_slice %arg15[%add3A_7, %dma_start3A_73] : memref<5000x128xf32, #tpu.memory_space<vmem_shared>> -> memref<64x128xf32, #tpu.memory_space<vmem_shared>>
      tpu.enqueue_dma source(%arg12 : memref<64x128xf32, #tpu.memory_space<vmem>>) target(%dma_start3A_74 : memref<64x128xf32, #tpu.memory_space<vmem_shared>>) target_semaphore(%run_scoped3A : memref<!tpu.dma_semaphore, #tpu.memory_space<semaphore_mem>>)
      %dma_wait3A_75 = arith.constant 0 : i32
      %dma_wait3A_76 = tpu.memref_slice %arg15[%add3A_7, %dma_wait3A_75] : memref<5000x128xf32, #tpu.memory_space<vmem_shared>> -> memref<64x128xf32, #tpu.memory_space<vmem_shared>>
      %dma_wait3A_77 = arith.constant 0 : i32
      %dma_wait3A_78 = tpu.memref_slice %arg15[%add3A_7, %dma_wait3A_77] : memref<5000x128xf32, #tpu.memory_space<vmem_shared>> -> memref<64x128xf32, #tpu.memory_space<vmem_shared>>
      tpu.wait_dma2 semaphore(%run_scoped3A : memref<!tpu.dma_semaphore, #tpu.memory_space<semaphore_mem>>) src(%arg12 : memref<64x128xf32, #tpu.memory_space<vmem>>) dst(%dma_wait3A_78 : memref<64x128xf32, #tpu.memory_space<vmem_shared>>)
      tpu.yield
    }) : () -> ()
    %add3A_8 = arith.constant 64 : i32
    %add3A_9 = arith.addi %mul3A_6, %add3A_8 : i32
    "tpu.region"() ({
      %run_scoped3A = tpu.sem_alloc : memref<!tpu.dma_semaphore, #tpu.memory_space<semaphore_mem>>
      %dma_start3A_71 = arith.constant 0 : i32
      %dma_start3A_72 = tpu.memref_slice %arg15[%add3A_9, %dma_start3A_71] : memref<5000x128xf32, #tpu.memory_space<vmem_shared>> -> memref<64x128xf32, #tpu.memory_space<vmem_shared>>
      %dma_start3A_73 = arith.constant 0 : i32
      %dma_start3A_74 = tpu.memref_slice %arg15[%add3A_9, %dma_start3A_73] : memref<5000x128xf32, #tpu.memory_space<vmem_shared>> -> memref<64x128xf32, #tpu.memory_space<vmem_shared>>
      tpu.enqueue_dma source(%arg12 : memref<64x128xf32, #tpu.memory_space<vmem>>) target(%dma_start3A_74 : memref<64x128xf32, #tpu.memory_space<vmem_shared>>) target_semaphore(%run_scoped3A : memref<!tpu.dma_semaphore, #tpu.memory_space<semaphore_mem>>)
      %dma_wait3A_75 = arith.constant 0 : i32
      %dma_wait3A_76 = tpu.memref_slice %arg15[%add3A_9, %dma_wait3A_75] : memref<5000x128xf32, #tpu.memory_space<vmem_shared>> -> memref<64x128xf32, #tpu.memory_space<vmem_shared>>
      %dma_wait3A_77 = arith.constant 0 : i32
      %dma_wait3A_78 = tpu.memref_slice %arg15[%add3A_9, %dma_wait3A_77] : memref<5000x128xf32, #tpu.memory_space<vmem_shared>> -> memref<64x128xf32, #tpu.memory_space<vmem_shared>>
      tpu.wait_dma2 semaphore(%run_scoped3A : memref<!tpu.dma_semaphore, #tpu.memory_space<semaphore_mem>>) src(%arg12 : memref<64x128xf32, #tpu.memory_space<vmem>>) dst(%dma_wait3A_78 : memref<64x128xf32, #tpu.memory_space<vmem_shared>>)
      tpu.yield
    }) : () -> ()
    %add3A_10 = arith.constant 128 : i32
    %add3A_11 = arith.addi %mul3A_6, %add3A_10 : i32
    "tpu.region"() ({
      %run_scoped3A = tpu.sem_alloc : memref<!tpu.dma_semaphore, #tpu.memory_space<semaphore_mem>>
      %dma_start3A_71 = arith.constant 0 : i32
      %dma_start3A_72 = tpu.memref_slice %arg15[%add3A_11, %dma_start3A_71] : memref<5000x128xf32, #tpu.memory_space<vmem_shared>> -> memref<64x128xf32, #tpu.memory_space<vmem_shared>>
      %dma_start3A_73 = arith.constant 0 : i32
      %dma_start3A_74 = tpu.memref_slice %arg15[%add3A_11, %dma_start3A_73] : memref<5000x128xf32, #tpu.memory_space<vmem_shared>> -> memref<64x128xf32, #tpu.memory_space<vmem_shared>>
      tpu.enqueue_dma source(%arg12 : memref<64x128xf32, #tpu.memory_space<vmem>>) target(%dma_start3A_74 : memref<64x128xf32, #tpu.memory_space<vmem_shared>>) target_semaphore(%run_scoped3A : memref<!tpu.dma_semaphore, #tpu.memory_space<semaphore_mem>>)
      %dma_wait3A_75 = arith.constant 0 : i32
      %dma_wait3A_76 = tpu.memref_slice %arg15[%add3A_11, %dma_wait3A_75] : memref<5000x128xf32, #tpu.memory_space<vmem_shared>> -> memref<64x128xf32, #tpu.memory_space<vmem_shared>>
      %dma_wait3A_77 = arith.constant 0 : i32
      %dma_wait3A_78 = tpu.memref_slice %arg15[%add3A_11, %dma_wait3A_77] : memref<5000x128xf32, #tpu.memory_space<vmem_shared>> -> memref<64x128xf32, #tpu.memory_space<vmem_shared>>
      tpu.wait_dma2 semaphore(%run_scoped3A : memref<!tpu.dma_semaphore, #tpu.memory_space<semaphore_mem>>) src(%arg12 : memref<64x128xf32, #tpu.memory_space<vmem>>) dst(%dma_wait3A_78 : memref<64x128xf32, #tpu.memory_space<vmem_shared>>)
      tpu.yield
    }) : () -> ()
    %add3A_12 = arith.constant 192 : i32
    %add3A_13 = arith.addi %mul3A_6, %add3A_12 : i32
    "tpu.region"() ({
      %run_scoped3A = tpu.sem_alloc : memref<!tpu.dma_semaphore, #tpu.memory_space<semaphore_mem>>
      %dma_start3A_71 = arith.constant 0 : i32
      %dma_start3A_72 = tpu.memref_slice %arg15[%add3A_13, %dma_start3A_71] : memref<5000x128xf32, #tpu.memory_space<vmem_shared>> -> memref<64x128xf32, #tpu.memory_space<vmem_shared>>
      %dma_start3A_73 = arith.constant 0 : i32
      %dma_start3A_74 = tpu.memref_slice %arg15[%add3A_13, %dma_start3A_73] : memref<5000x128xf32, #tpu.memory_space<vmem_shared>> -> memref<64x128xf32, #tpu.memory_space<vmem_shared>>
      tpu.enqueue_dma source(%arg12 : memref<64x128xf32, #tpu.memory_space<vmem>>) target(%dma_start3A_74 : memref<64x128xf32, #tpu.memory_space<vmem_shared>>) target_semaphore(%run_scoped3A : memref<!tpu.dma_semaphore, #tpu.memory_space<semaphore_mem>>)
      %dma_wait3A_75 = arith.constant 0 : i32
      %dma_wait3A_76 = tpu.memref_slice %arg15[%add3A_13, %dma_wait3A_75] : memref<5000x128xf32, #tpu.memory_space<vmem_shared>> -> memref<64x128xf32, #tpu.memory_space<vmem_shared>>
      %dma_wait3A_77 = arith.constant 0 : i32
      %dma_wait3A_78 = tpu.memref_slice %arg15[%add3A_13, %dma_wait3A_77] : memref<5000x128xf32, #tpu.memory_space<vmem_shared>> -> memref<64x128xf32, #tpu.memory_space<vmem_shared>>
      tpu.wait_dma2 semaphore(%run_scoped3A : memref<!tpu.dma_semaphore, #tpu.memory_space<semaphore_mem>>) src(%arg12 : memref<64x128xf32, #tpu.memory_space<vmem>>) dst(%dma_wait3A_78 : memref<64x128xf32, #tpu.memory_space<vmem_shared>>)
      tpu.yield
    }) : () -> ()
    %add3A_14 = arith.constant 256 : i32
    %add3A_15 = arith.addi %mul3A_6, %add3A_14 : i32
    "tpu.region"() ({
      %run_scoped3A = tpu.sem_alloc : memref<!tpu.dma_semaphore, #tpu.memory_space<semaphore_mem>>
      %dma_start3A_71 = arith.constant 0 : i32
      %dma_start3A_72 = arith.constant 0 : i32
      %dma_start3A_73 = tpu.memref_slice %arg12[%dma_start3A_71, %dma_start3A_72] : memref<64x128xf32, #tpu.memory_space<vmem>> -> memref<56x128xf32, #tpu.memory_space<vmem>>
      %dma_start3A_74 = arith.constant 0 : i32
      %dma_start3A_75 = tpu.memref_slice %arg15[%add3A_15, %dma_start3A_74] : memref<5000x128xf32, #tpu.memory_space<vmem_shared>> -> memref<56x128xf32, #tpu.memory_space<vmem_shared>>
      %dma_start3A_76 = arith.constant 0 : i32
      %dma_start3A_77 = tpu.memref_slice %arg15[%add3A_15, %dma_start3A_76] : memref<5000x128xf32, #tpu.memory_space<vmem_shared>> -> memref<56x128xf32, #tpu.memory_space<vmem_shared>>
      %dma_start3A_78 = arith.constant 0 : i32
      %dma_start3A_79 = arith.constant 0 : i32
      %dma_start3A_80 = tpu.memref_slice %arg12[%dma_start3A_78, %dma_start3A_79] : memref<64x128xf32, #tpu.memory_space<vmem>> -> memref<56x128xf32, #tpu.memory_space<vmem>>
      tpu.enqueue_dma source(%dma_start3A_80 : memref<56x128xf32, #tpu.memory_space<vmem>>) target(%dma_start3A_77 : memref<56x128xf32, #tpu.memory_space<vmem_shared>>) target_semaphore(%run_scoped3A : memref<!tpu.dma_semaphore, #tpu.memory_space<semaphore_mem>>)
      %dma_wait3A_81 = arith.constant 0 : i32
      %dma_wait3A_82 = arith.constant 0 : i32
      %dma_wait3A_83 = tpu.memref_slice %arg12[%dma_wait3A_81, %dma_wait3A_82] : memref<64x128xf32, #tpu.memory_space<vmem>> -> memref<56x128xf32, #tpu.memory_space<vmem>>
      %dma_wait3A_84 = arith.constant 0 : i32
      %dma_wait3A_85 = tpu.memref_slice %arg15[%add3A_15, %dma_wait3A_84] : memref<5000x128xf32, #tpu.memory_space<vmem_shared>> -> memref<56x128xf32, #tpu.memory_space<vmem_shared>>
      %dma_wait3A_86 = arith.constant 0 : i32
      %dma_wait3A_87 = tpu.memref_slice %arg15[%add3A_15, %dma_wait3A_86] : memref<5000x128xf32, #tpu.memory_space<vmem_shared>> -> memref<56x128xf32, #tpu.memory_space<vmem_shared>>
      %dma_wait3A_88 = arith.constant 0 : i32
      %dma_wait3A_89 = arith.constant 0 : i32
      %dma_wait3A_90 = tpu.memref_slice %arg12[%dma_wait3A_88, %dma_wait3A_89] : memref<64x128xf32, #tpu.memory_space<vmem>> -> memref<56x128xf32, #tpu.memory_space<vmem>>
      tpu.wait_dma2 semaphore(%run_scoped3A : memref<!tpu.dma_semaphore, #tpu.memory_space<semaphore_mem>>) src(%dma_wait3A_90 : memref<56x128xf32, #tpu.memory_space<vmem>>) dst(%dma_wait3A_87 : memref<56x128xf32, #tpu.memory_space<vmem_shared>>)
      tpu.yield
    }) : () -> ()
    %eq3A = arith.constant 0 : i32
    %eq3A_16 = arith.cmpi eq, %arg1, %eq3A : i32
    %convert_element_type3A = arith.extui %eq3A_16 : i1 to i32
    %cond3A = arith.constant 0 : i32
    %cond3A_17 = arith.cmpi ne, %convert_element_type3A, %cond3A : i32
    scf.if %cond3A_17 {
      "tpu.region"() ({
        %run_scoped3A = tpu.sem_alloc : memref<!tpu.dma_semaphore, #tpu.memory_space<semaphore_mem>>
        %dma_start3A_71 = arith.constant 0 : i32
        %dma_start3A_72 = arith.constant 0 : i32
        %dma_start3A_73 = tpu.memref_slice %arg12[%dma_start3A_71, %dma_start3A_72] : memref<64x128xf32, #tpu.memory_space<vmem>> -> memref<8x128xf32, #tpu.memory_space<vmem>>
        %dma_start3A_74 = arith.constant 4992 : i32
        %dma_start3A_75 = arith.constant 0 : i32
        %dma_start3A_76 = tpu.memref_slice %arg15[%dma_start3A_74, %dma_start3A_75] : memref<5000x128xf32, #tpu.memory_space<vmem_shared>> -> memref<8x128xf32, #tpu.memory_space<vmem_shared>>
        %dma_start3A_77 = arith.constant 4992 : i32
        %dma_start3A_78 = arith.constant 0 : i32
        %dma_start3A_79 = tpu.memref_slice %arg15[%dma_start3A_77, %dma_start3A_78] : memref<5000x128xf32, #tpu.memory_space<vmem_shared>> -> memref<8x128xf32, #tpu.memory_space<vmem_shared>>
        %dma_start3A_80 = arith.constant 0 : i32
        %dma_start3A_81 = arith.constant 0 : i32
        %dma_start3A_82 = tpu.memref_slice %arg12[%dma_start3A_80, %dma_start3A_81] : memref<64x128xf32, #tpu.memory_space<vmem>> -> memref<8x128xf32, #tpu.memory_space<vmem>>
        tpu.enqueue_dma source(%dma_start3A_82 : memref<8x128xf32, #tpu.memory_space<vmem>>) target(%dma_start3A_79 : memref<8x128xf32, #tpu.memory_space<vmem_shared>>) target_semaphore(%run_scoped3A : memref<!tpu.dma_semaphore, #tpu.memory_space<semaphore_mem>>)
        %dma_wait3A_83 = arith.constant 0 : i32
        %dma_wait3A_84 = arith.constant 0 : i32
        %dma_wait3A_85 = tpu.memref_slice %arg12[%dma_wait3A_83, %dma_wait3A_84] : memref<64x128xf32, #tpu.memory_space<vmem>> -> memref<8x128xf32, #tpu.memory_space<vmem>>
        %dma_wait3A_86 = arith.constant 4992 : i32
        %dma_wait3A_87 = arith.constant 0 : i32
        %dma_wait3A_88 = tpu.memref_slice %arg15[%dma_wait3A_86, %dma_wait3A_87] : memref<5000x128xf32, #tpu.memory_space<vmem_shared>> -> memref<8x128xf32, #tpu.memory_space<vmem_shared>>
        %dma_wait3A_89 = arith.constant 4992 : i32
        %dma_wait3A_90 = arith.constant 0 : i32
        %dma_wait3A_91 = tpu.memref_slice %arg15[%dma_wait3A_89, %dma_wait3A_90] : memref<5000x128xf32, #tpu.memory_space<vmem_shared>> -> memref<8x128xf32, #tpu.memory_space<vmem_shared>>
        %dma_wait3A_92 = arith.constant 0 : i32
        %dma_wait3A_93 = arith.constant 0 : i32
        %dma_wait3A_94 = tpu.memref_slice %arg12[%dma_wait3A_92, %dma_wait3A_93] : memref<64x128xf32, #tpu.memory_space<vmem>> -> memref<8x128xf32, #tpu.memory_space<vmem>>
        tpu.wait_dma2 semaphore(%run_scoped3A : memref<!tpu.dma_semaphore, #tpu.memory_space<semaphore_mem>>) src(%dma_wait3A_94 : memref<8x128xf32, #tpu.memory_space<vmem>>) dst(%dma_wait3A_91 : memref<8x128xf32, #tpu.memory_space<vmem_shared>>)
        tpu.yield
      }) : () -> ()
    } else {
    }
    %barrier3A = arith.constant 0 : index
    tpu.barrier barrier_id(%barrier3A)
    %mul3A_18 = arith.constant 160000 : i32
    %mul3A_19 = arith.muli %arg0, %mul3A_18 : i32
    %mul3A_20 = arith.constant 10000 : i32
    %mul3A_21 = arith.muli %arg1, %mul3A_20 : i32
    %add3A_22 = arith.addi %mul3A_19, %mul3A_21 : i32
    %scan3A_23 = arith.constant 0 : i32
    %scan3A_24 = arith.constant 13 : i32
    %scan3A_25 = arith.addi %scan3A_23, %scan3A_24 : i32
    %scan3A_26 = arith.constant 1 : i32
    scf.for %scan3A_71 = %scan3A_23 to %scan3A_25 step %scan3A_26  : i32 {
      %mul3A_72 = arith.constant 1 : i32
      %mul3A_73 = arith.muli %scan3A_71, %mul3A_72 : i32
      %add3A_74 = arith.constant 0 : i32
      %add3A_75 = arith.addi %add3A_74, %mul3A_73 : i32
      %mul3A_76 = arith.constant 12 : i32
      %mul3A_77 = arith.muli %add3A_75, %mul3A_76 : i32
      %mul3A_78 = arith.constant 64 : i32
      %mul3A_79 = arith.muli %mul3A_77, %mul3A_78 : i32
      %add3A_80 = arith.addi %add3A_22, %mul3A_79 : i32
      "tpu.region"() ({
        %run_scoped3A = tpu.sem_alloc : memref<!tpu.dma_semaphore, #tpu.memory_space<semaphore_mem>>
        %dma_start3A_91 = tpu.memref_slice %arg3[%add3A_80] : memref<320000xi32, #tpu.memory_space<hbm>> -> memref<768xi32, #tpu.memory_space<hbm>>
        %dma_start3A_92 = tpu.memref_slice %arg3[%add3A_80] : memref<320000xi32, #tpu.memory_space<hbm>> -> memref<768xi32, #tpu.memory_space<hbm>>
        tpu.enqueue_dma source(%dma_start3A_92 : memref<768xi32, #tpu.memory_space<hbm>>) target(%arg6 : memref<768xi32, #tpu.memory_space<vmem>>) target_semaphore(%run_scoped3A : memref<!tpu.dma_semaphore, #tpu.memory_space<semaphore_mem>>)
        %dma_wait3A_93 = tpu.memref_slice %arg3[%add3A_80] : memref<320000xi32, #tpu.memory_space<hbm>> -> memref<768xi32, #tpu.memory_space<hbm>>
        %dma_wait3A_94 = tpu.memref_slice %arg3[%add3A_80] : memref<320000xi32, #tpu.memory_space<hbm>> -> memref<768xi32, #tpu.memory_space<hbm>>
        tpu.wait_dma2 semaphore(%run_scoped3A : memref<!tpu.dma_semaphore, #tpu.memory_space<semaphore_mem>>) src(%dma_wait3A_94 : memref<768xi32, #tpu.memory_space<hbm>>) dst(%arg6 : memref<768xi32, #tpu.memory_space<vmem>>)
        tpu.yield
      }) : () -> ()
      "tpu.region"() ({
        %run_scoped3A = tpu.sem_alloc : memref<!tpu.dma_semaphore, #tpu.memory_space<semaphore_mem>>
        %dma_start3A_91 = tpu.memref_slice %arg4[%add3A_80] : memref<320000xi32, #tpu.memory_space<hbm>> -> memref<768xi32, #tpu.memory_space<hbm>>
        %dma_start3A_92 = tpu.memref_slice %arg4[%add3A_80] : memref<320000xi32, #tpu.memory_space<hbm>> -> memref<768xi32, #tpu.memory_space<hbm>>
        tpu.enqueue_dma source(%dma_start3A_92 : memref<768xi32, #tpu.memory_space<hbm>>) target(%arg7 : memref<768xi32, #tpu.memory_space<vmem>>) target_semaphore(%run_scoped3A : memref<!tpu.dma_semaphore, #tpu.memory_space<semaphore_mem>>)
        %dma_wait3A_93 = tpu.memref_slice %arg4[%add3A_80] : memref<320000xi32, #tpu.memory_space<hbm>> -> memref<768xi32, #tpu.memory_space<hbm>>
        %dma_wait3A_94 = tpu.memref_slice %arg4[%add3A_80] : memref<320000xi32, #tpu.memory_space<hbm>> -> memref<768xi32, #tpu.memory_space<hbm>>
        tpu.wait_dma2 semaphore(%run_scoped3A : memref<!tpu.dma_semaphore, #tpu.memory_space<semaphore_mem>>) src(%dma_wait3A_94 : memref<768xi32, #tpu.memory_space<hbm>>) dst(%arg7 : memref<768xi32, #tpu.memory_space<vmem>>)
        tpu.yield
      }) : () -> ()
      %dma_start3A_81 = arith.constant 0 : i32
      %dma_start3A_82 = tpu.memref_slice %arg6[%dma_start3A_81] : memref<768xi32, #tpu.memory_space<vmem>> -> memref<64xi32, #tpu.memory_space<vmem>>
      %dma_start3A_83 = arith.constant 0 : i32
      %dma_start3A_84 = arith.constant 0 : i32
      %dma_start3A_85 = tpu.memref_slice %arg2[%dma_start3A_83, %dma_start3A_84] : memref<10000x128xf32, #tpu.memory_space<hbm>> -> memref<10000x128xf32, #tpu.memory_space<hbm>>
      tpu.enqueue_indirect_dma source(%dma_start3A_85 : memref<10000x128xf32, #tpu.memory_space<hbm>>) target(%arg12 : memref<64x128xf32, #tpu.memory_space<vmem>>) offsets(%dma_start3A_82 : memref<64xi32, #tpu.memory_space<vmem>>) semaphore(%arg16 : memref<!tpu.dma_semaphore, #tpu.memory_space<semaphore_mem>>)
      %scan3A_86 = arith.constant 0 : i32
      %scan3A_87 = arith.constant 6 : i32
      %scan3A_88 = arith.addi %scan3A_86, %scan3A_87 : i32
      %scan3A_89 = arith.constant 1 : i32
      scf.for %scan3A_91 = %scan3A_86 to %scan3A_88 step %scan3A_89  : i32 {
        %mul3A_92 = arith.constant 2 : i32
        %mul3A_93 = arith.muli %scan3A_91, %mul3A_92 : i32
        %add3A_94 = arith.constant 0 : i32
        %add3A_95 = arith.addi %add3A_94, %mul3A_93 : i32
        %add3A_96 = arith.constant 1 : i32
        %add3A_97 = arith.addi %add3A_95, %add3A_96 : i32
        %mul3A_98 = arith.constant 64 : i32
        %mul3A_99 = arith.muli %add3A_97, %mul3A_98 : i32
        %dma_start3A_100 = tpu.memref_slice %arg6[%mul3A_99] : memref<768xi32, #tpu.memory_space<vmem>> -> memref<64xi32, #tpu.memory_space<vmem>>
        %dma_start3A_101 = arith.constant 0 : i32
        %dma_start3A_102 = arith.constant 0 : i32
        %dma_start3A_103 = tpu.memref_slice %arg2[%dma_start3A_101, %dma_start3A_102] : memref<10000x128xf32, #tpu.memory_space<hbm>> -> memref<10000x128xf32, #tpu.memory_space<hbm>>
        tpu.enqueue_indirect_dma source(%dma_start3A_103 : memref<10000x128xf32, #tpu.memory_space<hbm>>) target(%arg13 : memref<64x128xf32, #tpu.memory_space<vmem>>) offsets(%dma_start3A_100 : memref<64xi32, #tpu.memory_space<vmem>>) semaphore(%arg17 : memref<!tpu.dma_semaphore, #tpu.memory_space<semaphore_mem>>)
        %mul3A_104 = arith.constant 64 : i32
        %mul3A_105 = arith.muli %add3A_95, %mul3A_104 : i32
        %dma_wait3A_106 = tpu.memref_slice %arg6[%mul3A_105] : memref<768xi32, #tpu.memory_space<vmem>> -> memref<64xi32, #tpu.memory_space<vmem>>
        %dma_wait3A_107 = arith.constant 0 : i32
        %dma_wait3A_108 = arith.constant 0 : i32
        %dma_wait3A_109 = tpu.memref_slice %arg2[%dma_wait3A_107, %dma_wait3A_108] : memref<10000x128xf32, #tpu.memory_space<hbm>> -> memref<10000x128xf32, #tpu.memory_space<hbm>>
        tpu.wait_indirect_dma semaphore(%arg16 : memref<!tpu.dma_semaphore, #tpu.memory_space<semaphore_mem>>) src(%dma_wait3A_109 : memref<10000x128xf32, #tpu.memory_space<hbm>>) dst(%arg12 : memref<64x128xf32, #tpu.memory_space<vmem>>)
        %mul3A_110 = arith.constant 64 : i32
        %mul3A_111 = arith.muli %add3A_95, %mul3A_110 : i32
        %add3A_112 = arith.constant 0 : i32
        %add3A_113 = arith.addi %mul3A_111, %add3A_112 : i32
        %get3A_114 = arith.index_cast %add3A_113 : i32 to index
        %get3A_115 = tpu.vector_load %arg7[%get3A_114] {strides = array<i32>} : memref<768xi32, #tpu.memory_space<vmem>>, vector<16xi32>,
        %get3A_116 = vector.shape_cast %get3A_115 : vector<16xi32> to vector<16xi32>
        %sub3A_117 = vector.broadcast %mul3A_0 : i32 to vector<16xi32>
        %sub3A_118 = arith.subi %get3A_116, %sub3A_117 : vector<16xi32>
        %swap3A_119 = arith.constant 0 : index
        %swap3A_120 = tpu.vector_load %arg8[%swap3A_119] {strides = array<i32>} : memref<64xi32, #tpu.memory_space<vmem>>, vector<16xi32>,
        %swap3A_121 = vector.shape_cast %swap3A_120 : vector<16xi32> to vector<16xi32>
        %swap3A_122 = vector.shape_cast %sub3A_118 : vector<16xi32> to vector<16xi32>
        tpu.vector_store %arg8[%swap3A_119], %swap3A_122 {strides = array<i32>} : memref<64xi32, #tpu.memory_space<vmem>>, vector<16xi32>,
        %mul3A_123 = arith.constant 64 : i32
        %mul3A_124 = arith.muli %add3A_95, %mul3A_123 : i32
        %add3A_125 = arith.constant 16 : i32
        %add3A_126 = arith.addi %mul3A_124, %add3A_125 : i32
        %get3A_127 = arith.index_cast %add3A_126 : i32 to index
        %get3A_128 = tpu.vector_load %arg7[%get3A_127] {strides = array<i32>} : memref<768xi32, #tpu.memory_space<vmem>>, vector<16xi32>,
        %get3A_129 = vector.shape_cast %get3A_128 : vector<16xi32> to vector<16xi32>
        %sub3A_130 = vector.broadcast %mul3A_0 : i32 to vector<16xi32>
        %sub3A_131 = arith.subi %get3A_129, %sub3A_130 : vector<16xi32>
        %swap3A_132 = arith.constant 16 : index
        %swap3A_133 = tpu.vector_load %arg8[%swap3A_132] {strides = array<i32>} : memref<64xi32, #tpu.memory_space<vmem>>, vector<16xi32>,
        %swap3A_134 = vector.shape_cast %swap3A_133 : vector<16xi32> to vector<16xi32>
        %swap3A_135 = vector.shape_cast %sub3A_131 : vector<16xi32> to vector<16xi32>
        tpu.vector_store %arg8[%swap3A_132], %swap3A_135 {strides = array<i32>} : memref<64xi32, #tpu.memory_space<vmem>>, vector<16xi32>,
        %mul3A_136 = arith.constant 64 : i32
        %mul3A_137 = arith.muli %add3A_95, %mul3A_136 : i32
        %add3A_138 = arith.constant 32 : i32
        %add3A_139 = arith.addi %mul3A_137, %add3A_138 : i32
        %get3A_140 = arith.index_cast %add3A_139 : i32 to index
        %get3A_141 = tpu.vector_load %arg7[%get3A_140] {strides = array<i32>} : memref<768xi32, #tpu.memory_space<vmem>>, vector<16xi32>,
        %get3A_142 = vector.shape_cast %get3A_141 : vector<16xi32> to vector<16xi32>
        %sub3A_143 = vector.broadcast %mul3A_0 : i32 to vector<16xi32>
        %sub3A_144 = arith.subi %get3A_142, %sub3A_143 : vector<16xi32>
        %swap3A_145 = arith.constant 32 : index
        %swap3A_146 = tpu.vector_load %arg8[%swap3A_145] {strides = array<i32>} : memref<64xi32, #tpu.memory_space<vmem>>, vector<16xi32>,
        %swap3A_147 = vector.shape_cast %swap3A_146 : vector<16xi32> to vector<16xi32>
        %swap3A_148 = vector.shape_cast %sub3A_144 : vector<16xi32> to vector<16xi32>
        tpu.vector_store %arg8[%swap3A_145], %swap3A_148 {strides = array<i32>} : memref<64xi32, #tpu.memory_space<vmem>>, vector<16xi32>,
        %mul3A_149 = arith.constant 64 : i32
        %mul3A_150 = arith.muli %add3A_95, %mul3A_149 : i32
        %add3A_151 = arith.constant 48 : i32
        %add3A_152 = arith.addi %mul3A_150, %add3A_151 : i32
        %get3A_153 = arith.index_cast %add3A_152 : i32 to index
        %get3A_154 = tpu.vector_load %arg7[%get3A_153] {strides = array<i32>} : memref<768xi32, #tpu.memory_space<vmem>>, vector<16xi32>,
        %get3A_155 = vector.shape_cast %get3A_154 : vector<16xi32> to vector<16xi32>
        %sub3A_156 = vector.broadcast %mul3A_0 : i32 to vector<16xi32>
        %sub3A_157 = arith.subi %get3A_155, %sub3A_156 : vector<16xi32>
        %swap3A_158 = arith.constant 48 : index
        %swap3A_159 = tpu.vector_load %arg8[%swap3A_158] {strides = array<i32>} : memref<64xi32, #tpu.memory_space<vmem>>, vector<16xi32>,
        %swap3A_160 = vector.shape_cast %swap3A_159 : vector<16xi32> to vector<16xi32>
        %swap3A_161 = vector.shape_cast %sub3A_157 : vector<16xi32> to vector<16xi32>
        tpu.vector_store %arg8[%swap3A_158], %swap3A_161 {strides = array<i32>} : memref<64xi32, #tpu.memory_space<vmem>>, vector<16xi32>,
        "tpu.region"() ({
          %run_scoped3A = tpu.sem_alloc : memref<!tpu.dma_semaphore, #tpu.memory_space<semaphore_mem>>
          %dma_start3A_230 = arith.constant 0 : i32
          %dma_start3A_231 = arith.constant 0 : i32
          %dma_start3A_232 = tpu.memref_slice %arg15[%dma_start3A_230, %dma_start3A_231] : memref<5000x128xf32, #tpu.memory_space<vmem_shared>> -> memref<5000x128xf32, #tpu.memory_space<vmem_shared>>
          tpu.enqueue_indirect_dma source(%arg12 : memref<64x128xf32, #tpu.memory_space<vmem>>) target(%dma_start3A_232 : memref<5000x128xf32, #tpu.memory_space<vmem_shared>>) offsets(%arg8 : memref<64xi32, #tpu.memory_space<vmem>>) semaphore(%run_scoped3A : memref<!tpu.dma_semaphore, #tpu.memory_space<semaphore_mem>>) {add = true}
          %dma_wait3A_233 = arith.constant 0 : i32
          %dma_wait3A_234 = arith.constant 0 : i32
          %dma_wait3A_235 = tpu.memref_slice %arg15[%dma_wait3A_233, %dma_wait3A_234] : memref<5000x128xf32, #tpu.memory_space<vmem_shared>> -> memref<5000x128xf32, #tpu.memory_space<vmem_shared>>
          tpu.wait_indirect_dma semaphore(%run_scoped3A : memref<!tpu.dma_semaphore, #tpu.memory_space<semaphore_mem>>) src(%arg12 : memref<64x128xf32, #tpu.memory_space<vmem>>) dst(%dma_wait3A_235 : memref<5000x128xf32, #tpu.memory_space<vmem_shared>>)
          tpu.yield
        }) : () -> ()
        %add3A_162 = arith.constant 2 : i32
        %add3A_163 = arith.addi %add3A_95, %add3A_162 : i32
        %lt3A = arith.constant 12 : i32
        %lt3A_164 = arith.cmpi slt, %add3A_163, %lt3A : i32
        %convert_element_type3A_165 = arith.extui %lt3A_164 : i1 to i32
        %cond3A_166 = arith.constant 0 : i32
        %cond3A_167 = arith.cmpi ne, %convert_element_type3A_165, %cond3A_166 : i32
        scf.if %cond3A_167 {
          %add3A_230 = arith.constant 2 : i32
          %add3A_231 = arith.addi %add3A_95, %add3A_230 : i32
          %mul3A_232 = arith.constant 64 : i32
          %mul3A_233 = arith.muli %add3A_231, %mul3A_232 : i32
          %dma_start3A_234 = tpu.memref_slice %arg6[%mul3A_233] : memref<768xi32, #tpu.memory_space<vmem>> -> memref<64xi32, #tpu.memory_space<vmem>>
          %dma_start3A_235 = arith.constant 0 : i32
          %dma_start3A_236 = arith.constant 0 : i32
          %dma_start3A_237 = tpu.memref_slice %arg2[%dma_start3A_235, %dma_start3A_236] : memref<10000x128xf32, #tpu.memory_space<hbm>> -> memref<10000x128xf32, #tpu.memory_space<hbm>>
          tpu.enqueue_indirect_dma source(%dma_start3A_237 : memref<10000x128xf32, #tpu.memory_space<hbm>>) target(%arg12 : memref<64x128xf32, #tpu.memory_space<vmem>>) offsets(%dma_start3A_234 : memref<64xi32, #tpu.memory_space<vmem>>) semaphore(%arg16 : memref<!tpu.dma_semaphore, #tpu.memory_space<semaphore_mem>>)
        } else {
        }
        %add3A_168 = arith.constant 1 : i32
        %add3A_169 = arith.addi %add3A_95, %add3A_168 : i32
        %mul3A_170 = arith.constant 64 : i32
        %mul3A_171 = arith.muli %add3A_169, %mul3A_170 : i32
        %dma_wait3A_172 = tpu.memref_slice %arg6[%mul3A_171] : memref<768xi32, #tpu.memory_space<vmem>> -> memref<64xi32, #tpu.memory_space<vmem>>
        %dma_wait3A_173 = arith.constant 0 : i32
        %dma_wait3A_174 = arith.constant 0 : i32
        %dma_wait3A_175 = tpu.memref_slice %arg2[%dma_wait3A_173, %dma_wait3A_174] : memref<10000x128xf32, #tpu.memory_space<hbm>> -> memref<10000x128xf32, #tpu.memory_space<hbm>>
        tpu.wait_indirect_dma semaphore(%arg17 : memref<!tpu.dma_semaphore, #tpu.memory_space<semaphore_mem>>) src(%dma_wait3A_175 : memref<10000x128xf32, #tpu.memory_space<hbm>>) dst(%arg13 : memref<64x128xf32, #tpu.memory_space<vmem>>)
        %add3A_176 = arith.constant 1 : i32
        %add3A_177 = arith.addi %add3A_95, %add3A_176 : i32
        %mul3A_178 = arith.constant 64 : i32
        %mul3A_179 = arith.muli %add3A_177, %mul3A_178 : i32
        %add3A_180 = arith.constant 0 : i32
        %add3A_181 = arith.addi %mul3A_179, %add3A_180 : i32
        %get3A_182 = arith.index_cast %add3A_181 : i32 to index
        %get3A_183 = tpu.vector_load %arg7[%get3A_182] {strides = array<i32>} : memref<768xi32, #tpu.memory_space<vmem>>, vector<16xi32>,
        %get3A_184 = vector.shape_cast %get3A_183 : vector<16xi32> to vector<16xi32>
        %sub3A_185 = vector.broadcast %mul3A_0 : i32 to vector<16xi32>
        %sub3A_186 = arith.subi %get3A_184, %sub3A_185 : vector<16xi32>
        %swap3A_187 = arith.constant 0 : index
        %swap3A_188 = tpu.vector_load %arg9[%swap3A_187] {strides = array<i32>} : memref<64xi32, #tpu.memory_space<vmem>>, vector<16xi32>,
        %swap3A_189 = vector.shape_cast %swap3A_188 : vector<16xi32> to vector<16xi32>
        %swap3A_190 = vector.shape_cast %sub3A_186 : vector<16xi32> to vector<16xi32>
        tpu.vector_store %arg9[%swap3A_187], %swap3A_190 {strides = array<i32>} : memref<64xi32, #tpu.memory_space<vmem>>, vector<16xi32>,
        %mul3A_191 = arith.constant 64 : i32
        %mul3A_192 = arith.muli %add3A_177, %mul3A_191 : i32
        %add3A_193 = arith.constant 16 : i32
        %add3A_194 = arith.addi %mul3A_192, %add3A_193 : i32
        %get3A_195 = arith.index_cast %add3A_194 : i32 to index
        %get3A_196 = tpu.vector_load %arg7[%get3A_195] {strides = array<i32>} : memref<768xi32, #tpu.memory_space<vmem>>, vector<16xi32>,
        %get3A_197 = vector.shape_cast %get3A_196 : vector<16xi32> to vector<16xi32>
        %sub3A_198 = vector.broadcast %mul3A_0 : i32 to vector<16xi32>
        %sub3A_199 = arith.subi %get3A_197, %sub3A_198 : vector<16xi32>
        %swap3A_200 = arith.constant 16 : index
        %swap3A_201 = tpu.vector_load %arg9[%swap3A_200] {strides = array<i32>} : memref<64xi32, #tpu.memory_space<vmem>>, vector<16xi32>,
        %swap3A_202 = vector.shape_cast %swap3A_201 : vector<16xi32> to vector<16xi32>
        %swap3A_203 = vector.shape_cast %sub3A_199 : vector<16xi32> to vector<16xi32>
        tpu.vector_store %arg9[%swap3A_200], %swap3A_203 {strides = array<i32>} : memref<64xi32, #tpu.memory_space<vmem>>, vector<16xi32>,
        %mul3A_204 = arith.constant 64 : i32
        %mul3A_205 = arith.muli %add3A_177, %mul3A_204 : i32
        %add3A_206 = arith.constant 32 : i32
        %add3A_207 = arith.addi %mul3A_205, %add3A_206 : i32
        %get3A_208 = arith.index_cast %add3A_207 : i32 to index
        %get3A_209 = tpu.vector_load %arg7[%get3A_208] {strides = array<i32>} : memref<768xi32, #tpu.memory_space<vmem>>, vector<16xi32>,
        %get3A_210 = vector.shape_cast %get3A_209 : vector<16xi32> to vector<16xi32>
        %sub3A_211 = vector.broadcast %mul3A_0 : i32 to vector<16xi32>
        %sub3A_212 = arith.subi %get3A_210, %sub3A_211 : vector<16xi32>
        %swap3A_213 = arith.constant 32 : index
        %swap3A_214 = tpu.vector_load %arg9[%swap3A_213] {strides = array<i32>} : memref<64xi32, #tpu.memory_space<vmem>>, vector<16xi32>,
        %swap3A_215 = vector.shape_cast %swap3A_214 : vector<16xi32> to vector<16xi32>
        %swap3A_216 = vector.shape_cast %sub3A_212 : vector<16xi32> to vector<16xi32>
        tpu.vector_store %arg9[%swap3A_213], %swap3A_216 {strides = array<i32>} : memref<64xi32, #tpu.memory_space<vmem>>, vector<16xi32>,
        %mul3A_217 = arith.constant 64 : i32
        %mul3A_218 = arith.muli %add3A_177, %mul3A_217 : i32
        %add3A_219 = arith.constant 48 : i32
        %add3A_220 = arith.addi %mul3A_218, %add3A_219 : i32
        %get3A_221 = arith.index_cast %add3A_220 : i32 to index
        %get3A_222 = tpu.vector_load %arg7[%get3A_221] {strides = array<i32>} : memref<768xi32, #tpu.memory_space<vmem>>, vector<16xi32>,
        %get3A_223 = vector.shape_cast %get3A_222 : vector<16xi32> to vector<16xi32>
        %sub3A_224 = vector.broadcast %mul3A_0 : i32 to vector<16xi32>
        %sub3A_225 = arith.subi %get3A_223, %sub3A_224 : vector<16xi32>
        %swap3A_226 = arith.constant 48 : index
        %swap3A_227 = tpu.vector_load %arg9[%swap3A_226] {strides = array<i32>} : memref<64xi32, #tpu.memory_space<vmem>>, vector<16xi32>,
        %swap3A_228 = vector.shape_cast %swap3A_227 : vector<16xi32> to vector<16xi32>
        %swap3A_229 = vector.shape_cast %sub3A_225 : vector<16xi32> to vector<16xi32>
        tpu.vector_store %arg9[%swap3A_226], %swap3A_229 {strides = array<i32>} : memref<64xi32, #tpu.memory_space<vmem>>, vector<16xi32>,
        "tpu.region"() ({
          %run_scoped3A = tpu.sem_alloc : memref<!tpu.dma_semaphore, #tpu.memory_space<semaphore_mem>>
          %dma_start3A_230 = arith.constant 0 : i32
          %dma_start3A_231 = arith.constant 0 : i32
          %dma_start3A_232 = tpu.memref_slice %arg15[%dma_start3A_230, %dma_start3A_231] : memref<5000x128xf32, #tpu.memory_space<vmem_shared>> -> memref<5000x128xf32, #tpu.memory_space<vmem_shared>>
          tpu.enqueue_indirect_dma source(%arg13 : memref<64x128xf32, #tpu.memory_space<vmem>>) target(%dma_start3A_232 : memref<5000x128xf32, #tpu.memory_space<vmem_shared>>) offsets(%arg9 : memref<64xi32, #tpu.memory_space<vmem>>) semaphore(%run_scoped3A : memref<!tpu.dma_semaphore, #tpu.memory_space<semaphore_mem>>) {add = true}
          %dma_wait3A_233 = arith.constant 0 : i32
          %dma_wait3A_234 = arith.constant 0 : i32
          %dma_wait3A_235 = tpu.memref_slice %arg15[%dma_wait3A_233, %dma_wait3A_234] : memref<5000x128xf32, #tpu.memory_space<vmem_shared>> -> memref<5000x128xf32, #tpu.memory_space<vmem_shared>>
          tpu.wait_indirect_dma semaphore(%run_scoped3A : memref<!tpu.dma_semaphore, #tpu.memory_space<semaphore_mem>>) src(%arg13 : memref<64x128xf32, #tpu.memory_space<vmem>>) dst(%dma_wait3A_235 : memref<5000x128xf32, #tpu.memory_space<vmem_shared>>)
          tpu.yield
        }) : () -> ()
      }
      %scan3A_90 = arith.constant 6 : i32
    }
    %scan3A_27 = arith.constant 13 : i32
    %add3A_28 = arith.constant 9984 : i32
    %add3A_29 = arith.addi %add3A_22, %add3A_28 : i32
    "tpu.region"() ({
      %run_scoped3A = tpu.sem_alloc : memref<!tpu.dma_semaphore, #tpu.memory_space<semaphore_mem>>
      %dma_start3A_71 = tpu.memref_slice %arg3[%add3A_29] : memref<320000xi32, #tpu.memory_space<hbm>> -> memref<16xi32, #tpu.memory_space<hbm>>
      %dma_start3A_72 = tpu.memref_slice %arg3[%add3A_29] : memref<320000xi32, #tpu.memory_space<hbm>> -> memref<16xi32, #tpu.memory_space<hbm>>
      tpu.enqueue_dma source(%dma_start3A_72 : memref<16xi32, #tpu.memory_space<hbm>>) target(%arg10 : memref<16xi32, #tpu.memory_space<vmem>>) target_semaphore(%run_scoped3A : memref<!tpu.dma_semaphore, #tpu.memory_space<semaphore_mem>>)
      %dma_wait3A_73 = tpu.memref_slice %arg3[%add3A_29] : memref<320000xi32, #tpu.memory_space<hbm>> -> memref<16xi32, #tpu.memory_space<hbm>>
      %dma_wait3A_74 = tpu.memref_slice %arg3[%add3A_29] : memref<320000xi32, #tpu.memory_space<hbm>> -> memref<16xi32, #tpu.memory_space<hbm>>
      tpu.wait_dma2 semaphore(%run_scoped3A : memref<!tpu.dma_semaphore, #tpu.memory_space<semaphore_mem>>) src(%dma_wait3A_74 : memref<16xi32, #tpu.memory_space<hbm>>) dst(%arg10 : memref<16xi32, #tpu.memory_space<vmem>>)
      tpu.yield
    }) : () -> ()
    "tpu.region"() ({
      %run_scoped3A = tpu.sem_alloc : memref<!tpu.dma_semaphore, #tpu.memory_space<semaphore_mem>>
      %dma_start3A_71 = tpu.memref_slice %arg4[%add3A_29] : memref<320000xi32, #tpu.memory_space<hbm>> -> memref<16xi32, #tpu.memory_space<hbm>>
      %dma_start3A_72 = tpu.memref_slice %arg4[%add3A_29] : memref<320000xi32, #tpu.memory_space<hbm>> -> memref<16xi32, #tpu.memory_space<hbm>>
      tpu.enqueue_dma source(%dma_start3A_72 : memref<16xi32, #tpu.memory_space<hbm>>) target(%arg11 : memref<16xi32, #tpu.memory_space<vmem>>) target_semaphore(%run_scoped3A : memref<!tpu.dma_semaphore, #tpu.memory_space<semaphore_mem>>)
      %dma_wait3A_73 = tpu.memref_slice %arg4[%add3A_29] : memref<320000xi32, #tpu.memory_space<hbm>> -> memref<16xi32, #tpu.memory_space<hbm>>
      %dma_wait3A_74 = tpu.memref_slice %arg4[%add3A_29] : memref<320000xi32, #tpu.memory_space<hbm>> -> memref<16xi32, #tpu.memory_space<hbm>>
      tpu.wait_dma2 semaphore(%run_scoped3A : memref<!tpu.dma_semaphore, #tpu.memory_space<semaphore_mem>>) src(%dma_wait3A_74 : memref<16xi32, #tpu.memory_space<hbm>>) dst(%arg11 : memref<16xi32, #tpu.memory_space<vmem>>)
      tpu.yield
    }) : () -> ()
    %get3A = arith.constant 0 : index
    %get3A_30 = tpu.vector_load %arg11[%get3A] {strides = array<i32>} : memref<16xi32, #tpu.memory_space<vmem>>, vector<16xi32>,
    %get3A_31 = vector.shape_cast %get3A_30 : vector<16xi32> to vector<16xi32>
    %sub3A = vector.broadcast %mul3A_0 : i32 to vector<16xi32>
    %sub3A_32 = arith.subi %get3A_31, %sub3A : vector<16xi32>
    %swap3A = arith.constant 0 : index
    %swap3A_33 = tpu.vector_load %arg11[%swap3A] {strides = array<i32>} : memref<16xi32, #tpu.memory_space<vmem>>, vector<16xi32>,
    %swap3A_34 = vector.shape_cast %swap3A_33 : vector<16xi32> to vector<16xi32>
    %swap3A_35 = vector.shape_cast %sub3A_32 : vector<16xi32> to vector<16xi32>
    tpu.vector_store %arg11[%swap3A], %swap3A_35 {strides = array<i32>} : memref<16xi32, #tpu.memory_space<vmem>>, vector<16xi32>,
    %dma_start3A = arith.constant 0 : i32
    %dma_start3A_36 = arith.constant 0 : i32
    %dma_start3A_37 = tpu.memref_slice %arg2[%dma_start3A, %dma_start3A_36] : memref<10000x128xf32, #tpu.memory_space<hbm>> -> memref<10000x128xf32, #tpu.memory_space<hbm>>
    tpu.enqueue_indirect_dma source(%dma_start3A_37 : memref<10000x128xf32, #tpu.memory_space<hbm>>) target(%arg14 : memref<16x128xf32, #tpu.memory_space<vmem>>) offsets(%arg10 : memref<16xi32, #tpu.memory_space<vmem>>) semaphore(%arg16 : memref<!tpu.dma_semaphore, #tpu.memory_space<semaphore_mem>>)
    %dma_wait3A = arith.constant 0 : i32
    %dma_wait3A_38 = arith.constant 0 : i32
    %dma_wait3A_39 = tpu.memref_slice %arg2[%dma_wait3A, %dma_wait3A_38] : memref<10000x128xf32, #tpu.memory_space<hbm>> -> memref<10000x128xf32, #tpu.memory_space<hbm>>
    tpu.wait_indirect_dma semaphore(%arg16 : memref<!tpu.dma_semaphore, #tpu.memory_space<semaphore_mem>>) src(%dma_wait3A_39 : memref<10000x128xf32, #tpu.memory_space<hbm>>) dst(%arg14 : memref<16x128xf32, #tpu.memory_space<vmem>>)
    "tpu.region"() ({
      %run_scoped3A = tpu.sem_alloc : memref<!tpu.dma_semaphore, #tpu.memory_space<semaphore_mem>>
      %dma_start3A_71 = arith.constant 0 : i32
      %dma_start3A_72 = arith.constant 0 : i32
      %dma_start3A_73 = tpu.memref_slice %arg15[%dma_start3A_71, %dma_start3A_72] : memref<5000x128xf32, #tpu.memory_space<vmem_shared>> -> memref<5000x128xf32, #tpu.memory_space<vmem_shared>>
      tpu.enqueue_indirect_dma source(%arg14 : memref<16x128xf32, #tpu.memory_space<vmem>>) target(%dma_start3A_73 : memref<5000x128xf32, #tpu.memory_space<vmem_shared>>) offsets(%arg11 : memref<16xi32, #tpu.memory_space<vmem>>) semaphore(%run_scoped3A : memref<!tpu.dma_semaphore, #tpu.memory_space<semaphore_mem>>) {add = true}
      %dma_wait3A_74 = arith.constant 0 : i32
      %dma_wait3A_75 = arith.constant 0 : i32
      %dma_wait3A_76 = tpu.memref_slice %arg15[%dma_wait3A_74, %dma_wait3A_75] : memref<5000x128xf32, #tpu.memory_space<vmem_shared>> -> memref<5000x128xf32, #tpu.memory_space<vmem_shared>>
      tpu.wait_indirect_dma semaphore(%run_scoped3A : memref<!tpu.dma_semaphore, #tpu.memory_space<semaphore_mem>>) src(%arg14 : memref<16x128xf32, #tpu.memory_space<vmem>>) dst(%dma_wait3A_76 : memref<5000x128xf32, #tpu.memory_space<vmem_shared>>)
      tpu.yield
    }) : () -> ()
    %barrier3A_40 = arith.constant 0 : index
    tpu.barrier barrier_id(%barrier3A_40)
    %add3A_41 = arith.constant 0 : i32
    %add3A_42 = arith.addi %mul3A_6, %add3A_41 : i32
    "tpu.region"() ({
      %run_scoped3A = tpu.sem_alloc : memref<!tpu.dma_semaphore, #tpu.memory_space<semaphore_mem>>
      %dma_start3A_71 = arith.constant 0 : i32
      %dma_start3A_72 = tpu.memref_slice %arg15[%add3A_42, %dma_start3A_71] : memref<5000x128xf32, #tpu.memory_space<vmem_shared>> -> memref<64x128xf32, #tpu.memory_space<vmem_shared>>
      %dma_start3A_73 = arith.constant 0 : i32
      %dma_start3A_74 = tpu.memref_slice %arg15[%add3A_42, %dma_start3A_73] : memref<5000x128xf32, #tpu.memory_space<vmem_shared>> -> memref<64x128xf32, #tpu.memory_space<vmem_shared>>
      tpu.enqueue_dma source(%dma_start3A_74 : memref<64x128xf32, #tpu.memory_space<vmem_shared>>) target(%arg12 : memref<64x128xf32, #tpu.memory_space<vmem>>) target_semaphore(%run_scoped3A : memref<!tpu.dma_semaphore, #tpu.memory_space<semaphore_mem>>)
      %dma_wait3A_75 = arith.constant 0 : i32
      %dma_wait3A_76 = tpu.memref_slice %arg15[%add3A_42, %dma_wait3A_75] : memref<5000x128xf32, #tpu.memory_space<vmem_shared>> -> memref<64x128xf32, #tpu.memory_space<vmem_shared>>
      %dma_wait3A_77 = arith.constant 0 : i32
      %dma_wait3A_78 = tpu.memref_slice %arg15[%add3A_42, %dma_wait3A_77] : memref<5000x128xf32, #tpu.memory_space<vmem_shared>> -> memref<64x128xf32, #tpu.memory_space<vmem_shared>>
      tpu.wait_dma2 semaphore(%run_scoped3A : memref<!tpu.dma_semaphore, #tpu.memory_space<semaphore_mem>>) src(%dma_wait3A_78 : memref<64x128xf32, #tpu.memory_space<vmem_shared>>) dst(%arg12 : memref<64x128xf32, #tpu.memory_space<vmem>>)
      tpu.yield
    }) : () -> ()
    %add3A_43 = arith.addi %mul3A_0, %mul3A_6 : i32
    %add3A_44 = arith.constant 0 : i32
    %add3A_45 = arith.addi %add3A_43, %add3A_44 : i32
    "tpu.region"() ({
      %run_scoped3A = tpu.sem_alloc : memref<!tpu.dma_semaphore, #tpu.memory_space<semaphore_mem>>
      %dma_start3A_71 = arith.constant 0 : i32
      %dma_start3A_72 = tpu.memref_slice %arg5[%add3A_45, %dma_start3A_71] : memref<10000x128xf32, #tpu.memory_space<hbm>> -> memref<64x128xf32, #tpu.memory_space<hbm>>
      %dma_start3A_73 = arith.constant 0 : i32
      %dma_start3A_74 = tpu.memref_slice %arg5[%add3A_45, %dma_start3A_73] : memref<10000x128xf32, #tpu.memory_space<hbm>> -> memref<64x128xf32, #tpu.memory_space<hbm>>
      tpu.enqueue_dma source(%arg12 : memref<64x128xf32, #tpu.memory_space<vmem>>) target(%dma_start3A_74 : memref<64x128xf32, #tpu.memory_space<hbm>>) target_semaphore(%run_scoped3A : memref<!tpu.dma_semaphore, #tpu.memory_space<semaphore_mem>>)
      %dma_wait3A_75 = arith.constant 0 : i32
      %dma_wait3A_76 = tpu.memref_slice %arg5[%add3A_45, %dma_wait3A_75] : memref<10000x128xf32, #tpu.memory_space<hbm>> -> memref<64x128xf32, #tpu.memory_space<hbm>>
      %dma_wait3A_77 = arith.constant 0 : i32
      %dma_wait3A_78 = tpu.memref_slice %arg5[%add3A_45, %dma_wait3A_77] : memref<10000x128xf32, #tpu.memory_space<hbm>> -> memref<64x128xf32, #tpu.memory_space<hbm>>
      tpu.wait_dma2 semaphore(%run_scoped3A : memref<!tpu.dma_semaphore, #tpu.memory_space<semaphore_mem>>) src(%arg12 : memref<64x128xf32, #tpu.memory_space<vmem>>) dst(%dma_wait3A_78 : memref<64x128xf32, #tpu.memory_space<hbm>>)
      tpu.yield
    }) : () -> ()
    %add3A_46 = arith.constant 64 : i32
    %add3A_47 = arith.addi %mul3A_6, %add3A_46 : i32
    "tpu.region"() ({
      %run_scoped3A = tpu.sem_alloc : memref<!tpu.dma_semaphore, #tpu.memory_space<semaphore_mem>>
      %dma_start3A_71 = arith.constant 0 : i32
      %dma_start3A_72 = tpu.memref_slice %arg15[%add3A_47, %dma_start3A_71] : memref<5000x128xf32, #tpu.memory_space<vmem_shared>> -> memref<64x128xf32, #tpu.memory_space<vmem_shared>>
      %dma_start3A_73 = arith.constant 0 : i32
      %dma_start3A_74 = tpu.memref_slice %arg15[%add3A_47, %dma_start3A_73] : memref<5000x128xf32, #tpu.memory_space<vmem_shared>> -> memref<64x128xf32, #tpu.memory_space<vmem_shared>>
      tpu.enqueue_dma source(%dma_start3A_74 : memref<64x128xf32, #tpu.memory_space<vmem_shared>>) target(%arg12 : memref<64x128xf32, #tpu.memory_space<vmem>>) target_semaphore(%run_scoped3A : memref<!tpu.dma_semaphore, #tpu.memory_space<semaphore_mem>>)
      %dma_wait3A_75 = arith.constant 0 : i32
      %dma_wait3A_76 = tpu.memref_slice %arg15[%add3A_47, %dma_wait3A_75] : memref<5000x128xf32, #tpu.memory_space<vmem_shared>> -> memref<64x128xf32, #tpu.memory_space<vmem_shared>>
      %dma_wait3A_77 = arith.constant 0 : i32
      %dma_wait3A_78 = tpu.memref_slice %arg15[%add3A_47, %dma_wait3A_77] : memref<5000x128xf32, #tpu.memory_space<vmem_shared>> -> memref<64x128xf32, #tpu.memory_space<vmem_shared>>
      tpu.wait_dma2 semaphore(%run_scoped3A : memref<!tpu.dma_semaphore, #tpu.memory_space<semaphore_mem>>) src(%dma_wait3A_78 : memref<64x128xf32, #tpu.memory_space<vmem_shared>>) dst(%arg12 : memref<64x128xf32, #tpu.memory_space<vmem>>)
      tpu.yield
    }) : () -> ()
    %add3A_48 = arith.addi %mul3A_0, %mul3A_6 : i32
    %add3A_49 = arith.constant 64 : i32
    %add3A_50 = arith.addi %add3A_48, %add3A_49 : i32
    "tpu.region"() ({
      %run_scoped3A = tpu.sem_alloc : memref<!tpu.dma_semaphore, #tpu.memory_space<semaphore_mem>>
      %dma_start3A_71 = arith.constant 0 : i32
      %dma_start3A_72 = tpu.memref_slice %arg5[%add3A_50, %dma_start3A_71] : memref<10000x128xf32, #tpu.memory_space<hbm>> -> memref<64x128xf32, #tpu.memory_space<hbm>>
      %dma_start3A_73 = arith.constant 0 : i32
      %dma_start3A_74 = tpu.memref_slice %arg5[%add3A_50, %dma_start3A_73] : memref<10000x128xf32, #tpu.memory_space<hbm>> -> memref<64x128xf32, #tpu.memory_space<hbm>>
      tpu.enqueue_dma source(%arg12 : memref<64x128xf32, #tpu.memory_space<vmem>>) target(%dma_start3A_74 : memref<64x128xf32, #tpu.memory_space<hbm>>) target_semaphore(%run_scoped3A : memref<!tpu.dma_semaphore, #tpu.memory_space<semaphore_mem>>)
      %dma_wait3A_75 = arith.constant 0 : i32
      %dma_wait3A_76 = tpu.memref_slice %arg5[%add3A_50, %dma_wait3A_75] : memref<10000x128xf32, #tpu.memory_space<hbm>> -> memref<64x128xf32, #tpu.memory_space<hbm>>
      %dma_wait3A_77 = arith.constant 0 : i32
      %dma_wait3A_78 = tpu.memref_slice %arg5[%add3A_50, %dma_wait3A_77] : memref<10000x128xf32, #tpu.memory_space<hbm>> -> memref<64x128xf32, #tpu.memory_space<hbm>>
      tpu.wait_dma2 semaphore(%run_scoped3A : memref<!tpu.dma_semaphore, #tpu.memory_space<semaphore_mem>>) src(%arg12 : memref<64x128xf32, #tpu.memory_space<vmem>>) dst(%dma_wait3A_78 : memref<64x128xf32, #tpu.memory_space<hbm>>)
      tpu.yield
    }) : () -> ()
    %add3A_51 = arith.constant 128 : i32
    %add3A_52 = arith.addi %mul3A_6, %add3A_51 : i32
    "tpu.region"() ({
      %run_scoped3A = tpu.sem_alloc : memref<!tpu.dma_semaphore, #tpu.memory_space<semaphore_mem>>
      %dma_start3A_71 = arith.constant 0 : i32
      %dma_start3A_72 = tpu.memref_slice %arg15[%add3A_52, %dma_start3A_71] : memref<5000x128xf32, #tpu.memory_space<vmem_shared>> -> memref<64x128xf32, #tpu.memory_space<vmem_shared>>
      %dma_start3A_73 = arith.constant 0 : i32
      %dma_start3A_74 = tpu.memref_slice %arg15[%add3A_52, %dma_start3A_73] : memref<5000x128xf32, #tpu.memory_space<vmem_shared>> -> memref<64x128xf32, #tpu.memory_space<vmem_shared>>
      tpu.enqueue_dma source(%dma_start3A_74 : memref<64x128xf32, #tpu.memory_space<vmem_shared>>) target(%arg12 : memref<64x128xf32, #tpu.memory_space<vmem>>) target_semaphore(%run_scoped3A : memref<!tpu.dma_semaphore, #tpu.memory_space<semaphore_mem>>)
      %dma_wait3A_75 = arith.constant 0 : i32
      %dma_wait3A_76 = tpu.memref_slice %arg15[%add3A_52, %dma_wait3A_75] : memref<5000x128xf32, #tpu.memory_space<vmem_shared>> -> memref<64x128xf32, #tpu.memory_space<vmem_shared>>
      %dma_wait3A_77 = arith.constant 0 : i32
      %dma_wait3A_78 = tpu.memref_slice %arg15[%add3A_52, %dma_wait3A_77] : memref<5000x128xf32, #tpu.memory_space<vmem_shared>> -> memref<64x128xf32, #tpu.memory_space<vmem_shared>>
      tpu.wait_dma2 semaphore(%run_scoped3A : memref<!tpu.dma_semaphore, #tpu.memory_space<semaphore_mem>>) src(%dma_wait3A_78 : memref<64x128xf32, #tpu.memory_space<vmem_shared>>) dst(%arg12 : memref<64x128xf32, #tpu.memory_space<vmem>>)
      tpu.yield
    }) : () -> ()
    %add3A_53 = arith.addi %mul3A_0, %mul3A_6 : i32
    %add3A_54 = arith.constant 128 : i32
    %add3A_55 = arith.addi %add3A_53, %add3A_54 : i32
    "tpu.region"() ({
      %run_scoped3A = tpu.sem_alloc : memref<!tpu.dma_semaphore, #tpu.memory_space<semaphore_mem>>
      %dma_start3A_71 = arith.constant 0 : i32
      %dma_start3A_72 = tpu.memref_slice %arg5[%add3A_55, %dma_start3A_71] : memref<10000x128xf32, #tpu.memory_space<hbm>> -> memref<64x128xf32, #tpu.memory_space<hbm>>
      %dma_start3A_73 = arith.constant 0 : i32
      %dma_start3A_74 = tpu.memref_slice %arg5[%add3A_55, %dma_start3A_73] : memref<10000x128xf32, #tpu.memory_space<hbm>> -> memref<64x128xf32, #tpu.memory_space<hbm>>
      tpu.enqueue_dma source(%arg12 : memref<64x128xf32, #tpu.memory_space<vmem>>) target(%dma_start3A_74 : memref<64x128xf32, #tpu.memory_space<hbm>>) target_semaphore(%run_scoped3A : memref<!tpu.dma_semaphore, #tpu.memory_space<semaphore_mem>>)
      %dma_wait3A_75 = arith.constant 0 : i32
      %dma_wait3A_76 = tpu.memref_slice %arg5[%add3A_55, %dma_wait3A_75] : memref<10000x128xf32, #tpu.memory_space<hbm>> -> memref<64x128xf32, #tpu.memory_space<hbm>>
      %dma_wait3A_77 = arith.constant 0 : i32
      %dma_wait3A_78 = tpu.memref_slice %arg5[%add3A_55, %dma_wait3A_77] : memref<10000x128xf32, #tpu.memory_space<hbm>> -> memref<64x128xf32, #tpu.memory_space<hbm>>
      tpu.wait_dma2 semaphore(%run_scoped3A : memref<!tpu.dma_semaphore, #tpu.memory_space<semaphore_mem>>) src(%arg12 : memref<64x128xf32, #tpu.memory_space<vmem>>) dst(%dma_wait3A_78 : memref<64x128xf32, #tpu.memory_space<hbm>>)
      tpu.yield
    }) : () -> ()
    %add3A_56 = arith.constant 192 : i32
    %add3A_57 = arith.addi %mul3A_6, %add3A_56 : i32
    "tpu.region"() ({
      %run_scoped3A = tpu.sem_alloc : memref<!tpu.dma_semaphore, #tpu.memory_space<semaphore_mem>>
      %dma_start3A_71 = arith.constant 0 : i32
      %dma_start3A_72 = tpu.memref_slice %arg15[%add3A_57, %dma_start3A_71] : memref<5000x128xf32, #tpu.memory_space<vmem_shared>> -> memref<64x128xf32, #tpu.memory_space<vmem_shared>>
      %dma_start3A_73 = arith.constant 0 : i32
      %dma_start3A_74 = tpu.memref_slice %arg15[%add3A_57, %dma_start3A_73] : memref<5000x128xf32, #tpu.memory_space<vmem_shared>> -> memref<64x128xf32, #tpu.memory_space<vmem_shared>>
      tpu.enqueue_dma source(%dma_start3A_74 : memref<64x128xf32, #tpu.memory_space<vmem_shared>>) target(%arg12 : memref<64x128xf32, #tpu.memory_space<vmem>>) target_semaphore(%run_scoped3A : memref<!tpu.dma_semaphore, #tpu.memory_space<semaphore_mem>>)
      %dma_wait3A_75 = arith.constant 0 : i32
      %dma_wait3A_76 = tpu.memref_slice %arg15[%add3A_57, %dma_wait3A_75] : memref<5000x128xf32, #tpu.memory_space<vmem_shared>> -> memref<64x128xf32, #tpu.memory_space<vmem_shared>>
      %dma_wait3A_77 = arith.constant 0 : i32
      %dma_wait3A_78 = tpu.memref_slice %arg15[%add3A_57, %dma_wait3A_77] : memref<5000x128xf32, #tpu.memory_space<vmem_shared>> -> memref<64x128xf32, #tpu.memory_space<vmem_shared>>
      tpu.wait_dma2 semaphore(%run_scoped3A : memref<!tpu.dma_semaphore, #tpu.memory_space<semaphore_mem>>) src(%dma_wait3A_78 : memref<64x128xf32, #tpu.memory_space<vmem_shared>>) dst(%arg12 : memref<64x128xf32, #tpu.memory_space<vmem>>)
      tpu.yield
    }) : () -> ()
    %add3A_58 = arith.addi %mul3A_0, %mul3A_6 : i32
    %add3A_59 = arith.constant 192 : i32
    %add3A_60 = arith.addi %add3A_58, %add3A_59 : i32
    "tpu.region"() ({
      %run_scoped3A = tpu.sem_alloc : memref<!tpu.dma_semaphore, #tpu.memory_space<semaphore_mem>>
      %dma_start3A_71 = arith.constant 0 : i32
      %dma_start3A_72 = tpu.memref_slice %arg5[%add3A_60, %dma_start3A_71] : memref<10000x128xf32, #tpu.memory_space<hbm>> -> memref<64x128xf32, #tpu.memory_space<hbm>>
      %dma_start3A_73 = arith.constant 0 : i32
      %dma_start3A_74 = tpu.memref_slice %arg5[%add3A_60, %dma_start3A_73] : memref<10000x128xf32, #tpu.memory_space<hbm>> -> memref<64x128xf32, #tpu.memory_space<hbm>>
      tpu.enqueue_dma source(%arg12 : memref<64x128xf32, #tpu.memory_space<vmem>>) target(%dma_start3A_74 : memref<64x128xf32, #tpu.memory_space<hbm>>) target_semaphore(%run_scoped3A : memref<!tpu.dma_semaphore, #tpu.memory_space<semaphore_mem>>)
      %dma_wait3A_75 = arith.constant 0 : i32
      %dma_wait3A_76 = tpu.memref_slice %arg5[%add3A_60, %dma_wait3A_75] : memref<10000x128xf32, #tpu.memory_space<hbm>> -> memref<64x128xf32, #tpu.memory_space<hbm>>
      %dma_wait3A_77 = arith.constant 0 : i32
      %dma_wait3A_78 = tpu.memref_slice %arg5[%add3A_60, %dma_wait3A_77] : memref<10000x128xf32, #tpu.memory_space<hbm>> -> memref<64x128xf32, #tpu.memory_space<hbm>>
      tpu.wait_dma2 semaphore(%run_scoped3A : memref<!tpu.dma_semaphore, #tpu.memory_space<semaphore_mem>>) src(%arg12 : memref<64x128xf32, #tpu.memory_space<vmem>>) dst(%dma_wait3A_78 : memref<64x128xf32, #tpu.memory_space<hbm>>)
      tpu.yield
    }) : () -> ()
    %add3A_61 = arith.constant 256 : i32
    %add3A_62 = arith.addi %mul3A_6, %add3A_61 : i32
    "tpu.region"() ({
      %run_scoped3A = tpu.sem_alloc : memref<!tpu.dma_semaphore, #tpu.memory_space<semaphore_mem>>
      %dma_start3A_71 = arith.constant 0 : i32
      %dma_start3A_72 = arith.constant 0 : i32
      %dma_start3A_73 = tpu.memref_slice %arg12[%dma_start3A_71, %dma_start3A_72] : memref<64x128xf32, #tpu.memory_space<vmem>> -> memref<56x128xf32, #tpu.memory_space<vmem>>
      %dma_start3A_74 = arith.constant 0 : i32
      %dma_start3A_75 = tpu.memref_slice %arg15[%add3A_62, %dma_start3A_74] : memref<5000x128xf32, #tpu.memory_space<vmem_shared>> -> memref<56x128xf32, #tpu.memory_space<vmem_shared>>
      %dma_start3A_76 = arith.constant 0 : i32
      %dma_start3A_77 = arith.constant 0 : i32
      %dma_start3A_78 = tpu.memref_slice %arg12[%dma_start3A_76, %dma_start3A_77] : memref<64x128xf32, #tpu.memory_space<vmem>> -> memref<56x128xf32, #tpu.memory_space<vmem>>
      %dma_start3A_79 = arith.constant 0 : i32
      %dma_start3A_80 = tpu.memref_slice %arg15[%add3A_62, %dma_start3A_79] : memref<5000x128xf32, #tpu.memory_space<vmem_shared>> -> memref<56x128xf32, #tpu.memory_space<vmem_shared>>
      tpu.enqueue_dma source(%dma_start3A_80 : memref<56x128xf32, #tpu.memory_space<vmem_shared>>) target(%dma_start3A_78 : memref<56x128xf32, #tpu.memory_space<vmem>>) target_semaphore(%run_scoped3A : memref<!tpu.dma_semaphore, #tpu.memory_space<semaphore_mem>>)
      %dma_wait3A_81 = arith.constant 0 : i32
      %dma_wait3A_82 = arith.constant 0 : i32
      %dma_wait3A_83 = tpu.memref_slice %arg12[%dma_wait3A_81, %dma_wait3A_82] : memref<64x128xf32, #tpu.memory_space<vmem>> -> memref<56x128xf32, #tpu.memory_space<vmem>>
      %dma_wait3A_84 = arith.constant 0 : i32
      %dma_wait3A_85 = tpu.memref_slice %arg15[%add3A_62, %dma_wait3A_84] : memref<5000x128xf32, #tpu.memory_space<vmem_shared>> -> memref<56x128xf32, #tpu.memory_space<vmem_shared>>
      %dma_wait3A_86 = arith.constant 0 : i32
      %dma_wait3A_87 = arith.constant 0 : i32
      %dma_wait3A_88 = tpu.memref_slice %arg12[%dma_wait3A_86, %dma_wait3A_87] : memref<64x128xf32, #tpu.memory_space<vmem>> -> memref<56x128xf32, #tpu.memory_space<vmem>>
      %dma_wait3A_89 = arith.constant 0 : i32
      %dma_wait3A_90 = tpu.memref_slice %arg15[%add3A_62, %dma_wait3A_89] : memref<5000x128xf32, #tpu.memory_space<vmem_shared>> -> memref<56x128xf32, #tpu.memory_space<vmem_shared>>
      tpu.wait_dma2 semaphore(%run_scoped3A : memref<!tpu.dma_semaphore, #tpu.memory_space<semaphore_mem>>) src(%dma_wait3A_90 : memref<56x128xf32, #tpu.memory_space<vmem_shared>>) dst(%dma_wait3A_88 : memref<56x128xf32, #tpu.memory_space<vmem>>)
      tpu.yield
    }) : () -> ()
    %add3A_63 = arith.addi %mul3A_0, %mul3A_6 : i32
    %add3A_64 = arith.constant 256 : i32
    %add3A_65 = arith.addi %add3A_63, %add3A_64 : i32
    "tpu.region"() ({
      %run_scoped3A = tpu.sem_alloc : memref<!tpu.dma_semaphore, #tpu.memory_space<semaphore_mem>>
      %dma_start3A_71 = arith.constant 0 : i32
      %dma_start3A_72 = arith.constant 0 : i32
      %dma_start3A_73 = tpu.memref_slice %arg12[%dma_start3A_71, %dma_start3A_72] : memref<64x128xf32, #tpu.memory_space<vmem>> -> memref<56x128xf32, #tpu.memory_space<vmem>>
      %dma_start3A_74 = arith.constant 0 : i32
      %dma_start3A_75 = tpu.memref_slice %arg5[%add3A_65, %dma_start3A_74] : memref<10000x128xf32, #tpu.memory_space<hbm>> -> memref<56x128xf32, #tpu.memory_space<hbm>>
      %dma_start3A_76 = arith.constant 0 : i32
      %dma_start3A_77 = tpu.memref_slice %arg5[%add3A_65, %dma_start3A_76] : memref<10000x128xf32, #tpu.memory_space<hbm>> -> memref<56x128xf32, #tpu.memory_space<hbm>>
      %dma_start3A_78 = arith.constant 0 : i32
      %dma_start3A_79 = arith.constant 0 : i32
      %dma_start3A_80 = tpu.memref_slice %arg12[%dma_start3A_78, %dma_start3A_79] : memref<64x128xf32, #tpu.memory_space<vmem>> -> memref<56x128xf32, #tpu.memory_space<vmem>>
      tpu.enqueue_dma source(%dma_start3A_80 : memref<56x128xf32, #tpu.memory_space<vmem>>) target(%dma_start3A_77 : memref<56x128xf32, #tpu.memory_space<hbm>>) target_semaphore(%run_scoped3A : memref<!tpu.dma_semaphore, #tpu.memory_space<semaphore_mem>>)
      %dma_wait3A_81 = arith.constant 0 : i32
      %dma_wait3A_82 = arith.constant 0 : i32
      %dma_wait3A_83 = tpu.memref_slice %arg12[%dma_wait3A_81, %dma_wait3A_82] : memref<64x128xf32, #tpu.memory_space<vmem>> -> memref<56x128xf32, #tpu.memory_space<vmem>>
      %dma_wait3A_84 = arith.constant 0 : i32
      %dma_wait3A_85 = tpu.memref_slice %arg5[%add3A_65, %dma_wait3A_84] : memref<10000x128xf32, #tpu.memory_space<hbm>> -> memref<56x128xf32, #tpu.memory_space<hbm>>
      %dma_wait3A_86 = arith.constant 0 : i32
      %dma_wait3A_87 = tpu.memref_slice %arg5[%add3A_65, %dma_wait3A_86] : memref<10000x128xf32, #tpu.memory_space<hbm>> -> memref<56x128xf32, #tpu.memory_space<hbm>>
      %dma_wait3A_88 = arith.constant 0 : i32
      %dma_wait3A_89 = arith.constant 0 : i32
      %dma_wait3A_90 = tpu.memref_slice %arg12[%dma_wait3A_88, %dma_wait3A_89] : memref<64x128xf32, #tpu.memory_space<vmem>> -> memref<56x128xf32, #tpu.memory_space<vmem>>
      tpu.wait_dma2 semaphore(%run_scoped3A : memref<!tpu.dma_semaphore, #tpu.memory_space<semaphore_mem>>) src(%dma_wait3A_90 : memref<56x128xf32, #tpu.memory_space<vmem>>) dst(%dma_wait3A_87 : memref<56x128xf32, #tpu.memory_space<hbm>>)
      tpu.yield
    }) : () -> ()
    %eq3A_66 = arith.constant 0 : i32
    %eq3A_67 = arith.cmpi eq, %arg1, %eq3A_66 : i32
    %convert_element_type3A_68 = arith.extui %eq3A_67 : i1 to i32
    %cond3A_69 = arith.constant 0 : i32
    %cond3A_70 = arith.cmpi ne, %convert_element_type3A_68, %cond3A_69 : i32
    scf.if %cond3A_70 {
      "tpu.region"() ({
        %run_scoped3A = tpu.sem_alloc : memref<!tpu.dma_semaphore, #tpu.memory_space<semaphore_mem>>
        %dma_start3A_73 = arith.constant 0 : i32
        %dma_start3A_74 = arith.constant 0 : i32
        %dma_start3A_75 = tpu.memref_slice %arg12[%dma_start3A_73, %dma_start3A_74] : memref<64x128xf32, #tpu.memory_space<vmem>> -> memref<8x128xf32, #tpu.memory_space<vmem>>
        %dma_start3A_76 = arith.constant 4992 : i32
        %dma_start3A_77 = arith.constant 0 : i32
        %dma_start3A_78 = tpu.memref_slice %arg15[%dma_start3A_76, %dma_start3A_77] : memref<5000x128xf32, #tpu.memory_space<vmem_shared>> -> memref<8x128xf32, #tpu.memory_space<vmem_shared>>
        %dma_start3A_79 = arith.constant 0 : i32
        %dma_start3A_80 = arith.constant 0 : i32
        %dma_start3A_81 = tpu.memref_slice %arg12[%dma_start3A_79, %dma_start3A_80] : memref<64x128xf32, #tpu.memory_space<vmem>> -> memref<8x128xf32, #tpu.memory_space<vmem>>
        %dma_start3A_82 = arith.constant 4992 : i32
        %dma_start3A_83 = arith.constant 0 : i32
        %dma_start3A_84 = tpu.memref_slice %arg15[%dma_start3A_82, %dma_start3A_83] : memref<5000x128xf32, #tpu.memory_space<vmem_shared>> -> memref<8x128xf32, #tpu.memory_space<vmem_shared>>
        tpu.enqueue_dma source(%dma_start3A_84 : memref<8x128xf32, #tpu.memory_space<vmem_shared>>) target(%dma_start3A_81 : memref<8x128xf32, #tpu.memory_space<vmem>>) target_semaphore(%run_scoped3A : memref<!tpu.dma_semaphore, #tpu.memory_space<semaphore_mem>>)
        %dma_wait3A_85 = arith.constant 0 : i32
        %dma_wait3A_86 = arith.constant 0 : i32
        %dma_wait3A_87 = tpu.memref_slice %arg12[%dma_wait3A_85, %dma_wait3A_86] : memref<64x128xf32, #tpu.memory_space<vmem>> -> memref<8x128xf32, #tpu.memory_space<vmem>>
        %dma_wait3A_88 = arith.constant 4992 : i32
        %dma_wait3A_89 = arith.constant 0 : i32
        %dma_wait3A_90 = tpu.memref_slice %arg15[%dma_wait3A_88, %dma_wait3A_89] : memref<5000x128xf32, #tpu.memory_space<vmem_shared>> -> memref<8x128xf32, #tpu.memory_space<vmem_shared>>
        %dma_wait3A_91 = arith.constant 0 : i32
        %dma_wait3A_92 = arith.constant 0 : i32
        %dma_wait3A_93 = tpu.memref_slice %arg12[%dma_wait3A_91, %dma_wait3A_92] : memref<64x128xf32, #tpu.memory_space<vmem>> -> memref<8x128xf32, #tpu.memory_space<vmem>>
        %dma_wait3A_94 = arith.constant 4992 : i32
        %dma_wait3A_95 = arith.constant 0 : i32
        %dma_wait3A_96 = tpu.memref_slice %arg15[%dma_wait3A_94, %dma_wait3A_95] : memref<5000x128xf32, #tpu.memory_space<vmem_shared>> -> memref<8x128xf32, #tpu.memory_space<vmem_shared>>
        tpu.wait_dma2 semaphore(%run_scoped3A : memref<!tpu.dma_semaphore, #tpu.memory_space<semaphore_mem>>) src(%dma_wait3A_96 : memref<8x128xf32, #tpu.memory_space<vmem_shared>>) dst(%dma_wait3A_93 : memref<8x128xf32, #tpu.memory_space<vmem>>)
        tpu.yield
      }) : () -> ()
      %add3A_71 = arith.constant 4992 : i32
      %add3A_72 = arith.addi %mul3A_0, %add3A_71 : i32
      "tpu.region"() ({
        %run_scoped3A = tpu.sem_alloc : memref<!tpu.dma_semaphore, #tpu.memory_space<semaphore_mem>>
        %dma_start3A_73 = arith.constant 0 : i32
        %dma_start3A_74 = arith.constant 0 : i32
        %dma_start3A_75 = tpu.memref_slice %arg12[%dma_start3A_73, %dma_start3A_74] : memref<64x128xf32, #tpu.memory_space<vmem>> -> memref<8x128xf32, #tpu.memory_space<vmem>>
        %dma_start3A_76 = arith.constant 0 : i32
        %dma_start3A_77 = tpu.memref_slice %arg5[%add3A_72, %dma_start3A_76] : memref<10000x128xf32, #tpu.memory_space<hbm>> -> memref<8x128xf32, #tpu.memory_space<hbm>>
        %dma_start3A_78 = arith.constant 0 : i32
        %dma_start3A_79 = tpu.memref_slice %arg5[%add3A_72, %dma_start3A_78] : memref<10000x128xf32, #tpu.memory_space<hbm>> -> memref<8x128xf32, #tpu.memory_space<hbm>>
        %dma_start3A_80 = arith.constant 0 : i32
        %dma_start3A_81 = arith.constant 0 : i32
        %dma_start3A_82 = tpu.memref_slice %arg12[%dma_start3A_80, %dma_start3A_81] : memref<64x128xf32, #tpu.memory_space<vmem>> -> memref<8x128xf32, #tpu.memory_space<vmem>>
        tpu.enqueue_dma source(%dma_start3A_82 : memref<8x128xf32, #tpu.memory_space<vmem>>) target(%dma_start3A_79 : memref<8x128xf32, #tpu.memory_space<hbm>>) target_semaphore(%run_scoped3A : memref<!tpu.dma_semaphore, #tpu.memory_space<semaphore_mem>>)
        %dma_wait3A_83 = arith.constant 0 : i32
        %dma_wait3A_84 = arith.constant 0 : i32
        %dma_wait3A_85 = tpu.memref_slice %arg12[%dma_wait3A_83, %dma_wait3A_84] : memref<64x128xf32, #tpu.memory_space<vmem>> -> memref<8x128xf32, #tpu.memory_space<vmem>>
        %dma_wait3A_86 = arith.constant 0 : i32
        %dma_wait3A_87 = tpu.memref_slice %arg5[%add3A_72, %dma_wait3A_86] : memref<10000x128xf32, #tpu.memory_space<hbm>> -> memref<8x128xf32, #tpu.memory_space<hbm>>
        %dma_wait3A_88 = arith.constant 0 : i32
        %dma_wait3A_89 = tpu.memref_slice %arg5[%add3A_72, %dma_wait3A_88] : memref<10000x128xf32, #tpu.memory_space<hbm>> -> memref<8x128xf32, #tpu.memory_space<hbm>>
        %dma_wait3A_90 = arith.constant 0 : i32
        %dma_wait3A_91 = arith.constant 0 : i32
        %dma_wait3A_92 = tpu.memref_slice %arg12[%dma_wait3A_90, %dma_wait3A_91] : memref<64x128xf32, #tpu.memory_space<vmem>> -> memref<8x128xf32, #tpu.memory_space<vmem>>
        tpu.wait_dma2 semaphore(%run_scoped3A : memref<!tpu.dma_semaphore, #tpu.memory_space<semaphore_mem>>) src(%dma_wait3A_92 : memref<8x128xf32, #tpu.memory_space<vmem>>) dst(%dma_wait3A_89 : memref<8x128xf32, #tpu.memory_space<hbm>>)
        tpu.yield
      }) : () -> ()
    } else {
    }
    return
  }
}

#map = affine_map<(d0, d1) -> (0, 0)>
#map1 = affine_map<(d0, d1) -> (0)>
module attributes {stable_mosaic.version = 14 : i64} {
  func.func @_spmm_body(%arg0: i32, %arg1: i32, %arg2: memref<10000x128xf32, #tpu.memory_space<hbm>>, %arg3: memref<320000xi32, #tpu.memory_space<hbm>>, %arg4: memref<320000xi32, #tpu.memory_space<hbm>>, %arg5: memref<10000x128xf32, #tpu.memory_space<hbm>>, %arg6: memref<768xi32, #tpu.memory_space<vmem>>, %arg7: memref<768xi32, #tpu.memory_space<vmem>>, %arg8: memref<64xi32, #tpu.memory_space<vmem>>, %arg9: memref<64xi32, #tpu.memory_space<vmem>>, %arg10: memref<16xi32, #tpu.memory_space<vmem>>, %arg11: memref<16xi32, #tpu.memory_space<vmem>>, %arg12: memref<64x128xf32, #tpu.memory_space<vmem>>, %arg13: memref<64x128xf32, #tpu.memory_space<vmem>>, %arg14: memref<16x128xf32, #tpu.memory_space<vmem>>, %arg15: memref<5000x128xf32, #tpu.memory_space<vmem_shared>>, %arg16: memref<!tpu.dma_semaphore, #tpu.memory_space<semaphore_mem>>, %arg17: memref<!tpu.dma_semaphore, #tpu.memory_space<semaphore_mem>>) attributes {dimension_semantics = [#tpu.dimension_semantics<core_parallel>, #tpu.dimension_semantics<subcore_parallel>], iteration_bounds = array<i64: 2, 16>, scalar_prefetch = 0 : i64, scratch_operands = 12 : i64, tpu.core_type = #tpu.core_type<sc_vector_subcore>, window_params = [{transform_indices = #map}, {transform_indices = #map1}, {transform_indices = #map1}, {transform_indices = #map}]} {
    %mul3A = arith.constant 5000 : i32
    %mul3A_0 = arith.muli %arg0, %mul3A : i32
    %scan3A = arith.constant 0 : i32
    %scan3A_1 = arith.constant 64 : i32
    %scan3A_2 = arith.addi %scan3A, %scan3A_1 : i32
    %scan3A_3 = arith.constant 1 : i32
    scf.for %scan3A_71 = %scan3A to %scan3A_2 step %scan3A_3  : i32 {
      %mul3A_72 = arith.constant 1 : i32
      %mul3A_73 = arith.muli %scan3A_71, %mul3A_72 : i32
      %add3A_74 = arith.constant 0 : i32
      %add3A_75 = arith.addi %add3A_74, %mul3A_73 : i32
      %broadcast_in_dim3A = arith.constant 0.000000e+00 : f32
      %broadcast_in_dim3A_76 = vector.broadcast %broadcast_in_dim3A : f32 to vector<16xf32>
      %swap3A_77 = arith.index_cast %add3A_75 : i32 to index
      %swap3A_78 = arith.constant 0 : index
      %swap3A_79 = tpu.vector_load %arg12[%swap3A_77, %swap3A_78] {strides = array<i32>} : memref<64x128xf32, #tpu.memory_space<vmem>>, vector<1x16xf32>,
      %swap3A_80 = vector.shape_cast %swap3A_79 : vector<1x16xf32> to vector<16xf32>
      %swap3A_81 = vector.shape_cast %broadcast_in_dim3A_76 : vector<16xf32> to vector<1x16xf32>
      tpu.vector_store %arg12[%swap3A_77, %swap3A_78], %swap3A_81 {strides = array<i32>} : memref<64x128xf32, #tpu.memory_space<vmem>>, vector<1x16xf32>,
      %broadcast_in_dim3A_82 = arith.constant 0.000000e+00 : f32
      %broadcast_in_dim3A_83 = vector.broadcast %broadcast_in_dim3A_82 : f32 to vector<16xf32>
      %swap3A_84 = arith.index_cast %add3A_75 : i32 to index
      %swap3A_85 = arith.constant 16 : index
      %swap3A_86 = tpu.vector_load %arg12[%swap3A_84, %swap3A_85] {strides = array<i32>} : memref<64x128xf32, #tpu.memory_space<vmem>>, vector<1x16xf32>,
      %swap3A_87 = vector.shape_cast %swap3A_86 : vector<1x16xf32> to vector<16xf32>
      %swap3A_88 = vector.shape_cast %broadcast_in_dim3A_83 : vector<16xf32> to vector<1x16xf32>
      tpu.vector_store %arg12[%swap3A_84, %swap3A_85], %swap3A_88 {strides = array<i32>} : memref<64x128xf32, #tpu.memory_space<vmem>>, vector<1x16xf32>,
      %broadcast_in_dim3A_89 = arith.constant 0.000000e+00 : f32
      %broadcast_in_dim3A_90 = vector.broadcast %broadcast_in_dim3A_89 : f32 to vector<16xf32>
      %swap3A_91 = arith.index_cast %add3A_75 : i32 to index
      %swap3A_92 = arith.constant 32 : index
      %swap3A_93 = tpu.vector_load %arg12[%swap3A_91, %swap3A_92] {strides = array<i32>} : memref<64x128xf32, #tpu.memory_space<vmem>>, vector<1x16xf32>,
      %swap3A_94 = vector.shape_cast %swap3A_93 : vector<1x16xf32> to vector<16xf32>
      %swap3A_95 = vector.shape_cast %broadcast_in_dim3A_90 : vector<16xf32> to vector<1x16xf32>
      tpu.vector_store %arg12[%swap3A_91, %swap3A_92], %swap3A_95 {strides = array<i32>} : memref<64x128xf32, #tpu.memory_space<vmem>>, vector<1x16xf32>,
      %broadcast_in_dim3A_96 = arith.constant 0.000000e+00 : f32
      %broadcast_in_dim3A_97 = vector.broadcast %broadcast_in_dim3A_96 : f32 to vector<16xf32>
      %swap3A_98 = arith.index_cast %add3A_75 : i32 to index
      %swap3A_99 = arith.constant 48 : index
      %swap3A_100 = tpu.vector_load %arg12[%swap3A_98, %swap3A_99] {strides = array<i32>} : memref<64x128xf32, #tpu.memory_space<vmem>>, vector<1x16xf32>,
      %swap3A_101 = vector.shape_cast %swap3A_100 : vector<1x16xf32> to vector<16xf32>
      %swap3A_102 = vector.shape_cast %broadcast_in_dim3A_97 : vector<16xf32> to vector<1x16xf32>
      tpu.vector_store %arg12[%swap3A_98, %swap3A_99], %swap3A_102 {strides = array<i32>} : memref<64x128xf32, #tpu.memory_space<vmem>>, vector<1x16xf32>,
      %broadcast_in_dim3A_103 = arith.constant 0.000000e+00 : f32
      %broadcast_in_dim3A_104 = vector.broadcast %broadcast_in_dim3A_103 : f32 to vector<16xf32>
      %swap3A_105 = arith.index_cast %add3A_75 : i32 to index
      %swap3A_106 = arith.constant 64 : index
      %swap3A_107 = tpu.vector_load %arg12[%swap3A_105, %swap3A_106] {strides = array<i32>} : memref<64x128xf32, #tpu.memory_space<vmem>>, vector<1x16xf32>,
      %swap3A_108 = vector.shape_cast %swap3A_107 : vector<1x16xf32> to vector<16xf32>
      %swap3A_109 = vector.shape_cast %broadcast_in_dim3A_104 : vector<16xf32> to vector<1x16xf32>
      tpu.vector_store %arg12[%swap3A_105, %swap3A_106], %swap3A_109 {strides = array<i32>} : memref<64x128xf32, #tpu.memory_space<vmem>>, vector<1x16xf32>,
      %broadcast_in_dim3A_110 = arith.constant 0.000000e+00 : f32
      %broadcast_in_dim3A_111 = vector.broadcast %broadcast_in_dim3A_110 : f32 to vector<16xf32>
      %swap3A_112 = arith.index_cast %add3A_75 : i32 to index
      %swap3A_113 = arith.constant 80 : index
      %swap3A_114 = tpu.vector_load %arg12[%swap3A_112, %swap3A_113] {strides = array<i32>} : memref<64x128xf32, #tpu.memory_space<vmem>>, vector<1x16xf32>,
      %swap3A_115 = vector.shape_cast %swap3A_114 : vector<1x16xf32> to vector<16xf32>
      %swap3A_116 = vector.shape_cast %broadcast_in_dim3A_111 : vector<16xf32> to vector<1x16xf32>
      tpu.vector_store %arg12[%swap3A_112, %swap3A_113], %swap3A_116 {strides = array<i32>} : memref<64x128xf32, #tpu.memory_space<vmem>>, vector<1x16xf32>,
      %broadcast_in_dim3A_117 = arith.constant 0.000000e+00 : f32
      %broadcast_in_dim3A_118 = vector.broadcast %broadcast_in_dim3A_117 : f32 to vector<16xf32>
      %swap3A_119 = arith.index_cast %add3A_75 : i32 to index
      %swap3A_120 = arith.constant 96 : index
      %swap3A_121 = tpu.vector_load %arg12[%swap3A_119, %swap3A_120] {strides = array<i32>} : memref<64x128xf32, #tpu.memory_space<vmem>>, vector<1x16xf32>,
      %swap3A_122 = vector.shape_cast %swap3A_121 : vector<1x16xf32> to vector<16xf32>
      %swap3A_123 = vector.shape_cast %broadcast_in_dim3A_118 : vector<16xf32> to vector<1x16xf32>
      tpu.vector_store %arg12[%swap3A_119, %swap3A_120], %swap3A_123 {strides = array<i32>} : memref<64x128xf32, #tpu.memory_space<vmem>>, vector<1x16xf32>,
      %broadcast_in_dim3A_124 = arith.constant 0.000000e+00 : f32
      %broadcast_in_dim3A_125 = vector.broadcast %broadcast_in_dim3A_124 : f32 to vector<16xf32>
      %swap3A_126 = arith.index_cast %add3A_75 : i32 to index
      %swap3A_127 = arith.constant 112 : index
      %swap3A_128 = tpu.vector_load %arg12[%swap3A_126, %swap3A_127] {strides = array<i32>} : memref<64x128xf32, #tpu.memory_space<vmem>>, vector<1x16xf32>,
      %swap3A_129 = vector.shape_cast %swap3A_128 : vector<1x16xf32> to vector<16xf32>
      %swap3A_130 = vector.shape_cast %broadcast_in_dim3A_125 : vector<16xf32> to vector<1x16xf32>
      tpu.vector_store %arg12[%swap3A_126, %swap3A_127], %swap3A_130 {strides = array<i32>} : memref<64x128xf32, #tpu.memory_space<vmem>>, vector<1x16xf32>,
    }
    %scan3A_4 = arith.constant 64 : i32
    %mul3A_5 = arith.constant 312 : i32
    %mul3A_6 = arith.muli %arg1, %mul3A_5 : i32
    %add3A = arith.constant 0 : i32
    %add3A_7 = arith.addi %mul3A_6, %add3A : i32
    "tpu.region"() ({
      %run_scoped3A = tpu.sem_alloc : memref<!tpu.dma_semaphore, #tpu.memory_space<semaphore_mem>>
      %dma_start3A_71 = arith.constant 0 : i32
      %dma_start3A_72 = tpu.memref_slice %arg15[%add3A_7, %dma_start3A_71] : memref<5000x128xf32, #tpu.memory_space<vmem_shared>> -> memref<64x128xf32, #tpu.memory_space<vmem_shared>>
      %dma_start3A_73 = arith.constant 0 : i32
      %dma_start3A_74 = tpu.memref_slice %arg15[%add3A_7, %dma_start3A_73] : memref<5000x128xf32, #tpu.memory_space<vmem_shared>> -> memref<64x128xf32, #tpu.memory_space<vmem_shared>>
      tpu.enqueue_dma source(%arg12 : memref<64x128xf32, #tpu.memory_space<vmem>>) target(%dma_start3A_74 : memref<64x128xf32, #tpu.memory_space<vmem_shared>>) target_semaphore(%run_scoped3A : memref<!tpu.dma_semaphore, #tpu.memory_space<semaphore_mem>>)
      %dma_wait3A_75 = arith.constant 0 : i32
      %dma_wait3A_76 = tpu.memref_slice %arg15[%add3A_7, %dma_wait3A_75] : memref<5000x128xf32, #tpu.memory_space<vmem_shared>> -> memref<64x128xf32, #tpu.memory_space<vmem_shared>>
      %dma_wait3A_77 = arith.constant 0 : i32
      %dma_wait3A_78 = tpu.memref_slice %arg15[%add3A_7, %dma_wait3A_77] : memref<5000x128xf32, #tpu.memory_space<vmem_shared>> -> memref<64x128xf32, #tpu.memory_space<vmem_shared>>
      tpu.wait_dma2 semaphore(%run_scoped3A : memref<!tpu.dma_semaphore, #tpu.memory_space<semaphore_mem>>) src(%arg12 : memref<64x128xf32, #tpu.memory_space<vmem>>) dst(%dma_wait3A_78 : memref<64x128xf32, #tpu.memory_space<vmem_shared>>)
      tpu.yield
    }) : () -> ()
    %add3A_8 = arith.constant 64 : i32
    %add3A_9 = arith.addi %mul3A_6, %add3A_8 : i32
    "tpu.region"() ({
      %run_scoped3A = tpu.sem_alloc : memref<!tpu.dma_semaphore, #tpu.memory_space<semaphore_mem>>
      %dma_start3A_71 = arith.constant 0 : i32
      %dma_start3A_72 = tpu.memref_slice %arg15[%add3A_9, %dma_start3A_71] : memref<5000x128xf32, #tpu.memory_space<vmem_shared>> -> memref<64x128xf32, #tpu.memory_space<vmem_shared>>
      %dma_start3A_73 = arith.constant 0 : i32
      %dma_start3A_74 = tpu.memref_slice %arg15[%add3A_9, %dma_start3A_73] : memref<5000x128xf32, #tpu.memory_space<vmem_shared>> -> memref<64x128xf32, #tpu.memory_space<vmem_shared>>
      tpu.enqueue_dma source(%arg12 : memref<64x128xf32, #tpu.memory_space<vmem>>) target(%dma_start3A_74 : memref<64x128xf32, #tpu.memory_space<vmem_shared>>) target_semaphore(%run_scoped3A : memref<!tpu.dma_semaphore, #tpu.memory_space<semaphore_mem>>)
      %dma_wait3A_75 = arith.constant 0 : i32
      %dma_wait3A_76 = tpu.memref_slice %arg15[%add3A_9, %dma_wait3A_75] : memref<5000x128xf32, #tpu.memory_space<vmem_shared>> -> memref<64x128xf32, #tpu.memory_space<vmem_shared>>
      %dma_wait3A_77 = arith.constant 0 : i32
      %dma_wait3A_78 = tpu.memref_slice %arg15[%add3A_9, %dma_wait3A_77] : memref<5000x128xf32, #tpu.memory_space<vmem_shared>> -> memref<64x128xf32, #tpu.memory_space<vmem_shared>>
      tpu.wait_dma2 semaphore(%run_scoped3A : memref<!tpu.dma_semaphore, #tpu.memory_space<semaphore_mem>>) src(%arg12 : memref<64x128xf32, #tpu.memory_space<vmem>>) dst(%dma_wait3A_78 : memref<64x128xf32, #tpu.memory_space<vmem_shared>>)
      tpu.yield
    }) : () -> ()
    %add3A_10 = arith.constant 128 : i32
    %add3A_11 = arith.addi %mul3A_6, %add3A_10 : i32
    "tpu.region"() ({
      %run_scoped3A = tpu.sem_alloc : memref<!tpu.dma_semaphore, #tpu.memory_space<semaphore_mem>>
      %dma_start3A_71 = arith.constant 0 : i32
      %dma_start3A_72 = tpu.memref_slice %arg15[%add3A_11, %dma_start3A_71] : memref<5000x128xf32, #tpu.memory_space<vmem_shared>> -> memref<64x128xf32, #tpu.memory_space<vmem_shared>>
      %dma_start3A_73 = arith.constant 0 : i32
      %dma_start3A_74 = tpu.memref_slice %arg15[%add3A_11, %dma_start3A_73] : memref<5000x128xf32, #tpu.memory_space<vmem_shared>> -> memref<64x128xf32, #tpu.memory_space<vmem_shared>>
      tpu.enqueue_dma source(%arg12 : memref<64x128xf32, #tpu.memory_space<vmem>>) target(%dma_start3A_74 : memref<64x128xf32, #tpu.memory_space<vmem_shared>>) target_semaphore(%run_scoped3A : memref<!tpu.dma_semaphore, #tpu.memory_space<semaphore_mem>>)
      %dma_wait3A_75 = arith.constant 0 : i32
      %dma_wait3A_76 = tpu.memref_slice %arg15[%add3A_11, %dma_wait3A_75] : memref<5000x128xf32, #tpu.memory_space<vmem_shared>> -> memref<64x128xf32, #tpu.memory_space<vmem_shared>>
      %dma_wait3A_77 = arith.constant 0 : i32
      %dma_wait3A_78 = tpu.memref_slice %arg15[%add3A_11, %dma_wait3A_77] : memref<5000x128xf32, #tpu.memory_space<vmem_shared>> -> memref<64x128xf32, #tpu.memory_space<vmem_shared>>
      tpu.wait_dma2 semaphore(%run_scoped3A : memref<!tpu.dma_semaphore, #tpu.memory_space<semaphore_mem>>) src(%arg12 : memref<64x128xf32, #tpu.memory_space<vmem>>) dst(%dma_wait3A_78 : memref<64x128xf32, #tpu.memory_space<vmem_shared>>)
      tpu.yield
    }) : () -> ()
    %add3A_12 = arith.constant 192 : i32
    %add3A_13 = arith.addi %mul3A_6, %add3A_12 : i32
    "tpu.region"() ({
      %run_scoped3A = tpu.sem_alloc : memref<!tpu.dma_semaphore, #tpu.memory_space<semaphore_mem>>
      %dma_start3A_71 = arith.constant 0 : i32
      %dma_start3A_72 = tpu.memref_slice %arg15[%add3A_13, %dma_start3A_71] : memref<5000x128xf32, #tpu.memory_space<vmem_shared>> -> memref<64x128xf32, #tpu.memory_space<vmem_shared>>
      %dma_start3A_73 = arith.constant 0 : i32
      %dma_start3A_74 = tpu.memref_slice %arg15[%add3A_13, %dma_start3A_73] : memref<5000x128xf32, #tpu.memory_space<vmem_shared>> -> memref<64x128xf32, #tpu.memory_space<vmem_shared>>
      tpu.enqueue_dma source(%arg12 : memref<64x128xf32, #tpu.memory_space<vmem>>) target(%dma_start3A_74 : memref<64x128xf32, #tpu.memory_space<vmem_shared>>) target_semaphore(%run_scoped3A : memref<!tpu.dma_semaphore, #tpu.memory_space<semaphore_mem>>)
      %dma_wait3A_75 = arith.constant 0 : i32
      %dma_wait3A_76 = tpu.memref_slice %arg15[%add3A_13, %dma_wait3A_75] : memref<5000x128xf32, #tpu.memory_space<vmem_shared>> -> memref<64x128xf32, #tpu.memory_space<vmem_shared>>
      %dma_wait3A_77 = arith.constant 0 : i32
      %dma_wait3A_78 = tpu.memref_slice %arg15[%add3A_13, %dma_wait3A_77] : memref<5000x128xf32, #tpu.memory_space<vmem_shared>> -> memref<64x128xf32, #tpu.memory_space<vmem_shared>>
      tpu.wait_dma2 semaphore(%run_scoped3A : memref<!tpu.dma_semaphore, #tpu.memory_space<semaphore_mem>>) src(%arg12 : memref<64x128xf32, #tpu.memory_space<vmem>>) dst(%dma_wait3A_78 : memref<64x128xf32, #tpu.memory_space<vmem_shared>>)
      tpu.yield
    }) : () -> ()
    %add3A_14 = arith.constant 256 : i32
    %add3A_15 = arith.addi %mul3A_6, %add3A_14 : i32
    "tpu.region"() ({
      %run_scoped3A = tpu.sem_alloc : memref<!tpu.dma_semaphore, #tpu.memory_space<semaphore_mem>>
      %dma_start3A_71 = arith.constant 0 : i32
      %dma_start3A_72 = arith.constant 0 : i32
      %dma_start3A_73 = tpu.memref_slice %arg12[%dma_start3A_71, %dma_start3A_72] : memref<64x128xf32, #tpu.memory_space<vmem>> -> memref<56x128xf32, #tpu.memory_space<vmem>>
      %dma_start3A_74 = arith.constant 0 : i32
      %dma_start3A_75 = tpu.memref_slice %arg15[%add3A_15, %dma_start3A_74] : memref<5000x128xf32, #tpu.memory_space<vmem_shared>> -> memref<56x128xf32, #tpu.memory_space<vmem_shared>>
      %dma_start3A_76 = arith.constant 0 : i32
      %dma_start3A_77 = tpu.memref_slice %arg15[%add3A_15, %dma_start3A_76] : memref<5000x128xf32, #tpu.memory_space<vmem_shared>> -> memref<56x128xf32, #tpu.memory_space<vmem_shared>>
      %dma_start3A_78 = arith.constant 0 : i32
      %dma_start3A_79 = arith.constant 0 : i32
      %dma_start3A_80 = tpu.memref_slice %arg12[%dma_start3A_78, %dma_start3A_79] : memref<64x128xf32, #tpu.memory_space<vmem>> -> memref<56x128xf32, #tpu.memory_space<vmem>>
      tpu.enqueue_dma source(%dma_start3A_80 : memref<56x128xf32, #tpu.memory_space<vmem>>) target(%dma_start3A_77 : memref<56x128xf32, #tpu.memory_space<vmem_shared>>) target_semaphore(%run_scoped3A : memref<!tpu.dma_semaphore, #tpu.memory_space<semaphore_mem>>)
      %dma_wait3A_81 = arith.constant 0 : i32
      %dma_wait3A_82 = arith.constant 0 : i32
      %dma_wait3A_83 = tpu.memref_slice %arg12[%dma_wait3A_81, %dma_wait3A_82] : memref<64x128xf32, #tpu.memory_space<vmem>> -> memref<56x128xf32, #tpu.memory_space<vmem>>
      %dma_wait3A_84 = arith.constant 0 : i32
      %dma_wait3A_85 = tpu.memref_slice %arg15[%add3A_15, %dma_wait3A_84] : memref<5000x128xf32, #tpu.memory_space<vmem_shared>> -> memref<56x128xf32, #tpu.memory_space<vmem_shared>>
      %dma_wait3A_86 = arith.constant 0 : i32
      %dma_wait3A_87 = tpu.memref_slice %arg15[%add3A_15, %dma_wait3A_86] : memref<5000x128xf32, #tpu.memory_space<vmem_shared>> -> memref<56x128xf32, #tpu.memory_space<vmem_shared>>
      %dma_wait3A_88 = arith.constant 0 : i32
      %dma_wait3A_89 = arith.constant 0 : i32
      %dma_wait3A_90 = tpu.memref_slice %arg12[%dma_wait3A_88, %dma_wait3A_89] : memref<64x128xf32, #tpu.memory_space<vmem>> -> memref<56x128xf32, #tpu.memory_space<vmem>>
      tpu.wait_dma2 semaphore(%run_scoped3A : memref<!tpu.dma_semaphore, #tpu.memory_space<semaphore_mem>>) src(%dma_wait3A_90 : memref<56x128xf32, #tpu.memory_space<vmem>>) dst(%dma_wait3A_87 : memref<56x128xf32, #tpu.memory_space<vmem_shared>>)
      tpu.yield
    }) : () -> ()
    %eq3A = arith.constant 0 : i32
    %eq3A_16 = arith.cmpi eq, %arg1, %eq3A : i32
    %convert_element_type3A = arith.extui %eq3A_16 : i1 to i32
    %cond3A = arith.constant 0 : i32
    %cond3A_17 = arith.cmpi ne, %convert_element_type3A, %cond3A : i32
    scf.if %cond3A_17 {
      "tpu.region"() ({
        %run_scoped3A = tpu.sem_alloc : memref<!tpu.dma_semaphore, #tpu.memory_space<semaphore_mem>>
        %dma_start3A_71 = arith.constant 0 : i32
        %dma_start3A_72 = arith.constant 0 : i32
        %dma_start3A_73 = tpu.memref_slice %arg12[%dma_start3A_71, %dma_start3A_72] : memref<64x128xf32, #tpu.memory_space<vmem>> -> memref<8x128xf32, #tpu.memory_space<vmem>>
        %dma_start3A_74 = arith.constant 4992 : i32
        %dma_start3A_75 = arith.constant 0 : i32
        %dma_start3A_76 = tpu.memref_slice %arg15[%dma_start3A_74, %dma_start3A_75] : memref<5000x128xf32, #tpu.memory_space<vmem_shared>> -> memref<8x128xf32, #tpu.memory_space<vmem_shared>>
        %dma_start3A_77 = arith.constant 4992 : i32
        %dma_start3A_78 = arith.constant 0 : i32
        %dma_start3A_79 = tpu.memref_slice %arg15[%dma_start3A_77, %dma_start3A_78] : memref<5000x128xf32, #tpu.memory_space<vmem_shared>> -> memref<8x128xf32, #tpu.memory_space<vmem_shared>>
        %dma_start3A_80 = arith.constant 0 : i32
        %dma_start3A_81 = arith.constant 0 : i32
        %dma_start3A_82 = tpu.memref_slice %arg12[%dma_start3A_80, %dma_start3A_81] : memref<64x128xf32, #tpu.memory_space<vmem>> -> memref<8x128xf32, #tpu.memory_space<vmem>>
        tpu.enqueue_dma source(%dma_start3A_82 : memref<8x128xf32, #tpu.memory_space<vmem>>) target(%dma_start3A_79 : memref<8x128xf32, #tpu.memory_space<vmem_shared>>) target_semaphore(%run_scoped3A : memref<!tpu.dma_semaphore, #tpu.memory_space<semaphore_mem>>)
        %dma_wait3A_83 = arith.constant 0 : i32
        %dma_wait3A_84 = arith.constant 0 : i32
        %dma_wait3A_85 = tpu.memref_slice %arg12[%dma_wait3A_83, %dma_wait3A_84] : memref<64x128xf32, #tpu.memory_space<vmem>> -> memref<8x128xf32, #tpu.memory_space<vmem>>
        %dma_wait3A_86 = arith.constant 4992 : i32
        %dma_wait3A_87 = arith.constant 0 : i32
        %dma_wait3A_88 = tpu.memref_slice %arg15[%dma_wait3A_86, %dma_wait3A_87] : memref<5000x128xf32, #tpu.memory_space<vmem_shared>> -> memref<8x128xf32, #tpu.memory_space<vmem_shared>>
        %dma_wait3A_89 = arith.constant 4992 : i32
        %dma_wait3A_90 = arith.constant 0 : i32
        %dma_wait3A_91 = tpu.memref_slice %arg15[%dma_wait3A_89, %dma_wait3A_90] : memref<5000x128xf32, #tpu.memory_space<vmem_shared>> -> memref<8x128xf32, #tpu.memory_space<vmem_shared>>
        %dma_wait3A_92 = arith.constant 0 : i32
        %dma_wait3A_93 = arith.constant 0 : i32
        %dma_wait3A_94 = tpu.memref_slice %arg12[%dma_wait3A_92, %dma_wait3A_93] : memref<64x128xf32, #tpu.memory_space<vmem>> -> memref<8x128xf32, #tpu.memory_space<vmem>>
        tpu.wait_dma2 semaphore(%run_scoped3A : memref<!tpu.dma_semaphore, #tpu.memory_space<semaphore_mem>>) src(%dma_wait3A_94 : memref<8x128xf32, #tpu.memory_space<vmem>>) dst(%dma_wait3A_91 : memref<8x128xf32, #tpu.memory_space<vmem_shared>>)
        tpu.yield
      }) : () -> ()
    } else {
    }
    %barrier3A = arith.constant 0 : index
    tpu.barrier barrier_id(%barrier3A)
    %mul3A_18 = arith.constant 160000 : i32
    %mul3A_19 = arith.muli %arg0, %mul3A_18 : i32
    %mul3A_20 = arith.constant 10000 : i32
    %mul3A_21 = arith.muli %arg1, %mul3A_20 : i32
    %add3A_22 = arith.addi %mul3A_19, %mul3A_21 : i32
    %scan3A_23 = arith.constant 0 : i32
    %scan3A_24 = arith.constant 13 : i32
    %scan3A_25 = arith.addi %scan3A_23, %scan3A_24 : i32
    %scan3A_26 = arith.constant 1 : i32
    scf.for %scan3A_71 = %scan3A_23 to %scan3A_25 step %scan3A_26  : i32 {
      %mul3A_72 = arith.constant 1 : i32
      %mul3A_73 = arith.muli %scan3A_71, %mul3A_72 : i32
      %add3A_74 = arith.constant 0 : i32
      %add3A_75 = arith.addi %add3A_74, %mul3A_73 : i32
      %mul3A_76 = arith.constant 12 : i32
      %mul3A_77 = arith.muli %add3A_75, %mul3A_76 : i32
      %mul3A_78 = arith.constant 64 : i32
      %mul3A_79 = arith.muli %mul3A_77, %mul3A_78 : i32
      %add3A_80 = arith.addi %add3A_22, %mul3A_79 : i32
      "tpu.region"() ({
        %run_scoped3A = tpu.sem_alloc : memref<!tpu.dma_semaphore, #tpu.memory_space<semaphore_mem>>
        %dma_start3A_91 = tpu.memref_slice %arg3[%add3A_80] : memref<320000xi32, #tpu.memory_space<hbm>> -> memref<768xi32, #tpu.memory_space<hbm>>
        %dma_start3A_92 = tpu.memref_slice %arg3[%add3A_80] : memref<320000xi32, #tpu.memory_space<hbm>> -> memref<768xi32, #tpu.memory_space<hbm>>
        tpu.enqueue_dma source(%dma_start3A_92 : memref<768xi32, #tpu.memory_space<hbm>>) target(%arg6 : memref<768xi32, #tpu.memory_space<vmem>>) target_semaphore(%run_scoped3A : memref<!tpu.dma_semaphore, #tpu.memory_space<semaphore_mem>>)
        %dma_wait3A_93 = tpu.memref_slice %arg3[%add3A_80] : memref<320000xi32, #tpu.memory_space<hbm>> -> memref<768xi32, #tpu.memory_space<hbm>>
        %dma_wait3A_94 = tpu.memref_slice %arg3[%add3A_80] : memref<320000xi32, #tpu.memory_space<hbm>> -> memref<768xi32, #tpu.memory_space<hbm>>
        tpu.wait_dma2 semaphore(%run_scoped3A : memref<!tpu.dma_semaphore, #tpu.memory_space<semaphore_mem>>) src(%dma_wait3A_94 : memref<768xi32, #tpu.memory_space<hbm>>) dst(%arg6 : memref<768xi32, #tpu.memory_space<vmem>>)
        tpu.yield
      }) : () -> ()
      "tpu.region"() ({
        %run_scoped3A = tpu.sem_alloc : memref<!tpu.dma_semaphore, #tpu.memory_space<semaphore_mem>>
        %dma_start3A_91 = tpu.memref_slice %arg4[%add3A_80] : memref<320000xi32, #tpu.memory_space<hbm>> -> memref<768xi32, #tpu.memory_space<hbm>>
        %dma_start3A_92 = tpu.memref_slice %arg4[%add3A_80] : memref<320000xi32, #tpu.memory_space<hbm>> -> memref<768xi32, #tpu.memory_space<hbm>>
        tpu.enqueue_dma source(%dma_start3A_92 : memref<768xi32, #tpu.memory_space<hbm>>) target(%arg7 : memref<768xi32, #tpu.memory_space<vmem>>) target_semaphore(%run_scoped3A : memref<!tpu.dma_semaphore, #tpu.memory_space<semaphore_mem>>)
        %dma_wait3A_93 = tpu.memref_slice %arg4[%add3A_80] : memref<320000xi32, #tpu.memory_space<hbm>> -> memref<768xi32, #tpu.memory_space<hbm>>
        %dma_wait3A_94 = tpu.memref_slice %arg4[%add3A_80] : memref<320000xi32, #tpu.memory_space<hbm>> -> memref<768xi32, #tpu.memory_space<hbm>>
        tpu.wait_dma2 semaphore(%run_scoped3A : memref<!tpu.dma_semaphore, #tpu.memory_space<semaphore_mem>>) src(%dma_wait3A_94 : memref<768xi32, #tpu.memory_space<hbm>>) dst(%arg7 : memref<768xi32, #tpu.memory_space<vmem>>)
        tpu.yield
      }) : () -> ()
      %dma_start3A_81 = arith.constant 0 : i32
      %dma_start3A_82 = tpu.memref_slice %arg6[%dma_start3A_81] : memref<768xi32, #tpu.memory_space<vmem>> -> memref<64xi32, #tpu.memory_space<vmem>>
      %dma_start3A_83 = arith.constant 0 : i32
      %dma_start3A_84 = arith.constant 0 : i32
      %dma_start3A_85 = tpu.memref_slice %arg2[%dma_start3A_83, %dma_start3A_84] : memref<10000x128xf32, #tpu.memory_space<hbm>> -> memref<10000x128xf32, #tpu.memory_space<hbm>>
      tpu.enqueue_indirect_dma source(%dma_start3A_85 : memref<10000x128xf32, #tpu.memory_space<hbm>>) target(%arg12 : memref<64x128xf32, #tpu.memory_space<vmem>>) offsets(%dma_start3A_82 : memref<64xi32, #tpu.memory_space<vmem>>) semaphore(%arg16 : memref<!tpu.dma_semaphore, #tpu.memory_space<semaphore_mem>>)
      %scan3A_86 = arith.constant 0 : i32
      %scan3A_87 = arith.constant 6 : i32
      %scan3A_88 = arith.addi %scan3A_86, %scan3A_87 : i32
      %scan3A_89 = arith.constant 1 : i32
      scf.for %scan3A_91 = %scan3A_86 to %scan3A_88 step %scan3A_89  : i32 {
        %mul3A_92 = arith.constant 2 : i32
        %mul3A_93 = arith.muli %scan3A_91, %mul3A_92 : i32
        %add3A_94 = arith.constant 0 : i32
        %add3A_95 = arith.addi %add3A_94, %mul3A_93 : i32
        %add3A_96 = arith.constant 1 : i32
        %add3A_97 = arith.addi %add3A_95, %add3A_96 : i32
        %mul3A_98 = arith.constant 64 : i32
        %mul3A_99 = arith.muli %add3A_97, %mul3A_98 : i32
        %dma_start3A_100 = tpu.memref_slice %arg6[%mul3A_99] : memref<768xi32, #tpu.memory_space<vmem>> -> memref<64xi32, #tpu.memory_space<vmem>>
        %dma_start3A_101 = arith.constant 0 : i32
        %dma_start3A_102 = arith.constant 0 : i32
        %dma_start3A_103 = tpu.memref_slice %arg2[%dma_start3A_101, %dma_start3A_102] : memref<10000x128xf32, #tpu.memory_space<hbm>> -> memref<10000x128xf32, #tpu.memory_space<hbm>>
        tpu.enqueue_indirect_dma source(%dma_start3A_103 : memref<10000x128xf32, #tpu.memory_space<hbm>>) target(%arg13 : memref<64x128xf32, #tpu.memory_space<vmem>>) offsets(%dma_start3A_100 : memref<64xi32, #tpu.memory_space<vmem>>) semaphore(%arg17 : memref<!tpu.dma_semaphore, #tpu.memory_space<semaphore_mem>>)
        %mul3A_104 = arith.constant 64 : i32
        %mul3A_105 = arith.muli %add3A_95, %mul3A_104 : i32
        %dma_wait3A_106 = tpu.memref_slice %arg6[%mul3A_105] : memref<768xi32, #tpu.memory_space<vmem>> -> memref<64xi32, #tpu.memory_space<vmem>>
        %dma_wait3A_107 = arith.constant 0 : i32
        %dma_wait3A_108 = arith.constant 0 : i32
        %dma_wait3A_109 = tpu.memref_slice %arg2[%dma_wait3A_107, %dma_wait3A_108] : memref<10000x128xf32, #tpu.memory_space<hbm>> -> memref<10000x128xf32, #tpu.memory_space<hbm>>
        tpu.wait_indirect_dma semaphore(%arg16 : memref<!tpu.dma_semaphore, #tpu.memory_space<semaphore_mem>>) src(%dma_wait3A_109 : memref<10000x128xf32, #tpu.memory_space<hbm>>) dst(%arg12 : memref<64x128xf32, #tpu.memory_space<vmem>>)
        %mul3A_110 = arith.constant 64 : i32
        %mul3A_111 = arith.muli %add3A_95, %mul3A_110 : i32
        %add3A_112 = arith.constant 0 : i32
        %add3A_113 = arith.addi %mul3A_111, %add3A_112 : i32
        %get3A_114 = arith.index_cast %add3A_113 : i32 to index
        %get3A_115 = tpu.vector_load %arg7[%get3A_114] {strides = array<i32>} : memref<768xi32, #tpu.memory_space<vmem>>, vector<16xi32>,
        %get3A_116 = vector.shape_cast %get3A_115 : vector<16xi32> to vector<16xi32>
        %sub3A_117 = vector.broadcast %mul3A_0 : i32 to vector<16xi32>
        %sub3A_118 = arith.subi %get3A_116, %sub3A_117 : vector<16xi32>
        %swap3A_119 = arith.constant 0 : index
        %swap3A_120 = tpu.vector_load %arg8[%swap3A_119] {strides = array<i32>} : memref<64xi32, #tpu.memory_space<vmem>>, vector<16xi32>,
        %swap3A_121 = vector.shape_cast %swap3A_120 : vector<16xi32> to vector<16xi32>
        %swap3A_122 = vector.shape_cast %sub3A_118 : vector<16xi32> to vector<16xi32>
        tpu.vector_store %arg8[%swap3A_119], %swap3A_122 {strides = array<i32>} : memref<64xi32, #tpu.memory_space<vmem>>, vector<16xi32>,
        %mul3A_123 = arith.constant 64 : i32
        %mul3A_124 = arith.muli %add3A_95, %mul3A_123 : i32
        %add3A_125 = arith.constant 16 : i32
        %add3A_126 = arith.addi %mul3A_124, %add3A_125 : i32
        %get3A_127 = arith.index_cast %add3A_126 : i32 to index
        %get3A_128 = tpu.vector_load %arg7[%get3A_127] {strides = array<i32>} : memref<768xi32, #tpu.memory_space<vmem>>, vector<16xi32>,
        %get3A_129 = vector.shape_cast %get3A_128 : vector<16xi32> to vector<16xi32>
        %sub3A_130 = vector.broadcast %mul3A_0 : i32 to vector<16xi32>
        %sub3A_131 = arith.subi %get3A_129, %sub3A_130 : vector<16xi32>
        %swap3A_132 = arith.constant 16 : index
        %swap3A_133 = tpu.vector_load %arg8[%swap3A_132] {strides = array<i32>} : memref<64xi32, #tpu.memory_space<vmem>>, vector<16xi32>,
        %swap3A_134 = vector.shape_cast %swap3A_133 : vector<16xi32> to vector<16xi32>
        %swap3A_135 = vector.shape_cast %sub3A_131 : vector<16xi32> to vector<16xi32>
        tpu.vector_store %arg8[%swap3A_132], %swap3A_135 {strides = array<i32>} : memref<64xi32, #tpu.memory_space<vmem>>, vector<16xi32>,
        %mul3A_136 = arith.constant 64 : i32
        %mul3A_137 = arith.muli %add3A_95, %mul3A_136 : i32
        %add3A_138 = arith.constant 32 : i32
        %add3A_139 = arith.addi %mul3A_137, %add3A_138 : i32
        %get3A_140 = arith.index_cast %add3A_139 : i32 to index
        %get3A_141 = tpu.vector_load %arg7[%get3A_140] {strides = array<i32>} : memref<768xi32, #tpu.memory_space<vmem>>, vector<16xi32>,
        %get3A_142 = vector.shape_cast %get3A_141 : vector<16xi32> to vector<16xi32>
        %sub3A_143 = vector.broadcast %mul3A_0 : i32 to vector<16xi32>
        %sub3A_144 = arith.subi %get3A_142, %sub3A_143 : vector<16xi32>
        %swap3A_145 = arith.constant 32 : index
        %swap3A_146 = tpu.vector_load %arg8[%swap3A_145] {strides = array<i32>} : memref<64xi32, #tpu.memory_space<vmem>>, vector<16xi32>,
        %swap3A_147 = vector.shape_cast %swap3A_146 : vector<16xi32> to vector<16xi32>
        %swap3A_148 = vector.shape_cast %sub3A_144 : vector<16xi32> to vector<16xi32>
        tpu.vector_store %arg8[%swap3A_145], %swap3A_148 {strides = array<i32>} : memref<64xi32, #tpu.memory_space<vmem>>, vector<16xi32>,
        %mul3A_149 = arith.constant 64 : i32
        %mul3A_150 = arith.muli %add3A_95, %mul3A_149 : i32
        %add3A_151 = arith.constant 48 : i32
        %add3A_152 = arith.addi %mul3A_150, %add3A_151 : i32
        %get3A_153 = arith.index_cast %add3A_152 : i32 to index
        %get3A_154 = tpu.vector_load %arg7[%get3A_153] {strides = array<i32>} : memref<768xi32, #tpu.memory_space<vmem>>, vector<16xi32>,
        %get3A_155 = vector.shape_cast %get3A_154 : vector<16xi32> to vector<16xi32>
        %sub3A_156 = vector.broadcast %mul3A_0 : i32 to vector<16xi32>
        %sub3A_157 = arith.subi %get3A_155, %sub3A_156 : vector<16xi32>
        %swap3A_158 = arith.constant 48 : index
        %swap3A_159 = tpu.vector_load %arg8[%swap3A_158] {strides = array<i32>} : memref<64xi32, #tpu.memory_space<vmem>>, vector<16xi32>,
        %swap3A_160 = vector.shape_cast %swap3A_159 : vector<16xi32> to vector<16xi32>
        %swap3A_161 = vector.shape_cast %sub3A_157 : vector<16xi32> to vector<16xi32>
        tpu.vector_store %arg8[%swap3A_158], %swap3A_161 {strides = array<i32>} : memref<64xi32, #tpu.memory_space<vmem>>, vector<16xi32>,
        "tpu.region"() ({
          %run_scoped3A = tpu.sem_alloc : memref<!tpu.dma_semaphore, #tpu.memory_space<semaphore_mem>>
          %dma_start3A_230 = arith.constant 0 : i32
          %dma_start3A_231 = arith.constant 0 : i32
          %dma_start3A_232 = tpu.memref_slice %arg15[%dma_start3A_230, %dma_start3A_231] : memref<5000x128xf32, #tpu.memory_space<vmem_shared>> -> memref<5000x128xf32, #tpu.memory_space<vmem_shared>>
          tpu.enqueue_indirect_dma source(%arg12 : memref<64x128xf32, #tpu.memory_space<vmem>>) target(%dma_start3A_232 : memref<5000x128xf32, #tpu.memory_space<vmem_shared>>) offsets(%arg8 : memref<64xi32, #tpu.memory_space<vmem>>) semaphore(%run_scoped3A : memref<!tpu.dma_semaphore, #tpu.memory_space<semaphore_mem>>) {add = true}
          %dma_wait3A_233 = arith.constant 0 : i32
          %dma_wait3A_234 = arith.constant 0 : i32
          %dma_wait3A_235 = tpu.memref_slice %arg15[%dma_wait3A_233, %dma_wait3A_234] : memref<5000x128xf32, #tpu.memory_space<vmem_shared>> -> memref<5000x128xf32, #tpu.memory_space<vmem_shared>>
          tpu.wait_indirect_dma semaphore(%run_scoped3A : memref<!tpu.dma_semaphore, #tpu.memory_space<semaphore_mem>>) src(%arg12 : memref<64x128xf32, #tpu.memory_space<vmem>>) dst(%dma_wait3A_235 : memref<5000x128xf32, #tpu.memory_space<vmem_shared>>)
          tpu.yield
        }) : () -> ()
        %add3A_162 = arith.constant 2 : i32
        %add3A_163 = arith.addi %add3A_95, %add3A_162 : i32
        %lt3A = arith.constant 12 : i32
        %lt3A_164 = arith.cmpi slt, %add3A_163, %lt3A : i32
        %convert_element_type3A_165 = arith.extui %lt3A_164 : i1 to i32
        %cond3A_166 = arith.constant 0 : i32
        %cond3A_167 = arith.cmpi ne, %convert_element_type3A_165, %cond3A_166 : i32
        scf.if %cond3A_167 {
          %add3A_230 = arith.constant 2 : i32
          %add3A_231 = arith.addi %add3A_95, %add3A_230 : i32
          %mul3A_232 = arith.constant 64 : i32
          %mul3A_233 = arith.muli %add3A_231, %mul3A_232 : i32
          %dma_start3A_234 = tpu.memref_slice %arg6[%mul3A_233] : memref<768xi32, #tpu.memory_space<vmem>> -> memref<64xi32, #tpu.memory_space<vmem>>
          %dma_start3A_235 = arith.constant 0 : i32
          %dma_start3A_236 = arith.constant 0 : i32
          %dma_start3A_237 = tpu.memref_slice %arg2[%dma_start3A_235, %dma_start3A_236] : memref<10000x128xf32, #tpu.memory_space<hbm>> -> memref<10000x128xf32, #tpu.memory_space<hbm>>
          tpu.enqueue_indirect_dma source(%dma_start3A_237 : memref<10000x128xf32, #tpu.memory_space<hbm>>) target(%arg12 : memref<64x128xf32, #tpu.memory_space<vmem>>) offsets(%dma_start3A_234 : memref<64xi32, #tpu.memory_space<vmem>>) semaphore(%arg16 : memref<!tpu.dma_semaphore, #tpu.memory_space<semaphore_mem>>)
        } else {
        }
        %add3A_168 = arith.constant 1 : i32
        %add3A_169 = arith.addi %add3A_95, %add3A_168 : i32
        %mul3A_170 = arith.constant 64 : i32
        %mul3A_171 = arith.muli %add3A_169, %mul3A_170 : i32
        %dma_wait3A_172 = tpu.memref_slice %arg6[%mul3A_171] : memref<768xi32, #tpu.memory_space<vmem>> -> memref<64xi32, #tpu.memory_space<vmem>>
        %dma_wait3A_173 = arith.constant 0 : i32
        %dma_wait3A_174 = arith.constant 0 : i32
        %dma_wait3A_175 = tpu.memref_slice %arg2[%dma_wait3A_173, %dma_wait3A_174] : memref<10000x128xf32, #tpu.memory_space<hbm>> -> memref<10000x128xf32, #tpu.memory_space<hbm>>
        tpu.wait_indirect_dma semaphore(%arg17 : memref<!tpu.dma_semaphore, #tpu.memory_space<semaphore_mem>>) src(%dma_wait3A_175 : memref<10000x128xf32, #tpu.memory_space<hbm>>) dst(%arg13 : memref<64x128xf32, #tpu.memory_space<vmem>>)
        %add3A_176 = arith.constant 1 : i32
        %add3A_177 = arith.addi %add3A_95, %add3A_176 : i32
        %mul3A_178 = arith.constant 64 : i32
        %mul3A_179 = arith.muli %add3A_177, %mul3A_178 : i32
        %add3A_180 = arith.constant 0 : i32
        %add3A_181 = arith.addi %mul3A_179, %add3A_180 : i32
        %get3A_182 = arith.index_cast %add3A_181 : i32 to index
        %get3A_183 = tpu.vector_load %arg7[%get3A_182] {strides = array<i32>} : memref<768xi32, #tpu.memory_space<vmem>>, vector<16xi32>,
        %get3A_184 = vector.shape_cast %get3A_183 : vector<16xi32> to vector<16xi32>
        %sub3A_185 = vector.broadcast %mul3A_0 : i32 to vector<16xi32>
        %sub3A_186 = arith.subi %get3A_184, %sub3A_185 : vector<16xi32>
        %swap3A_187 = arith.constant 0 : index
        %swap3A_188 = tpu.vector_load %arg9[%swap3A_187] {strides = array<i32>} : memref<64xi32, #tpu.memory_space<vmem>>, vector<16xi32>,
        %swap3A_189 = vector.shape_cast %swap3A_188 : vector<16xi32> to vector<16xi32>
        %swap3A_190 = vector.shape_cast %sub3A_186 : vector<16xi32> to vector<16xi32>
        tpu.vector_store %arg9[%swap3A_187], %swap3A_190 {strides = array<i32>} : memref<64xi32, #tpu.memory_space<vmem>>, vector<16xi32>,
        %mul3A_191 = arith.constant 64 : i32
        %mul3A_192 = arith.muli %add3A_177, %mul3A_191 : i32
        %add3A_193 = arith.constant 16 : i32
        %add3A_194 = arith.addi %mul3A_192, %add3A_193 : i32
        %get3A_195 = arith.index_cast %add3A_194 : i32 to index
        %get3A_196 = tpu.vector_load %arg7[%get3A_195] {strides = array<i32>} : memref<768xi32, #tpu.memory_space<vmem>>, vector<16xi32>,
        %get3A_197 = vector.shape_cast %get3A_196 : vector<16xi32> to vector<16xi32>
        %sub3A_198 = vector.broadcast %mul3A_0 : i32 to vector<16xi32>
        %sub3A_199 = arith.subi %get3A_197, %sub3A_198 : vector<16xi32>
        %swap3A_200 = arith.constant 16 : index
        %swap3A_201 = tpu.vector_load %arg9[%swap3A_200] {strides = array<i32>} : memref<64xi32, #tpu.memory_space<vmem>>, vector<16xi32>,
        %swap3A_202 = vector.shape_cast %swap3A_201 : vector<16xi32> to vector<16xi32>
        %swap3A_203 = vector.shape_cast %sub3A_199 : vector<16xi32> to vector<16xi32>
        tpu.vector_store %arg9[%swap3A_200], %swap3A_203 {strides = array<i32>} : memref<64xi32, #tpu.memory_space<vmem>>, vector<16xi32>,
        %mul3A_204 = arith.constant 64 : i32
        %mul3A_205 = arith.muli %add3A_177, %mul3A_204 : i32
        %add3A_206 = arith.constant 32 : i32
        %add3A_207 = arith.addi %mul3A_205, %add3A_206 : i32
        %get3A_208 = arith.index_cast %add3A_207 : i32 to index
        %get3A_209 = tpu.vector_load %arg7[%get3A_208] {strides = array<i32>} : memref<768xi32, #tpu.memory_space<vmem>>, vector<16xi32>,
        %get3A_210 = vector.shape_cast %get3A_209 : vector<16xi32> to vector<16xi32>
        %sub3A_211 = vector.broadcast %mul3A_0 : i32 to vector<16xi32>
        %sub3A_212 = arith.subi %get3A_210, %sub3A_211 : vector<16xi32>
        %swap3A_213 = arith.constant 32 : index
        %swap3A_214 = tpu.vector_load %arg9[%swap3A_213] {strides = array<i32>} : memref<64xi32, #tpu.memory_space<vmem>>, vector<16xi32>,
        %swap3A_215 = vector.shape_cast %swap3A_214 : vector<16xi32> to vector<16xi32>
        %swap3A_216 = vector.shape_cast %sub3A_212 : vector<16xi32> to vector<16xi32>
        tpu.vector_store %arg9[%swap3A_213], %swap3A_216 {strides = array<i32>} : memref<64xi32, #tpu.memory_space<vmem>>, vector<16xi32>,
        %mul3A_217 = arith.constant 64 : i32
        %mul3A_218 = arith.muli %add3A_177, %mul3A_217 : i32
        %add3A_219 = arith.constant 48 : i32
        %add3A_220 = arith.addi %mul3A_218, %add3A_219 : i32
        %get3A_221 = arith.index_cast %add3A_220 : i32 to index
        %get3A_222 = tpu.vector_load %arg7[%get3A_221] {strides = array<i32>} : memref<768xi32, #tpu.memory_space<vmem>>, vector<16xi32>,
        %get3A_223 = vector.shape_cast %get3A_222 : vector<16xi32> to vector<16xi32>
        %sub3A_224 = vector.broadcast %mul3A_0 : i32 to vector<16xi32>
        %sub3A_225 = arith.subi %get3A_223, %sub3A_224 : vector<16xi32>
        %swap3A_226 = arith.constant 48 : index
        %swap3A_227 = tpu.vector_load %arg9[%swap3A_226] {strides = array<i32>} : memref<64xi32, #tpu.memory_space<vmem>>, vector<16xi32>,
        %swap3A_228 = vector.shape_cast %swap3A_227 : vector<16xi32> to vector<16xi32>
        %swap3A_229 = vector.shape_cast %sub3A_225 : vector<16xi32> to vector<16xi32>
        tpu.vector_store %arg9[%swap3A_226], %swap3A_229 {strides = array<i32>} : memref<64xi32, #tpu.memory_space<vmem>>, vector<16xi32>,
        "tpu.region"() ({
          %run_scoped3A = tpu.sem_alloc : memref<!tpu.dma_semaphore, #tpu.memory_space<semaphore_mem>>
          %dma_start3A_230 = arith.constant 0 : i32
          %dma_start3A_231 = arith.constant 0 : i32
          %dma_start3A_232 = tpu.memref_slice %arg15[%dma_start3A_230, %dma_start3A_231] : memref<5000x128xf32, #tpu.memory_space<vmem_shared>> -> memref<5000x128xf32, #tpu.memory_space<vmem_shared>>
          tpu.enqueue_indirect_dma source(%arg13 : memref<64x128xf32, #tpu.memory_space<vmem>>) target(%dma_start3A_232 : memref<5000x128xf32, #tpu.memory_space<vmem_shared>>) offsets(%arg9 : memref<64xi32, #tpu.memory_space<vmem>>) semaphore(%run_scoped3A : memref<!tpu.dma_semaphore, #tpu.memory_space<semaphore_mem>>) {add = true}
          %dma_wait3A_233 = arith.constant 0 : i32
          %dma_wait3A_234 = arith.constant 0 : i32
          %dma_wait3A_235 = tpu.memref_slice %arg15[%dma_wait3A_233, %dma_wait3A_234] : memref<5000x128xf32, #tpu.memory_space<vmem_shared>> -> memref<5000x128xf32, #tpu.memory_space<vmem_shared>>
          tpu.wait_indirect_dma semaphore(%run_scoped3A : memref<!tpu.dma_semaphore, #tpu.memory_space<semaphore_mem>>) src(%arg13 : memref<64x128xf32, #tpu.memory_space<vmem>>) dst(%dma_wait3A_235 : memref<5000x128xf32, #tpu.memory_space<vmem_shared>>)
          tpu.yield
        }) : () -> ()
      }
      %scan3A_90 = arith.constant 6 : i32
    }
    %scan3A_27 = arith.constant 13 : i32
    %add3A_28 = arith.constant 9984 : i32
    %add3A_29 = arith.addi %add3A_22, %add3A_28 : i32
    "tpu.region"() ({
      %run_scoped3A = tpu.sem_alloc : memref<!tpu.dma_semaphore, #tpu.memory_space<semaphore_mem>>
      %dma_start3A_71 = tpu.memref_slice %arg3[%add3A_29] : memref<320000xi32, #tpu.memory_space<hbm>> -> memref<16xi32, #tpu.memory_space<hbm>>
      %dma_start3A_72 = tpu.memref_slice %arg3[%add3A_29] : memref<320000xi32, #tpu.memory_space<hbm>> -> memref<16xi32, #tpu.memory_space<hbm>>
      tpu.enqueue_dma source(%dma_start3A_72 : memref<16xi32, #tpu.memory_space<hbm>>) target(%arg10 : memref<16xi32, #tpu.memory_space<vmem>>) target_semaphore(%run_scoped3A : memref<!tpu.dma_semaphore, #tpu.memory_space<semaphore_mem>>)
      %dma_wait3A_73 = tpu.memref_slice %arg3[%add3A_29] : memref<320000xi32, #tpu.memory_space<hbm>> -> memref<16xi32, #tpu.memory_space<hbm>>
      %dma_wait3A_74 = tpu.memref_slice %arg3[%add3A_29] : memref<320000xi32, #tpu.memory_space<hbm>> -> memref<16xi32, #tpu.memory_space<hbm>>
      tpu.wait_dma2 semaphore(%run_scoped3A : memref<!tpu.dma_semaphore, #tpu.memory_space<semaphore_mem>>) src(%dma_wait3A_74 : memref<16xi32, #tpu.memory_space<hbm>>) dst(%arg10 : memref<16xi32, #tpu.memory_space<vmem>>)
      tpu.yield
    }) : () -> ()
    "tpu.region"() ({
      %run_scoped3A = tpu.sem_alloc : memref<!tpu.dma_semaphore, #tpu.memory_space<semaphore_mem>>
      %dma_start3A_71 = tpu.memref_slice %arg4[%add3A_29] : memref<320000xi32, #tpu.memory_space<hbm>> -> memref<16xi32, #tpu.memory_space<hbm>>
      %dma_start3A_72 = tpu.memref_slice %arg4[%add3A_29] : memref<320000xi32, #tpu.memory_space<hbm>> -> memref<16xi32, #tpu.memory_space<hbm>>
      tpu.enqueue_dma source(%dma_start3A_72 : memref<16xi32, #tpu.memory_space<hbm>>) target(%arg11 : memref<16xi32, #tpu.memory_space<vmem>>) target_semaphore(%run_scoped3A : memref<!tpu.dma_semaphore, #tpu.memory_space<semaphore_mem>>)
      %dma_wait3A_73 = tpu.memref_slice %arg4[%add3A_29] : memref<320000xi32, #tpu.memory_space<hbm>> -> memref<16xi32, #tpu.memory_space<hbm>>
      %dma_wait3A_74 = tpu.memref_slice %arg4[%add3A_29] : memref<320000xi32, #tpu.memory_space<hbm>> -> memref<16xi32, #tpu.memory_space<hbm>>
      tpu.wait_dma2 semaphore(%run_scoped3A : memref<!tpu.dma_semaphore, #tpu.memory_space<semaphore_mem>>) src(%dma_wait3A_74 : memref<16xi32, #tpu.memory_space<hbm>>) dst(%arg11 : memref<16xi32, #tpu.memory_space<vmem>>)
      tpu.yield
    }) : () -> ()
    %get3A = arith.constant 0 : index
    %get3A_30 = tpu.vector_load %arg11[%get3A] {strides = array<i32>} : memref<16xi32, #tpu.memory_space<vmem>>, vector<16xi32>,
    %get3A_31 = vector.shape_cast %get3A_30 : vector<16xi32> to vector<16xi32>
    %sub3A = vector.broadcast %mul3A_0 : i32 to vector<16xi32>
    %sub3A_32 = arith.subi %get3A_31, %sub3A : vector<16xi32>
    %swap3A = arith.constant 0 : index
    %swap3A_33 = tpu.vector_load %arg11[%swap3A] {strides = array<i32>} : memref<16xi32, #tpu.memory_space<vmem>>, vector<16xi32>,
    %swap3A_34 = vector.shape_cast %swap3A_33 : vector<16xi32> to vector<16xi32>
    %swap3A_35 = vector.shape_cast %sub3A_32 : vector<16xi32> to vector<16xi32>
    tpu.vector_store %arg11[%swap3A], %swap3A_35 {strides = array<i32>} : memref<16xi32, #tpu.memory_space<vmem>>, vector<16xi32>,
    %dma_start3A = arith.constant 0 : i32
    %dma_start3A_36 = arith.constant 0 : i32
    %dma_start3A_37 = tpu.memref_slice %arg2[%dma_start3A, %dma_start3A_36] : memref<10000x128xf32, #tpu.memory_space<hbm>> -> memref<10000x128xf32, #tpu.memory_space<hbm>>
    tpu.enqueue_indirect_dma source(%dma_start3A_37 : memref<10000x128xf32, #tpu.memory_space<hbm>>) target(%arg14 : memref<16x128xf32, #tpu.memory_space<vmem>>) offsets(%arg10 : memref<16xi32, #tpu.memory_space<vmem>>) semaphore(%arg16 : memref<!tpu.dma_semaphore, #tpu.memory_space<semaphore_mem>>)
    %dma_wait3A = arith.constant 0 : i32
    %dma_wait3A_38 = arith.constant 0 : i32
    %dma_wait3A_39 = tpu.memref_slice %arg2[%dma_wait3A, %dma_wait3A_38] : memref<10000x128xf32, #tpu.memory_space<hbm>> -> memref<10000x128xf32, #tpu.memory_space<hbm>>
    tpu.wait_indirect_dma semaphore(%arg16 : memref<!tpu.dma_semaphore, #tpu.memory_space<semaphore_mem>>) src(%dma_wait3A_39 : memref<10000x128xf32, #tpu.memory_space<hbm>>) dst(%arg14 : memref<16x128xf32, #tpu.memory_space<vmem>>)
    "tpu.region"() ({
      %run_scoped3A = tpu.sem_alloc : memref<!tpu.dma_semaphore, #tpu.memory_space<semaphore_mem>>
      %dma_start3A_71 = arith.constant 0 : i32
      %dma_start3A_72 = arith.constant 0 : i32
      %dma_start3A_73 = tpu.memref_slice %arg15[%dma_start3A_71, %dma_start3A_72] : memref<5000x128xf32, #tpu.memory_space<vmem_shared>> -> memref<5000x128xf32, #tpu.memory_space<vmem_shared>>
      tpu.enqueue_indirect_dma source(%arg14 : memref<16x128xf32, #tpu.memory_space<vmem>>) target(%dma_start3A_73 : memref<5000x128xf32, #tpu.memory_space<vmem_shared>>) offsets(%arg11 : memref<16xi32, #tpu.memory_space<vmem>>) semaphore(%run_scoped3A : memref<!tpu.dma_semaphore, #tpu.memory_space<semaphore_mem>>) {add = true}
      %dma_wait3A_74 = arith.constant 0 : i32
      %dma_wait3A_75 = arith.constant 0 : i32
      %dma_wait3A_76 = tpu.memref_slice %arg15[%dma_wait3A_74, %dma_wait3A_75] : memref<5000x128xf32, #tpu.memory_space<vmem_shared>> -> memref<5000x128xf32, #tpu.memory_space<vmem_shared>>
      tpu.wait_indirect_dma semaphore(%run_scoped3A : memref<!tpu.dma_semaphore, #tpu.memory_space<semaphore_mem>>) src(%arg14 : memref<16x128xf32, #tpu.memory_space<vmem>>) dst(%dma_wait3A_76 : memref<5000x128xf32, #tpu.memory_space<vmem_shared>>)
      tpu.yield
    }) : () -> ()
    %barrier3A_40 = arith.constant 0 : index
    tpu.barrier barrier_id(%barrier3A_40)
    %add3A_41 = arith.constant 0 : i32
    %add3A_42 = arith.addi %mul3A_6, %add3A_41 : i32
    "tpu.region"() ({
      %run_scoped3A = tpu.sem_alloc : memref<!tpu.dma_semaphore, #tpu.memory_space<semaphore_mem>>
      %dma_start3A_71 = arith.constant 0 : i32
      %dma_start3A_72 = tpu.memref_slice %arg15[%add3A_42, %dma_start3A_71] : memref<5000x128xf32, #tpu.memory_space<vmem_shared>> -> memref<64x128xf32, #tpu.memory_space<vmem_shared>>
      %dma_start3A_73 = arith.constant 0 : i32
      %dma_start3A_74 = tpu.memref_slice %arg15[%add3A_42, %dma_start3A_73] : memref<5000x128xf32, #tpu.memory_space<vmem_shared>> -> memref<64x128xf32, #tpu.memory_space<vmem_shared>>
      tpu.enqueue_dma source(%dma_start3A_74 : memref<64x128xf32, #tpu.memory_space<vmem_shared>>) target(%arg12 : memref<64x128xf32, #tpu.memory_space<vmem>>) target_semaphore(%run_scoped3A : memref<!tpu.dma_semaphore, #tpu.memory_space<semaphore_mem>>)
      %dma_wait3A_75 = arith.constant 0 : i32
      %dma_wait3A_76 = tpu.memref_slice %arg15[%add3A_42, %dma_wait3A_75] : memref<5000x128xf32, #tpu.memory_space<vmem_shared>> -> memref<64x128xf32, #tpu.memory_space<vmem_shared>>
      %dma_wait3A_77 = arith.constant 0 : i32
      %dma_wait3A_78 = tpu.memref_slice %arg15[%add3A_42, %dma_wait3A_77] : memref<5000x128xf32, #tpu.memory_space<vmem_shared>> -> memref<64x128xf32, #tpu.memory_space<vmem_shared>>
      tpu.wait_dma2 semaphore(%run_scoped3A : memref<!tpu.dma_semaphore, #tpu.memory_space<semaphore_mem>>) src(%dma_wait3A_78 : memref<64x128xf32, #tpu.memory_space<vmem_shared>>) dst(%arg12 : memref<64x128xf32, #tpu.memory_space<vmem>>)
      tpu.yield
    }) : () -> ()
    %add3A_43 = arith.addi %mul3A_0, %mul3A_6 : i32
    %add3A_44 = arith.constant 0 : i32
    %add3A_45 = arith.addi %add3A_43, %add3A_44 : i32
    "tpu.region"() ({
      %run_scoped3A = tpu.sem_alloc : memref<!tpu.dma_semaphore, #tpu.memory_space<semaphore_mem>>
      %dma_start3A_71 = arith.constant 0 : i32
      %dma_start3A_72 = tpu.memref_slice %arg5[%add3A_45, %dma_start3A_71] : memref<10000x128xf32, #tpu.memory_space<hbm>> -> memref<64x128xf32, #tpu.memory_space<hbm>>
      %dma_start3A_73 = arith.constant 0 : i32
      %dma_start3A_74 = tpu.memref_slice %arg5[%add3A_45, %dma_start3A_73] : memref<10000x128xf32, #tpu.memory_space<hbm>> -> memref<64x128xf32, #tpu.memory_space<hbm>>
      tpu.enqueue_dma source(%arg12 : memref<64x128xf32, #tpu.memory_space<vmem>>) target(%dma_start3A_74 : memref<64x128xf32, #tpu.memory_space<hbm>>) target_semaphore(%run_scoped3A : memref<!tpu.dma_semaphore, #tpu.memory_space<semaphore_mem>>)
      %dma_wait3A_75 = arith.constant 0 : i32
      %dma_wait3A_76 = tpu.memref_slice %arg5[%add3A_45, %dma_wait3A_75] : memref<10000x128xf32, #tpu.memory_space<hbm>> -> memref<64x128xf32, #tpu.memory_space<hbm>>
      %dma_wait3A_77 = arith.constant 0 : i32
      %dma_wait3A_78 = tpu.memref_slice %arg5[%add3A_45, %dma_wait3A_77] : memref<10000x128xf32, #tpu.memory_space<hbm>> -> memref<64x128xf32, #tpu.memory_space<hbm>>
      tpu.wait_dma2 semaphore(%run_scoped3A : memref<!tpu.dma_semaphore, #tpu.memory_space<semaphore_mem>>) src(%arg12 : memref<64x128xf32, #tpu.memory_space<vmem>>) dst(%dma_wait3A_78 : memref<64x128xf32, #tpu.memory_space<hbm>>)
      tpu.yield
    }) : () -> ()
    %add3A_46 = arith.constant 64 : i32
    %add3A_47 = arith.addi %mul3A_6, %add3A_46 : i32
    "tpu.region"() ({
      %run_scoped3A = tpu.sem_alloc : memref<!tpu.dma_semaphore, #tpu.memory_space<semaphore_mem>>
      %dma_start3A_71 = arith.constant 0 : i32
      %dma_start3A_72 = tpu.memref_slice %arg15[%add3A_47, %dma_start3A_71] : memref<5000x128xf32, #tpu.memory_space<vmem_shared>> -> memref<64x128xf32, #tpu.memory_space<vmem_shared>>
      %dma_start3A_73 = arith.constant 0 : i32
      %dma_start3A_74 = tpu.memref_slice %arg15[%add3A_47, %dma_start3A_73] : memref<5000x128xf32, #tpu.memory_space<vmem_shared>> -> memref<64x128xf32, #tpu.memory_space<vmem_shared>>
      tpu.enqueue_dma source(%dma_start3A_74 : memref<64x128xf32, #tpu.memory_space<vmem_shared>>) target(%arg12 : memref<64x128xf32, #tpu.memory_space<vmem>>) target_semaphore(%run_scoped3A : memref<!tpu.dma_semaphore, #tpu.memory_space<semaphore_mem>>)
      %dma_wait3A_75 = arith.constant 0 : i32
      %dma_wait3A_76 = tpu.memref_slice %arg15[%add3A_47, %dma_wait3A_75] : memref<5000x128xf32, #tpu.memory_space<vmem_shared>> -> memref<64x128xf32, #tpu.memory_space<vmem_shared>>
      %dma_wait3A_77 = arith.constant 0 : i32
      %dma_wait3A_78 = tpu.memref_slice %arg15[%add3A_47, %dma_wait3A_77] : memref<5000x128xf32, #tpu.memory_space<vmem_shared>> -> memref<64x128xf32, #tpu.memory_space<vmem_shared>>
      tpu.wait_dma2 semaphore(%run_scoped3A : memref<!tpu.dma_semaphore, #tpu.memory_space<semaphore_mem>>) src(%dma_wait3A_78 : memref<64x128xf32, #tpu.memory_space<vmem_shared>>) dst(%arg12 : memref<64x128xf32, #tpu.memory_space<vmem>>)
      tpu.yield
    }) : () -> ()
    %add3A_48 = arith.addi %mul3A_0, %mul3A_6 : i32
    %add3A_49 = arith.constant 64 : i32
    %add3A_50 = arith.addi %add3A_48, %add3A_49 : i32
    "tpu.region"() ({
      %run_scoped3A = tpu.sem_alloc : memref<!tpu.dma_semaphore, #tpu.memory_space<semaphore_mem>>
      %dma_start3A_71 = arith.constant 0 : i32
      %dma_start3A_72 = tpu.memref_slice %arg5[%add3A_50, %dma_start3A_71] : memref<10000x128xf32, #tpu.memory_space<hbm>> -> memref<64x128xf32, #tpu.memory_space<hbm>>
      %dma_start3A_73 = arith.constant 0 : i32
      %dma_start3A_74 = tpu.memref_slice %arg5[%add3A_50, %dma_start3A_73] : memref<10000x128xf32, #tpu.memory_space<hbm>> -> memref<64x128xf32, #tpu.memory_space<hbm>>
      tpu.enqueue_dma source(%arg12 : memref<64x128xf32, #tpu.memory_space<vmem>>) target(%dma_start3A_74 : memref<64x128xf32, #tpu.memory_space<hbm>>) target_semaphore(%run_scoped3A : memref<!tpu.dma_semaphore, #tpu.memory_space<semaphore_mem>>)
      %dma_wait3A_75 = arith.constant 0 : i32
      %dma_wait3A_76 = tpu.memref_slice %arg5[%add3A_50, %dma_wait3A_75] : memref<10000x128xf32, #tpu.memory_space<hbm>> -> memref<64x128xf32, #tpu.memory_space<hbm>>
      %dma_wait3A_77 = arith.constant 0 : i32
      %dma_wait3A_78 = tpu.memref_slice %arg5[%add3A_50, %dma_wait3A_77] : memref<10000x128xf32, #tpu.memory_space<hbm>> -> memref<64x128xf32, #tpu.memory_space<hbm>>
      tpu.wait_dma2 semaphore(%run_scoped3A : memref<!tpu.dma_semaphore, #tpu.memory_space<semaphore_mem>>) src(%arg12 : memref<64x128xf32, #tpu.memory_space<vmem>>) dst(%dma_wait3A_78 : memref<64x128xf32, #tpu.memory_space<hbm>>)
      tpu.yield
    }) : () -> ()
    %add3A_51 = arith.constant 128 : i32
    %add3A_52 = arith.addi %mul3A_6, %add3A_51 : i32
    "tpu.region"() ({
      %run_scoped3A = tpu.sem_alloc : memref<!tpu.dma_semaphore, #tpu.memory_space<semaphore_mem>>
      %dma_start3A_71 = arith.constant 0 : i32
      %dma_start3A_72 = tpu.memref_slice %arg15[%add3A_52, %dma_start3A_71] : memref<5000x128xf32, #tpu.memory_space<vmem_shared>> -> memref<64x128xf32, #tpu.memory_space<vmem_shared>>
      %dma_start3A_73 = arith.constant 0 : i32
      %dma_start3A_74 = tpu.memref_slice %arg15[%add3A_52, %dma_start3A_73] : memref<5000x128xf32, #tpu.memory_space<vmem_shared>> -> memref<64x128xf32, #tpu.memory_space<vmem_shared>>
      tpu.enqueue_dma source(%dma_start3A_74 : memref<64x128xf32, #tpu.memory_space<vmem_shared>>) target(%arg12 : memref<64x128xf32, #tpu.memory_space<vmem>>) target_semaphore(%run_scoped3A : memref<!tpu.dma_semaphore, #tpu.memory_space<semaphore_mem>>)
      %dma_wait3A_75 = arith.constant 0 : i32
      %dma_wait3A_76 = tpu.memref_slice %arg15[%add3A_52, %dma_wait3A_75] : memref<5000x128xf32, #tpu.memory_space<vmem_shared>> -> memref<64x128xf32, #tpu.memory_space<vmem_shared>>
      %dma_wait3A_77 = arith.constant 0 : i32
      %dma_wait3A_78 = tpu.memref_slice %arg15[%add3A_52, %dma_wait3A_77] : memref<5000x128xf32, #tpu.memory_space<vmem_shared>> -> memref<64x128xf32, #tpu.memory_space<vmem_shared>>
      tpu.wait_dma2 semaphore(%run_scoped3A : memref<!tpu.dma_semaphore, #tpu.memory_space<semaphore_mem>>) src(%dma_wait3A_78 : memref<64x128xf32, #tpu.memory_space<vmem_shared>>) dst(%arg12 : memref<64x128xf32, #tpu.memory_space<vmem>>)
      tpu.yield
    }) : () -> ()
    %add3A_53 = arith.addi %mul3A_0, %mul3A_6 : i32
    %add3A_54 = arith.constant 128 : i32
    %add3A_55 = arith.addi %add3A_53, %add3A_54 : i32
    "tpu.region"() ({
      %run_scoped3A = tpu.sem_alloc : memref<!tpu.dma_semaphore, #tpu.memory_space<semaphore_mem>>
      %dma_start3A_71 = arith.constant 0 : i32
      %dma_start3A_72 = tpu.memref_slice %arg5[%add3A_55, %dma_start3A_71] : memref<10000x128xf32, #tpu.memory_space<hbm>> -> memref<64x128xf32, #tpu.memory_space<hbm>>
      %dma_start3A_73 = arith.constant 0 : i32
      %dma_start3A_74 = tpu.memref_slice %arg5[%add3A_55, %dma_start3A_73] : memref<10000x128xf32, #tpu.memory_space<hbm>> -> memref<64x128xf32, #tpu.memory_space<hbm>>
      tpu.enqueue_dma source(%arg12 : memref<64x128xf32, #tpu.memory_space<vmem>>) target(%dma_start3A_74 : memref<64x128xf32, #tpu.memory_space<hbm>>) target_semaphore(%run_scoped3A : memref<!tpu.dma_semaphore, #tpu.memory_space<semaphore_mem>>)
      %dma_wait3A_75 = arith.constant 0 : i32
      %dma_wait3A_76 = tpu.memref_slice %arg5[%add3A_55, %dma_wait3A_75] : memref<10000x128xf32, #tpu.memory_space<hbm>> -> memref<64x128xf32, #tpu.memory_space<hbm>>
      %dma_wait3A_77 = arith.constant 0 : i32
      %dma_wait3A_78 = tpu.memref_slice %arg5[%add3A_55, %dma_wait3A_77] : memref<10000x128xf32, #tpu.memory_space<hbm>> -> memref<64x128xf32, #tpu.memory_space<hbm>>
      tpu.wait_dma2 semaphore(%run_scoped3A : memref<!tpu.dma_semaphore, #tpu.memory_space<semaphore_mem>>) src(%arg12 : memref<64x128xf32, #tpu.memory_space<vmem>>) dst(%dma_wait3A_78 : memref<64x128xf32, #tpu.memory_space<hbm>>)
      tpu.yield
    }) : () -> ()
    %add3A_56 = arith.constant 192 : i32
    %add3A_57 = arith.addi %mul3A_6, %add3A_56 : i32
    "tpu.region"() ({
      %run_scoped3A = tpu.sem_alloc : memref<!tpu.dma_semaphore, #tpu.memory_space<semaphore_mem>>
      %dma_start3A_71 = arith.constant 0 : i32
      %dma_start3A_72 = tpu.memref_slice %arg15[%add3A_57, %dma_start3A_71] : memref<5000x128xf32, #tpu.memory_space<vmem_shared>> -> memref<64x128xf32, #tpu.memory_space<vmem_shared>>
      %dma_start3A_73 = arith.constant 0 : i32
      %dma_start3A_74 = tpu.memref_slice %arg15[%add3A_57, %dma_start3A_73] : memref<5000x128xf32, #tpu.memory_space<vmem_shared>> -> memref<64x128xf32, #tpu.memory_space<vmem_shared>>
      tpu.enqueue_dma source(%dma_start3A_74 : memref<64x128xf32, #tpu.memory_space<vmem_shared>>) target(%arg12 : memref<64x128xf32, #tpu.memory_space<vmem>>) target_semaphore(%run_scoped3A : memref<!tpu.dma_semaphore, #tpu.memory_space<semaphore_mem>>)
      %dma_wait3A_75 = arith.constant 0 : i32
      %dma_wait3A_76 = tpu.memref_slice %arg15[%add3A_57, %dma_wait3A_75] : memref<5000x128xf32, #tpu.memory_space<vmem_shared>> -> memref<64x128xf32, #tpu.memory_space<vmem_shared>>
      %dma_wait3A_77 = arith.constant 0 : i32
      %dma_wait3A_78 = tpu.memref_slice %arg15[%add3A_57, %dma_wait3A_77] : memref<5000x128xf32, #tpu.memory_space<vmem_shared>> -> memref<64x128xf32, #tpu.memory_space<vmem_shared>>
      tpu.wait_dma2 semaphore(%run_scoped3A : memref<!tpu.dma_semaphore, #tpu.memory_space<semaphore_mem>>) src(%dma_wait3A_78 : memref<64x128xf32, #tpu.memory_space<vmem_shared>>) dst(%arg12 : memref<64x128xf32, #tpu.memory_space<vmem>>)
      tpu.yield
    }) : () -> ()
    %add3A_58 = arith.addi %mul3A_0, %mul3A_6 : i32
    %add3A_59 = arith.constant 192 : i32
    %add3A_60 = arith.addi %add3A_58, %add3A_59 : i32
    "tpu.region"() ({
      %run_scoped3A = tpu.sem_alloc : memref<!tpu.dma_semaphore, #tpu.memory_space<semaphore_mem>>
      %dma_start3A_71 = arith.constant 0 : i32
      %dma_start3A_72 = tpu.memref_slice %arg5[%add3A_60, %dma_start3A_71] : memref<10000x128xf32, #tpu.memory_space<hbm>> -> memref<64x128xf32, #tpu.memory_space<hbm>>
      %dma_start3A_73 = arith.constant 0 : i32
      %dma_start3A_74 = tpu.memref_slice %arg5[%add3A_60, %dma_start3A_73] : memref<10000x128xf32, #tpu.memory_space<hbm>> -> memref<64x128xf32, #tpu.memory_space<hbm>>
      tpu.enqueue_dma source(%arg12 : memref<64x128xf32, #tpu.memory_space<vmem>>) target(%dma_start3A_74 : memref<64x128xf32, #tpu.memory_space<hbm>>) target_semaphore(%run_scoped3A : memref<!tpu.dma_semaphore, #tpu.memory_space<semaphore_mem>>)
      %dma_wait3A_75 = arith.constant 0 : i32
      %dma_wait3A_76 = tpu.memref_slice %arg5[%add3A_60, %dma_wait3A_75] : memref<10000x128xf32, #tpu.memory_space<hbm>> -> memref<64x128xf32, #tpu.memory_space<hbm>>
      %dma_wait3A_77 = arith.constant 0 : i32
      %dma_wait3A_78 = tpu.memref_slice %arg5[%add3A_60, %dma_wait3A_77] : memref<10000x128xf32, #tpu.memory_space<hbm>> -> memref<64x128xf32, #tpu.memory_space<hbm>>
      tpu.wait_dma2 semaphore(%run_scoped3A : memref<!tpu.dma_semaphore, #tpu.memory_space<semaphore_mem>>) src(%arg12 : memref<64x128xf32, #tpu.memory_space<vmem>>) dst(%dma_wait3A_78 : memref<64x128xf32, #tpu.memory_space<hbm>>)
      tpu.yield
    }) : () -> ()
    %add3A_61 = arith.constant 256 : i32
    %add3A_62 = arith.addi %mul3A_6, %add3A_61 : i32
    "tpu.region"() ({
      %run_scoped3A = tpu.sem_alloc : memref<!tpu.dma_semaphore, #tpu.memory_space<semaphore_mem>>
      %dma_start3A_71 = arith.constant 0 : i32
      %dma_start3A_72 = arith.constant 0 : i32
      %dma_start3A_73 = tpu.memref_slice %arg12[%dma_start3A_71, %dma_start3A_72] : memref<64x128xf32, #tpu.memory_space<vmem>> -> memref<56x128xf32, #tpu.memory_space<vmem>>
      %dma_start3A_74 = arith.constant 0 : i32
      %dma_start3A_75 = tpu.memref_slice %arg15[%add3A_62, %dma_start3A_74] : memref<5000x128xf32, #tpu.memory_space<vmem_shared>> -> memref<56x128xf32, #tpu.memory_space<vmem_shared>>
      %dma_start3A_76 = arith.constant 0 : i32
      %dma_start3A_77 = arith.constant 0 : i32
      %dma_start3A_78 = tpu.memref_slice %arg12[%dma_start3A_76, %dma_start3A_77] : memref<64x128xf32, #tpu.memory_space<vmem>> -> memref<56x128xf32, #tpu.memory_space<vmem>>
      %dma_start3A_79 = arith.constant 0 : i32
      %dma_start3A_80 = tpu.memref_slice %arg15[%add3A_62, %dma_start3A_79] : memref<5000x128xf32, #tpu.memory_space<vmem_shared>> -> memref<56x128xf32, #tpu.memory_space<vmem_shared>>
      tpu.enqueue_dma source(%dma_start3A_80 : memref<56x128xf32, #tpu.memory_space<vmem_shared>>) target(%dma_start3A_78 : memref<56x128xf32, #tpu.memory_space<vmem>>) target_semaphore(%run_scoped3A : memref<!tpu.dma_semaphore, #tpu.memory_space<semaphore_mem>>)
      %dma_wait3A_81 = arith.constant 0 : i32
      %dma_wait3A_82 = arith.constant 0 : i32
      %dma_wait3A_83 = tpu.memref_slice %arg12[%dma_wait3A_81, %dma_wait3A_82] : memref<64x128xf32, #tpu.memory_space<vmem>> -> memref<56x128xf32, #tpu.memory_space<vmem>>
      %dma_wait3A_84 = arith.constant 0 : i32
      %dma_wait3A_85 = tpu.memref_slice %arg15[%add3A_62, %dma_wait3A_84] : memref<5000x128xf32, #tpu.memory_space<vmem_shared>> -> memref<56x128xf32, #tpu.memory_space<vmem_shared>>
      %dma_wait3A_86 = arith.constant 0 : i32
      %dma_wait3A_87 = arith.constant 0 : i32
      %dma_wait3A_88 = tpu.memref_slice %arg12[%dma_wait3A_86, %dma_wait3A_87] : memref<64x128xf32, #tpu.memory_space<vmem>> -> memref<56x128xf32, #tpu.memory_space<vmem>>
      %dma_wait3A_89 = arith.constant 0 : i32
      %dma_wait3A_90 = tpu.memref_slice %arg15[%add3A_62, %dma_wait3A_89] : memref<5000x128xf32, #tpu.memory_space<vmem_shared>> -> memref<56x128xf32, #tpu.memory_space<vmem_shared>>
      tpu.wait_dma2 semaphore(%run_scoped3A : memref<!tpu.dma_semaphore, #tpu.memory_space<semaphore_mem>>) src(%dma_wait3A_90 : memref<56x128xf32, #tpu.memory_space<vmem_shared>>) dst(%dma_wait3A_88 : memref<56x128xf32, #tpu.memory_space<vmem>>)
      tpu.yield
    }) : () -> ()
    %add3A_63 = arith.addi %mul3A_0, %mul3A_6 : i32
    %add3A_64 = arith.constant 256 : i32
    %add3A_65 = arith.addi %add3A_63, %add3A_64 : i32
    "tpu.region"() ({
      %run_scoped3A = tpu.sem_alloc : memref<!tpu.dma_semaphore, #tpu.memory_space<semaphore_mem>>
      %dma_start3A_71 = arith.constant 0 : i32
      %dma_start3A_72 = arith.constant 0 : i32
      %dma_start3A_73 = tpu.memref_slice %arg12[%dma_start3A_71, %dma_start3A_72] : memref<64x128xf32, #tpu.memory_space<vmem>> -> memref<56x128xf32, #tpu.memory_space<vmem>>
      %dma_start3A_74 = arith.constant 0 : i32
      %dma_start3A_75 = tpu.memref_slice %arg5[%add3A_65, %dma_start3A_74] : memref<10000x128xf32, #tpu.memory_space<hbm>> -> memref<56x128xf32, #tpu.memory_space<hbm>>
      %dma_start3A_76 = arith.constant 0 : i32
      %dma_start3A_77 = tpu.memref_slice %arg5[%add3A_65, %dma_start3A_76] : memref<10000x128xf32, #tpu.memory_space<hbm>> -> memref<56x128xf32, #tpu.memory_space<hbm>>
      %dma_start3A_78 = arith.constant 0 : i32
      %dma_start3A_79 = arith.constant 0 : i32
      %dma_start3A_80 = tpu.memref_slice %arg12[%dma_start3A_78, %dma_start3A_79] : memref<64x128xf32, #tpu.memory_space<vmem>> -> memref<56x128xf32, #tpu.memory_space<vmem>>
      tpu.enqueue_dma source(%dma_start3A_80 : memref<56x128xf32, #tpu.memory_space<vmem>>) target(%dma_start3A_77 : memref<56x128xf32, #tpu.memory_space<hbm>>) target_semaphore(%run_scoped3A : memref<!tpu.dma_semaphore, #tpu.memory_space<semaphore_mem>>)
      %dma_wait3A_81 = arith.constant 0 : i32
      %dma_wait3A_82 = arith.constant 0 : i32
      %dma_wait3A_83 = tpu.memref_slice %arg12[%dma_wait3A_81, %dma_wait3A_82] : memref<64x128xf32, #tpu.memory_space<vmem>> -> memref<56x128xf32, #tpu.memory_space<vmem>>
      %dma_wait3A_84 = arith.constant 0 : i32
      %dma_wait3A_85 = tpu.memref_slice %arg5[%add3A_65, %dma_wait3A_84] : memref<10000x128xf32, #tpu.memory_space<hbm>> -> memref<56x128xf32, #tpu.memory_space<hbm>>
      %dma_wait3A_86 = arith.constant 0 : i32
      %dma_wait3A_87 = tpu.memref_slice %arg5[%add3A_65, %dma_wait3A_86] : memref<10000x128xf32, #tpu.memory_space<hbm>> -> memref<56x128xf32, #tpu.memory_space<hbm>>
      %dma_wait3A_88 = arith.constant 0 : i32
      %dma_wait3A_89 = arith.constant 0 : i32
      %dma_wait3A_90 = tpu.memref_slice %arg12[%dma_wait3A_88, %dma_wait3A_89] : memref<64x128xf32, #tpu.memory_space<vmem>> -> memref<56x128xf32, #tpu.memory_space<vmem>>
      tpu.wait_dma2 semaphore(%run_scoped3A : memref<!tpu.dma_semaphore, #tpu.memory_space<semaphore_mem>>) src(%dma_wait3A_90 : memref<56x128xf32, #tpu.memory_space<vmem>>) dst(%dma_wait3A_87 : memref<56x128xf32, #tpu.memory_space<hbm>>)
      tpu.yield
    }) : () -> ()
    %eq3A_66 = arith.constant 0 : i32
    %eq3A_67 = arith.cmpi eq, %arg1, %eq3A_66 : i32
    %convert_element_type3A_68 = arith.extui %eq3A_67 : i1 to i32
    %cond3A_69 = arith.constant 0 : i32
    %cond3A_70 = arith.cmpi ne, %convert_element_type3A_68, %cond3A_69 : i32
    scf.if %cond3A_70 {
      "tpu.region"() ({
        %run_scoped3A = tpu.sem_alloc : memref<!tpu.dma_semaphore, #tpu.memory_space<semaphore_mem>>
        %dma_start3A_73 = arith.constant 0 : i32
        %dma_start3A_74 = arith.constant 0 : i32
        %dma_start3A_75 = tpu.memref_slice %arg12[%dma_start3A_73, %dma_start3A_74] : memref<64x128xf32, #tpu.memory_space<vmem>> -> memref<8x128xf32, #tpu.memory_space<vmem>>
        %dma_start3A_76 = arith.constant 4992 : i32
        %dma_start3A_77 = arith.constant 0 : i32
        %dma_start3A_78 = tpu.memref_slice %arg15[%dma_start3A_76, %dma_start3A_77] : memref<5000x128xf32, #tpu.memory_space<vmem_shared>> -> memref<8x128xf32, #tpu.memory_space<vmem_shared>>
        %dma_start3A_79 = arith.constant 0 : i32
        %dma_start3A_80 = arith.constant 0 : i32
        %dma_start3A_81 = tpu.memref_slice %arg12[%dma_start3A_79, %dma_start3A_80] : memref<64x128xf32, #tpu.memory_space<vmem>> -> memref<8x128xf32, #tpu.memory_space<vmem>>
        %dma_start3A_82 = arith.constant 4992 : i32
        %dma_start3A_83 = arith.constant 0 : i32
        %dma_start3A_84 = tpu.memref_slice %arg15[%dma_start3A_82, %dma_start3A_83] : memref<5000x128xf32, #tpu.memory_space<vmem_shared>> -> memref<8x128xf32, #tpu.memory_space<vmem_shared>>
        tpu.enqueue_dma source(%dma_start3A_84 : memref<8x128xf32, #tpu.memory_space<vmem_shared>>) target(%dma_start3A_81 : memref<8x128xf32, #tpu.memory_space<vmem>>) target_semaphore(%run_scoped3A : memref<!tpu.dma_semaphore, #tpu.memory_space<semaphore_mem>>)
        %dma_wait3A_85 = arith.constant 0 : i32
        %dma_wait3A_86 = arith.constant 0 : i32
        %dma_wait3A_87 = tpu.memref_slice %arg12[%dma_wait3A_85, %dma_wait3A_86] : memref<64x128xf32, #tpu.memory_space<vmem>> -> memref<8x128xf32, #tpu.memory_space<vmem>>
        %dma_wait3A_88 = arith.constant 4992 : i32
        %dma_wait3A_89 = arith.constant 0 : i32
        %dma_wait3A_90 = tpu.memref_slice %arg15[%dma_wait3A_88, %dma_wait3A_89] : memref<5000x128xf32, #tpu.memory_space<vmem_shared>> -> memref<8x128xf32, #tpu.memory_space<vmem_shared>>
        %dma_wait3A_91 = arith.constant 0 : i32
        %dma_wait3A_92 = arith.constant 0 : i32
        %dma_wait3A_93 = tpu.memref_slice %arg12[%dma_wait3A_91, %dma_wait3A_92] : memref<64x128xf32, #tpu.memory_space<vmem>> -> memref<8x128xf32, #tpu.memory_space<vmem>>
        %dma_wait3A_94 = arith.constant 4992 : i32
        %dma_wait3A_95 = arith.constant 0 : i32
        %dma_wait3A_96 = tpu.memref_slice %arg15[%dma_wait3A_94, %dma_wait3A_95] : memref<5000x128xf32, #tpu.memory_space<vmem_shared>> -> memref<8x128xf32, #tpu.memory_space<vmem_shared>>
        tpu.wait_dma2 semaphore(%run_scoped3A : memref<!tpu.dma_semaphore, #tpu.memory_space<semaphore_mem>>) src(%dma_wait3A_96 : memref<8x128xf32, #tpu.memory_space<vmem_shared>>) dst(%dma_wait3A_93 : memref<8x128xf32, #tpu.memory_space<vmem>>)
        tpu.yield
      }) : () -> ()
      %add3A_71 = arith.constant 4992 : i32
      %add3A_72 = arith.addi %mul3A_0, %add3A_71 : i32
      "tpu.region"() ({
        %run_scoped3A = tpu.sem_alloc : memref<!tpu.dma_semaphore, #tpu.memory_space<semaphore_mem>>
        %dma_start3A_73 = arith.constant 0 : i32
        %dma_start3A_74 = arith.constant 0 : i32
        %dma_start3A_75 = tpu.memref_slice %arg12[%dma_start3A_73, %dma_start3A_74] : memref<64x128xf32, #tpu.memory_space<vmem>> -> memref<8x128xf32, #tpu.memory_space<vmem>>
        %dma_start3A_76 = arith.constant 0 : i32
        %dma_start3A_77 = tpu.memref_slice %arg5[%add3A_72, %dma_start3A_76] : memref<10000x128xf32, #tpu.memory_space<hbm>> -> memref<8x128xf32, #tpu.memory_space<hbm>>
        %dma_start3A_78 = arith.constant 0 : i32
        %dma_start3A_79 = tpu.memref_slice %arg5[%add3A_72, %dma_start3A_78] : memref<10000x128xf32, #tpu.memory_space<hbm>> -> memref<8x128xf32, #tpu.memory_space<hbm>>
        %dma_start3A_80 = arith.constant 0 : i32
        %dma_start3A_81 = arith.constant 0 : i32
        %dma_start3A_82 = tpu.memref_slice %arg12[%dma_start3A_80, %dma_start3A_81] : memref<64x128xf32, #tpu.memory_space<vmem>> -> memref<8x128xf32, #tpu.memory_space<vmem>>
        tpu.enqueue_dma source(%dma_start3A_82 : memref<8x128xf32, #tpu.memory_space<vmem>>) target(%dma_start3A_79 : memref<8x128xf32, #tpu.memory_space<hbm>>) target_semaphore(%run_scoped3A : memref<!tpu.dma_semaphore, #tpu.memory_space<semaphore_mem>>)
        %dma_wait3A_83 = arith.constant 0 : i32
        %dma_wait3A_84 = arith.constant 0 : i32
        %dma_wait3A_85 = tpu.memref_slice %arg12[%dma_wait3A_83, %dma_wait3A_84] : memref<64x128xf32, #tpu.memory_space<vmem>> -> memref<8x128xf32, #tpu.memory_space<vmem>>
        %dma_wait3A_86 = arith.constant 0 : i32
        %dma_wait3A_87 = tpu.memref_slice %arg5[%add3A_72, %dma_wait3A_86] : memref<10000x128xf32, #tpu.memory_space<hbm>> -> memref<8x128xf32, #tpu.memory_space<hbm>>
        %dma_wait3A_88 = arith.constant 0 : i32
        %dma_wait3A_89 = tpu.memref_slice %arg5[%add3A_72, %dma_wait3A_88] : memref<10000x128xf32, #tpu.memory_space<hbm>> -> memref<8x128xf32, #tpu.memory_space<hbm>>
        %dma_wait3A_90 = arith.constant 0 : i32
        %dma_wait3A_91 = arith.constant 0 : i32
        %dma_wait3A_92 = tpu.memref_slice %arg12[%dma_wait3A_90, %dma_wait3A_91] : memref<64x128xf32, #tpu.memory_space<vmem>> -> memref<8x128xf32, #tpu.memory_space<vmem>>
        tpu.wait_dma2 semaphore(%run_scoped3A : memref<!tpu.dma_semaphore, #tpu.memory_space<semaphore_mem>>) src(%dma_wait3A_92 : memref<8x128xf32, #tpu.memory_space<vmem>>) dst(%dma_wait3A_89 : memref<8x128xf32, #tpu.memory_space<hbm>>)
        tpu.yield
      }) : () -> ()
    } else {
    }
    return
  }
}

module attributes {stable_mosaic.version = 14 : i64} {
  func.func @_scale_kernel(%arg0: i32, %arg1: memref<1000x128xf32, #tpu.memory_space<vmem>>, %arg2: memref<1000x128xf32, #tpu.memory_space<vmem>>, %arg3: memref<1000x128xf32, #tpu.memory_space<vmem>>) attributes {dimension_semantics = [#tpu.dimension_semantics<arbitrary>], iteration_bounds = array<i64: 10>, scalar_prefetch = 0 : i64, scratch_operands = 0 : i64, tpu.core_type = #tpu.core_type<tc>, window_params = [{transform_indices = @transform_0, window_bounds = array<i64: 1000, 128>}, {transform_indices = @transform_1, window_bounds = array<i64: 1000, 128>}, {transform_indices = @transform_2, window_bounds = array<i64: 1000, 128>}]} {
    %get3A = arith.constant 0 : index
    %get3A_0 = arith.constant 0 : index
    %get3A_1 = vector.load %arg2[%get3A, %get3A_0] : memref<1000x128xf32, #tpu.memory_space<vmem>>, vector<1000x128xf32>
    %get3A_2 = arith.constant 0 : index
    %get3A_3 = arith.constant 0 : index
    %get3A_4 = vector.load %arg1[%get3A_2, %get3A_3] : memref<1000x128xf32, #tpu.memory_space<vmem>>, vector<1000x1xf32>
    %gt3A = arith.constant 0.000000e+00 : f32
    %gt3A_5 = vector.broadcast %gt3A : f32 to vector<1000x1xf32>
    %gt3A_6 = arith.cmpf ogt, %get3A_4, %gt3A_5 : vector<1000x1xf32>
    %rsqrt3A = math.rsqrt %get3A_4 : vector<1000x1xf32>
    %jit3A = arith.constant 0.000000e+00 : f32
    %broadcast_in_dim3A = vector.broadcast %jit3A : f32 to vector<1000x1xf32>
    %select_n3A = arith.select %gt3A_6, %rsqrt3A, %broadcast_in_dim3A : vector<1000x1xi1>, vector<1000x1xf32>
    %mul3A = vector.broadcast %select_n3A : vector<1000x1xf32> to vector<1000x128xf32>
    %mul3A_7 = arith.mulf %get3A_1, %mul3A : vector<1000x128xf32>
    %swap3A = arith.constant 0 : index
    %swap3A_8 = arith.constant 0 : index
    %swap3A_9 = vector.load %arg3[%swap3A, %swap3A_8] : memref<1000x128xf32, #tpu.memory_space<vmem>>, vector<1000x128xf32>
    tpu.vector_store %arg3[%swap3A, %swap3A_8], %mul3A_7 {strides = array<i32>} : memref<1000x128xf32, #tpu.memory_space<vmem>>, vector<1000x128xf32>,
    return
  }
  func.func @transform_0(%arg0: i32) -> (i32, i32) {
    %c0_i32 = arith.constant 0 : i32
    %c0_i32_0 = arith.constant 0 : i32
    return %arg0, %c0_i32 : i32, i32
  }
  func.func @transform_1(%arg0: i32) -> (i32, i32) {
    %c0_i32 = arith.constant 0 : i32
    %c0_i32_0 = arith.constant 0 : i32
    return %arg0, %c0_i32 : i32, i32
  }
  func.func @transform_2(%arg0: i32) -> (i32, i32) {
    %c0_i32 = arith.constant 0 : i32
    %c0_i32_0 = arith.constant 0 : i32
    return %arg0, %c0_i32 : i32, i32
  }
}

module attributes {stable_mosaic.version = 14 : i64} {
  func.func @_combine1_kernel(%arg0: i32, %arg1: memref<1000x128xf32, #tpu.memory_space<vmem>>, %arg2: memref<1000x128xf32, #tpu.memory_space<vmem>>, %arg3: memref<1000x128xf32, #tpu.memory_space<vmem>>, %arg4: memref<1000x128xf32, #tpu.memory_space<vmem>>, %arg5: memref<1000x128xf32, #tpu.memory_space<vmem>>, %arg6: memref<1000x128xf32, #tpu.memory_space<vmem>>, %arg7: memref<1000x128xf32, #tpu.memory_space<vmem>>) attributes {dimension_semantics = [#tpu.dimension_semantics<arbitrary>], iteration_bounds = array<i64: 10>, scalar_prefetch = 0 : i64, scratch_operands = 0 : i64, tpu.core_type = #tpu.core_type<tc>, window_params = [{transform_indices = @transform_0, window_bounds = array<i64: 1000, 128>}, {transform_indices = @transform_1, window_bounds = array<i64: 1000, 128>}, {transform_indices = @transform_2, window_bounds = array<i64: 1000, 128>}, {transform_indices = @transform_3, window_bounds = array<i64: 1000, 128>}, {transform_indices = @transform_4, window_bounds = array<i64: 1000, 128>}, {transform_indices = @transform_5, window_bounds = array<i64: 1000, 128>}, {transform_indices = @transform_6, window_bounds = array<i64: 1000, 128>}]} {
    %get3A = arith.constant 0 : index
    %get3A_0 = arith.constant 0 : index
    %get3A_1 = vector.load %arg1[%get3A, %get3A_0] : memref<1000x128xf32, #tpu.memory_space<vmem>>, vector<1000x1xf32>
    %gt3A = arith.constant 0.000000e+00 : f32
    %gt3A_2 = vector.broadcast %gt3A : f32 to vector<1000x1xf32>
    %gt3A_3 = arith.cmpf ogt, %get3A_1, %gt3A_2 : vector<1000x1xf32>
    %rsqrt3A = math.rsqrt %get3A_1 : vector<1000x1xf32>
    %jit3A = arith.constant 0.000000e+00 : f32
    %broadcast_in_dim3A = vector.broadcast %jit3A : f32 to vector<1000x1xf32>
    %select_n3A = arith.select %gt3A_3, %rsqrt3A, %broadcast_in_dim3A : vector<1000x1xi1>, vector<1000x1xf32>
    %get3A_4 = arith.constant 0 : index
    %get3A_5 = arith.constant 0 : index
    %get3A_6 = vector.load %arg2[%get3A_4, %get3A_5] : memref<1000x128xf32, #tpu.memory_space<vmem>>, vector<1000x128xf32>
    %mul3A = vector.broadcast %select_n3A : vector<1000x1xf32> to vector<1000x128xf32>
    %mul3A_7 = arith.mulf %mul3A, %get3A_6 : vector<1000x128xf32>
    %get3A_8 = arith.constant 0 : index
    %get3A_9 = arith.constant 0 : index
    %get3A_10 = vector.load %arg3[%get3A_8, %get3A_9] : memref<1000x128xf32, #tpu.memory_space<vmem>>, vector<1000x128xf32>
    %add3A = arith.addf %mul3A_7, %get3A_10 : vector<1000x128xf32>
    %get3A_11 = arith.constant 0 : index
    %get3A_12 = arith.constant 0 : index
    %get3A_13 = vector.load %arg4[%get3A_11, %get3A_12] : memref<1000x128xf32, #tpu.memory_space<vmem>>, vector<1000x128xf32>
    %add3A_14 = arith.addf %add3A, %get3A_13 : vector<1000x128xf32>
    %swap3A = arith.constant 0 : index
    %swap3A_15 = arith.constant 0 : index
    %swap3A_16 = vector.load %arg5[%swap3A, %swap3A_15] : memref<1000x128xf32, #tpu.memory_space<vmem>>, vector<1000x128xf32>
    tpu.vector_store %arg5[%swap3A, %swap3A_15], %mul3A_7 {strides = array<i32>} : memref<1000x128xf32, #tpu.memory_space<vmem>>, vector<1000x128xf32>,
    %swap3A_17 = arith.constant 0 : index
    %swap3A_18 = arith.constant 0 : index
    %swap3A_19 = vector.load %arg6[%swap3A_17, %swap3A_18] : memref<1000x128xf32, #tpu.memory_space<vmem>>, vector<1000x128xf32>
    tpu.vector_store %arg6[%swap3A_17, %swap3A_18], %add3A_14 {strides = array<i32>} : memref<1000x128xf32, #tpu.memory_space<vmem>>, vector<1000x128xf32>,
    %mul3A_20 = vector.broadcast %select_n3A : vector<1000x1xf32> to vector<1000x128xf32>
    %mul3A_21 = arith.mulf %mul3A_20, %add3A_14 : vector<1000x128xf32>
    %swap3A_22 = arith.constant 0 : index
    %swap3A_23 = arith.constant 0 : index
    %swap3A_24 = vector.load %arg7[%swap3A_22, %swap3A_23] : memref<1000x128xf32, #tpu.memory_space<vmem>>, vector<1000x128xf32>
    tpu.vector_store %arg7[%swap3A_22, %swap3A_23], %mul3A_21 {strides = array<i32>} : memref<1000x128xf32, #tpu.memory_space<vmem>>, vector<1000x128xf32>,
    return
  }
  func.func @transform_0(%arg0: i32) -> (i32, i32) {
    %c0_i32 = arith.constant 0 : i32
    %c0_i32_0 = arith.constant 0 : i32
    return %arg0, %c0_i32 : i32, i32
  }
  func.func @transform_1(%arg0: i32) -> (i32, i32) {
    %c0_i32 = arith.constant 0 : i32
    %c0_i32_0 = arith.constant 0 : i32
    return %arg0, %c0_i32 : i32, i32
  }
  func.func @transform_2(%arg0: i32) -> (i32, i32) {
    %c0_i32 = arith.constant 0 : i32
    %c0_i32_0 = arith.constant 0 : i32
    return %arg0, %c0_i32 : i32, i32
  }
  func.func @transform_3(%arg0: i32) -> (i32, i32) {
    %c0_i32 = arith.constant 0 : i32
    %c0_i32_0 = arith.constant 0 : i32
    return %arg0, %c0_i32 : i32, i32
  }
  func.func @transform_4(%arg0: i32) -> (i32, i32) {
    %c0_i32 = arith.constant 0 : i32
    %c0_i32_0 = arith.constant 0 : i32
    return %arg0, %c0_i32 : i32, i32
  }
  func.func @transform_5(%arg0: i32) -> (i32, i32) {
    %c0_i32 = arith.constant 0 : i32
    %c0_i32_0 = arith.constant 0 : i32
    return %arg0, %c0_i32 : i32, i32
  }
  func.func @transform_6(%arg0: i32) -> (i32, i32) {
    %c0_i32 = arith.constant 0 : i32
    %c0_i32_0 = arith.constant 0 : i32
    return %arg0, %c0_i32 : i32, i32
  }
}

module attributes {stable_mosaic.version = 14 : i64} {
  func.func @_intent_kernel(%arg0: i32, %arg1: memref<1000x128xf32, #tpu.memory_space<vmem>>, %arg2: memref<1x128x128xf32, #tpu.memory_space<vmem>>, %arg3: memref<1x128x128xf32, #tpu.memory_space<vmem>>, %arg4: memref<1000x128xf32, #tpu.memory_space<vmem>>) attributes {dimension_semantics = [#tpu.dimension_semantics<arbitrary>], iteration_bounds = array<i64: 10>, scalar_prefetch = 0 : i64, scratch_operands = 0 : i64, tpu.core_type = #tpu.core_type<tc>, window_params = [{transform_indices = @transform_0, window_bounds = array<i64: 1000, 128>}, {transform_indices = @transform_1, window_bounds = array<i64: 1, 128, 128>}, {transform_indices = @transform_2, window_bounds = array<i64: 1, 128, 128>}, {transform_indices = @transform_3, window_bounds = array<i64: 1000, 128>}]} {
    %get3A = arith.constant 0 : index
    %get3A_0 = arith.constant 0 : index
    %get3A_1 = vector.load %arg1[%get3A, %get3A_0] : memref<1000x128xf32, #tpu.memory_space<vmem>>, vector<1000x128xf32>
    %get3A_2 = arith.constant 0 : index
    %get3A_3 = arith.constant 0 : index
    %get3A_4 = arith.constant 0 : index
    %get3A_5 = vector.load %arg2[%get3A_2, %get3A_3, %get3A_4] : memref<1x128x128xf32, #tpu.memory_space<vmem>>, vector<1x128x128xf32>
    %get3A_6 = vector.shape_cast %get3A_5 : vector<1x128x128xf32> to vector<128x128xf32>
    %dot_general3A = arith.constant dense<0.000000e+00> : vector<1000x128xf32>
    %dot_general3A_7 = tpu.matmul %get3A_1, %get3A_6, %dot_general3A {dimension_numbers = #tpu.dot_dimension_numbers<[1], [0], [0], [1], [0, 0, 1, 1], [], []>, transpose_lhs_hint = false} : vector<1000x128xf32>, vector<128x128xf32>, vector<1000x128xf32> -> vector<1000x128xf32>
    %reduce_max3A = arith.constant dense<0xFF800000> : vector<1000xf32>
    %reduce_max3A_8 = vector.multi_reduction <maximumf>, %dot_general3A_7, %reduce_max3A [1] : vector<1000x128xf32> to vector<1000xf32>
    %broadcast_in_dim3A = vector.shape_cast %reduce_max3A_8 : vector<1000xf32> to vector<1000x1xf32>
    %sub3A = vector.broadcast %broadcast_in_dim3A : vector<1000x1xf32> to vector<1000x128xf32>
    %sub3A_9 = arith.subf %dot_general3A_7, %sub3A : vector<1000x128xf32>
    %exp3A = math.exp %sub3A_9 : vector<1000x128xf32>
    %reduce_sum3A = arith.constant dense<0.000000e+00> : vector<1000xf32>
    %reduce_sum3A_10 = vector.multi_reduction <add>, %exp3A, %reduce_sum3A [1] : vector<1000x128xf32> to vector<1000xf32>
    %broadcast_in_dim3A_11 = vector.shape_cast %reduce_sum3A_10 : vector<1000xf32> to vector<1000x1xf32>
    %div3A = vector.broadcast %broadcast_in_dim3A_11 : vector<1000x1xf32> to vector<1000x128xf32>
    %div3A_12 = arith.divf %exp3A, %div3A : vector<1000x128xf32>
    %get3A_13 = arith.constant 0 : index
    %get3A_14 = arith.constant 0 : index
    %get3A_15 = arith.constant 0 : index
    %get3A_16 = vector.load %arg3[%get3A_13, %get3A_14, %get3A_15] : memref<1x128x128xf32, #tpu.memory_space<vmem>>, vector<1x128x128xf32>
    %get3A_17 = vector.shape_cast %get3A_16 : vector<1x128x128xf32> to vector<128x128xf32>
    %dot_general3A_18 = arith.constant dense<0.000000e+00> : vector<1000x128xf32>
    %dot_general3A_19 = tpu.matmul %div3A_12, %get3A_17, %dot_general3A_18 {dimension_numbers = #tpu.dot_dimension_numbers<[1], [0], [0], [1], [0, 0, 1, 1], [], []>, transpose_lhs_hint = false} : vector<1000x128xf32>, vector<128x128xf32>, vector<1000x128xf32> -> vector<1000x128xf32>
    %swap3A = arith.constant 0 : index
    %swap3A_20 = arith.constant 0 : index
    %swap3A_21 = vector.load %arg4[%swap3A, %swap3A_20] : memref<1000x128xf32, #tpu.memory_space<vmem>>, vector<1000x128xf32>
    tpu.vector_store %arg4[%swap3A, %swap3A_20], %dot_general3A_19 {strides = array<i32>} : memref<1000x128xf32, #tpu.memory_space<vmem>>, vector<1000x128xf32>,
    return
  }
  func.func @transform_0(%arg0: i32) -> (i32, i32) {
    %c0_i32 = arith.constant 0 : i32
    %c0_i32_0 = arith.constant 0 : i32
    return %arg0, %c0_i32 : i32, i32
  }
  func.func @transform_1(%arg0: i32) -> (i32, i32, i32) {
    %jit3A = arith.constant 5 : i32
    %div3A = arith.divsi %arg0, %jit3A : i32
    %sign3A = arith.constant 0 : i32
    %sign3A_0 = arith.cmpi sgt, %arg0, %sign3A : i32
    %sign3A_1 = arith.extui %sign3A_0 : i1 to i32
    %sign3A_2 = arith.constant 0 : i32
    %sign3A_3 = arith.cmpi slt, %arg0, %sign3A_2 : i32
    %sign3A_4 = arith.extui %sign3A_3 : i1 to i32
    %sign3A_5 = arith.subi %sign3A_1, %sign3A_4 : i32
    %sign3A_6 = arith.constant 0 : i32
    %sign3A_7 = arith.cmpi sgt, %jit3A, %sign3A_6 : i32
    %sign3A_8 = arith.extui %sign3A_7 : i1 to i32
    %sign3A_9 = arith.constant 0 : i32
    %sign3A_10 = arith.cmpi slt, %jit3A, %sign3A_9 : i32
    %sign3A_11 = arith.extui %sign3A_10 : i1 to i32
    %sign3A_12 = arith.subi %sign3A_8, %sign3A_11 : i32
    %ne3A = arith.cmpi ne, %sign3A_5, %sign3A_12 : i32
    %rem3A = arith.remsi %arg0, %jit3A : i32
    %ne3A_13 = arith.constant 0 : i32
    %ne3A_14 = arith.cmpi ne, %rem3A, %ne3A_13 : i32
    %and3A = arith.andi %ne3A, %ne3A_14 : i1
    %sub3A = arith.constant 1 : i32
    %sub3A_15 = arith.subi %div3A, %sub3A : i32
    %select_n3A = arith.select %and3A, %sub3A_15, %div3A : i32
    %c0_i32 = arith.constant 0 : i32
    %c0_i32_16 = arith.constant 0 : i32
    %c0_i32_17 = arith.constant 0 : i32
    return %select_n3A, %c0_i32, %c0_i32_16 : i32, i32, i32
  }
  func.func @transform_2(%arg0: i32) -> (i32, i32, i32) {
    %jit3A = arith.constant 5 : i32
    %div3A = arith.divsi %arg0, %jit3A : i32
    %sign3A = arith.constant 0 : i32
    %sign3A_0 = arith.cmpi sgt, %arg0, %sign3A : i32
    %sign3A_1 = arith.extui %sign3A_0 : i1 to i32
    %sign3A_2 = arith.constant 0 : i32
    %sign3A_3 = arith.cmpi slt, %arg0, %sign3A_2 : i32
    %sign3A_4 = arith.extui %sign3A_3 : i1 to i32
    %sign3A_5 = arith.subi %sign3A_1, %sign3A_4 : i32
    %sign3A_6 = arith.constant 0 : i32
    %sign3A_7 = arith.cmpi sgt, %jit3A, %sign3A_6 : i32
    %sign3A_8 = arith.extui %sign3A_7 : i1 to i32
    %sign3A_9 = arith.constant 0 : i32
    %sign3A_10 = arith.cmpi slt, %jit3A, %sign3A_9 : i32
    %sign3A_11 = arith.extui %sign3A_10 : i1 to i32
    %sign3A_12 = arith.subi %sign3A_8, %sign3A_11 : i32
    %ne3A = arith.cmpi ne, %sign3A_5, %sign3A_12 : i32
    %rem3A = arith.remsi %arg0, %jit3A : i32
    %ne3A_13 = arith.constant 0 : i32
    %ne3A_14 = arith.cmpi ne, %rem3A, %ne3A_13 : i32
    %and3A = arith.andi %ne3A, %ne3A_14 : i1
    %sub3A = arith.constant 1 : i32
    %sub3A_15 = arith.subi %div3A, %sub3A : i32
    %select_n3A = arith.select %and3A, %sub3A_15, %div3A : i32
    %c0_i32 = arith.constant 0 : i32
    %c0_i32_16 = arith.constant 0 : i32
    %c0_i32_17 = arith.constant 0 : i32
    return %select_n3A, %c0_i32, %c0_i32_16 : i32, i32, i32
  }
  func.func @transform_3(%arg0: i32) -> (i32, i32) {
    %c0_i32 = arith.constant 0 : i32
    %c0_i32_0 = arith.constant 0 : i32
    return %arg0, %c0_i32 : i32, i32
  }
}

module attributes {stable_mosaic.version = 14 : i64} {
  func.func @_combine2_kernel(%arg0: i32, %arg1: memref<1000x128xf32, #tpu.memory_space<vmem>>, %arg2: memref<1000x128xf32, #tpu.memory_space<vmem>>, %arg3: memref<1000x128xf32, #tpu.memory_space<vmem>>, %arg4: memref<1000x128xf32, #tpu.memory_space<vmem>>, %arg5: memref<1000x128xf32, #tpu.memory_space<vmem>>, %arg6: memref<1000x128xf32, #tpu.memory_space<vmem>>, %arg7: memref<1000x128xf32, #tpu.memory_space<vmem>>) attributes {dimension_semantics = [#tpu.dimension_semantics<arbitrary>], iteration_bounds = array<i64: 10>, scalar_prefetch = 0 : i64, scratch_operands = 0 : i64, tpu.core_type = #tpu.core_type<tc>, window_params = [{transform_indices = @transform_0, window_bounds = array<i64: 1000, 128>}, {transform_indices = @transform_1, window_bounds = array<i64: 1000, 128>}, {transform_indices = @transform_2, window_bounds = array<i64: 1000, 128>}, {transform_indices = @transform_3, window_bounds = array<i64: 1000, 128>}, {transform_indices = @transform_4, window_bounds = array<i64: 1000, 128>}, {transform_indices = @transform_5, window_bounds = array<i64: 1000, 128>}, {transform_indices = @transform_6, window_bounds = array<i64: 1000, 128>}]} {
    %get3A = arith.constant 0 : index
    %get3A_0 = arith.constant 0 : index
    %get3A_1 = vector.load %arg1[%get3A, %get3A_0] : memref<1000x128xf32, #tpu.memory_space<vmem>>, vector<1000x1xf32>
    %gt3A = arith.constant 0.000000e+00 : f32
    %gt3A_2 = vector.broadcast %gt3A : f32 to vector<1000x1xf32>
    %gt3A_3 = arith.cmpf ogt, %get3A_1, %gt3A_2 : vector<1000x1xf32>
    %rsqrt3A = math.rsqrt %get3A_1 : vector<1000x1xf32>
    %jit3A = arith.constant 0.000000e+00 : f32
    %broadcast_in_dim3A = vector.broadcast %jit3A : f32 to vector<1000x1xf32>
    %select_n3A = arith.select %gt3A_3, %rsqrt3A, %broadcast_in_dim3A : vector<1000x1xi1>, vector<1000x1xf32>
    %get3A_4 = arith.constant 0 : index
    %get3A_5 = arith.constant 0 : index
    %get3A_6 = vector.load %arg2[%get3A_4, %get3A_5] : memref<1000x128xf32, #tpu.memory_space<vmem>>, vector<1000x128xf32>
    %mul3A = vector.broadcast %select_n3A : vector<1000x1xf32> to vector<1000x128xf32>
    %mul3A_7 = arith.mulf %mul3A, %get3A_6 : vector<1000x128xf32>
    %swap3A = arith.constant 0 : index
    %swap3A_8 = arith.constant 0 : index
    %swap3A_9 = vector.load %arg6[%swap3A, %swap3A_8] : memref<1000x128xf32, #tpu.memory_space<vmem>>, vector<1000x128xf32>
    tpu.vector_store %arg6[%swap3A, %swap3A_8], %mul3A_7 {strides = array<i32>} : memref<1000x128xf32, #tpu.memory_space<vmem>>, vector<1000x128xf32>,
    %get3A_10 = arith.constant 0 : index
    %get3A_11 = arith.constant 0 : index
    %get3A_12 = vector.load %arg4[%get3A_10, %get3A_11] : memref<1000x128xf32, #tpu.memory_space<vmem>>, vector<1000x128xf32>
    %get3A_13 = arith.constant 0 : index
    %get3A_14 = arith.constant 0 : index
    %get3A_15 = vector.load %arg5[%get3A_13, %get3A_14] : memref<1000x128xf32, #tpu.memory_space<vmem>>, vector<1000x128xf32>
    %mul3A_16 = arith.constant 2.000000e+00 : f32
    %mul3A_17 = vector.broadcast %mul3A_16 : f32 to vector<1000x128xf32>
    %mul3A_18 = arith.mulf %mul3A_17, %get3A_15 : vector<1000x128xf32>
    %add3A = arith.addf %get3A_12, %mul3A_18 : vector<1000x128xf32>
    %add3A_19 = arith.addf %add3A, %mul3A_7 : vector<1000x128xf32>
    %get3A_20 = arith.constant 0 : index
    %get3A_21 = arith.constant 0 : index
    %get3A_22 = vector.load %arg3[%get3A_20, %get3A_21] : memref<1000x128xf32, #tpu.memory_space<vmem>>, vector<1000x128xf32>
    %add3A_23 = arith.addf %add3A_19, %get3A_22 : vector<1000x128xf32>
    %swap3A_24 = arith.constant 0 : index
    %swap3A_25 = arith.constant 0 : index
    %swap3A_26 = vector.load %arg7[%swap3A_24, %swap3A_25] : memref<1000x128xf32, #tpu.memory_space<vmem>>, vector<1000x128xf32>
    tpu.vector_store %arg7[%swap3A_24, %swap3A_25], %add3A_23 {strides = array<i32>} : memref<1000x128xf32, #tpu.memory_space<vmem>>, vector<1000x128xf32>,
    return
  }
  func.func @transform_0(%arg0: i32) -> (i32, i32) {
    %c0_i32 = arith.constant 0 : i32
    %c0_i32_0 = arith.constant 0 : i32
    return %arg0, %c0_i32 : i32, i32
  }
  func.func @transform_1(%arg0: i32) -> (i32, i32) {
    %c0_i32 = arith.constant 0 : i32
    %c0_i32_0 = arith.constant 0 : i32
    return %arg0, %c0_i32 : i32, i32
  }
  func.func @transform_2(%arg0: i32) -> (i32, i32) {
    %c0_i32 = arith.constant 0 : i32
    %c0_i32_0 = arith.constant 0 : i32
    return %arg0, %c0_i32 : i32, i32
  }
  func.func @transform_3(%arg0: i32) -> (i32, i32) {
    %c0_i32 = arith.constant 0 : i32
    %c0_i32_0 = arith.constant 0 : i32
    return %arg0, %c0_i32 : i32, i32
  }
  func.func @transform_4(%arg0: i32) -> (i32, i32) {
    %c0_i32 = arith.constant 0 : i32
    %c0_i32_0 = arith.constant 0 : i32
    return %arg0, %c0_i32 : i32, i32
  }
  func.func @transform_5(%arg0: i32) -> (i32, i32) {
    %c0_i32 = arith.constant 0 : i32
    %c0_i32_0 = arith.constant 0 : i32
    return %arg0, %c0_i32 : i32, i32
  }
  func.func @transform_6(%arg0: i32) -> (i32, i32) {
    %c0_i32 = arith.constant 0 : i32
    %c0_i32_0 = arith.constant 0 : i32
    return %arg0, %c0_i32 : i32, i32
  }
}

</mosaic_0001>

<sc_bundles>
// kernel: kernel.10.cloned.1.call-start
scs
__scs_entry_jumppad:
0x0: {  	(pc) =	sbr.rel $0x88, $3  }
0x1: {  	(tag) =	ssettag $0x0;
	lr =	simm.s32 $0x1  }
0x2: {  	[smem:$0x3F9C] =	sst lr;
	_ =	strace $0xD0000000  }
0x3: {  	_ = 	snop  }
0x4: {  	_ = 	snop  }
0x5: {  	_ = 	snop  }
0x6: {  	_ = 	snop  }
0x7: {  	_ = 	snop  }
__scs_overlays_trampoline_lowered:
0x8: {  	[smem:$0x3FAB] =	sst s0  }
0x9: {  	[smem:$0x3FAC] =	sst s1  }
0xa: {  	[smem:$0x3FAD] =	sst s2  }
0xb: {  	[smem:$0x3FAE] =	sst s3  }
0xc: {  	[smem:$0x3FAF] =	sst s4  }
0xd: {  	[smem:$0x3FB0] =	sst s5  }
0xe: {  	[smem:$0x3FB1] =	sst s6  }
0xf: {  	[smem:$0x3FB2] =	sst s7  }
0x10: {  	[smem:$0x3FB3] =	sst s8  }
0x11: {  	[smem:$0x3FB4] =	sst s9;
	s0 =	simm.s32 @!p0 $0x0  }
0x12: {  	s1 =	sld [smem:$0x3F9A];
	s0 =	simm.s32 @p0 $0x1  }
0x13: {  	[smem:$0x3FB5] =	sst s0;
	s0 =	simm.s32 @!p1 $0x0  }
0x14: {  	s2 =	sld [smem:$0x3F99];
	s0 =	simm.s32 @p1 $0x1  }
0x15: {  	[smem:$0x3FB6] =	sst s0;
	s0 =	simm.s32 @!p2 $0x0  }
0x16: {  	s3 =	sld [smem:$0x3FDB];
	s0 =	simm.s32 @p2 $0x1  }
0x17: {  	s4 =	simm.s32 $0x1BF5;
	[smem:$0x3FB8] =	sst s0  }
0x18: {  	s0 =	sld [smem:$0x3F9B];
	_ =	swait.ge [sflag:s4], $0x0  }
0x19: {  	s7 =	sld [smem:$0x3F9C]  }
0x1a: {  	s8 =	sadd.s32 $0xFFFFE003, lr  }
0x1b: {  	s9 =	sadd.s32 $0xFFFFFEF7, lr;
	s5 =	simm.s32 $0xFFFFFFFF;
	p2 =	slt.u32 s8, $0xFFFFF086  }
0x1c: {  	p1 =	slt.u32 s9, $0xF7A;
	s5 =	simm.s32 @!p2 $0x0  }
0x1d: {  	s5 =	simm.s32 @p1 $0x1;
	p0 =	seq.s32 s7, s2  }
0x1e: {  	s7 =	smul.u32 @!p0 $0xF7A, s2;
	p2 =	seq.s32 @!p0 s5, $0x0  }
0x1f: {  	s9 =	smul.u32 $0xF7A, s1;
	s8 =	simm.s32 @!p0 $0x1BF5;
	p2 =	por !p2, p0  }
0x20: {  	[sflag:s8] =	ssyncset.s32 @!p0 $0xFFFFF086;
	s6 =	sadd.s32 @!p0 s3, s7;
	s7 =	simm.s32 @!p0 $0x108  }
0x21: {  	s3 =	sadd.s32 s3, s9;
	s6 =	sadd.s32 @!p0 $0x88, s6;
	s7 =	simm.s32 @p2 $0x1082  }
0x22: {  	[simem:s7], [sflag:s8] =	dma.local @!p0 [hbm:s6], $0xF7A  }
0x23: {  	s9 =	sor.u32 $0xD0000000, s2;
	s6 =	simm.s32 $0x108;
	_ =	swait.ge @!p0 [sflag:s8], $0x0  }
0x24: {  	s3 =	sadd.s32 $0x88, s3;
	s6 =	simm.s32 @!p1 $0x1082;
	[sflag:s4] =	ssyncset.s32 $0xFFFFF086  }
0x25: {  	[simem:s6], [sflag:s4] =	dma.local [hbm:s3], $0xF7A  }
0x26: {  	[smem:$0x3F9C] =	sst s1;
	(tag) =	ssettag s2;
	_ =	strace s9  }
0x27: {  	s1 =	sld [smem:$0x3FAC]  }
0x28: {  	s2 =	sld [smem:$0x3FAD]  }
0x29: {  	s4 =	sld [smem:$0x3FAF]  }
0x2a: {  	p0 =	seq.s32 s5, $0x0;
	s5 =	sld [smem:$0x3FB0]  }
0x2b: {  	s6 =	sld [smem:$0x3FB1]  }
0x2c: {  	s7 =	sld [smem:$0x3FB2]  }
0x2d: {  	s3 =	simm.s32 $0x108;
	s8 =	sld [smem:$0x3FB3]  }
0x2e: {  	s3 =	simm.s32 @!p0 $0x1082;
	s9 =	sld [smem:$0x3FB4]  }
0x2f: {  	lr =	sadd.s32 s0, s3;
	s0 =	sld [smem:$0x3FAB]  }
0x30: {  	s3 =	sld [smem:$0x3FAE]  }
0x31: {  	[smem:$0x3FB7] =	sst s10  }
0x32: {  	s10 =	sld [smem:$0x3FB5];
	_ =	sdelay $0x3  }
0x33: {  	p0 =	seq.s32 s10, $0x1;
	s10 =	sld [smem:$0x3FB7];
	_ =	sdelay $0x3  }
0x34: {  	[smem:$0x3FB7] =	sst s10  }
0x35: {  	s10 =	sld [smem:$0x3FB6];
	_ =	sdelay $0x3  }
0x36: {  	p1 =	seq.s32 s10, $0x1;
	s10 =	sld [smem:$0x3FB7];
	_ =	sdelay $0x3  }
0x37: {  	[smem:$0x3FB7] =	sst s10  }
0x38: {  	s10 =	sld [smem:$0x3FB8]  }
0x39: {  	_ = 	snop;
	(pc) =	sbr.ind lr, $3  }
0x3a: {  	_ = 	snop  }
0x3b: {  	_ = 	snop  }
0x3c: {  	p2 =	seq.s32 s10, $0x1;
	s10 =	sld [smem:$0x3FB7]  }
0x3d: {  	_ =	shalt  }
0x3e: {  	_ =	shalt  }
0x3f: {  	_ =	shalt  }
0x40: {  	_ =	shalt  }
0x41: {  	_ =	shalt  }
0x42: {  	_ =	shalt  }
0x43: {  	_ =	shalt  }
0x44: {  	_ =	shalt  }
0x45: {  	_ =	shalt  }
0x46: {  	_ =	shalt  }
0x47: {  	_ =	shalt  }
0x48: {  	_ =	shalt  }
0x49: {  	_ =	shalt  }
0x4a: {  	_ =	shalt  }
0x4b: {  	_ =	shalt  }
0x4c: {  	_ =	shalt  }
0x4d: {  	_ =	shalt  }
0x4e: {  	_ =	shalt  }
0x4f: {  	_ =	shalt  }
0x50: {  	_ =	shalt  }
0x51: {  	_ =	shalt  }
0x52: {  	_ =	shalt  }
0x53: {  	_ =	shalt  }
0x54: {  	_ =	shalt  }
0x55: {  	_ =	shalt  }
0x56: {  	_ =	shalt  }
0x57: {  	_ =	shalt  }
0x58: {  	_ =	shalt  }
0x59: {  	_ =	shalt  }
0x5a: {  	_ =	shalt  }
0x5b: {  	_ =	shalt  }
0x5c: {  	_ =	shalt  }
0x5d: {  	_ =	shalt  }
0x5e: {  	_ =	shalt  }
0x5f: {  	_ =	shalt  }
0x60: {  	_ =	shalt  }
0x61: {  	_ =	shalt  }
0x62: {  	_ =	shalt  }
0x63: {  	_ =	shalt  }
0x64: {  	_ =	shalt  }
0x65: {  	_ =	shalt  }
0x66: {  	_ =	shalt  }
0x67: {  	_ =	shalt  }
0x68: {  	_ =	shalt  }
0x69: {  	_ =	shalt  }
0x6a: {  	_ =	shalt  }
0x6b: {  	_ =	shalt  }
0x6c: {  	_ =	shalt  }
0x6d: {  	_ =	shalt  }
0x6e: {  	_ =	shalt  }
0x6f: {  	_ =	shalt  }
0x70: {  	_ =	shalt  }
0x71: {  	_ =	shalt  }
0x72: {  	_ =	shalt  }
0x73: {  	_ =	shalt  }
0x74: {  	_ =	shalt  }
0x75: {  	_ =	shalt  }
0x76: {  	_ =	shalt  }
0x77: {  	_ =	shalt  }
0x78: {  	_ =	shalt  }
0x79: {  	_ =	shalt  }
0x7a: {  	_ =	shalt  }
0x7b: {  	_ =	shalt  }
0x7c: {  	_ =	shalt  }
0x7d: {  	_ =	shalt  }
0x7e: {  	_ =	shalt  }
0x7f: {  	_ =	shalt  }
0x80: {  	_ =	shalt  }
0x81: {  	_ =	shalt  }
0x82: {  	_ =	shalt  }
0x83: {  	_ =	shalt  }
0x84: {  	_ =	shalt  }
0x85: {  	_ =	shalt  }
0x86: {  	_ =	shalt  }
0x87: {  	_ =	shalt  }
.Lfunc_end0:
.L_simem_size_0:
called_computation_lowered:
.L_overlay_start_0:
0x88: {  	s2 =	sld [smem:$0x3FD9]  }
0x89: {  	s3 =	sld [smem:$0x3FFE];
	_ =	sdelay $0x1  }
0x8a: {  	s1 =	srdreg.scid  }
0x8b: {  	s0 =	sand.u32 $0x1, s1  }
0x8c: {  	s14 =	sshll.u32 s0, $0xA;
	s2 =	sadd.s32 s3, s2  }
0x8d: {  	s2 =	sadd.s32 s2, s14  }
0x8e: {  	[smem:$0x3FC3] =	sst s2  }
0x8f: {  	_ = 	snop  }
0x90: {  	s2 =	sld [smem:$0x3FD0];
	_ =	sdelay $0x2  }
0x91: {  	s15 =	simm.s32 $0xA;
	s4 =	simm.s32 $0x10  }
0x92: {  	[smem:s4], [sflag:s15] =	dma.local [hbm:s2], $0x1  }
0x93: {  	_ =	swait.eq [sflag:s15], $0x1  }
0x94: {  	[sflag:s15] =	ssyncset.done $0x0  }
0x95: {  	[sflag:s15] =	ssyncadd.s32 $0xFFFFFFFF  }
0x96: {  	s16 =	sld [smem:$0x11];
	(tm) =	ssettm $0x1  }
0x97: {  	s17 =	sld [smem:$0x3FFB];
	_ =	sdelay $0x3  }
0x98: {  	_ =	strace s17  }
0x99: {  	s3 =	sld [smem:$0x3FFC];
	_ =	sdelay $0x3  }
0x9a: {  	_ =	strace s3  }
0x9b: {  	s3 =	sld [smem:$0x3FFD];
	_ =	sdelay $0x3  }
0x9c: {  	_ =	strace s3  }
0x9d: {  	_ =	strace $0x8FFFFFFF  }
0x9e: {  	s18 =	sld [smem:$0x3FDB];
	_ =	sdelay $0x1  }
0x9f: {  	s19 =	simm.s32 $_scs_section_size  }
0xa0: {  	s5 =	simm.s32 $_size__tile_overlayer_lowered;
	s6 =	simm.s32 $_tile_overlayer_lowered  }
0xa1: {  	s22 =	simm.s32 $0x1BFF;
	s21 =	sshll.u32 s6, $0x1;
	s3 =	sadd.s32 s19, s18  }
0xa2: {  	s7 =	simm.s32 $0x0;
	s20 =	sshll.u32 s5, $0x1;
	s5 =	sadd.s32 s21, s3  }
0xa3: {  	[timem:s7], [sflag:s22] =	dma.local [hbm:s5], s20  }
0xa4: {  	_ =	swait.ge [sflag:s22], s20  }
0xa5: {  	s4 =	ssub.s32 $0x0, s20;
	[sflag:s22] =	ssyncset.done $0x0  }
0xa6: {  	[sflag:s22] =	ssyncadd.s32 s4;
	_ =	sdelay $0x1  }
0xa7: {  	s23 =	simm.s32 $0x1B8B  }
0xa8: {  	_ =	swait.ge [sflag:s23], $0x1  }
0xa9: {  	[sflag:s23] =	ssyncset.done $0x0  }
0xaa: {  	s25 =	simm.s32 $0x1B8E;
	s24 =	sld [smem:$0x3FFE];
	[sflag:s23] =	ssyncadd.s32 $0xFFFFFFFF  }
0xab: {  	s26 =	simm.s32 $execute0_lowered;
	[smem:$0x3FD2] =	sst s25  }
0xac: {  	s5 =	sshll.u32 s26, $0x1;
	_ =	strace $0x80000046;
	[dreg:$0x1] =	wrdreg $0xFFFFFFFF  }
0xad: {  	s28 =	simm.s32 $_size_execute0_lowered;
	s3 =	sadd.s32 s3, s5;
	[dreg:$0x0] =	wrdreg $0x0  }
0xae: {  	s5 =	sshll.u32 s28, $0x1;
	[dreg:$0x2] =	wrdreg s3  }
0xaf: {  	[dreg:$0x3] =	wrdreg s5  }
0xb0: {  	[dreg:$0x4] =	wrdreg $0xC0  }
0xb1: {  	_ =	task [dreg:s7], $0x5FFFF  }
0xb2: {  	[dreg:$0x1] =	wrdreg $0xFFFFFFFF  }
0xb3: {  	[dreg:$0x0] =	wrdreg $0x60  }
0xb4: {  	[dreg:$0x2] =	wrdreg s16  }
0xb5: {  	[dreg:$0x3] =	wrdreg s24  }
0xb6: {  	[dreg:$0x4] =	wrdreg $0x4C000  }
0xb7: {  	[dreg:$0x5] =	wrdreg $0x9  }
0xb8: {  	_ =	task.clear_ibuf [dreg:s7], $0x6FFFF;
	_ =	strace $0x90000046  }
0xb9: {  	s29 =	simm.s32 $0x9;
	_ =	strace $0x80000048  }
0xba: {  	_ =	swait.ge [sflag:s29], $0x1  }
0xbb: {  	[sflag:s29] =	ssyncadd.s32 $0xFFFFFFFF  }
0xbc: {  	_ =	strace $0x90000048  }
0xbd: {  	_ =	sfence  }
0xbe: {  	s30 =	sld [smem:$0x0];
	_ =	sdelay $0x2  }
0xbf: {  	s31 =	sshll.u32 s1, $0xD;
	s1 =	sshrl.u32 s1, $0x2  }
0xc0: {  	s3 =	sand.u32 $0x4000, s31;
	s1 =	sadd.s32 s1, s30  }
0xc1: {  	s0 =	sor.u32 s3, s0;
	s1 =	sshll.u32 s1, $0x11  }
0xc2: {  	s0 =	sor.u32 s1, s0  }
0xc3: {  	s0 =	sadd.s32 $0x8F2B, s0  }
0xc4: {  	[sflag:s0] =	ssyncadd.remote.s32 $0x1  }
0xc5: {  	_ =	sfence.sel $0xFFFF  }
0xc6: {  	[dreg:$0x0] =	wrdreg $0xFFFFFFFF;
	(pc) =	sbr.abs _section_cstart, $3  }
0xc7: {  	[dreg:$0x1] =	wrdreg $0xFFFFFFFF  }
0xc8: {  	_ =	task.clear_ibuf [dreg:s7], $0x2FFFF;
	_ =	strace $0x9FFFFFFF  }
0xc9: {  	(tm) =	ssettm $0x7FFFFFFF  }
tec
execute0_lowered:
.L_overlay_start_1:
0x0: {  	(tag) =	ssettag $0x1  }
0x1: {  	s7 =	rddreg [dreg:$0x0]  }
0x2: {  	s3 =	rddreg [dreg:$0x1]  }
0x3: {  	s1 =	rddreg [dreg:$0x2]  }
0x4: {  	s2 =	srdreg.scid;
	s0 =	rddreg [dreg:$0x3]  }
0x5: {  	s14 =	stileid.u32;
	s15 =	simm.s32 $0x1;
	s16 =	simm.s32 $0x80  }
0x6: {  	s17 =	simm.s32 $0x300;
	s18 =	simm.s32 $0x380;
	s4 =	smul.u32 $0x27000, s14  }
0x7: {  	s20 =	simm.s32 $0x4400;
	s21 =	simm.s32 $0x0;
	s8 =	smul.u32 $0x138, s14  }
0x8: {  	s6 =	sand.u32 $0x1, s2;
	s2 =	simm.s32 $0x0;
	s10 =	smul.u32 $0x2710, s14  }
0x9: {  	s11 =	sadd.s32 $0x2C00, s3;
	p0 =	sne.s32 s14, $0x0;
	s19 =	smul.u32 $0x1388, s6  }
0xa: {  	s14 =	simm.s32 $0x400;
	[smem:$0x7FF] =	sst s2;
	s9 =	smul.u32 $0x27100, s6  }
0xb: {  	s5 =	ssub.s32 $0x2, s6;
	s31 =	smul.u32 $0x9C400, s6;
	s6 =	sadd.s32 $0x9C000, s1  }
0xc: {  	_ =	strace $0x80000047;
	s29 =	sshrl.u32 s4, $0x2;
	s30 =	sshrl.u32 s5, $0x1  }
0xd: {  	s3 =	sadd.s32 s29, s1;
	s13 =	ssub.s32 s5, s30;
	s9 =	sadd.s32 s10, s9  }
0xe: {  	s8 =	sadd.s32 s8, s19;
	s12 =	sshrl.u32 s31, $0x3;
	v0 =	vmov s19;
	s19 =	simm.s32 $0x10  }
0xf: {  	s4 =	sadd.s32 $0x4000, s3;
	s5 =	sadd.s32 $0x8000, s3;
	s9 =	sshrl.u32 s9, $0x3  }
0x10: {  	s8 =	sshll.u32 s8, $0x4;
	s12 =	sadd.s32 s11, s12;
	s13 =	smax.u32 s13, $0x1  }
0x11: {  	s7 =	sadd.s32 s9, s7;
	s8 =	sadd.s32 s11, s8;
	s12 =	sadd.s32 $0x13800, s12  }
0x12: {  	v1 =	vimm.f32 $0.0e+00;
	v2 =	vimm.f32 $1.000000000e+00;
	s9 =	sadd.s32 $0x4E0, s7;
	s10 =	sadd.s32 $0x800, s8;
	s11 =	sadd.s32 $0x1000, s8  }
.LBB2_1:
0x13: {  	s22 =	simm.s32 $0x0;
	s23 =	simm.s32 $0x200  }
.LBB2_2:
0x14: {  	p1 =	sne.s32 s23, $0xFE00;
	[tilespmem:s22+$0x470] =	vst v1  }
0x15: {  	[tilespmem:s22+$0x400] =	vst v1  }
0x16: {  	[tilespmem:s22+$0x410] =	vst v1  }
.Ltmp0:
0x17: {  	[tilespmem:s22+$0x420] =	vst v1;
	(pc) =	sbr.rel @p1 .LBB2_2-.Ltmp0, $4  }
0x18: {  	[tilespmem:s22+$0x430] =	vst v1  }
0x19: {  	[tilespmem:s22+$0x440] =	vst v1  }
0x1a: {  	[tilespmem:s22+$0x450] =	vst v1  }
0x1b: {  	[tilespmem:s22+$0x460] =	vst v1;
	s22 =	sshra.s32 s23, $0x2;
	s23 =	sadd.s32 $0x200, s23  }
0x1c: {  	[tilespmem:s22+$0x470] =	vst v1  }
0x1d: {  	[tilespmem:s22+$0x400] =	vst v1  }
0x1e: {  	[tilespmem:s22+$0x410] =	vst v1  }
0x1f: {  	[tilespmem:s22+$0x420] =	vst v1  }
0x20: {  	[tilespmem:s22+$0x430] =	vst v1  }
0x21: {  	[tilespmem:s22+$0x440] =	vst v1  }
0x22: {  	[tilespmem:s22+$0x450] =	vst v1  }
0x23: {  	[tilespmem:s22+$0x460] =	vst v1  }
0x24: {  	[spmem:s3] =	stream.linear.scatter [tilespmem:s14], [sflag:$0x1], $0x4000, $0x38;
	[tilespmem:$0xE840] =	vst v63  }
0x25: {  	_ =	swait.ge [sflag:s15], $0x4000  }
0x26: {  	[sflag:s15] =	ssyncset.done $0x0  }
0x27: {  	[sflag:s15] =	ssyncadd.s32 $0xFFFFC000  }
0x28: {  	[spmem:s4] =	stream.linear.scatter [tilespmem:s14], [sflag:$0x1], $0x4000, $0x38;
	[tilespmem:$0xE840] =	vst v63  }
0x29: {  	_ =	swait.ge [sflag:s15], $0x4000  }
0x2a: {  	[sflag:s15] =	ssyncset.done $0x0  }
0x2b: {  	[sflag:s15] =	ssyncadd.s32 $0xFFFFC000  }
0x2c: {  	[spmem:s5] =	stream.linear.scatter [tilespmem:s14], [sflag:$0x1], $0x1C00, $0x38;
	[tilespmem:$0xE840] =	vst v63  }
0x2d: {  	_ =	swait.ge [sflag:s15], $0x1C00  }
0x2e: {  	[sflag:s15] =	ssyncset.done $0x0  }
0x2f: {  	s22 =	simm.s32 @!p0 $0x400;
	[sflag:s15] =	ssyncadd.s32 $0xFFFFE400  }
0x30: {  	[spmem:s6] =	stream.linear.scatter @!p0 [tilespmem:s22], [sflag:$0x1], $0x400, $0x38;
	[tilespmem:$0xE840] =	vst v63  }
0x31: {  	s22 =	simm.s32 @!p0 $0x1  }
0x32: {  	_ =	swait.ge @!p0 [sflag:s22], $0x400  }
0x33: {  	[sflag:s22] =	ssyncset.done @!p0 $0x0  }
0x34: {  	s23 =	simm.s32 $0x200;
	[sflag:s22] =	ssyncadd.s32 @!p0 $0xFFFFFC00;
	s22 =	simm.s32 $0x0  }
.LBB2_4:
0x35: {  	p1 =	sne.s32 s23, $0xFE00;
	[tilespmem:s22+$0x470] =	vst v2  }
0x36: {  	[tilespmem:s22+$0x400] =	vst v2  }
0x37: {  	[tilespmem:s22+$0x410] =	vst v2  }
.Ltmp1:
0x38: {  	[tilespmem:s22+$0x420] =	vst v2;
	(pc) =	sbr.rel @p1 .LBB2_4-.Ltmp1, $4  }
0x39: {  	[tilespmem:s22+$0x430] =	vst v2  }
0x3a: {  	[tilespmem:s22+$0x440] =	vst v2  }
0x3b: {  	[tilespmem:s22+$0x450] =	vst v2  }
0x3c: {  	[tilespmem:s22+$0x460] =	vst v2;
	s22 =	sshra.s32 s23, $0x2;
	s23 =	sadd.s32 $0x200, s23  }
0x3d: {  	[tilespmem:s22+$0x470] =	vst v2  }
0x3e: {  	[tilespmem:s22+$0x400] =	vst v2  }
0x3f: {  	[tilespmem:s22+$0x410] =	vst v2  }
0x40: {  	[tilespmem:s22+$0x420] =	vst v2  }
0x41: {  	[tilespmem:s22+$0x430] =	vst v2  }
0x42: {  	[tilespmem:s22+$0x440] =	vst v2  }
0x43: {  	[tilespmem:s22+$0x450] =	vst v2  }
0x44: {  	[tilespmem:s22+$0x460] =	vst v2;
	s22 =	simm.s32 $0x0;
	s23 =	simm.s32 $0x200  }
.LBB2_6:
0x45: {  	p1 =	sne.s32 s23, $0x1E00;
	[tilespmem:s22+$0x4470] =	vst v2  }
0x46: {  	[tilespmem:s22+$0x4400] =	vst v2  }
0x47: {  	[tilespmem:s22+$0x4410] =	vst v2  }
.Ltmp2:
0x48: {  	[tilespmem:s22+$0x4420] =	vst v2;
	(pc) =	sbr.rel @p1 .LBB2_6-.Ltmp2, $4  }
0x49: {  	[tilespmem:s22+$0x4430] =	vst v2  }
0x4a: {  	[tilespmem:s22+$0x4440] =	vst v2  }
0x4b: {  	[tilespmem:s22+$0x4450] =	vst v2  }
0x4c: {  	[tilespmem:s22+$0x4460] =	vst v2;
	s22 =	sshra.s32 s23, $0x2;
	s23 =	sadd.s32 $0x200, s23  }
0x4d: {  	[tilespmem:s22+$0x4470] =	vst v2  }
0x4e: {  	[tilespmem:s22+$0x4400] =	vst v2  }
0x4f: {  	[tilespmem:s22+$0x4410] =	vst v2  }
0x50: {  	[tilespmem:s22+$0x4420] =	vst v2  }
0x51: {  	[tilespmem:s22+$0x4430] =	vst v2  }
0x52: {  	[tilespmem:s22+$0x4440] =	vst v2  }
0x53: {  	[tilespmem:s22+$0x4450] =	vst v2  }
0x54: {  	[tilespmem:s22+$0x4460] =	vst v2  }
0x55: {  	s31 =	sadd.s32 $0x0, s7;
	[bflag:$0x0] =	sbarrier.arrive $0xFFFF  }
0x56: {  	[tilespmem:s2], [sflag:$0x1] =	stream.linear.gather [hbm4b:s31+s2], $0x300, $0x38;
	[tilespmem:$0xE840] =	vst v63  }
0x57: {  	_ =	swait.ge [sflag:s15], $0x300  }
0x58: {  	[sflag:s15] =	ssyncset.done $0x0  }
0x59: {  	[sflag:s15] =	ssyncadd.s32 $0xFFFFFD00  }
0x5a: {  	v3 =	vld [tilespmem:$0x60]  }
0x5b: {  	v4 =	vld [tilespmem:$0x10]  }
0x5c: {  	v5 =	vld [tilespmem:$0x0]  }
0x5d: {  	v6 =	vld [tilespmem:$0x40]  }
0x5e: {  	v7 =	vld [tilespmem:$0x20]  }
0x5f: {  	v8 =	vld [tilespmem:$0x30];
	v3 =	vsub.s32 v3, v0  }
0x60: {  	v9 =	vld [tilespmem:$0x50];
	v4 =	vsub.s32 v4, v0;
	[tilespmem:$0x360] =	vst v3  }
0x61: {  	v5 =	vsub.s32 v5, v0;
	v3 =	vld [tilespmem:$0x70];
	[tilespmem:$0x310] =	vst v4  }
0x62: {  	[tilespmem:$0x300] =	vst v5;
	v4 =	vsub.s32 v6, v0  }
0x63: {  	v5 =	vsub.s32 v7, v0;
	[tilespmem:$0x340] =	vst v4  }
0x64: {  	[tilespmem:$0x320] =	vst v5;
	v4 =	vsub.s32 v8, v0  }
0x65: {  	[tilespmem:$0x330] =	vst v4;
	v4 =	vsub.s32 v9, v0  }
0x66: {  	[tilespmem:$0x350] =	vst v4;
	v3 =	vsub.s32 v3, v0  }
0x67: {  	[tilespmem:$0x370] =	vst v3  }
0x68: {  	[spmem:s1] =	stream.indirect.scatter.add.f32 [tilespmem:s14], [sflag:$0x1], $0x80, s17, s16, $0xb8;
	[tilespmem:$0xE840] =	vst v63  }
0x69: {  	_ =	swait.ge [sflag:s15], $0x4000  }
0x6a: {  	[sflag:s15] =	ssyncset.done $0x0  }
0x6b: {  	[sflag:s15] =	ssyncadd.s32 $0xFFFFC000  }
0x6c: {  	v3 =	vld [tilespmem:$0x90]  }
0x6d: {  	v4 =	vld [tilespmem:$0xA0]  }
0x6e: {  	v5 =	vld [tilespmem:$0xB0]  }
0x6f: {  	v6 =	vld [tilespmem:$0xC0]  }
0x70: {  	v7 =	vld [tilespmem:$0xD0]  }
0x71: {  	v8 =	vld [tilespmem:$0xE0];
	v3 =	vsub.s32 v3, v0  }
0x72: {  	[tilespmem:$0x310] =	vst v3;
	v3 =	vsub.s32 v4, v0;
	v4 =	vld [tilespmem:$0xF0]  }
0x73: {  	v62 =	vld [tilespmem:$0x80];
	[tilespmem:$0x320] =	vst v3;
	v3 =	vsub.s32 v5, v0  }
0x74: {  	[tilespmem:$0x330] =	vst v3;
	v3 =	vsub.s32 v6, v0  }
0x75: {  	[tilespmem:$0x340] =	vst v3;
	v3 =	vsub.s32 v7, v0  }
0x76: {  	[tilespmem:$0x350] =	vst v3;
	v3 =	vsub.s32 v8, v0  }
0x77: {  	[tilespmem:$0x360] =	vst v3;
	v3 =	vsub.s32 v4, v0  }
0x78: {  	v4 =	vsub.s32 v62, v0;
	[tilespmem:$0x370] =	vst v3  }
0x79: {  	[tilespmem:$0x300] =	vst v4  }
0x7a: {  	[spmem:s1] =	stream.indirect.scatter.add.f32 [tilespmem:s14], [sflag:$0x1], $0x80, s17, s16, $0xb8;
	[tilespmem:$0xE840] =	vst v63  }
0x7b: {  	_ =	swait.ge [sflag:s15], $0x4000  }
0x7c: {  	[sflag:s15] =	ssyncset.done $0x0  }
0x7d: {  	[sflag:s15] =	ssyncadd.s32 $0xFFFFC000  }
0x7e: {  	v3 =	vld [tilespmem:$0x140]  }
0x7f: {  	v4 =	vld [tilespmem:$0x100]  }
0x80: {  	v5 =	vld [tilespmem:$0x130]  }
0x81: {  	v6 =	vld [tilespmem:$0x170]  }
0x82: {  	v7 =	vld [tilespmem:$0x120]  }
0x83: {  	v8 =	vld [tilespmem:$0x110];
	v3 =	vsub.s32 v3, v0  }
0x84: {  	v63 =	vld [tilespmem:$0x150];
	v4 =	vsub.s32 v4, v0;
	[tilespmem:$0x340] =	vst v3  }
0x85: {  	v3 =	vld [tilespmem:$0x160];
	[tilespmem:$0x300] =	vst v4;
	v4 =	vsub.s32 v5, v0  }
0x86: {  	v5 =	vsub.s32 v6, v0;
	[tilespmem:$0x330] =	vst v4  }
0x87: {  	v4 =	vsub.s32 v7, v0;
	[tilespmem:$0x370] =	vst v5  }
0x88: {  	v5 =	vsub.s32 v8, v0;
	[tilespmem:$0x320] =	vst v4  }
0x89: {  	[tilespmem:$0x310] =	vst v5;
	v4 =	vsub.s32 v63, v0  }
0x8a: {  	[tilespmem:$0x350] =	vst v4;
	v3 =	vsub.s32 v3, v0  }
0x8b: {  	[tilespmem:$0x360] =	vst v3  }
0x8c: {  	[spmem:s1] =	stream.indirect.scatter.add.f32 [tilespmem:s14], [sflag:$0x1], $0x80, s17, s16, $0xb8;
	[tilespmem:$0xE840] =	vst v63  }
0x8d: {  	_ =	swait.ge [sflag:s15], $0x4000  }
0x8e: {  	[sflag:s15] =	ssyncset.done $0x0  }
0x8f: {  	[sflag:s15] =	ssyncadd.s32 $0xFFFFC000  }
0x90: {  	v7 =	vld [tilespmem:$0x1F0]  }
0x91: {  	v3 =	vld [tilespmem:$0x1B0]  }
0x92: {  	v6 =	vld [tilespmem:$0x1A0]  }
0x93: {  	v4 =	vld [tilespmem:$0x1C0]  }
0x94: {  	s22 =	simm.s32 $0x60;
	v5 =	vld [tilespmem:$0x1E0]  }
.LBB2_8:
0x95: {  	p1 =	sne.s32 s22, $0x480;
	v8 =	vld [tilespmem:$0x180];
	v7 =	vsub.s32 v7, v0;
	s23 =	smov.u32 s22;
	s22 =	sadd.s32 $0x60, s22  }
0x96: {  	v9 =	vld [tilespmem:$0x1D0];
	[tilespmem:$0x370] =	vst v7  }
0x97: {  	v7 =	vld [tilespmem:$0x190];
	v6 =	vsub.s32 v6, v0  }
0x98: {  	v3 =	vsub.s32 v3, v0;
	[tilespmem:$0x320] =	vst v6;
	v4 =	vsub.s32 v4, v0  }
0x99: {  	[tilespmem:$0x330] =	vst v3;
	v3 =	vsub.s32 v5, v0  }
0x9a: {  	[tilespmem:$0x360] =	vst v3  }
0x9b: {  	[tilespmem:$0x340] =	vst v4;
	v3 =	vsub.s32 v9, v0  }
0x9c: {  	v4 =	vsub.s32 v7, v0;
	[tilespmem:$0x350] =	vst v3  }
0x9d: {  	v3 =	vsub.s32 v8, v0;
	[tilespmem:$0x310] =	vst v4  }
0x9e: {  	[tilespmem:$0x300] =	vst v3  }
0x9f: {  	[spmem:s1] =	stream.indirect.scatter.add.f32 [tilespmem:s14], [sflag:$0x1], $0x80, s17, s16, $0xb8;
	[tilespmem:$0xE840] =	vst v63  }
0xa0: {  	_ =	swait.ge [sflag:s15], $0x4000  }
0xa1: {  	[sflag:s15] =	ssyncset.done $0x0  }
0xa2: {  	[sflag:s15] =	ssyncadd.s32 $0xFFFFC000  }
0xa3: {  	v3 =	vld [tilespmem:$0x270]  }
0xa4: {  	v4 =	vld [tilespmem:$0x260]  }
0xa5: {  	v5 =	vld [tilespmem:$0x240]  }
0xa6: {  	v6 =	vld [tilespmem:$0x230]  }
0xa7: {  	v7 =	vld [tilespmem:$0x250]  }
0xa8: {  	v8 =	vld [tilespmem:$0x210];
	v3 =	vsub.s32 v3, v0  }
0xa9: {  	v9 =	vld [tilespmem:$0x220];
	v4 =	vsub.s32 v4, v0;
	[tilespmem:$0x370] =	vst v3  }
0xaa: {  	v3 =	vld [tilespmem:$0x200];
	v5 =	vsub.s32 v5, v0;
	[tilespmem:$0x360] =	vst v4  }
0xab: {  	v4 =	vsub.s32 v6, v0;
	[tilespmem:$0x340] =	vst v5  }
0xac: {  	[tilespmem:$0x330] =	vst v4;
	v4 =	vsub.s32 v7, v0  }
0xad: {  	v5 =	vsub.s32 v8, v0;
	[tilespmem:$0x350] =	vst v4  }
0xae: {  	[tilespmem:$0x310] =	vst v5;
	v4 =	vsub.s32 v9, v0  }
0xaf: {  	v3 =	vsub.s32 v3, v0;
	[tilespmem:$0x320] =	vst v4  }
0xb0: {  	[tilespmem:$0x300] =	vst v3  }
0xb1: {  	[spmem:s1] =	stream.indirect.scatter.add.f32 [tilespmem:s14], [sflag:$0x1], $0x80, s17, s16, $0xb8;
	[tilespmem:$0xE840] =	vst v63  }
0xb2: {  	_ =	swait.ge [sflag:s15], $0x4000  }
0xb3: {  	[sflag:s15] =	ssyncset.done $0x0  }
0xb4: {  	[sflag:s15] =	ssyncadd.s32 $0xFFFFC000  }
0xb5: {  	v3 =	vld [tilespmem:$0x280]  }
0xb6: {  	v4 =	vld [tilespmem:$0x2E0]  }
0xb7: {  	v5 =	vld [tilespmem:$0x2A0]  }
0xb8: {  	v6 =	vld [tilespmem:$0x2B0]  }
0xb9: {  	v7 =	vld [tilespmem:$0x2C0]  }
0xba: {  	v3 =	vsub.s32 v3, v0;
	v8 =	vld [tilespmem:$0x2F0]  }
0xbb: {  	[tilespmem:$0x300] =	vst v3;
	v3 =	vld [tilespmem:$0x2D0];
	v4 =	vsub.s32 v4, v0  }
0xbc: {  	v9 =	vld [tilespmem:$0x290];
	v5 =	vsub.s32 v5, v0;
	[tilespmem:$0x360] =	vst v4  }
0xbd: {  	[tilespmem:$0x320] =	vst v5;
	v4 =	vsub.s32 v6, v0  }
0xbe: {  	[tilespmem:$0x330] =	vst v4;
	v4 =	vsub.s32 v7, v0  }
0xbf: {  	[tilespmem:$0x340] =	vst v4;
	v4 =	vsub.s32 v8, v0  }
0xc0: {  	v3 =	vsub.s32 v3, v0;
	[tilespmem:$0x370] =	vst v4  }
0xc1: {  	v4 =	vsub.s32 v9, v0  }
0xc2: {  	[tilespmem:$0x350] =	vst v3  }
0xc3: {  	[tilespmem:$0x310] =	vst v4  }
0xc4: {  	[spmem:s1] =	stream.indirect.scatter.add.f32 [tilespmem:s14], [sflag:$0x1], $0x80, s17, s16, $0xb8;
	[tilespmem:$0xE840] =	vst v63  }
0xc5: {  	s23 =	sadd.s32 s23, s7;
	_ =	swait.ge [sflag:s15], $0x4000  }
0xc6: {  	[sflag:s15] =	ssyncset.done $0x0  }
0xc7: {  	[sflag:s15] =	ssyncadd.s32 $0xFFFFC000  }
0xc8: {  	[tilespmem:s2], [sflag:$0x1] =	stream.linear.gather [hbm4b:s23+s2], $0x300, $0x38;
	[tilespmem:$0xE840] =	vst v63  }
0xc9: {  	_ =	swait.ge [sflag:s15], $0x300  }
0xca: {  	[sflag:s15] =	ssyncset.done $0x0  }
0xcb: {  	[sflag:s15] =	ssyncadd.s32 $0xFFFFFD00  }
0xcc: {  	v3 =	vld [tilespmem:$0x20]  }
0xcd: {  	v4 =	vld [tilespmem:$0x60]  }
0xce: {  	v5 =	vld [tilespmem:$0x10]  }
0xcf: {  	v6 =	vld [tilespmem:$0x0]  }
0xd0: {  	v7 =	vld [tilespmem:$0x40]  }
0xd1: {  	v8 =	vld [tilespmem:$0x50]  }
0xd2: {  	v9 =	vld [tilespmem:$0x30];
	v4 =	vsub.s32 v4, v0  }
0xd3: {  	v5 =	vsub.s32 v5, v0;
	[tilespmem:$0x360] =	vst v4;
	v4 =	vld [tilespmem:$0x70]  }
0xd4: {  	v6 =	vsub.s32 v6, v0;
	[tilespmem:$0x310] =	vst v5  }
0xd5: {  	v3 =	vsub.s32 v3, v0;
	[tilespmem:$0x300] =	vst v6;
	v5 =	vsub.s32 v7, v0  }
0xd6: {  	[tilespmem:$0x340] =	vst v5;
	v5 =	vsub.s32 v8, v0  }
0xd7: {  	[tilespmem:$0x320] =	vst v3;
	v3 =	vsub.s32 v9, v0  }
0xd8: {  	[tilespmem:$0x330] =	vst v3;
	v3 =	vsub.s32 v4, v0  }
0xd9: {  	[tilespmem:$0x370] =	vst v3  }
0xda: {  	[tilespmem:$0x350] =	vst v5  }
0xdb: {  	[spmem:s1] =	stream.indirect.scatter.add.f32 [tilespmem:s14], [sflag:$0x1], $0x80, s17, s16, $0xb8;
	[tilespmem:$0xE840] =	vst v63  }
0xdc: {  	_ =	swait.ge [sflag:s15], $0x4000  }
0xdd: {  	[sflag:s15] =	ssyncset.done $0x0  }
0xde: {  	[sflag:s15] =	ssyncadd.s32 $0xFFFFC000  }
0xdf: {  	v3 =	vld [tilespmem:$0x90]  }
0xe0: {  	v4 =	vld [tilespmem:$0xA0]  }
0xe1: {  	v5 =	vld [tilespmem:$0x80]  }
0xe2: {  	v6 =	vld [tilespmem:$0xB0]  }
0xe3: {  	v7 =	vld [tilespmem:$0xC0]  }
0xe4: {  	v8 =	vld [tilespmem:$0xD0]  }
0xe5: {  	v3 =	vsub.s32 v3, v0;
	v9 =	vld [tilespmem:$0xE0]  }
0xe6: {  	v5 =	vsub.s32 v5, v0;
	[tilespmem:$0x310] =	vst v3;
	v3 =	vsub.s32 v4, v0;
	v4 =	vld [tilespmem:$0xF0]  }
0xe7: {  	[tilespmem:$0x320] =	vst v3;
	v3 =	vsub.s32 v6, v0  }
0xe8: {  	[tilespmem:$0x330] =	vst v3;
	v3 =	vsub.s32 v7, v0  }
0xe9: {  	[tilespmem:$0x340] =	vst v3;
	v3 =	vsub.s32 v8, v0  }
0xea: {  	[tilespmem:$0x350] =	vst v3;
	v3 =	vsub.s32 v9, v0  }
0xeb: {  	[tilespmem:$0x360] =	vst v3;
	v3 =	vsub.s32 v4, v0  }
0xec: {  	[tilespmem:$0x370] =	vst v3  }
0xed: {  	[tilespmem:$0x300] =	vst v5  }
0xee: {  	[spmem:s1] =	stream.indirect.scatter.add.f32 [tilespmem:s14], [sflag:$0x1], $0x80, s17, s16, $0xb8;
	[tilespmem:$0xE840] =	vst v63  }
0xef: {  	_ =	swait.ge [sflag:s15], $0x4000  }
0xf0: {  	[sflag:s15] =	ssyncset.done $0x0  }
0xf1: {  	[sflag:s15] =	ssyncadd.s32 $0xFFFFC000  }
0xf2: {  	v3 =	vld [tilespmem:$0x130]  }
0xf3: {  	v4 =	vld [tilespmem:$0x140]  }
0xf4: {  	v5 =	vld [tilespmem:$0x100]  }
0xf5: {  	v6 =	vld [tilespmem:$0x170]  }
0xf6: {  	v7 =	vld [tilespmem:$0x120]  }
0xf7: {  	v8 =	vld [tilespmem:$0x150]  }
0xf8: {  	v9 =	vld [tilespmem:$0x110];
	v4 =	vsub.s32 v4, v0  }
0xf9: {  	v5 =	vsub.s32 v5, v0;
	[tilespmem:$0x340] =	vst v4;
	v4 =	vld [tilespmem:$0x160]  }
0xfa: {  	v3 =	vsub.s32 v3, v0;
	[tilespmem:$0x300] =	vst v5;
	v5 =	vsub.s32 v6, v0  }
0xfb: {  	v6 =	vsub.s32 v7, v0;
	[tilespmem:$0x330] =	vst v3  }
0xfc: {  	v3 =	vsub.s32 v8, v0;
	[tilespmem:$0x370] =	vst v5  }
0xfd: {  	v5 =	vsub.s32 v9, v0;
	[tilespmem:$0x320] =	vst v6  }
0xfe: {  	[tilespmem:$0x310] =	vst v5;
	v4 =	vsub.s32 v4, v0  }
0xff: {  	[tilespmem:$0x360] =	vst v4;
	_ =	sdelay $0x1  }
0x100: {  	[tilespmem:$0x350] =	vst v3  }
0x101: {  	[spmem:s1] =	stream.indirect.scatter.add.f32 [tilespmem:s14], [sflag:$0x1], $0x80, s17, s16, $0xb8;
	[tilespmem:$0xE840] =	vst v63  }
0x102: {  	_ =	swait.ge [sflag:s15], $0x4000  }
0x103: {  	[sflag:s15] =	ssyncset.done $0x0  }
0x104: {  	[sflag:s15] =	ssyncadd.s32 $0xFFFFC000  }
.Ltmp3:
0x105: {  	v7 =	vld [tilespmem:$0x1F0];
	(pc) =	sbr.rel @p1 .LBB2_8-.Ltmp3, $4  }
0x106: {  	v3 =	vld [tilespmem:$0x1B0]  }
0x107: {  	v6 =	vld [tilespmem:$0x1A0]  }
0x108: {  	v4 =	vld [tilespmem:$0x1C0]  }
0x109: {  	v5 =	vld [tilespmem:$0x1E0]  }
0x10a: {  	v7 =	vsub.s32 v7, v0;
	v8 =	vld [tilespmem:$0x1D0]  }
0x10b: {  	v42 =	vld [tilespmem:$0x190];
	[tilespmem:$0x370] =	vst v7;
	v3 =	vsub.s32 v3, v0  }
0x10c: {  	v9 =	vld [tilespmem:$0x180];
	v6 =	vsub.s32 v6, v0;
	[tilespmem:$0x330] =	vst v3  }
0x10d: {  	[tilespmem:$0x320] =	vst v6;
	v4 =	vsub.s32 v4, v0  }
0x10e: {  	v3 =	vsub.s32 v5, v0;
	[tilespmem:$0x340] =	vst v4  }
0x10f: {  	[tilespmem:$0x360] =	vst v3;
	v3 =	vsub.s32 v8, v0  }
0x110: {  	v43 =	vsub.s32 v42, v0;
	[tilespmem:$0x350] =	vst v3  }
0x111: {  	v3 =	vsub.s32 v9, v0;
	[tilespmem:$0x310] =	vst v43  }
0x112: {  	[tilespmem:$0x300] =	vst v3  }
0x113: {  	[spmem:s1] =	stream.indirect.scatter.add.f32 [tilespmem:s14], [sflag:$0x1], $0x80, s17, s16, $0xb8;
	[tilespmem:$0xE840] =	vst v63  }
0x114: {  	_ =	swait.ge [sflag:s15], $0x4000  }
0x115: {  	[sflag:s15] =	ssyncset.done $0x0  }
0x116: {  	[sflag:s15] =	ssyncadd.s32 $0xFFFFC000  }
0x117: {  	v3 =	vld [tilespmem:$0x270]  }
0x118: {  	v44 =	vld [tilespmem:$0x260]  }
0x119: {  	v45 =	vld [tilespmem:$0x240]  }
0x11a: {  	v46 =	vld [tilespmem:$0x230]  }
0x11b: {  	v47 =	vld [tilespmem:$0x250]  }
0x11c: {  	v48 =	vld [tilespmem:$0x210];
	v3 =	vsub.s32 v3, v0  }
0x11d: {  	v49 =	vld [tilespmem:$0x220];
	v4 =	vsub.s32 v44, v0;
	[tilespmem:$0x370] =	vst v3  }
0x11e: {  	v5 =	vsub.s32 v45, v0;
	v3 =	vld [tilespmem:$0x200];
	[tilespmem:$0x360] =	vst v4  }
0x11f: {  	v50 =	vsub.s32 v46, v0;
	[tilespmem:$0x340] =	vst v5  }
0x120: {  	v51 =	vsub.s32 v47, v0;
	[tilespmem:$0x330] =	vst v50  }
0x121: {  	v52 =	vsub.s32 v48, v0;
	[tilespmem:$0x350] =	vst v51  }
0x122: {  	v53 =	vsub.s32 v49, v0;
	[tilespmem:$0x310] =	vst v52  }
0x123: {  	[tilespmem:$0x320] =	vst v53;
	v3 =	vsub.s32 v3, v0  }
0x124: {  	[tilespmem:$0x300] =	vst v3  }
0x125: {  	[spmem:s1] =	stream.indirect.scatter.add.f32 [tilespmem:s14], [sflag:$0x1], $0x80, s17, s16, $0xb8;
	[tilespmem:$0xE840] =	vst v63  }
0x126: {  	_ =	swait.ge [sflag:s15], $0x4000  }
0x127: {  	[sflag:s15] =	ssyncset.done $0x0  }
0x128: {  	[sflag:s15] =	ssyncadd.s32 $0xFFFFC000  }
0x129: {  	v3 =	vld [tilespmem:$0x280]  }
0x12a: {  	v54 =	vld [tilespmem:$0x2E0]  }
0x12b: {  	v55 =	vld [tilespmem:$0x2A0]  }
0x12c: {  	v56 =	vld [tilespmem:$0x2B0]  }
0x12d: {  	v57 =	vld [tilespmem:$0x2C0]  }
0x12e: {  	v58 =	vld [tilespmem:$0x2F0];
	v3 =	vsub.s32 v3, v0  }
0x12f: {  	v59 =	vld [tilespmem:$0x290];
	v4 =	vsub.s32 v54, v0;
	[tilespmem:$0x300] =	vst v3  }
0x130: {  	v5 =	vsub.s32 v55, v0;
	v3 =	vld [tilespmem:$0x2D0];
	[tilespmem:$0x360] =	vst v4  }
0x131: {  	v60 =	vsub.s32 v56, v0;
	[tilespmem:$0x320] =	vst v5  }
0x132: {  	v61 =	vsub.s32 v57, v0;
	[tilespmem:$0x330] =	vst v60  }
0x133: {  	v62 =	vsub.s32 v58, v0;
	[tilespmem:$0x340] =	vst v61  }
0x134: {  	v63 =	vsub.s32 v59, v0;
	[tilespmem:$0x370] =	vst v62  }
0x135: {  	[tilespmem:$0x310] =	vst v63;
	v3 =	vsub.s32 v3, v0  }
0x136: {  	[tilespmem:$0x350] =	vst v3  }
0x137: {  	[spmem:s1] =	stream.indirect.scatter.add.f32 [tilespmem:s14], [sflag:$0x1], $0x80, s17, s16, $0xb8;
	[tilespmem:$0xE840] =	vst v63  }
0x138: {  	_ =	swait.ge [sflag:s15], $0x4000  }
0x139: {  	[sflag:s15] =	ssyncset.done $0x0  }
0x13a: {  	[sflag:s15] =	ssyncadd.s32 $0xFFFFC000  }
0x13b: {  	[tilespmem:s18], [sflag:$0x1] =	stream.linear.gather [hbm4b:s9+s2], $0x10, $0x38;
	[tilespmem:$0xE840] =	vst v63  }
0x13c: {  	_ =	swait.ge [sflag:s15], $0x10  }
0x13d: {  	[sflag:s15] =	ssyncset.done $0x0  }
0x13e: {  	[sflag:s15] =	ssyncadd.s32 $0xFFFFFFF0  }
0x13f: {  	v3 =	vld [tilespmem:$0x380];
	_ =	sdelay $0x4  }
0x140: {  	v3 =	vsub.s32 v3, v0  }
0x141: {  	[tilespmem:$0x380] =	vst v3  }
0x142: {  	[spmem:s1] =	stream.indirect.scatter.add.f32 [tilespmem:s20], [sflag:$0x1], $0x80, s18, s19, $0xb8;
	[tilespmem:$0xE840] =	vst v63  }
0x143: {  	_ =	swait.ge [sflag:s15], $0x800  }
0x144: {  	[sflag:s15] =	ssyncset.done $0x0  }
0x145: {  	[sflag:s15] =	ssyncadd.s32 $0xFFFFF800  }
0x146: {  	[bflag:$0x0] =	sbarrier.arrive $0xFFFF  }
0x147: {  	[tilespmem:s14], [sflag:$0x1] =	stream.linear.gather [spmem:s3], $0x4000, $0x38;
	[tilespmem:$0xE840] =	vst v63  }
0x148: {  	_ =	swait.ge [sflag:s15], $0x4000  }
0x149: {  	[sflag:s15] =	ssyncset.done $0x0  }
0x14a: {  	[sflag:s15] =	ssyncadd.s32 $0xFFFFC000  }
0x14b: {  	[hbm4b:s8+s2] =	stream.linear.scatter [tilespmem:s14], [sflag:$0x1], $0x4000, $0x38;
	[tilespmem:$0xE840] =	vst v63  }
0x14c: {  	_ =	swait.ge [sflag:s15], $0x4000  }
0x14d: {  	[sflag:s15] =	ssyncset.done $0x0  }
0x14e: {  	[sflag:s15] =	ssyncadd.s32 $0xFFFFC000  }
0x14f: {  	[tilespmem:s14], [sflag:$0x1] =	stream.linear.gather [spmem:s4], $0x4000, $0x38;
	[tilespmem:$0xE840] =	vst v63  }
0x150: {  	_ =	swait.ge [sflag:s15], $0x4000  }
0x151: {  	[sflag:s15] =	ssyncset.done $0x0  }
0x152: {  	[sflag:s15] =	ssyncadd.s32 $0xFFFFC000  }
0x153: {  	[hbm4b:s10+s2] =	stream.linear.scatter [tilespmem:s14], [sflag:$0x1], $0x4000, $0x38;
	[tilespmem:$0xE840] =	vst v63  }
0x154: {  	_ =	swait.ge [sflag:s15], $0x4000  }
0x155: {  	[sflag:s15] =	ssyncset.done $0x0  }
0x156: {  	[sflag:s15] =	ssyncadd.s32 $0xFFFFC000  }
0x157: {  	[tilespmem:s14], [sflag:$0x1] =	stream.linear.gather [spmem:s5], $0x1C00, $0x38;
	[tilespmem:$0xE840] =	vst v63  }
0x158: {  	_ =	swait.ge [sflag:s15], $0x1C00  }
0x159: {  	[sflag:s15] =	ssyncset.done $0x0  }
0x15a: {  	[sflag:s15] =	ssyncadd.s32 $0xFFFFE400  }
0x15b: {  	[hbm4b:s11+s2] =	stream.linear.scatter [tilespmem:s14], [sflag:$0x1], $0x1C00, $0x38;
	[tilespmem:$0xE840] =	vst v63  }
0x15c: {  	_ =	swait.ge [sflag:s15], $0x1C00  }
0x15d: {  	[sflag:s15] =	ssyncset.done $0x0  }
0x15e: {  	s22 =	simm.s32 @!p0 $0x400;
	s23 =	simm.s32 @!p0 $0x1;
	[sflag:s15] =	ssyncadd.s32 $0xFFFFE400  }
0x15f: {  	[tilespmem:s22], [sflag:$0x1] =	stream.linear.gather @!p0 [spmem:s6], $0x400, $0x38;
	[tilespmem:$0xE840] =	vst v63  }
0x160: {  	s21 =	sadd.s32 $0x1, s21;
	_ =	swait.ge @!p0 [sflag:s23], $0x400  }
0x161: {  	p1 =	sne.s32 s21, s13;
	[sflag:s23] =	ssyncset.done @!p0 $0x0  }
.Ltmp4:
0x162: {  	s24 =	simm.s32 @!p0 $0x0;
	[sflag:s23] =	ssyncadd.s32 @!p0 $0xFFFFFC00;
	(pc) =	sbr.rel @p1 .LBB2_1-.Ltmp4, $4  }
0x163: {  	[hbm4b:s12+s24] =	stream.linear.scatter @!p0 [tilespmem:s22], [sflag:$0x1], $0x400, $0x38;
	[tilespmem:$0xE840] =	vst v63  }
0x164: {  	_ =	swait.ge @!p0 [sflag:s23], $0x400  }
0x165: {  	[sflag:s23] =	ssyncset.done @!p0 $0x0  }
0x166: {  	[sflag:s23] =	ssyncadd.s32 @!p0 $0xFFFFFC00  }
0x167: {  	_ =	sfence.sel $0x180000  }
0x168: {  	[bflag:$0x0] =	sbarrier.arrive $0xFFFF  }
0x169: {  	_ =	strace $0x90000047  }
0x16a: {  	s0 =	sadd.s32 @!p0 $0x100000, s0;
	[bflag:$0x2] =	sbarrier.arrive $0xFFFF  }
0x16b: {  	[sflag:s0] =	ssyncadd.tile.s32 @!p0 $0x1;
	_ =	shalt  }
.Lfunc_end2:
_tile_overlayer_lowered:
.L_overlay_start_2:
0x16c: {  	(tag) =	ssettag $0x2  }
0x16d: {  	s0 =	rddreg [dreg:$0x0];
	s2 =	stileid.u32  }
0x16e: {  	s1 =	rddreg [dreg:$0x1];
	p0 =	sne.s32 s2, $0x0  }
0x16f: {  	s3 =	rddreg [dreg:$0x2];
	[bflag:$0x3] =	sbarrier.arrive $0xFFFF;
	s2 =	simm.s32 @!p0 $0x1C01  }
0x170: {  	[timem:s3], [sflag:s2] =	dma.local @!p0 [hbm:s0], s1  }
0x171: {  	s0 =	simm.s32 @!p0 $0x1  }
0x172: {  	_ =	swait.ge @!p0 [sflag:s0], s1  }
0x173: {  	s1 =	ssub.s32 @!p0 $0x0, s1;
	[sflag:s0] =	ssyncset.done @!p0 $0x0  }
0x174: {  	[sflag:s0] =	ssyncadd.s32 @!p0 s1  }
0x175: {  	[bflag:$0x3] =	sbarrier.arrive $0xFFFF  }
0x176: {  	_ =	shalt  }

// kernel: kernel.13.cloned.1.call-start
scs
__scs_entry_jumppad:
0x0: {  	(pc) =	sbr.rel $0x88, $3  }
0x1: {  	(tag) =	ssettag $0x0;
	lr =	simm.s32 $0x1  }
0x2: {  	[smem:$0x3F9C] =	sst lr;
	_ =	strace $0xD0000000  }
0x3: {  	_ = 	snop  }
0x4: {  	_ = 	snop  }
0x5: {  	_ = 	snop  }
0x6: {  	_ = 	snop  }
0x7: {  	_ = 	snop  }
__scs_overlays_trampoline_lowered:
0x8: {  	[smem:$0x3FAB] =	sst s0  }
0x9: {  	[smem:$0x3FAC] =	sst s1  }
0xa: {  	[smem:$0x3FAD] =	sst s2  }
0xb: {  	[smem:$0x3FAE] =	sst s3  }
0xc: {  	[smem:$0x3FAF] =	sst s4  }
0xd: {  	[smem:$0x3FB0] =	sst s5  }
0xe: {  	[smem:$0x3FB1] =	sst s6  }
0xf: {  	[smem:$0x3FB2] =	sst s7  }
0x10: {  	[smem:$0x3FB3] =	sst s8  }
0x11: {  	[smem:$0x3FB4] =	sst s9;
	s0 =	simm.s32 @!p0 $0x0  }
0x12: {  	s1 =	sld [smem:$0x3F9A];
	s0 =	simm.s32 @p0 $0x1  }
0x13: {  	[smem:$0x3FB5] =	sst s0;
	s0 =	simm.s32 @!p1 $0x0  }
0x14: {  	s2 =	sld [smem:$0x3F99];
	s0 =	simm.s32 @p1 $0x1  }
0x15: {  	[smem:$0x3FB6] =	sst s0;
	s0 =	simm.s32 @!p2 $0x0  }
0x16: {  	s3 =	sld [smem:$0x3FDB];
	s0 =	simm.s32 @p2 $0x1  }
0x17: {  	s4 =	simm.s32 $0x1BF5;
	[smem:$0x3FB8] =	sst s0  }
0x18: {  	s0 =	sld [smem:$0x3F9B];
	_ =	swait.ge [sflag:s4], $0x0  }
0x19: {  	s7 =	sld [smem:$0x3F9C]  }
0x1a: {  	s8 =	sadd.s32 $0xFFFFE003, lr  }
0x1b: {  	s9 =	sadd.s32 $0xFFFFFEF7, lr;
	s5 =	simm.s32 $0xFFFFFFFF;
	p2 =	slt.u32 s8, $0xFFFFF086  }
0x1c: {  	p1 =	slt.u32 s9, $0xF7A;
	s5 =	simm.s32 @!p2 $0x0  }
0x1d: {  	s5 =	simm.s32 @p1 $0x1;
	p0 =	seq.s32 s7, s2  }
0x1e: {  	s7 =	smul.u32 @!p0 $0xF7A, s2;
	p2 =	seq.s32 @!p0 s5, $0x0  }
0x1f: {  	s9 =	smul.u32 $0xF7A, s1;
	s8 =	simm.s32 @!p0 $0x1BF5;
	p2 =	por !p2, p0  }
0x20: {  	[sflag:s8] =	ssyncset.s32 @!p0 $0xFFFFF086;
	s6 =	sadd.s32 @!p0 s3, s7;
	s7 =	simm.s32 @!p0 $0x108  }
0x21: {  	s3 =	sadd.s32 s3, s9;
	s6 =	sadd.s32 @!p0 $0x88, s6;
	s7 =	simm.s32 @p2 $0x1082  }
0x22: {  	[simem:s7], [sflag:s8] =	dma.local @!p0 [hbm:s6], $0xF7A  }
0x23: {  	s9 =	sor.u32 $0xD0000000, s2;
	s6 =	simm.s32 $0x108;
	_ =	swait.ge @!p0 [sflag:s8], $0x0  }
0x24: {  	s3 =	sadd.s32 $0x88, s3;
	s6 =	simm.s32 @!p1 $0x1082;
	[sflag:s4] =	ssyncset.s32 $0xFFFFF086  }
0x25: {  	[simem:s6], [sflag:s4] =	dma.local [hbm:s3], $0xF7A  }
0x26: {  	[smem:$0x3F9C] =	sst s1;
	(tag) =	ssettag s2;
	_ =	strace s9  }
0x27: {  	s1 =	sld [smem:$0x3FAC]  }
0x28: {  	s2 =	sld [smem:$0x3FAD]  }
0x29: {  	s4 =	sld [smem:$0x3FAF]  }
0x2a: {  	p0 =	seq.s32 s5, $0x0;
	s5 =	sld [smem:$0x3FB0]  }
0x2b: {  	s6 =	sld [smem:$0x3FB1]  }
0x2c: {  	s7 =	sld [smem:$0x3FB2]  }
0x2d: {  	s3 =	simm.s32 $0x108;
	s8 =	sld [smem:$0x3FB3]  }
0x2e: {  	s3 =	simm.s32 @!p0 $0x1082;
	s9 =	sld [smem:$0x3FB4]  }
0x2f: {  	lr =	sadd.s32 s0, s3;
	s0 =	sld [smem:$0x3FAB]  }
0x30: {  	s3 =	sld [smem:$0x3FAE]  }
0x31: {  	[smem:$0x3FB7] =	sst s10  }
0x32: {  	s10 =	sld [smem:$0x3FB5];
	_ =	sdelay $0x3  }
0x33: {  	p0 =	seq.s32 s10, $0x1;
	s10 =	sld [smem:$0x3FB7];
	_ =	sdelay $0x3  }
0x34: {  	[smem:$0x3FB7] =	sst s10  }
0x35: {  	s10 =	sld [smem:$0x3FB6];
	_ =	sdelay $0x3  }
0x36: {  	p1 =	seq.s32 s10, $0x1;
	s10 =	sld [smem:$0x3FB7];
	_ =	sdelay $0x3  }
0x37: {  	[smem:$0x3FB7] =	sst s10  }
0x38: {  	s10 =	sld [smem:$0x3FB8]  }
0x39: {  	_ = 	snop;
	(pc) =	sbr.ind lr, $3  }
0x3a: {  	_ = 	snop  }
0x3b: {  	_ = 	snop  }
0x3c: {  	p2 =	seq.s32 s10, $0x1;
	s10 =	sld [smem:$0x3FB7]  }
0x3d: {  	_ =	shalt  }
0x3e: {  	_ =	shalt  }
0x3f: {  	_ =	shalt  }
0x40: {  	_ =	shalt  }
0x41: {  	_ =	shalt  }
0x42: {  	_ =	shalt  }
0x43: {  	_ =	shalt  }
0x44: {  	_ =	shalt  }
0x45: {  	_ =	shalt  }
0x46: {  	_ =	shalt  }
0x47: {  	_ =	shalt  }
0x48: {  	_ =	shalt  }
0x49: {  	_ =	shalt  }
0x4a: {  	_ =	shalt  }
0x4b: {  	_ =	shalt  }
0x4c: {  	_ =	shalt  }
0x4d: {  	_ =	shalt  }
0x4e: {  	_ =	shalt  }
0x4f: {  	_ =	shalt  }
0x50: {  	_ =	shalt  }
0x51: {  	_ =	shalt  }
0x52: {  	_ =	shalt  }
0x53: {  	_ =	shalt  }
0x54: {  	_ =	shalt  }
0x55: {  	_ =	shalt  }
0x56: {  	_ =	shalt  }
0x57: {  	_ =	shalt  }
0x58: {  	_ =	shalt  }
0x59: {  	_ =	shalt  }
0x5a: {  	_ =	shalt  }
0x5b: {  	_ =	shalt  }
0x5c: {  	_ =	shalt  }
0x5d: {  	_ =	shalt  }
0x5e: {  	_ =	shalt  }
0x5f: {  	_ =	shalt  }
0x60: {  	_ =	shalt  }
0x61: {  	_ =	shalt  }
0x62: {  	_ =	shalt  }
0x63: {  	_ =	shalt  }
0x64: {  	_ =	shalt  }
0x65: {  	_ =	shalt  }
0x66: {  	_ =	shalt  }
0x67: {  	_ =	shalt  }
0x68: {  	_ =	shalt  }
0x69: {  	_ =	shalt  }
0x6a: {  	_ =	shalt  }
0x6b: {  	_ =	shalt  }
0x6c: {  	_ =	shalt  }
0x6d: {  	_ =	shalt  }
0x6e: {  	_ =	shalt  }
0x6f: {  	_ =	shalt  }
0x70: {  	_ =	shalt  }
0x71: {  	_ =	shalt  }
0x72: {  	_ =	shalt  }
0x73: {  	_ =	shalt  }
0x74: {  	_ =	shalt  }
0x75: {  	_ =	shalt  }
0x76: {  	_ =	shalt  }
0x77: {  	_ =	shalt  }
0x78: {  	_ =	shalt  }
0x79: {  	_ =	shalt  }
0x7a: {  	_ =	shalt  }
0x7b: {  	_ =	shalt  }
0x7c: {  	_ =	shalt  }
0x7d: {  	_ =	shalt  }
0x7e: {  	_ =	shalt  }
0x7f: {  	_ =	shalt  }
0x80: {  	_ =	shalt  }
0x81: {  	_ =	shalt  }
0x82: {  	_ =	shalt  }
0x83: {  	_ =	shalt  }
0x84: {  	_ =	shalt  }
0x85: {  	_ =	shalt  }
0x86: {  	_ =	shalt  }
0x87: {  	_ =	shalt  }
.Lfunc_end0:
.L_simem_size_0:
called_computation.1_lowered:
.L_overlay_start_0:
0x88: {  	s2 =	sld [smem:$0x3FD9]  }
0x89: {  	s3 =	sld [smem:$0x3FFE];
	_ =	sdelay $0x1  }
0x8a: {  	s1 =	srdreg.scid  }
0x8b: {  	s0 =	sand.u32 $0x1, s1  }
0x8c: {  	s15 =	sshll.u32 s0, $0xA;
	s2 =	sadd.s32 s3, s2  }
0x8d: {  	s2 =	sadd.s32 s2, s15  }
0x8e: {  	[smem:$0x3FC3] =	sst s2  }
0x8f: {  	_ = 	snop  }
0x90: {  	s2 =	sld [smem:$0x3FD0];
	_ =	sdelay $0x2  }
0x91: {  	s16 =	simm.s32 $0xA;
	s4 =	simm.s32 $0x10  }
0x92: {  	[smem:s4], [sflag:s16] =	dma.local [hbm:s2], $0x1  }
0x93: {  	_ =	swait.eq [sflag:s16], $0x1  }
0x94: {  	s17 =	sld [smem:$0x10]  }
0x95: {  	s18 =	sld [smem:$0x11];
	[sflag:s16] =	ssyncset.done $0x0  }
0x96: {  	s5 =	sld [smem:$0x13];
	[sflag:s16] =	ssyncadd.s32 $0xFFFFFFFF  }
0x97: {  	s19 =	sld [smem:$0x15];
	(tm) =	ssettm $0x1  }
0x98: {  	s6 =	sld [smem:$0x3FFB];
	_ =	sdelay $0x3  }
0x99: {  	_ =	strace s6  }
0x9a: {  	s6 =	sld [smem:$0x3FFC];
	_ =	sdelay $0x3  }
0x9b: {  	_ =	strace s6  }
0x9c: {  	s6 =	sld [smem:$0x3FFD];
	_ =	sdelay $0x3  }
0x9d: {  	_ =	strace s6  }
0x9e: {  	_ =	strace $0x8FFFFFFF  }
0x9f: {  	s20 =	sld [smem:$0x3FDB];
	_ =	sdelay $0x1  }
0xa0: {  	s7 =	simm.s32 $_scs_section_size  }
0xa1: {  	s8 =	simm.s32 $_size__tile_overlayer_lowered;
	s9 =	simm.s32 $_tile_overlayer_lowered  }
0xa2: {  	s23 =	simm.s32 $0x1BFF;
	s22 =	sshll.u32 s9, $0x1;
	s6 =	sadd.s32 s7, s20  }
0xa3: {  	s10 =	simm.s32 $0x0;
	s21 =	sshll.u32 s8, $0x1;
	s8 =	sadd.s32 s22, s6  }
0xa4: {  	[timem:s10], [sflag:s23] =	dma.local [hbm:s8], s21  }
0xa5: {  	_ =	swait.ge [sflag:s23], s21  }
0xa6: {  	s7 =	ssub.s32 $0x0, s21;
	[sflag:s23] =	ssyncset.done $0x0  }
0xa7: {  	[sflag:s23] =	ssyncadd.s32 s7;
	_ =	sdelay $0x1  }
0xa8: {  	s24 =	simm.s32 $0x1B8B  }
0xa9: {  	_ =	swait.ge [sflag:s24], $0x1  }
0xaa: {  	[sflag:s24] =	ssyncset.done $0x0  }
0xab: {  	s25 =	simm.s32 $0x1B8E;
	[sflag:s24] =	ssyncadd.s32 $0xFFFFFFFF  }
0xac: {  	s26 =	simm.s32 $execute0_lowered;
	[smem:$0x3FD2] =	sst s25  }
0xad: {  	s7 =	sshll.u32 s26, $0x1;
	_ =	strace $0x80000049;
	[dreg:$0x1] =	wrdreg $0xFFFFFFFF  }
0xae: {  	s28 =	simm.s32 $_size_execute0_lowered;
	s6 =	sadd.s32 s6, s7;
	[dreg:$0x0] =	wrdreg $0x0  }
0xaf: {  	s7 =	sshll.u32 s28, $0x1;
	[dreg:$0x2] =	wrdreg s6  }
0xb0: {  	[dreg:$0x3] =	wrdreg s7  }
0xb1: {  	[dreg:$0x4] =	wrdreg $0xC0  }
0xb2: {  	_ =	task [dreg:s10], $0x5FFFF  }
0xb3: {  	[dreg:$0x1] =	wrdreg $0xFFFFFFFF  }
0xb4: {  	[dreg:$0x0] =	wrdreg $0x60  }
0xb5: {  	[dreg:$0x2] =	wrdreg s5  }
0xb6: {  	[dreg:$0x3] =	wrdreg s17  }
0xb7: {  	[dreg:$0x4] =	wrdreg s18  }
0xb8: {  	[dreg:$0x5] =	wrdreg s19  }
0xb9: {  	[dreg:$0x6] =	wrdreg $0x50000  }
0xba: {  	[dreg:$0x7] =	wrdreg $0x9  }
0xbb: {  	_ =	task.clear_ibuf [dreg:s10], $0x8FFFF;
	_ =	strace $0x90000049  }
0xbc: {  	s29 =	simm.s32 $0x9;
	_ =	strace $0x8000004B  }
0xbd: {  	_ =	swait.ge [sflag:s29], $0x1  }
0xbe: {  	[sflag:s29] =	ssyncadd.s32 $0xFFFFFFFF  }
0xbf: {  	_ =	strace $0x9000004B  }
0xc0: {  	_ =	sfence  }
0xc1: {  	s30 =	sld [smem:$0x0];
	_ =	sdelay $0x2  }
0xc2: {  	s31 =	sshll.u32 s1, $0xD;
	s1 =	sshrl.u32 s1, $0x2  }
0xc3: {  	s3 =	sand.u32 $0x4000, s31;
	s1 =	sadd.s32 s1, s30  }
0xc4: {  	s0 =	sor.u32 s3, s0;
	s1 =	sshll.u32 s1, $0x11  }
0xc5: {  	s0 =	sor.u32 s1, s0  }
0xc6: {  	s0 =	sadd.s32 $0x8F2B, s0  }
0xc7: {  	[sflag:s0] =	ssyncadd.remote.s32 $0x1  }
0xc8: {  	_ =	sfence.sel $0xFFFF  }
0xc9: {  	[dreg:$0x0] =	wrdreg $0xFFFFFFFF;
	(pc) =	sbr.abs _section_cstart, $3  }
0xca: {  	[dreg:$0x1] =	wrdreg $0xFFFFFFFF  }
0xcb: {  	_ =	task.clear_ibuf [dreg:s10], $0x2FFFF;
	_ =	strace $0x9FFFFFFF  }
0xcc: {  	(tm) =	ssettm $0x7FFFFFFF  }
0xcd: {  	_ =	shalt  }
tec
execute0_lowered:
.L_overlay_start_1:
0x0: {  	(tag) =	ssettag $0x1  }
0x1: {  	s1 =	rddreg [dreg:$0x0]  }
0x2: {  	s2 =	rddreg [dreg:$0x1]  }
0x3: {  	s3 =	rddreg [dreg:$0x2]  }
0x4: {  	s0 =	rddreg [dreg:$0x3]  }
0x5: {  	s4 =	rddreg [dreg:$0x4];
	s5 =	simm.s32 $0x0;
	s13 =	stileid.u32  }
0x6: {  	s6 =	srdreg.scid;
	s28 =	simm.s32 $0x1;
	s21 =	smul.u32 $0x27000, s13  }
0x7: {  	s29 =	simm.s32 $0x600;
	s30 =	simm.s32 $0x2;
	s12 =	smul.u32 $0x2710, s13  }
0x8: {  	s31 =	simm.s32 $0x680;
	s14 =	sand.u32 $0x1, s6;
	s15 =	smul.u32 $0x138, s13  }
0x9: {  	[smem:$0x7FF] =	sst s5;
	p0 =	sne.s32 s13, $0x0;
	s16 =	smul.u32 $0x1388, s14  }
0xa: {  	_ =	strace $0x8000004A;
	s7 =	ssub.s32 $0x2, s14;
	s11 =	smul.u32 $0x27100, s14  }
0xb: {  	s14 =	smul.u32 $0x9C400, s14;
	s8 =	sshrl.u32 s7, $0x1;
	s6 =	sshrl.u32 s21, $0x2  }
0xc: {  	s17 =	ssub.s32 s7, s8;
	s6 =	sadd.s32 s6, s4;
	s11 =	sadd.s32 s12, s11  }
0xd: {  	s12 =	sadd.s32 $0x9C000, s4;
	s15 =	sadd.s32 s15, s16;
	s18 =	sshrl.u32 s11, $0x3  }
0xe: {  	s14 =	sshrl.u32 s14, $0x3;
	s26 =	smax.u32 s17, $0x1;
	s18 =	sadd.s32 $0x4E0, s18  }
0xf: {  	s15 =	sshll.u32 s15, $0x4;
	[dreg:$0xd] =	wrdreg s26;
	s19 =	sadd.s32 s2, s18  }
0x10: {  	s15 =	sadd.s32 s0, s15;
	s18 =	sadd.s32 s3, s18;
	[dreg:$0x6] =	wrdreg s19  }
0x11: {  	s7 =	sadd.s32 $0x2000, s6;
	s22 =	sadd.s32 $0x400, s15;
	[dreg:$0x7] =	wrdreg s18  }
0x12: {  	s8 =	sadd.s32 $0x4000, s6;
	s23 =	sadd.s32 $0x800, s15;
	[dreg:$0x8] =	wrdreg s22  }
0x13: {  	s9 =	sadd.s32 $0x6000, s6;
	s24 =	sadd.s32 $0xC00, s15;
	[dreg:$0x9] =	wrdreg s23  }
0x14: {  	s0 =	sadd.s32 s0, s14;
	s25 =	sadd.s32 $0x1000, s15;
	[dreg:$0xa] =	wrdreg s24  }
0x15: {  	s10 =	sadd.s32 $0x8000, s6;
	s0 =	sadd.s32 $0x13800, s0;
	[dreg:$0xb] =	wrdreg s25  }
0x16: {  	s26 =	simm.s32 $0x2800;
	[dreg:$0xc] =	wrdreg s0;
	s22 =	simm.s32 $0x800  }
0x17: {  	s23 =	simm.s32 $0x3;
	s24 =	simm.s32 $0x300;
	s25 =	simm.s32 $0x40  }
0x18: {  	v1 =	vimm.f32 $0.0e+00;
	v0 =	vmov s16;
	s0 =	simm.s32 $0x2C0;
	s18 =	simm.s32 $0x0;
	s19 =	simm.s32 $0x0  }
.LBB2_1:
0x19: {  	s13 =	simm.s32 $0x0;
	s14 =	simm.s32 $0x200  }
.LBB2_2:
0x1a: {  	p1 =	sne.s32 s14, $0x7E00;
	[tilespmem:s13+$0x870] =	vst v1  }
0x1b: {  	[tilespmem:s13+$0x800] =	vst v1  }
0x1c: {  	[tilespmem:s13+$0x810] =	vst v1  }
.Ltmp0:
0x1d: {  	[tilespmem:s13+$0x820] =	vst v1;
	(pc) =	sbr.rel @p1 .LBB2_2-.Ltmp0, $4  }
0x1e: {  	[tilespmem:s13+$0x830] =	vst v1  }
0x1f: {  	[tilespmem:s13+$0x840] =	vst v1  }
0x20: {  	[tilespmem:s13+$0x850] =	vst v1  }
0x21: {  	[tilespmem:s13+$0x860] =	vst v1;
	s13 =	sshra.s32 s14, $0x2;
	s14 =	sadd.s32 $0x200, s14  }
0x22: {  	[tilespmem:s13+$0x870] =	vst v1  }
0x23: {  	[tilespmem:s13+$0x800] =	vst v1  }
0x24: {  	[tilespmem:s13+$0x810] =	vst v1  }
0x25: {  	[tilespmem:s13+$0x820] =	vst v1  }
0x26: {  	[tilespmem:s13+$0x830] =	vst v1  }
0x27: {  	[tilespmem:s13+$0x840] =	vst v1  }
0x28: {  	[tilespmem:s13+$0x850] =	vst v1  }
0x29: {  	[tilespmem:s13+$0x860] =	vst v1  }
0x2a: {  	[spmem:s6] =	stream.linear.scatter [tilespmem:s22], [sflag:$0x3], $0x2000, $0x38;
	[tilespmem:$0xEC40] =	vst v63  }
0x2b: {  	_ =	swait.ge [sflag:s23], $0x2000  }
0x2c: {  	[sflag:s23] =	ssyncset.done $0x0  }
0x2d: {  	[sflag:s23] =	ssyncadd.s32 $0xFFFFE000  }
0x2e: {  	[spmem:s7] =	stream.linear.scatter [tilespmem:s22], [sflag:$0x3], $0x2000, $0x38;
	[tilespmem:$0xEC40] =	vst v63  }
0x2f: {  	_ =	swait.ge [sflag:s23], $0x2000  }
0x30: {  	[sflag:s23] =	ssyncset.done $0x0  }
0x31: {  	[sflag:s23] =	ssyncadd.s32 $0xFFFFE000  }
0x32: {  	[spmem:s8] =	stream.linear.scatter [tilespmem:s22], [sflag:$0x3], $0x2000, $0x38;
	[tilespmem:$0xEC40] =	vst v63  }
0x33: {  	_ =	swait.ge [sflag:s23], $0x2000  }
0x34: {  	[sflag:s23] =	ssyncset.done $0x0  }
0x35: {  	[sflag:s23] =	ssyncadd.s32 $0xFFFFE000  }
0x36: {  	[spmem:s9] =	stream.linear.scatter [tilespmem:s22], [sflag:$0x3], $0x2000, $0x38;
	[tilespmem:$0xEC40] =	vst v63  }
0x37: {  	_ =	swait.ge [sflag:s23], $0x2000  }
0x38: {  	[sflag:s23] =	ssyncset.done $0x0  }
0x39: {  	[sflag:s23] =	ssyncadd.s32 $0xFFFFE000  }
0x3a: {  	[spmem:s10] =	stream.linear.scatter [tilespmem:s22], [sflag:$0x3], $0x1C00, $0x38;
	[tilespmem:$0xEC40] =	vst v63  }
0x3b: {  	_ =	swait.ge [sflag:s23], $0x1C00  }
0x3c: {  	[sflag:s23] =	ssyncset.done $0x0  }
0x3d: {  	s13 =	simm.s32 @!p0 $0x800;
	[sflag:s23] =	ssyncadd.s32 $0xFFFFE400  }
0x3e: {  	[spmem:s12] =	stream.linear.scatter @!p0 [tilespmem:s13], [sflag:$0x3], $0x400, $0x38;
	[tilespmem:$0xEC40] =	vst v63  }
0x3f: {  	s13 =	simm.s32 @!p0 $0x3  }
0x40: {  	_ =	swait.ge @!p0 [sflag:s13], $0x400  }
0x41: {  	[sflag:s13] =	ssyncset.done @!p0 $0x0  }
0x42: {  	[sflag:s13] =	ssyncadd.s32 @!p0 $0xFFFFFC00  }
0x43: {  	s20 =	simm.s32 $0x0;
	[bflag:$0x0] =	sbarrier.arrive $0xFFFF  }
.LBB2_4:
0x44: {  	s13 =	smul.u32 $0x300, s20;
	_ =	sdelay $0x1  }
0x45: {  	s13 =	sadd.s32 s11, s13  }
0x46: {  	s13 =	sshrl.u32 s13, $0x3  }
0x47: {  	s14 =	sadd.s32 s2, s13  }
0x48: {  	[tilespmem:s19], [sflag:$0x3] =	stream.linear.gather [hbm4b:s14+s19], $0x300, $0x38;
	[tilespmem:$0xEC40] =	vst v63  }
0x49: {  	_ =	swait.ge [sflag:s23], $0x300  }
0x4a: {  	[sflag:s23] =	ssyncset.done $0x0  }
0x4b: {  	s13 =	sadd.s32 s3, s13;
	[sflag:s23] =	ssyncadd.s32 $0xFFFFFD00  }
0x4c: {  	[tilespmem:s24], [sflag:$0x3] =	stream.linear.gather [hbm4b:s13+s19], $0x300, $0x38;
	[tilespmem:$0xEC40] =	vst v63  }
0x4d: {  	_ =	swait.ge [sflag:s23], $0x300  }
0x4e: {  	[sflag:s23] =	ssyncset.done $0x0  }
0x4f: {  	[sflag:s23] =	ssyncadd.s32 $0xFFFFFD00  }
0x50: {  	[tilespmem:s22], [sflag:$0x1] =	stream.indirect.gather [hbm4b:s1+s25], $0x80, s19, s25, $0xb8;
	[tilespmem:$0xEC40] =	vst v63  }
0x51: {  	s16 =	simm.s32 $0x40  }
0x52: {  	[tilespmem:s26], [sflag:$0x2] =	stream.indirect.gather [hbm4b:s1+s25], $0x80, s16, s25, $0xb8;
	[tilespmem:$0xEC40] =	vst v63  }
0x53: {  	_ =	swait.ge [sflag:s28], $0x2000  }
0x54: {  	[sflag:s28] =	ssyncset.done $0x0  }
0x55: {  	s17 =	simm.s32 $0x0;
	[sflag:s28] =	ssyncadd.s32 $0xFFFFE000  }
0x56: {  	v2 =	vld [tilespmem:s17+$0x300];
	_ =	sdelay $0x4  }
0x57: {  	v2 =	vsub.s32 v2, v0  }
0x58: {  	[tilespmem:$0x600] =	vst v2  }
0x59: {  	v2 =	vld [tilespmem:s17+$0x310];
	_ =	sdelay $0x4  }
0x5a: {  	v2 =	vsub.s32 v2, v0  }
0x5b: {  	[tilespmem:$0x610] =	vst v2  }
0x5c: {  	v2 =	vld [tilespmem:s17+$0x320];
	_ =	sdelay $0x4  }
0x5d: {  	v2 =	vsub.s32 v2, v0  }
0x5e: {  	[tilespmem:$0x620] =	vst v2  }
0x5f: {  	v2 =	vld [tilespmem:s17+$0x330];
	_ =	sdelay $0x4  }
0x60: {  	v2 =	vsub.s32 v2, v0  }
0x61: {  	[tilespmem:$0x630] =	vst v2  }
0x62: {  	[spmem:s4] =	stream.indirect.scatter.add.f32 [tilespmem:s22], [sflag:$0x3], $0x80, s29, s25, $0xb8;
	[tilespmem:$0xEC40] =	vst v63  }
0x63: {  	_ =	swait.ge [sflag:s23], $0x2000  }
0x64: {  	[sflag:s23] =	ssyncset.done $0x0  }
0x65: {  	s21 =	simm.s32 $0x80;
	[sflag:s23] =	ssyncadd.s32 $0xFFFFE000  }
0x66: {  	[tilespmem:s22], [sflag:$0x1] =	stream.indirect.gather [hbm4b:s1+s25], $0x80, s21, s25, $0xb8;
	[tilespmem:$0xEC40] =	vst v63  }
0x67: {  	_ =	swait.ge [sflag:s30], $0x2000  }
0x68: {  	[sflag:s30] =	ssyncset.done $0x0  }
0x69: {  	[sflag:s30] =	ssyncadd.s32 $0xFFFFE000  }
0x6a: {  	v2 =	vld [tilespmem:s17+$0x340];
	_ =	sdelay $0x4  }
0x6b: {  	v2 =	vsub.s32 v2, v0  }
0x6c: {  	[tilespmem:$0x680] =	vst v2  }
0x6d: {  	v2 =	vld [tilespmem:s17+$0x350];
	_ =	sdelay $0x4  }
0x6e: {  	v2 =	vsub.s32 v2, v0  }
0x6f: {  	[tilespmem:$0x690] =	vst v2  }
0x70: {  	v2 =	vld [tilespmem:s17+$0x360];
	_ =	sdelay $0x4  }
0x71: {  	v2 =	vsub.s32 v2, v0  }
0x72: {  	[tilespmem:$0x6A0] =	vst v2  }
0x73: {  	v2 =	vld [tilespmem:s17+$0x370];
	_ =	sdelay $0x4  }
0x74: {  	v2 =	vsub.s32 v2, v0  }
0x75: {  	[tilespmem:$0x6B0] =	vst v2  }
0x76: {  	[spmem:s4] =	stream.indirect.scatter.add.f32 [tilespmem:s26], [sflag:$0x3], $0x80, s31, s25, $0xb8;
	[tilespmem:$0xEC40] =	vst v63  }
0x77: {  	_ =	swait.ge [sflag:s23], $0x2000  }
0x78: {  	s13 =	simm.s32 $0x400;
	s21 =	simm.s32 $0x80;
	[sflag:s23] =	ssyncset.done $0x0  }
.LBB2_5:
0x79: {  	s17 =	sadd.s32 $0x40, s21  }
0x7a: {  	[sflag:s23] =	ssyncadd.s32 $0xFFFFE000;
	s14 =	smov.u32 s13;
	s16 =	sadd.s32 $0x200, s13  }
0x7b: {  	[tilespmem:s26], [sflag:$0x2] =	stream.indirect.gather [hbm4b:s1+s25], $0x80, s17, s25, $0xb8;
	[tilespmem:$0xEC40] =	vst v63  }
0x7c: {  	p1 =	sne.s32 s13, $0x800;
	_ =	swait.ge [sflag:s28], $0x2000  }
0x7d: {  	[sflag:s28] =	ssyncset.done $0x0  }
0x7e: {  	[sflag:s28] =	ssyncadd.s32 $0xFFFFE000  }
0x7f: {  	v2 =	vld [tilespmem:s21+$0x300];
	_ =	sdelay $0x4  }
0x80: {  	v2 =	vsub.s32 v2, v0  }
0x81: {  	[tilespmem:$0x600] =	vst v2  }
0x82: {  	v2 =	vld [tilespmem:s21+$0x310];
	_ =	sdelay $0x4  }
0x83: {  	v2 =	vsub.s32 v2, v0  }
0x84: {  	[tilespmem:$0x610] =	vst v2  }
0x85: {  	v2 =	vld [tilespmem:s21+$0x320];
	_ =	sdelay $0x4  }
0x86: {  	v2 =	vsub.s32 v2, v0  }
0x87: {  	[tilespmem:$0x620] =	vst v2  }
0x88: {  	v2 =	vld [tilespmem:s21+$0x330];
	_ =	sdelay $0x4  }
0x89: {  	v2 =	vsub.s32 v2, v0  }
0x8a: {  	[tilespmem:$0x630] =	vst v2  }
0x8b: {  	[spmem:s4] =	stream.indirect.scatter.add.f32 [tilespmem:s22], [sflag:$0x3], $0x80, s29, s25, $0xb8;
	[tilespmem:$0xEC40] =	vst v63  }
0x8c: {  	_ =	swait.ge [sflag:s23], $0x2000  }
0x8d: {  	[sflag:s23] =	ssyncset.done $0x0  }
0x8e: {  	s13 =	sadd.s32 $0x80, s21;
	[sflag:s23] =	ssyncadd.s32 $0xFFFFE000  }
0x8f: {  	[tilespmem:s22], [sflag:$0x1] =	stream.indirect.gather [hbm4b:s1+s25], $0x80, s13, s25, $0xb8;
	[tilespmem:$0xEC40] =	vst v63  }
0x90: {  	_ =	swait.ge [sflag:s30], $0x2000  }
0x91: {  	[sflag:s30] =	ssyncset.done $0x0  }
0x92: {  	[sflag:s30] =	ssyncadd.s32 $0xFFFFE000  }
0x93: {  	v2 =	vld [tilespmem:s21+$0x340];
	_ =	sdelay $0x4  }
0x94: {  	v2 =	vsub.s32 v2, v0  }
0x95: {  	[tilespmem:$0x680] =	vst v2  }
0x96: {  	v2 =	vld [tilespmem:s21+$0x350];
	_ =	sdelay $0x4  }
0x97: {  	v2 =	vsub.s32 v2, v0  }
0x98: {  	[tilespmem:$0x690] =	vst v2  }
0x99: {  	v2 =	vld [tilespmem:s21+$0x360];
	_ =	sdelay $0x4  }
0x9a: {  	v2 =	vsub.s32 v2, v0  }
0x9b: {  	[tilespmem:$0x6A0] =	vst v2  }
0x9c: {  	v2 =	vld [tilespmem:s21+$0x370];
	_ =	sdelay $0x4  }
.Ltmp1:
0x9d: {  	v2 =	vsub.s32 v2, v0;
	(pc) =	sbr.rel @p1 .LBB2_5-.Ltmp1, $4  }
0x9e: {  	[tilespmem:$0x6B0] =	vst v2  }
0x9f: {  	[spmem:s4] =	stream.indirect.scatter.add.f32 [tilespmem:s26], [sflag:$0x3], $0x80, s31, s25, $0xb8;
	[tilespmem:$0xEC40] =	vst v63  }
0xa0: {  	_ =	swait.ge [sflag:s23], $0x2000  }
0xa1: {  	s13 =	smov.u32 s16;
	s21 =	sshra.s32 s14, $0x2;
	[sflag:s23] =	ssyncset.done $0x0  }
0xa2: {  	s13 =	sadd.s32 $0x40, s21;
	[sflag:s23] =	ssyncadd.s32 $0xFFFFE000  }
0xa3: {  	[tilespmem:s26], [sflag:$0x2] =	stream.indirect.gather [hbm4b:s1+s25], $0x80, s13, s25, $0xb8;
	[tilespmem:$0xEC40] =	vst v63  }
0xa4: {  	_ =	swait.ge [sflag:s28], $0x2000  }
0xa5: {  	[sflag:s28] =	ssyncset.done $0x0  }
0xa6: {  	[sflag:s28] =	ssyncadd.s32 $0xFFFFE000  }
0xa7: {  	v2 =	vld [tilespmem:s21+$0x300];
	_ =	sdelay $0x4  }
0xa8: {  	v2 =	vsub.s32 v2, v0  }
0xa9: {  	[tilespmem:$0x600] =	vst v2  }
0xaa: {  	v2 =	vld [tilespmem:s21+$0x310];
	_ =	sdelay $0x4  }
0xab: {  	v2 =	vsub.s32 v2, v0  }
0xac: {  	[tilespmem:$0x610] =	vst v2  }
0xad: {  	v2 =	vld [tilespmem:s21+$0x320];
	_ =	sdelay $0x4  }
0xae: {  	v2 =	vsub.s32 v2, v0  }
0xaf: {  	[tilespmem:$0x620] =	vst v2  }
0xb0: {  	v2 =	vld [tilespmem:s21+$0x330];
	_ =	sdelay $0x4  }
0xb1: {  	v2 =	vsub.s32 v2, v0  }
0xb2: {  	[tilespmem:$0x630] =	vst v2  }
0xb3: {  	[spmem:s4] =	stream.indirect.scatter.add.f32 [tilespmem:s22], [sflag:$0x3], $0x80, s29, s25, $0xb8;
	[tilespmem:$0xEC40] =	vst v63  }
0xb4: {  	_ =	swait.ge [sflag:s23], $0x2000  }
0xb5: {  	[sflag:s23] =	ssyncset.done $0x0  }
0xb6: {  	s17 =	sadd.s32 $0x80, s21;
	[sflag:s23] =	ssyncadd.s32 $0xFFFFE000  }
0xb7: {  	[tilespmem:s22], [sflag:$0x1] =	stream.indirect.gather [hbm4b:s1+s25], $0x80, s17, s25, $0xb8;
	[tilespmem:$0xEC40] =	vst v63  }
0xb8: {  	_ =	swait.ge [sflag:s30], $0x2000  }
0xb9: {  	[sflag:s30] =	ssyncset.done $0x0  }
0xba: {  	[sflag:s30] =	ssyncadd.s32 $0xFFFFE000  }
0xbb: {  	v2 =	vld [tilespmem:s21+$0x340];
	_ =	sdelay $0x4  }
0xbc: {  	v2 =	vsub.s32 v2, v0  }
0xbd: {  	[tilespmem:$0x680] =	vst v2  }
0xbe: {  	v2 =	vld [tilespmem:s21+$0x350];
	_ =	sdelay $0x4  }
0xbf: {  	v2 =	vsub.s32 v2, v0  }
0xc0: {  	[tilespmem:$0x690] =	vst v2  }
0xc1: {  	v2 =	vld [tilespmem:s21+$0x360];
	_ =	sdelay $0x4  }
0xc2: {  	v2 =	vsub.s32 v2, v0  }
0xc3: {  	[tilespmem:$0x6A0] =	vst v2  }
0xc4: {  	v2 =	vld [tilespmem:s21+$0x370];
	_ =	sdelay $0x4  }
0xc5: {  	v2 =	vsub.s32 v2, v0  }
0xc6: {  	[tilespmem:$0x6B0] =	vst v2  }
0xc7: {  	[spmem:s4] =	stream.indirect.scatter.add.f32 [tilespmem:s26], [sflag:$0x3], $0x80, s31, s25, $0xb8;
	[tilespmem:$0xEC40] =	vst v63  }
0xc8: {  	_ =	swait.ge [sflag:s23], $0x2000  }
0xc9: {  	[sflag:s23] =	ssyncset.done $0x0  }
0xca: {  	[sflag:s23] =	ssyncadd.s32 $0xFFFFE000  }
0xcb: {  	[tilespmem:s26], [sflag:$0x2] =	stream.indirect.gather [hbm4b:s1+s25], $0x80, s0, s25, $0xb8;
	[tilespmem:$0xEC40] =	vst v63  }
0xcc: {  	_ =	swait.ge [sflag:s28], $0x2000  }
0xcd: {  	[sflag:s28] =	ssyncset.done $0x0  }
0xce: {  	[sflag:s28] =	ssyncadd.s32 $0xFFFFE000  }
0xcf: {  	v2 =	vld [tilespmem:$0x580]  }
0xd0: {  	v3 =	vld [tilespmem:$0x590]  }
0xd1: {  	v4 =	vld [tilespmem:$0x5A0]  }
0xd2: {  	v5 =	vld [tilespmem:$0x5B0];
	_ =	sdelay $0x1  }
0xd3: {  	v2 =	vsub.s32 v2, v0  }
0xd4: {  	[tilespmem:$0x600] =	vst v2;
	v2 =	vsub.s32 v3, v0  }
0xd5: {  	[tilespmem:$0x610] =	vst v2;
	v2 =	vsub.s32 v4, v0  }
0xd6: {  	[tilespmem:$0x620] =	vst v2;
	v2 =	vsub.s32 v5, v0  }
0xd7: {  	[tilespmem:$0x630] =	vst v2  }
0xd8: {  	[spmem:s4] =	stream.indirect.scatter.add.f32 [tilespmem:s22], [sflag:$0x3], $0x80, s29, s25, $0xb8;
	[tilespmem:$0xEC40] =	vst v63  }
0xd9: {  	_ =	swait.ge [sflag:s23], $0x2000  }
0xda: {  	[sflag:s23] =	ssyncset.done $0x0  }
0xdb: {  	[sflag:s23] =	ssyncadd.s32 $0xFFFFE000  }
0xdc: {  	_ =	swait.ge [sflag:s30], $0x2000  }
0xdd: {  	[sflag:s30] =	ssyncset.done $0x0  }
0xde: {  	[sflag:s30] =	ssyncadd.s32 $0xFFFFE000  }
0xdf: {  	v2 =	vld [tilespmem:$0x5C0]  }
0xe0: {  	v3 =	vld [tilespmem:$0x5D0]  }
0xe1: {  	v62 =	vld [tilespmem:$0x5E0]  }
0xe2: {  	v63 =	vld [tilespmem:$0x5F0];
	_ =	sdelay $0x1  }
0xe3: {  	v2 =	vsub.s32 v2, v0  }
0xe4: {  	[tilespmem:$0x680] =	vst v2;
	v2 =	vsub.s32 v3, v0  }
0xe5: {  	s20 =	sadd.s32 $0x1, s20;
	[tilespmem:$0x690] =	vst v2;
	v2 =	vsub.s32 v62, v0  }
0xe6: {  	p1 =	sne.s32 s20, $0xD;
	[tilespmem:$0x6A0] =	vst v2;
	v2 =	vsub.s32 v63, v0  }
.Ltmp2:
0xe7: {  	[tilespmem:$0x6B0] =	vst v2;
	(pc) =	sbr.rel @p1 .LBB2_4-.Ltmp2, $4  }
0xe8: {  	[spmem:s4] =	stream.indirect.scatter.add.f32 [tilespmem:s26], [sflag:$0x3], $0x80, s31, s25, $0xb8;
	[tilespmem:$0xEC40] =	vst v63  }
0xe9: {  	_ =	swait.ge [sflag:s23], $0x2000  }
0xea: {  	[sflag:s23] =	ssyncset.done $0x0  }
0xeb: {  	[sflag:s23] =	ssyncadd.s32 $0xFFFFE000  }
0xec: {  	s13 =	rddreg [dreg:$0x6];
	s14 =	simm.s32 $0x700  }
0xed: {  	[tilespmem:s14], [sflag:$0x3] =	stream.linear.gather [hbm4b:s13+s5], $0x10, $0x38;
	[tilespmem:$0xEC40] =	vst v63  }
0xee: {  	_ =	swait.ge [sflag:s23], $0x10  }
0xef: {  	[sflag:s23] =	ssyncset.done $0x0  }
0xf0: {  	s16 =	simm.s32 $0x780;
	s20 =	rddreg [dreg:$0x7];
	[sflag:s23] =	ssyncadd.s32 $0xFFFFFFF0  }
0xf1: {  	[tilespmem:s16], [sflag:$0x3] =	stream.linear.gather [hbm4b:s20+s5], $0x10, $0x38;
	[tilespmem:$0xEC40] =	vst v63  }
0xf2: {  	_ =	swait.ge [sflag:s23], $0x10  }
0xf3: {  	[sflag:s23] =	ssyncset.done $0x0  }
0xf4: {  	[sflag:s23] =	ssyncadd.s32 $0xFFFFFFF0  }
0xf5: {  	v2 =	vld [tilespmem:$0x780];
	_ =	sdelay $0x4  }
0xf6: {  	v2 =	vsub.s32 v2, v0  }
0xf7: {  	s21 =	simm.s32 $0x10;
	s17 =	simm.s32 $0x4800;
	[tilespmem:$0x780] =	vst v2  }
0xf8: {  	[tilespmem:s17], [sflag:$0x1] =	stream.indirect.gather [hbm4b:s1+s21], $0x80, s14, s21, $0xb8;
	[tilespmem:$0xEC40] =	vst v63  }
0xf9: {  	_ =	swait.ge [sflag:s28], $0x800  }
0xfa: {  	[sflag:s28] =	ssyncset.done $0x0  }
0xfb: {  	[sflag:s28] =	ssyncadd.s32 $0xFFFFF800  }
0xfc: {  	[spmem:s4] =	stream.indirect.scatter.add.f32 [tilespmem:s17], [sflag:$0x3], $0x80, s16, s21, $0xb8;
	[tilespmem:$0xEC40] =	vst v63  }
0xfd: {  	_ =	swait.ge [sflag:s23], $0x800  }
0xfe: {  	[sflag:s23] =	ssyncset.done $0x0  }
0xff: {  	[sflag:s23] =	ssyncadd.s32 $0xFFFFF800  }
0x100: {  	[bflag:$0x0] =	sbarrier.arrive $0xFFFF  }
0x101: {  	[tilespmem:s22], [sflag:$0x3] =	stream.linear.gather [spmem:s6], $0x2000, $0x38;
	[tilespmem:$0xEC40] =	vst v63  }
0x102: {  	_ =	swait.ge [sflag:s23], $0x2000  }
0x103: {  	[sflag:s23] =	ssyncset.done $0x0  }
0x104: {  	[sflag:s23] =	ssyncadd.s32 $0xFFFFE000  }
0x105: {  	[hbm4b:s15+s5] =	stream.linear.scatter [tilespmem:s22], [sflag:$0x3], $0x2000, $0x38;
	[tilespmem:$0xEC40] =	vst v63  }
0x106: {  	_ =	swait.ge [sflag:s23], $0x2000  }
0x107: {  	[sflag:s23] =	ssyncset.done $0x0  }
0x108: {  	[sflag:s23] =	ssyncadd.s32 $0xFFFFE000  }
0x109: {  	[tilespmem:s22], [sflag:$0x3] =	stream.linear.gather [spmem:s7], $0x2000, $0x38;
	[tilespmem:$0xEC40] =	vst v63  }
0x10a: {  	_ =	swait.ge [sflag:s23], $0x2000  }
0x10b: {  	[sflag:s23] =	ssyncset.done $0x0  }
0x10c: {  	s14 =	rddreg [dreg:$0x8];
	[sflag:s23] =	ssyncadd.s32 $0xFFFFE000  }
0x10d: {  	[hbm4b:s14+s5] =	stream.linear.scatter [tilespmem:s22], [sflag:$0x3], $0x2000, $0x38;
	[tilespmem:$0xEC40] =	vst v63  }
0x10e: {  	_ =	swait.ge [sflag:s23], $0x2000  }
0x10f: {  	[sflag:s23] =	ssyncset.done $0x0  }
0x110: {  	[sflag:s23] =	ssyncadd.s32 $0xFFFFE000  }
0x111: {  	[tilespmem:s22], [sflag:$0x3] =	stream.linear.gather [spmem:s8], $0x2000, $0x38;
	[tilespmem:$0xEC40] =	vst v63  }
0x112: {  	_ =	swait.ge [sflag:s23], $0x2000  }
0x113: {  	[sflag:s23] =	ssyncset.done $0x0  }
0x114: {  	s16 =	rddreg [dreg:$0x9];
	[sflag:s23] =	ssyncadd.s32 $0xFFFFE000  }
0x115: {  	[hbm4b:s16+s5] =	stream.linear.scatter [tilespmem:s22], [sflag:$0x3], $0x2000, $0x38;
	[tilespmem:$0xEC40] =	vst v63  }
0x116: {  	_ =	swait.ge [sflag:s23], $0x2000  }
0x117: {  	[sflag:s23] =	ssyncset.done $0x0  }
0x118: {  	[sflag:s23] =	ssyncadd.s32 $0xFFFFE000  }
0x119: {  	[tilespmem:s22], [sflag:$0x3] =	stream.linear.gather [spmem:s9], $0x2000, $0x38;
	[tilespmem:$0xEC40] =	vst v63  }
0x11a: {  	_ =	swait.ge [sflag:s23], $0x2000  }
0x11b: {  	[sflag:s23] =	ssyncset.done $0x0  }
0x11c: {  	s17 =	rddreg [dreg:$0xa];
	[sflag:s23] =	ssyncadd.s32 $0xFFFFE000  }
0x11d: {  	[hbm4b:s17+s5] =	stream.linear.scatter [tilespmem:s22], [sflag:$0x3], $0x2000, $0x38;
	[tilespmem:$0xEC40] =	vst v63  }
0x11e: {  	_ =	swait.ge [sflag:s23], $0x2000  }
0x11f: {  	[sflag:s23] =	ssyncset.done $0x0  }
0x120: {  	[sflag:s23] =	ssyncadd.s32 $0xFFFFE000  }
0x121: {  	[tilespmem:s22], [sflag:$0x3] =	stream.linear.gather [spmem:s10], $0x1C00, $0x38;
	[tilespmem:$0xEC40] =	vst v63  }
0x122: {  	_ =	swait.ge [sflag:s23], $0x1C00  }
0x123: {  	[sflag:s23] =	ssyncset.done $0x0  }
0x124: {  	s20 =	rddreg [dreg:$0xb];
	[sflag:s23] =	ssyncadd.s32 $0xFFFFE400  }
0x125: {  	[hbm4b:s20+s5] =	stream.linear.scatter [tilespmem:s22], [sflag:$0x3], $0x1C00, $0x38;
	[tilespmem:$0xEC40] =	vst v63  }
0x126: {  	_ =	swait.ge [sflag:s23], $0x1C00  }
0x127: {  	[sflag:s23] =	ssyncset.done $0x0  }
0x128: {  	s13 =	simm.s32 @!p0 $0x800;
	s14 =	simm.s32 @!p0 $0x3;
	[sflag:s23] =	ssyncadd.s32 $0xFFFFE400  }
0x129: {  	[tilespmem:s13], [sflag:$0x3] =	stream.linear.gather @!p0 [spmem:s12], $0x400, $0x38;
	[tilespmem:$0xEC40] =	vst v63  }
0x12a: {  	_ =	swait.ge @!p0 [sflag:s14], $0x400  }
0x12b: {  	[sflag:s14] =	ssyncset.done @!p0 $0x0  }
0x12c: {  	s16 =	simm.s32 @!p0 $0x0;
	s17 =	rddreg [dreg:$0xc];
	[sflag:s14] =	ssyncadd.s32 @!p0 $0xFFFFFC00  }
0x12d: {  	[hbm4b:s17+s16] =	stream.linear.scatter @!p0 [tilespmem:s13], [sflag:$0x3], $0x400, $0x38;
	[tilespmem:$0xEC40] =	vst v63  }
0x12e: {  	_ =	swait.ge @!p0 [sflag:s14], $0x400  }
0x12f: {  	s18 =	sadd.s32 $0x1, s18;
	s21 =	rddreg [dreg:$0xd]  }
0x130: {  	p1 =	sne.s32 s18, s21  }
.Ltmp3:
0x131: {  	_ = 	snop;
	(pc) =	sbr.rel @p1 .LBB2_1-.Ltmp3, $3  }
0x132: {  	_ =	sdelay $0x1  }
0x133: {  	[sflag:s14] =	ssyncset.done @!p0 $0x0  }
0x134: {  	[sflag:s14] =	ssyncadd.s32 @!p0 $0xFFFFFC00  }
0x135: {  	_ =	sfence.sel $0x180000  }
0x136: {  	[bflag:$0x0] =	sbarrier.arrive $0xFFFF  }
0x137: {  	_ =	strace $0x9000004A  }
0x138: {  	[bflag:$0x2] =	sbarrier.arrive $0xFFFF  }
0x139: {  	s0 =	rddreg [dreg:$0x5]  }
0x13a: {  	s0 =	sadd.s32 @!p0 $0x100000, s0  }
0x13b: {  	[sflag:s0] =	ssyncadd.tile.s32 @!p0 $0x1;
	_ =	shalt  }
.Lfunc_end2:
_tile_overlayer_lowered:
.L_overlay_start_2:
0x13c: {  	(tag) =	ssettag $0x2  }
0x13d: {  	s0 =	rddreg [dreg:$0x0];
	s2 =	stileid.u32  }
0x13e: {  	s1 =	rddreg [dreg:$0x1];
	p0 =	sne.s32 s2, $0x0  }
0x13f: {  	s3 =	rddreg [dreg:$0x2];
	[bflag:$0x3] =	sbarrier.arrive $0xFFFF;
	s2 =	simm.s32 @!p0 $0x1C03  }
0x140: {  	[timem:s3], [sflag:s2] =	dma.local @!p0 [hbm:s0], s1  }
0x141: {  	s0 =	simm.s32 @!p0 $0x3  }
0x142: {  	_ =	swait.ge @!p0 [sflag:s0], s1  }
0x143: {  	s1 =	ssub.s32 @!p0 $0x0, s1;
	[sflag:s0] =	ssyncset.done @!p0 $0x0  }
0x144: {  	[sflag:s0] =	ssyncadd.s32 @!p0 s1  }
0x145: {  	[bflag:$0x3] =	sbarrier.arrive $0xFFFF  }
0x146: {  	_ =	shalt  }

// kernel: kernel.16.cloned.1.call-start
scs
__scs_entry_jumppad:
0x0: {  	(pc) =	sbr.rel $0x88, $3  }
0x1: {  	(tag) =	ssettag $0x0;
	lr =	simm.s32 $0x1  }
0x2: {  	[smem:$0x3F9C] =	sst lr;
	_ =	strace $0xD0000000  }
0x3: {  	_ = 	snop  }
0x4: {  	_ = 	snop  }
0x5: {  	_ = 	snop  }
0x6: {  	_ = 	snop  }
0x7: {  	_ = 	snop  }
__scs_overlays_trampoline_lowered:
0x8: {  	[smem:$0x3FAB] =	sst s0  }
0x9: {  	[smem:$0x3FAC] =	sst s1  }
0xa: {  	[smem:$0x3FAD] =	sst s2  }
0xb: {  	[smem:$0x3FAE] =	sst s3  }
0xc: {  	[smem:$0x3FAF] =	sst s4  }
0xd: {  	[smem:$0x3FB0] =	sst s5  }
0xe: {  	[smem:$0x3FB1] =	sst s6  }
0xf: {  	[smem:$0x3FB2] =	sst s7  }
0x10: {  	[smem:$0x3FB3] =	sst s8  }
0x11: {  	[smem:$0x3FB4] =	sst s9;
	s0 =	simm.s32 @!p0 $0x0  }
0x12: {  	s1 =	sld [smem:$0x3F9A];
	s0 =	simm.s32 @p0 $0x1  }
0x13: {  	[smem:$0x3FB5] =	sst s0;
	s0 =	simm.s32 @!p1 $0x0  }
0x14: {  	s2 =	sld [smem:$0x3F99];
	s0 =	simm.s32 @p1 $0x1  }
0x15: {  	[smem:$0x3FB6] =	sst s0;
	s0 =	simm.s32 @!p2 $0x0  }
0x16: {  	s3 =	sld [smem:$0x3FDB];
	s0 =	simm.s32 @p2 $0x1  }
0x17: {  	s4 =	simm.s32 $0x1BF5;
	[smem:$0x3FB8] =	sst s0  }
0x18: {  	s0 =	sld [smem:$0x3F9B];
	_ =	swait.ge [sflag:s4], $0x0  }
0x19: {  	s7 =	sld [smem:$0x3F9C]  }
0x1a: {  	s8 =	sadd.s32 $0xFFFFE003, lr  }
0x1b: {  	s9 =	sadd.s32 $0xFFFFFEF7, lr;
	s5 =	simm.s32 $0xFFFFFFFF;
	p2 =	slt.u32 s8, $0xFFFFF086  }
0x1c: {  	p1 =	slt.u32 s9, $0xF7A;
	s5 =	simm.s32 @!p2 $0x0  }
0x1d: {  	s5 =	simm.s32 @p1 $0x1;
	p0 =	seq.s32 s7, s2  }
0x1e: {  	s7 =	smul.u32 @!p0 $0xF7A, s2;
	p2 =	seq.s32 @!p0 s5, $0x0  }
0x1f: {  	s9 =	smul.u32 $0xF7A, s1;
	s8 =	simm.s32 @!p0 $0x1BF5;
	p2 =	por !p2, p0  }
0x20: {  	[sflag:s8] =	ssyncset.s32 @!p0 $0xFFFFF086;
	s6 =	sadd.s32 @!p0 s3, s7;
	s7 =	simm.s32 @!p0 $0x108  }
0x21: {  	s3 =	sadd.s32 s3, s9;
	s6 =	sadd.s32 @!p0 $0x88, s6;
	s7 =	simm.s32 @p2 $0x1082  }
0x22: {  	[simem:s7], [sflag:s8] =	dma.local @!p0 [hbm:s6], $0xF7A  }
0x23: {  	s9 =	sor.u32 $0xD0000000, s2;
	s6 =	simm.s32 $0x108;
	_ =	swait.ge @!p0 [sflag:s8], $0x0  }
0x24: {  	s3 =	sadd.s32 $0x88, s3;
	s6 =	simm.s32 @!p1 $0x1082;
	[sflag:s4] =	ssyncset.s32 $0xFFFFF086  }
0x25: {  	[simem:s6], [sflag:s4] =	dma.local [hbm:s3], $0xF7A  }
0x26: {  	[smem:$0x3F9C] =	sst s1;
	(tag) =	ssettag s2;
	_ =	strace s9  }
0x27: {  	s1 =	sld [smem:$0x3FAC]  }
0x28: {  	s2 =	sld [smem:$0x3FAD]  }
0x29: {  	s4 =	sld [smem:$0x3FAF]  }
0x2a: {  	p0 =	seq.s32 s5, $0x0;
	s5 =	sld [smem:$0x3FB0]  }
0x2b: {  	s6 =	sld [smem:$0x3FB1]  }
0x2c: {  	s7 =	sld [smem:$0x3FB2]  }
0x2d: {  	s3 =	simm.s32 $0x108;
	s8 =	sld [smem:$0x3FB3]  }
0x2e: {  	s3 =	simm.s32 @!p0 $0x1082;
	s9 =	sld [smem:$0x3FB4]  }
0x2f: {  	lr =	sadd.s32 s0, s3;
	s0 =	sld [smem:$0x3FAB]  }
0x30: {  	s3 =	sld [smem:$0x3FAE]  }
0x31: {  	[smem:$0x3FB7] =	sst s10  }
0x32: {  	s10 =	sld [smem:$0x3FB5];
	_ =	sdelay $0x3  }
0x33: {  	p0 =	seq.s32 s10, $0x1;
	s10 =	sld [smem:$0x3FB7];
	_ =	sdelay $0x3  }
0x34: {  	[smem:$0x3FB7] =	sst s10  }
0x35: {  	s10 =	sld [smem:$0x3FB6];
	_ =	sdelay $0x3  }
0x36: {  	p1 =	seq.s32 s10, $0x1;
	s10 =	sld [smem:$0x3FB7];
	_ =	sdelay $0x3  }
0x37: {  	[smem:$0x3FB7] =	sst s10  }
0x38: {  	s10 =	sld [smem:$0x3FB8]  }
0x39: {  	_ = 	snop;
	(pc) =	sbr.ind lr, $3  }
0x3a: {  	_ = 	snop  }
0x3b: {  	_ = 	snop  }
0x3c: {  	p2 =	seq.s32 s10, $0x1;
	s10 =	sld [smem:$0x3FB7]  }
0x3d: {  	_ =	shalt  }
0x3e: {  	_ =	shalt  }
0x3f: {  	_ =	shalt  }
0x40: {  	_ =	shalt  }
0x41: {  	_ =	shalt  }
0x42: {  	_ =	shalt  }
0x43: {  	_ =	shalt  }
0x44: {  	_ =	shalt  }
0x45: {  	_ =	shalt  }
0x46: {  	_ =	shalt  }
0x47: {  	_ =	shalt  }
0x48: {  	_ =	shalt  }
0x49: {  	_ =	shalt  }
0x4a: {  	_ =	shalt  }
0x4b: {  	_ =	shalt  }
0x4c: {  	_ =	shalt  }
0x4d: {  	_ =	shalt  }
0x4e: {  	_ =	shalt  }
0x4f: {  	_ =	shalt  }
0x50: {  	_ =	shalt  }
0x51: {  	_ =	shalt  }
0x52: {  	_ =	shalt  }
0x53: {  	_ =	shalt  }
0x54: {  	_ =	shalt  }
0x55: {  	_ =	shalt  }
0x56: {  	_ =	shalt  }
0x57: {  	_ =	shalt  }
0x58: {  	_ =	shalt  }
0x59: {  	_ =	shalt  }
0x5a: {  	_ =	shalt  }
0x5b: {  	_ =	shalt  }
0x5c: {  	_ =	shalt  }
0x5d: {  	_ =	shalt  }
0x5e: {  	_ =	shalt  }
0x5f: {  	_ =	shalt  }
0x60: {  	_ =	shalt  }
0x61: {  	_ =	shalt  }
0x62: {  	_ =	shalt  }
0x63: {  	_ =	shalt  }
0x64: {  	_ =	shalt  }
0x65: {  	_ =	shalt  }
0x66: {  	_ =	shalt  }
0x67: {  	_ =	shalt  }
0x68: {  	_ =	shalt  }
0x69: {  	_ =	shalt  }
0x6a: {  	_ =	shalt  }
0x6b: {  	_ =	shalt  }
0x6c: {  	_ =	shalt  }
0x6d: {  	_ =	shalt  }
0x6e: {  	_ =	shalt  }
0x6f: {  	_ =	shalt  }
0x70: {  	_ =	shalt  }
0x71: {  	_ =	shalt  }
0x72: {  	_ =	shalt  }
0x73: {  	_ =	shalt  }
0x74: {  	_ =	shalt  }
0x75: {  	_ =	shalt  }
0x76: {  	_ =	shalt  }
0x77: {  	_ =	shalt  }
0x78: {  	_ =	shalt  }
0x79: {  	_ =	shalt  }
0x7a: {  	_ =	shalt  }
0x7b: {  	_ =	shalt  }
0x7c: {  	_ =	shalt  }
0x7d: {  	_ =	shalt  }
0x7e: {  	_ =	shalt  }
0x7f: {  	_ =	shalt  }
0x80: {  	_ =	shalt  }
0x81: {  	_ =	shalt  }
0x82: {  	_ =	shalt  }
0x83: {  	_ =	shalt  }
0x84: {  	_ =	shalt  }
0x85: {  	_ =	shalt  }
0x86: {  	_ =	shalt  }
0x87: {  	_ =	shalt  }
.Lfunc_end0:
.L_simem_size_0:
called_computation.2_lowered:
.L_overlay_start_0:
0x88: {  	s2 =	sld [smem:$0x3FD9]  }
0x89: {  	s3 =	sld [smem:$0x3FFE];
	_ =	sdelay $0x1  }
0x8a: {  	s1 =	srdreg.scid  }
0x8b: {  	s0 =	sand.u32 $0x1, s1  }
0x8c: {  	s14 =	sshll.u32 s0, $0xA;
	s2 =	sadd.s32 s3, s2  }
0x8d: {  	s2 =	sadd.s32 s2, s14  }
0x8e: {  	[smem:$0x3FC3] =	sst s2  }
0x8f: {  	_ = 	snop  }
0x90: {  	s2 =	sld [smem:$0x3FD0];
	_ =	sdelay $0x2  }
0x91: {  	s15 =	simm.s32 $0xA;
	s4 =	simm.s32 $0x10  }
0x92: {  	[smem:s4], [sflag:s15] =	dma.local [hbm:s2], $0x1  }
0x93: {  	_ =	swait.eq [sflag:s15], $0x1  }
0x94: {  	s16 =	sld [smem:$0x10];
	[sflag:s15] =	ssyncset.done $0x0  }
0x95: {  	s17 =	sld [smem:$0x11];
	[sflag:s15] =	ssyncadd.s32 $0xFFFFFFFF  }
0x96: {  	s18 =	sld [smem:$0x13];
	(tm) =	ssettm $0x1  }
0x97: {  	s5 =	sld [smem:$0x3FFB];
	_ =	sdelay $0x3  }
0x98: {  	_ =	strace s5  }
0x99: {  	s5 =	sld [smem:$0x3FFC];
	_ =	sdelay $0x3  }
0x9a: {  	_ =	strace s5  }
0x9b: {  	s5 =	sld [smem:$0x3FFD];
	_ =	sdelay $0x3  }
0x9c: {  	_ =	strace s5  }
0x9d: {  	_ =	strace $0x8FFFFFFF  }
0x9e: {  	s19 =	sld [smem:$0x3FDB];
	_ =	sdelay $0x1  }
0x9f: {  	s6 =	simm.s32 $_scs_section_size  }
0xa0: {  	s7 =	simm.s32 $_size__tile_overlayer_lowered;
	s8 =	simm.s32 $_tile_overlayer_lowered  }
0xa1: {  	s22 =	simm.s32 $0x1BFF;
	s21 =	sshll.u32 s8, $0x1;
	s5 =	sadd.s32 s6, s19  }
0xa2: {  	s9 =	simm.s32 $0x0;
	s20 =	sshll.u32 s7, $0x1;
	s7 =	sadd.s32 s21, s5  }
0xa3: {  	[timem:s9], [sflag:s22] =	dma.local [hbm:s7], s20  }
0xa4: {  	_ =	swait.ge [sflag:s22], s20  }
0xa5: {  	s6 =	ssub.s32 $0x0, s20;
	[sflag:s22] =	ssyncset.done $0x0  }
0xa6: {  	[sflag:s22] =	ssyncadd.s32 s6;
	_ =	sdelay $0x1  }
0xa7: {  	s23 =	simm.s32 $0x1B8B  }
0xa8: {  	_ =	swait.ge [sflag:s23], $0x1  }
0xa9: {  	[sflag:s23] =	ssyncset.done $0x0  }
0xaa: {  	s25 =	simm.s32 $0x1B8E;
	s24 =	sld [smem:$0x3FFE];
	[sflag:s23] =	ssyncadd.s32 $0xFFFFFFFF  }
0xab: {  	s26 =	simm.s32 $execute0_lowered;
	[smem:$0x3FD2] =	sst s25  }
0xac: {  	s7 =	sshll.u32 s26, $0x1;
	_ =	strace $0x8000004C;
	[dreg:$0x1] =	wrdreg $0xFFFFFFFF  }
0xad: {  	s28 =	simm.s32 $_size_execute0_lowered;
	s5 =	sadd.s32 s5, s7;
	[dreg:$0x0] =	wrdreg $0x0  }
0xae: {  	s7 =	sshll.u32 s28, $0x1;
	[dreg:$0x2] =	wrdreg s5  }
0xaf: {  	[dreg:$0x3] =	wrdreg s7  }
0xb0: {  	[dreg:$0x4] =	wrdreg $0xC0  }
0xb1: {  	_ =	task [dreg:s9], $0x5FFFF  }
0xb2: {  	[dreg:$0x1] =	wrdreg $0xFFFFFFFF  }
0xb3: {  	[dreg:$0x0] =	wrdreg $0x60  }
0xb4: {  	[dreg:$0x2] =	wrdreg s18  }
0xb5: {  	[dreg:$0x3] =	wrdreg s16  }
0xb6: {  	[dreg:$0x4] =	wrdreg s17  }
0xb7: {  	[dreg:$0x5] =	wrdreg s24  }
0xb8: {  	[dreg:$0x6] =	wrdreg $0x50000  }
0xb9: {  	[dreg:$0x7] =	wrdreg $0x9  }
0xba: {  	_ =	task.clear_ibuf [dreg:s9], $0x8FFFF;
	_ =	strace $0x9000004C  }
0xbb: {  	s29 =	simm.s32 $0x9;
	_ =	strace $0x8000004E  }
0xbc: {  	_ =	swait.ge [sflag:s29], $0x1  }
0xbd: {  	[sflag:s29] =	ssyncadd.s32 $0xFFFFFFFF  }
0xbe: {  	_ =	strace $0x9000004E  }
0xbf: {  	_ =	sfence  }
0xc0: {  	s30 =	sld [smem:$0x0];
	_ =	sdelay $0x2  }
0xc1: {  	s31 =	sshll.u32 s1, $0xD;
	s1 =	sshrl.u32 s1, $0x2  }
0xc2: {  	s3 =	sand.u32 $0x4000, s31;
	s1 =	sadd.s32 s1, s30  }
0xc3: {  	s0 =	sor.u32 s3, s0;
	s1 =	sshll.u32 s1, $0x11  }
0xc4: {  	s0 =	sor.u32 s1, s0  }
0xc5: {  	s0 =	sadd.s32 $0x8F2B, s0  }
0xc6: {  	[sflag:s0] =	ssyncadd.remote.s32 $0x1  }
0xc7: {  	_ =	sfence.sel $0xFFFF  }
0xc8: {  	[dreg:$0x0] =	wrdreg $0xFFFFFFFF;
	(pc) =	sbr.abs _section_cstart, $3  }
0xc9: {  	[dreg:$0x1] =	wrdreg $0xFFFFFFFF  }
0xca: {  	_ =	task.clear_ibuf [dreg:s9], $0x2FFFF;
	_ =	strace $0x9FFFFFFF  }
0xcb: {  	(tm) =	ssettm $0x7FFFFFFF  }
tec
execute0_lowered:
.L_overlay_start_1:
0x0: {  	(tag) =	ssettag $0x1  }
0x1: {  	s1 =	rddreg [dreg:$0x0]  }
0x2: {  	s2 =	rddreg [dreg:$0x1]  }
0x3: {  	s3 =	rddreg [dreg:$0x2]  }
0x4: {  	s0 =	rddreg [dreg:$0x3]  }
0x5: {  	s4 =	rddreg [dreg:$0x4]  }
0x6: {  	s5 =	simm.s32 $0x0;
	s6 =	srdreg.scid;
	s13 =	stileid.u32  }
0x7: {  	s28 =	simm.s32 $0x1;
	s29 =	simm.s32 $0x600;
	s21 =	smul.u32 $0x27000, s13  }
0x8: {  	s30 =	simm.s32 $0x2;
	s31 =	simm.s32 $0x680;
	s12 =	smul.u32 $0x2710, s13  }
0x9: {  	[smem:$0x7FF] =	sst s5;
	s14 =	sand.u32 $0x1, s6;
	s15 =	smul.u32 $0x138, s13  }
0xa: {  	s0 =	sadd.s32 $0x78200, s0;
	p0 =	sne.s32 s13, $0x0;
	s16 =	smul.u32 $0x1388, s14  }
0xb: {  	_ =	strace $0x8000004D;
	s7 =	ssub.s32 $0x2, s14;
	s11 =	smul.u32 $0x27100, s14  }
0xc: {  	s14 =	smul.u32 $0x9C400, s14;
	s8 =	sshrl.u32 s7, $0x1;
	s6 =	sshrl.u32 s21, $0x2  }
0xd: {  	s17 =	ssub.s32 s7, s8;
	s6 =	sadd.s32 s6, s4;
	s11 =	sadd.s32 s12, s11  }
0xe: {  	s12 =	sadd.s32 $0x9C000, s4;
	s15 =	sadd.s32 s15, s16;
	s18 =	sshrl.u32 s11, $0x3  }
0xf: {  	s14 =	sshrl.u32 s14, $0x3;
	s26 =	smax.u32 s17, $0x1;
	s18 =	sadd.s32 $0x4E0, s18  }
0x10: {  	s15 =	sshll.u32 s15, $0x4;
	[dreg:$0xd] =	wrdreg s26;
	s19 =	sadd.s32 s2, s18  }
0x11: {  	s15 =	sadd.s32 s0, s15;
	s18 =	sadd.s32 s3, s18;
	[dreg:$0x6] =	wrdreg s19  }
0x12: {  	s7 =	sadd.s32 $0x2000, s6;
	s22 =	sadd.s32 $0x400, s15;
	[dreg:$0x7] =	wrdreg s18  }
0x13: {  	s8 =	sadd.s32 $0x4000, s6;
	s23 =	sadd.s32 $0x800, s15;
	[dreg:$0x8] =	wrdreg s22  }
0x14: {  	s9 =	sadd.s32 $0x6000, s6;
	s24 =	sadd.s32 $0xC00, s15;
	[dreg:$0x9] =	wrdreg s23  }
0x15: {  	s0 =	sadd.s32 s0, s14;
	s25 =	sadd.s32 $0x1000, s15;
	[dreg:$0xa] =	wrdreg s24  }
0x16: {  	s10 =	sadd.s32 $0x8000, s6;
	s0 =	sadd.s32 $0x13800, s0;
	[dreg:$0xb] =	wrdreg s25  }
0x17: {  	s26 =	simm.s32 $0x2800;
	[dreg:$0xc] =	wrdreg s0;
	s22 =	simm.s32 $0x800  }
0x18: {  	s23 =	simm.s32 $0x3;
	s24 =	simm.s32 $0x300;
	s25 =	simm.s32 $0x40  }
0x19: {  	v1 =	vimm.f32 $0.0e+00;
	v0 =	vmov s16;
	s0 =	simm.s32 $0x2C0;
	s18 =	simm.s32 $0x0;
	s19 =	simm.s32 $0x0  }
.LBB2_1:
0x1a: {  	s13 =	simm.s32 $0x0;
	s14 =	simm.s32 $0x200  }
.LBB2_2:
0x1b: {  	p1 =	sne.s32 s14, $0x7E00;
	[tilespmem:s13+$0x870] =	vst v1  }
0x1c: {  	[tilespmem:s13+$0x800] =	vst v1  }
0x1d: {  	[tilespmem:s13+$0x810] =	vst v1  }
.Ltmp0:
0x1e: {  	[tilespmem:s13+$0x820] =	vst v1;
	(pc) =	sbr.rel @p1 .LBB2_2-.Ltmp0, $4  }
0x1f: {  	[tilespmem:s13+$0x830] =	vst v1  }
0x20: {  	[tilespmem:s13+$0x840] =	vst v1  }
0x21: {  	[tilespmem:s13+$0x850] =	vst v1  }
0x22: {  	[tilespmem:s13+$0x860] =	vst v1;
	s13 =	sshra.s32 s14, $0x2;
	s14 =	sadd.s32 $0x200, s14  }
0x23: {  	[tilespmem:s13+$0x870] =	vst v1  }
0x24: {  	[tilespmem:s13+$0x800] =	vst v1  }
0x25: {  	[tilespmem:s13+$0x810] =	vst v1  }
0x26: {  	[tilespmem:s13+$0x820] =	vst v1  }
0x27: {  	[tilespmem:s13+$0x830] =	vst v1  }
0x28: {  	[tilespmem:s13+$0x840] =	vst v1  }
0x29: {  	[tilespmem:s13+$0x850] =	vst v1  }
0x2a: {  	[tilespmem:s13+$0x860] =	vst v1  }
0x2b: {  	[spmem:s6] =	stream.linear.scatter [tilespmem:s22], [sflag:$0x3], $0x2000, $0x38;
	[tilespmem:$0xEC40] =	vst v63  }
0x2c: {  	_ =	swait.ge [sflag:s23], $0x2000  }
0x2d: {  	[sflag:s23] =	ssyncset.done $0x0  }
0x2e: {  	[sflag:s23] =	ssyncadd.s32 $0xFFFFE000  }
0x2f: {  	[spmem:s7] =	stream.linear.scatter [tilespmem:s22], [sflag:$0x3], $0x2000, $0x38;
	[tilespmem:$0xEC40] =	vst v63  }
0x30: {  	_ =	swait.ge [sflag:s23], $0x2000  }
0x31: {  	[sflag:s23] =	ssyncset.done $0x0  }
0x32: {  	[sflag:s23] =	ssyncadd.s32 $0xFFFFE000  }
0x33: {  	[spmem:s8] =	stream.linear.scatter [tilespmem:s22], [sflag:$0x3], $0x2000, $0x38;
	[tilespmem:$0xEC40] =	vst v63  }
0x34: {  	_ =	swait.ge [sflag:s23], $0x2000  }
0x35: {  	[sflag:s23] =	ssyncset.done $0x0  }
0x36: {  	[sflag:s23] =	ssyncadd.s32 $0xFFFFE000  }
0x37: {  	[spmem:s9] =	stream.linear.scatter [tilespmem:s22], [sflag:$0x3], $0x2000, $0x38;
	[tilespmem:$0xEC40] =	vst v63  }
0x38: {  	_ =	swait.ge [sflag:s23], $0x2000  }
0x39: {  	[sflag:s23] =	ssyncset.done $0x0  }
0x3a: {  	[sflag:s23] =	ssyncadd.s32 $0xFFFFE000  }
0x3b: {  	[spmem:s10] =	stream.linear.scatter [tilespmem:s22], [sflag:$0x3], $0x1C00, $0x38;
	[tilespmem:$0xEC40] =	vst v63  }
0x3c: {  	_ =	swait.ge [sflag:s23], $0x1C00  }
0x3d: {  	[sflag:s23] =	ssyncset.done $0x0  }
0x3e: {  	s13 =	simm.s32 @!p0 $0x800;
	[sflag:s23] =	ssyncadd.s32 $0xFFFFE400  }
0x3f: {  	[spmem:s12] =	stream.linear.scatter @!p0 [tilespmem:s13], [sflag:$0x3], $0x400, $0x38;
	[tilespmem:$0xEC40] =	vst v63  }
0x40: {  	s13 =	simm.s32 @!p0 $0x3  }
0x41: {  	_ =	swait.ge @!p0 [sflag:s13], $0x400  }
0x42: {  	[sflag:s13] =	ssyncset.done @!p0 $0x0  }
0x43: {  	[sflag:s13] =	ssyncadd.s32 @!p0 $0xFFFFFC00  }
0x44: {  	s20 =	simm.s32 $0x0;
	[bflag:$0x0] =	sbarrier.arrive $0xFFFF  }
.LBB2_4:
0x45: {  	s13 =	smul.u32 $0x300, s20;
	_ =	sdelay $0x1  }
0x46: {  	s13 =	sadd.s32 s11, s13  }
0x47: {  	s13 =	sshrl.u32 s13, $0x3  }
0x48: {  	s14 =	sadd.s32 s2, s13  }
0x49: {  	[tilespmem:s19], [sflag:$0x3] =	stream.linear.gather [hbm4b:s14+s19], $0x300, $0x38;
	[tilespmem:$0xEC40] =	vst v63  }
0x4a: {  	_ =	swait.ge [sflag:s23], $0x300  }
0x4b: {  	[sflag:s23] =	ssyncset.done $0x0  }
0x4c: {  	s13 =	sadd.s32 s3, s13;
	[sflag:s23] =	ssyncadd.s32 $0xFFFFFD00  }
0x4d: {  	[tilespmem:s24], [sflag:$0x3] =	stream.linear.gather [hbm4b:s13+s19], $0x300, $0x38;
	[tilespmem:$0xEC40] =	vst v63  }
0x4e: {  	_ =	swait.ge [sflag:s23], $0x300  }
0x4f: {  	[sflag:s23] =	ssyncset.done $0x0  }
0x50: {  	[sflag:s23] =	ssyncadd.s32 $0xFFFFFD00  }
0x51: {  	[tilespmem:s22], [sflag:$0x1] =	stream.indirect.gather [hbm4b:s1+s25], $0x80, s19, s25, $0xb8;
	[tilespmem:$0xEC40] =	vst v63  }
0x52: {  	s16 =	simm.s32 $0x40  }
0x53: {  	[tilespmem:s26], [sflag:$0x2] =	stream.indirect.gather [hbm4b:s1+s25], $0x80, s16, s25, $0xb8;
	[tilespmem:$0xEC40] =	vst v63  }
0x54: {  	_ =	swait.ge [sflag:s28], $0x2000  }
0x55: {  	[sflag:s28] =	ssyncset.done $0x0  }
0x56: {  	s17 =	simm.s32 $0x0;
	[sflag:s28] =	ssyncadd.s32 $0xFFFFE000  }
0x57: {  	v2 =	vld [tilespmem:s17+$0x300];
	_ =	sdelay $0x4  }
0x58: {  	v2 =	vsub.s32 v2, v0  }
0x59: {  	[tilespmem:$0x600] =	vst v2  }
0x5a: {  	v2 =	vld [tilespmem:s17+$0x310];
	_ =	sdelay $0x4  }
0x5b: {  	v2 =	vsub.s32 v2, v0  }
0x5c: {  	[tilespmem:$0x610] =	vst v2  }
0x5d: {  	v2 =	vld [tilespmem:s17+$0x320];
	_ =	sdelay $0x4  }
0x5e: {  	v2 =	vsub.s32 v2, v0  }
0x5f: {  	[tilespmem:$0x620] =	vst v2  }
0x60: {  	v2 =	vld [tilespmem:s17+$0x330];
	_ =	sdelay $0x4  }
0x61: {  	v2 =	vsub.s32 v2, v0  }
0x62: {  	[tilespmem:$0x630] =	vst v2  }
0x63: {  	[spmem:s4] =	stream.indirect.scatter.add.f32 [tilespmem:s22], [sflag:$0x3], $0x80, s29, s25, $0xb8;
	[tilespmem:$0xEC40] =	vst v63  }
0x64: {  	_ =	swait.ge [sflag:s23], $0x2000  }
0x65: {  	[sflag:s23] =	ssyncset.done $0x0  }
0x66: {  	s21 =	simm.s32 $0x80;
	[sflag:s23] =	ssyncadd.s32 $0xFFFFE000  }
0x67: {  	[tilespmem:s22], [sflag:$0x1] =	stream.indirect.gather [hbm4b:s1+s25], $0x80, s21, s25, $0xb8;
	[tilespmem:$0xEC40] =	vst v63  }
0x68: {  	_ =	swait.ge [sflag:s30], $0x2000  }
0x69: {  	[sflag:s30] =	ssyncset.done $0x0  }
0x6a: {  	[sflag:s30] =	ssyncadd.s32 $0xFFFFE000  }
0x6b: {  	v2 =	vld [tilespmem:s17+$0x340];
	_ =	sdelay $0x4  }
0x6c: {  	v2 =	vsub.s32 v2, v0  }
0x6d: {  	[tilespmem:$0x680] =	vst v2  }
0x6e: {  	v2 =	vld [tilespmem:s17+$0x350];
	_ =	sdelay $0x4  }
0x6f: {  	v2 =	vsub.s32 v2, v0  }
0x70: {  	[tilespmem:$0x690] =	vst v2  }
0x71: {  	v2 =	vld [tilespmem:s17+$0x360];
	_ =	sdelay $0x4  }
0x72: {  	v2 =	vsub.s32 v2, v0  }
0x73: {  	[tilespmem:$0x6A0] =	vst v2  }
0x74: {  	v2 =	vld [tilespmem:s17+$0x370];
	_ =	sdelay $0x4  }
0x75: {  	v2 =	vsub.s32 v2, v0  }
0x76: {  	[tilespmem:$0x6B0] =	vst v2  }
0x77: {  	[spmem:s4] =	stream.indirect.scatter.add.f32 [tilespmem:s26], [sflag:$0x3], $0x80, s31, s25, $0xb8;
	[tilespmem:$0xEC40] =	vst v63  }
0x78: {  	_ =	swait.ge [sflag:s23], $0x2000  }
0x79: {  	s13 =	simm.s32 $0x400;
	s21 =	simm.s32 $0x80;
	[sflag:s23] =	ssyncset.done $0x0  }
.LBB2_5:
0x7a: {  	s17 =	sadd.s32 $0x40, s21  }
0x7b: {  	[sflag:s23] =	ssyncadd.s32 $0xFFFFE000;
	s14 =	smov.u32 s13;
	s16 =	sadd.s32 $0x200, s13  }
0x7c: {  	[tilespmem:s26], [sflag:$0x2] =	stream.indirect.gather [hbm4b:s1+s25], $0x80, s17, s25, $0xb8;
	[tilespmem:$0xEC40] =	vst v63  }
0x7d: {  	p1 =	sne.s32 s13, $0x800;
	_ =	swait.ge [sflag:s28], $0x2000  }
0x7e: {  	[sflag:s28] =	ssyncset.done $0x0  }
0x7f: {  	[sflag:s28] =	ssyncadd.s32 $0xFFFFE000  }
0x80: {  	v2 =	vld [tilespmem:s21+$0x300];
	_ =	sdelay $0x4  }
0x81: {  	v2 =	vsub.s32 v2, v0  }
0x82: {  	[tilespmem:$0x600] =	vst v2  }
0x83: {  	v2 =	vld [tilespmem:s21+$0x310];
	_ =	sdelay $0x4  }
0x84: {  	v2 =	vsub.s32 v2, v0  }
0x85: {  	[tilespmem:$0x610] =	vst v2  }
0x86: {  	v2 =	vld [tilespmem:s21+$0x320];
	_ =	sdelay $0x4  }
0x87: {  	v2 =	vsub.s32 v2, v0  }
0x88: {  	[tilespmem:$0x620] =	vst v2  }
0x89: {  	v2 =	vld [tilespmem:s21+$0x330];
	_ =	sdelay $0x4  }
0x8a: {  	v2 =	vsub.s32 v2, v0  }
0x8b: {  	[tilespmem:$0x630] =	vst v2  }
0x8c: {  	[spmem:s4] =	stream.indirect.scatter.add.f32 [tilespmem:s22], [sflag:$0x3], $0x80, s29, s25, $0xb8;
	[tilespmem:$0xEC40] =	vst v63  }
0x8d: {  	_ =	swait.ge [sflag:s23], $0x2000  }
0x8e: {  	[sflag:s23] =	ssyncset.done $0x0  }
0x8f: {  	s13 =	sadd.s32 $0x80, s21;
	[sflag:s23] =	ssyncadd.s32 $0xFFFFE000  }
0x90: {  	[tilespmem:s22], [sflag:$0x1] =	stream.indirect.gather [hbm4b:s1+s25], $0x80, s13, s25, $0xb8;
	[tilespmem:$0xEC40] =	vst v63  }
0x91: {  	_ =	swait.ge [sflag:s30], $0x2000  }
0x92: {  	[sflag:s30] =	ssyncset.done $0x0  }
0x93: {  	[sflag:s30] =	ssyncadd.s32 $0xFFFFE000  }
0x94: {  	v2 =	vld [tilespmem:s21+$0x340];
	_ =	sdelay $0x4  }
0x95: {  	v2 =	vsub.s32 v2, v0  }
0x96: {  	[tilespmem:$0x680] =	vst v2  }
0x97: {  	v2 =	vld [tilespmem:s21+$0x350];
	_ =	sdelay $0x4  }
0x98: {  	v2 =	vsub.s32 v2, v0  }
0x99: {  	[tilespmem:$0x690] =	vst v2  }
0x9a: {  	v2 =	vld [tilespmem:s21+$0x360];
	_ =	sdelay $0x4  }
0x9b: {  	v2 =	vsub.s32 v2, v0  }
0x9c: {  	[tilespmem:$0x6A0] =	vst v2  }
0x9d: {  	v2 =	vld [tilespmem:s21+$0x370];
	_ =	sdelay $0x4  }
.Ltmp1:
0x9e: {  	v2 =	vsub.s32 v2, v0;
	(pc) =	sbr.rel @p1 .LBB2_5-.Ltmp1, $4  }
0x9f: {  	[tilespmem:$0x6B0] =	vst v2  }
0xa0: {  	[spmem:s4] =	stream.indirect.scatter.add.f32 [tilespmem:s26], [sflag:$0x3], $0x80, s31, s25, $0xb8;
	[tilespmem:$0xEC40] =	vst v63  }
0xa1: {  	_ =	swait.ge [sflag:s23], $0x2000  }
0xa2: {  	s13 =	smov.u32 s16;
	s21 =	sshra.s32 s14, $0x2;
	[sflag:s23] =	ssyncset.done $0x0  }
0xa3: {  	s13 =	sadd.s32 $0x40, s21;
	[sflag:s23] =	ssyncadd.s32 $0xFFFFE000  }
0xa4: {  	[tilespmem:s26], [sflag:$0x2] =	stream.indirect.gather [hbm4b:s1+s25], $0x80, s13, s25, $0xb8;
	[tilespmem:$0xEC40] =	vst v63  }
0xa5: {  	_ =	swait.ge [sflag:s28], $0x2000  }
0xa6: {  	[sflag:s28] =	ssyncset.done $0x0  }
0xa7: {  	[sflag:s28] =	ssyncadd.s32 $0xFFFFE000  }
0xa8: {  	v2 =	vld [tilespmem:s21+$0x300];
	_ =	sdelay $0x4  }
0xa9: {  	v2 =	vsub.s32 v2, v0  }
0xaa: {  	[tilespmem:$0x600] =	vst v2  }
0xab: {  	v2 =	vld [tilespmem:s21+$0x310];
	_ =	sdelay $0x4  }
0xac: {  	v2 =	vsub.s32 v2, v0  }
0xad: {  	[tilespmem:$0x610] =	vst v2  }
0xae: {  	v2 =	vld [tilespmem:s21+$0x320];
	_ =	sdelay $0x4  }
0xaf: {  	v2 =	vsub.s32 v2, v0  }
0xb0: {  	[tilespmem:$0x620] =	vst v2  }
0xb1: {  	v2 =	vld [tilespmem:s21+$0x330];
	_ =	sdelay $0x4  }
0xb2: {  	v2 =	vsub.s32 v2, v0  }
0xb3: {  	[tilespmem:$0x630] =	vst v2  }
0xb4: {  	[spmem:s4] =	stream.indirect.scatter.add.f32 [tilespmem:s22], [sflag:$0x3], $0x80, s29, s25, $0xb8;
	[tilespmem:$0xEC40] =	vst v63  }
0xb5: {  	_ =	swait.ge [sflag:s23], $0x2000  }
0xb6: {  	[sflag:s23] =	ssyncset.done $0x0  }
0xb7: {  	s17 =	sadd.s32 $0x80, s21;
	[sflag:s23] =	ssyncadd.s32 $0xFFFFE000  }
0xb8: {  	[tilespmem:s22], [sflag:$0x1] =	stream.indirect.gather [hbm4b:s1+s25], $0x80, s17, s25, $0xb8;
	[tilespmem:$0xEC40] =	vst v63  }
0xb9: {  	_ =	swait.ge [sflag:s30], $0x2000  }
0xba: {  	[sflag:s30] =	ssyncset.done $0x0  }
0xbb: {  	[sflag:s30] =	ssyncadd.s32 $0xFFFFE000  }
0xbc: {  	v2 =	vld [tilespmem:s21+$0x340];
	_ =	sdelay $0x4  }
0xbd: {  	v2 =	vsub.s32 v2, v0  }
0xbe: {  	[tilespmem:$0x680] =	vst v2  }
0xbf: {  	v2 =	vld [tilespmem:s21+$0x350];
	_ =	sdelay $0x4  }
0xc0: {  	v2 =	vsub.s32 v2, v0  }
0xc1: {  	[tilespmem:$0x690] =	vst v2  }
0xc2: {  	v2 =	vld [tilespmem:s21+$0x360];
	_ =	sdelay $0x4  }
0xc3: {  	v2 =	vsub.s32 v2, v0  }
0xc4: {  	[tilespmem:$0x6A0] =	vst v2  }
0xc5: {  	v2 =	vld [tilespmem:s21+$0x370];
	_ =	sdelay $0x4  }
0xc6: {  	v2 =	vsub.s32 v2, v0  }
0xc7: {  	[tilespmem:$0x6B0] =	vst v2  }
0xc8: {  	[spmem:s4] =	stream.indirect.scatter.add.f32 [tilespmem:s26], [sflag:$0x3], $0x80, s31, s25, $0xb8;
	[tilespmem:$0xEC40] =	vst v63  }
0xc9: {  	_ =	swait.ge [sflag:s23], $0x2000  }
0xca: {  	[sflag:s23] =	ssyncset.done $0x0  }
0xcb: {  	[sflag:s23] =	ssyncadd.s32 $0xFFFFE000  }
0xcc: {  	[tilespmem:s26], [sflag:$0x2] =	stream.indirect.gather [hbm4b:s1+s25], $0x80, s0, s25, $0xb8;
	[tilespmem:$0xEC40] =	vst v63  }
0xcd: {  	_ =	swait.ge [sflag:s28], $0x2000  }
0xce: {  	[sflag:s28] =	ssyncset.done $0x0  }
0xcf: {  	[sflag:s28] =	ssyncadd.s32 $0xFFFFE000  }
0xd0: {  	v2 =	vld [tilespmem:$0x580]  }
0xd1: {  	v3 =	vld [tilespmem:$0x590]  }
0xd2: {  	v4 =	vld [tilespmem:$0x5A0]  }
0xd3: {  	v5 =	vld [tilespmem:$0x5B0];
	_ =	sdelay $0x1  }
0xd4: {  	v2 =	vsub.s32 v2, v0  }
0xd5: {  	[tilespmem:$0x600] =	vst v2;
	v2 =	vsub.s32 v3, v0  }
0xd6: {  	[tilespmem:$0x610] =	vst v2;
	v2 =	vsub.s32 v4, v0  }
0xd7: {  	[tilespmem:$0x620] =	vst v2;
	v2 =	vsub.s32 v5, v0  }
0xd8: {  	[tilespmem:$0x630] =	vst v2  }
0xd9: {  	[spmem:s4] =	stream.indirect.scatter.add.f32 [tilespmem:s22], [sflag:$0x3], $0x80, s29, s25, $0xb8;
	[tilespmem:$0xEC40] =	vst v63  }
0xda: {  	_ =	swait.ge [sflag:s23], $0x2000  }
0xdb: {  	[sflag:s23] =	ssyncset.done $0x0  }
0xdc: {  	[sflag:s23] =	ssyncadd.s32 $0xFFFFE000  }
0xdd: {  	_ =	swait.ge [sflag:s30], $0x2000  }
0xde: {  	[sflag:s30] =	ssyncset.done $0x0  }
0xdf: {  	[sflag:s30] =	ssyncadd.s32 $0xFFFFE000  }
0xe0: {  	v2 =	vld [tilespmem:$0x5C0]  }
0xe1: {  	v3 =	vld [tilespmem:$0x5D0]  }
0xe2: {  	v62 =	vld [tilespmem:$0x5E0]  }
0xe3: {  	v63 =	vld [tilespmem:$0x5F0];
	_ =	sdelay $0x1  }
0xe4: {  	v2 =	vsub.s32 v2, v0  }
0xe5: {  	[tilespmem:$0x680] =	vst v2;
	v2 =	vsub.s32 v3, v0  }
0xe6: {  	s20 =	sadd.s32 $0x1, s20;
	[tilespmem:$0x690] =	vst v2;
	v2 =	vsub.s32 v62, v0  }
0xe7: {  	p1 =	sne.s32 s20, $0xD;
	[tilespmem:$0x6A0] =	vst v2;
	v2 =	vsub.s32 v63, v0  }
.Ltmp2:
0xe8: {  	[tilespmem:$0x6B0] =	vst v2;
	(pc) =	sbr.rel @p1 .LBB2_4-.Ltmp2, $4  }
0xe9: {  	[spmem:s4] =	stream.indirect.scatter.add.f32 [tilespmem:s26], [sflag:$0x3], $0x80, s31, s25, $0xb8;
	[tilespmem:$0xEC40] =	vst v63  }
0xea: {  	_ =	swait.ge [sflag:s23], $0x2000  }
0xeb: {  	[sflag:s23] =	ssyncset.done $0x0  }
0xec: {  	[sflag:s23] =	ssyncadd.s32 $0xFFFFE000  }
0xed: {  	s13 =	rddreg [dreg:$0x6];
	s14 =	simm.s32 $0x700  }
0xee: {  	[tilespmem:s14], [sflag:$0x3] =	stream.linear.gather [hbm4b:s13+s5], $0x10, $0x38;
	[tilespmem:$0xEC40] =	vst v63  }
0xef: {  	_ =	swait.ge [sflag:s23], $0x10  }
0xf0: {  	[sflag:s23] =	ssyncset.done $0x0  }
0xf1: {  	s16 =	simm.s32 $0x780;
	s20 =	rddreg [dreg:$0x7];
	[sflag:s23] =	ssyncadd.s32 $0xFFFFFFF0  }
0xf2: {  	[tilespmem:s16], [sflag:$0x3] =	stream.linear.gather [hbm4b:s20+s5], $0x10, $0x38;
	[tilespmem:$0xEC40] =	vst v63  }
0xf3: {  	_ =	swait.ge [sflag:s23], $0x10  }
0xf4: {  	[sflag:s23] =	ssyncset.done $0x0  }
0xf5: {  	[sflag:s23] =	ssyncadd.s32 $0xFFFFFFF0  }
0xf6: {  	v2 =	vld [tilespmem:$0x780];
	_ =	sdelay $0x4  }
0xf7: {  	v2 =	vsub.s32 v2, v0  }
0xf8: {  	s21 =	simm.s32 $0x10;
	s17 =	simm.s32 $0x4800;
	[tilespmem:$0x780] =	vst v2  }
0xf9: {  	[tilespmem:s17], [sflag:$0x1] =	stream.indirect.gather [hbm4b:s1+s21], $0x80, s14, s21, $0xb8;
	[tilespmem:$0xEC40] =	vst v63  }
0xfa: {  	_ =	swait.ge [sflag:s28], $0x800  }
0xfb: {  	[sflag:s28] =	ssyncset.done $0x0  }
0xfc: {  	[sflag:s28] =	ssyncadd.s32 $0xFFFFF800  }
0xfd: {  	[spmem:s4] =	stream.indirect.scatter.add.f32 [tilespmem:s17], [sflag:$0x3], $0x80, s16, s21, $0xb8;
	[tilespmem:$0xEC40] =	vst v63  }
0xfe: {  	_ =	swait.ge [sflag:s23], $0x800  }
0xff: {  	[sflag:s23] =	ssyncset.done $0x0  }
0x100: {  	[sflag:s23] =	ssyncadd.s32 $0xFFFFF800  }
0x101: {  	[bflag:$0x0] =	sbarrier.arrive $0xFFFF  }
0x102: {  	[tilespmem:s22], [sflag:$0x3] =	stream.linear.gather [spmem:s6], $0x2000, $0x38;
	[tilespmem:$0xEC40] =	vst v63  }
0x103: {  	_ =	swait.ge [sflag:s23], $0x2000  }
0x104: {  	[sflag:s23] =	ssyncset.done $0x0  }
0x105: {  	[sflag:s23] =	ssyncadd.s32 $0xFFFFE000  }
0x106: {  	[hbm4b:s15+s5] =	stream.linear.scatter [tilespmem:s22], [sflag:$0x3], $0x2000, $0x38;
	[tilespmem:$0xEC40] =	vst v63  }
0x107: {  	_ =	swait.ge [sflag:s23], $0x2000  }
0x108: {  	[sflag:s23] =	ssyncset.done $0x0  }
0x109: {  	[sflag:s23] =	ssyncadd.s32 $0xFFFFE000  }
0x10a: {  	[tilespmem:s22], [sflag:$0x3] =	stream.linear.gather [spmem:s7], $0x2000, $0x38;
	[tilespmem:$0xEC40] =	vst v63  }
0x10b: {  	_ =	swait.ge [sflag:s23], $0x2000  }
0x10c: {  	[sflag:s23] =	ssyncset.done $0x0  }
0x10d: {  	s14 =	rddreg [dreg:$0x8];
	[sflag:s23] =	ssyncadd.s32 $0xFFFFE000  }
0x10e: {  	[hbm4b:s14+s5] =	stream.linear.scatter [tilespmem:s22], [sflag:$0x3], $0x2000, $0x38;
	[tilespmem:$0xEC40] =	vst v63  }
0x10f: {  	_ =	swait.ge [sflag:s23], $0x2000  }
0x110: {  	[sflag:s23] =	ssyncset.done $0x0  }
0x111: {  	[sflag:s23] =	ssyncadd.s32 $0xFFFFE000  }
0x112: {  	[tilespmem:s22], [sflag:$0x3] =	stream.linear.gather [spmem:s8], $0x2000, $0x38;
	[tilespmem:$0xEC40] =	vst v63  }
0x113: {  	_ =	swait.ge [sflag:s23], $0x2000  }
0x114: {  	[sflag:s23] =	ssyncset.done $0x0  }
0x115: {  	s16 =	rddreg [dreg:$0x9];
	[sflag:s23] =	ssyncadd.s32 $0xFFFFE000  }
0x116: {  	[hbm4b:s16+s5] =	stream.linear.scatter [tilespmem:s22], [sflag:$0x3], $0x2000, $0x38;
	[tilespmem:$0xEC40] =	vst v63  }
0x117: {  	_ =	swait.ge [sflag:s23], $0x2000  }
0x118: {  	[sflag:s23] =	ssyncset.done $0x0  }
0x119: {  	[sflag:s23] =	ssyncadd.s32 $0xFFFFE000  }
0x11a: {  	[tilespmem:s22], [sflag:$0x3] =	stream.linear.gather [spmem:s9], $0x2000, $0x38;
	[tilespmem:$0xEC40] =	vst v63  }
0x11b: {  	_ =	swait.ge [sflag:s23], $0x2000  }
0x11c: {  	[sflag:s23] =	ssyncset.done $0x0  }
0x11d: {  	s17 =	rddreg [dreg:$0xa];
	[sflag:s23] =	ssyncadd.s32 $0xFFFFE000  }
0x11e: {  	[hbm4b:s17+s5] =	stream.linear.scatter [tilespmem:s22], [sflag:$0x3], $0x2000, $0x38;
	[tilespmem:$0xEC40] =	vst v63  }
0x11f: {  	_ =	swait.ge [sflag:s23], $0x2000  }
0x120: {  	[sflag:s23] =	ssyncset.done $0x0  }
0x121: {  	[sflag:s23] =	ssyncadd.s32 $0xFFFFE000  }
0x122: {  	[tilespmem:s22], [sflag:$0x3] =	stream.linear.gather [spmem:s10], $0x1C00, $0x38;
	[tilespmem:$0xEC40] =	vst v63  }
0x123: {  	_ =	swait.ge [sflag:s23], $0x1C00  }
0x124: {  	[sflag:s23] =	ssyncset.done $0x0  }
0x125: {  	s20 =	rddreg [dreg:$0xb];
	[sflag:s23] =	ssyncadd.s32 $0xFFFFE400  }
0x126: {  	[hbm4b:s20+s5] =	stream.linear.scatter [tilespmem:s22], [sflag:$0x3], $0x1C00, $0x38;
	[tilespmem:$0xEC40] =	vst v63  }
0x127: {  	_ =	swait.ge [sflag:s23], $0x1C00  }
0x128: {  	[sflag:s23] =	ssyncset.done $0x0  }
0x129: {  	s13 =	simm.s32 @!p0 $0x800;
	s14 =	simm.s32 @!p0 $0x3;
	[sflag:s23] =	ssyncadd.s32 $0xFFFFE400  }
0x12a: {  	[tilespmem:s13], [sflag:$0x3] =	stream.linear.gather @!p0 [spmem:s12], $0x400, $0x38;
	[tilespmem:$0xEC40] =	vst v63  }
0x12b: {  	_ =	swait.ge @!p0 [sflag:s14], $0x400  }
0x12c: {  	[sflag:s14] =	ssyncset.done @!p0 $0x0  }
0x12d: {  	s16 =	simm.s32 @!p0 $0x0;
	s17 =	rddreg [dreg:$0xc];
	[sflag:s14] =	ssyncadd.s32 @!p0 $0xFFFFFC00  }
0x12e: {  	[hbm4b:s17+s16] =	stream.linear.scatter @!p0 [tilespmem:s13], [sflag:$0x3], $0x400, $0x38;
	[tilespmem:$0xEC40] =	vst v63  }
0x12f: {  	_ =	swait.ge @!p0 [sflag:s14], $0x400  }
0x130: {  	s18 =	sadd.s32 $0x1, s18;
	s21 =	rddreg [dreg:$0xd]  }
0x131: {  	p1 =	sne.s32 s18, s21  }
.Ltmp3:
0x132: {  	_ = 	snop;
	(pc) =	sbr.rel @p1 .LBB2_1-.Ltmp3, $3  }
0x133: {  	_ =	sdelay $0x1  }
0x134: {  	[sflag:s14] =	ssyncset.done @!p0 $0x0  }
0x135: {  	[sflag:s14] =	ssyncadd.s32 @!p0 $0xFFFFFC00  }
0x136: {  	_ =	sfence.sel $0x180000  }
0x137: {  	[bflag:$0x0] =	sbarrier.arrive $0xFFFF  }
0x138: {  	_ =	strace $0x9000004D  }
0x139: {  	[bflag:$0x2] =	sbarrier.arrive $0xFFFF  }
0x13a: {  	s0 =	rddreg [dreg:$0x5]  }
0x13b: {  	s0 =	sadd.s32 @!p0 $0x100000, s0  }
0x13c: {  	[sflag:s0] =	ssyncadd.tile.s32 @!p0 $0x1;
	_ =	shalt  }
.Lfunc_end2:
_tile_overlayer_lowered:
.L_overlay_start_2:
0x13d: {  	(tag) =	ssettag $0x2  }
0x13e: {  	s0 =	rddreg [dreg:$0x0];
	s2 =	stileid.u32  }
0x13f: {  	s1 =	rddreg [dreg:$0x1];
	p0 =	sne.s32 s2, $0x0  }
0x140: {  	s3 =	rddreg [dreg:$0x2];
	[bflag:$0x3] =	sbarrier.arrive $0xFFFF;
	s2 =	simm.s32 @!p0 $0x1C03  }
0x141: {  	[timem:s3], [sflag:s2] =	dma.local @!p0 [hbm:s0], s1  }
0x142: {  	s0 =	simm.s32 @!p0 $0x3  }
0x143: {  	_ =	swait.ge @!p0 [sflag:s0], s1  }
0x144: {  	s1 =	ssub.s32 @!p0 $0x0, s1;
	[sflag:s0] =	ssyncset.done @!p0 $0x0  }
0x145: {  	[sflag:s0] =	ssyncadd.s32 @!p0 s1  }
0x146: {  	[bflag:$0x3] =	sbarrier.arrive $0xFFFF  }
0x147: {  	_ =	shalt  }

</sc_bundles>
